<compile_context>
chip_gen: v7x
topology: tpu7x:2x2x1
jax: 0.10.2.dev20260603
libtpu: 0.0.44.dev20260713+nightly
codegen_flags: <defaults>
</compile_context>

<pallas_src>
import functools

import jax
import jax.numpy as jnp
from jax import lax
from jax.experimental import pallas as pl
from jax.experimental.pallas import tpu as pltpu
from jax.experimental.pallas import tpu_sc as plsc

_N = 10000
_E = 320000
_D = 128
_H = 128
_C = 16
_NPAD = 10240
_NC = 2
_NS = 16
_NW = _NC * _NS
_K = 128
_RPT = _NPAD // _NS
_NBUF = 4
_NB1 = 5
_LAG = 1

_CH0 = 160
_CH1 = 80
_CHA = 100
_CHB = 60


def _zero_fill(ref, ncol):
    zv = jnp.zeros((16,), jnp.float32)

    def zrow(r, _):
        for j in range(ncol // 16):
            ref[r, pl.ds(j * 16, 16)] = zv
        return 0

    lax.fori_loop(0, _K, zrow, 0)


def _one_fill(ref):
    ov = jnp.ones((16,), jnp.float32)

    def orow(r, _):
        ref[r, :] = ov
        return 0

    lax.fori_loop(0, _K, orow, 0)


@functools.partial(
    pl.kernel,
    out_type=(jax.ShapeDtypeStruct((_NC, _NPAD, 64), jnp.float32),
              jax.ShapeDtypeStruct((_NC, _NPAD, 16), jnp.float32)),
    mesh=plsc.VectorSubcoreMesh(core_axis_name="c", subcore_axis_name="s"),
    compiler_params=pltpu.CompilerParams(use_tc_tiling_on_sc=False),
    scratch_types=[
        pltpu.VMEM((_CH0, _K), jnp.int32),
        pltpu.VMEM((_CH0, _K), jnp.int32),
        pltpu.VMEM((_NBUF, _K, 64), jnp.float32),
        pltpu.VMEM((_K, 16), jnp.float32),
        pltpu.VMEM_SHARED((_NPAD, 64), jnp.float32),
        pltpu.VMEM_SHARED((_NPAD, 16), jnp.float32),
        pltpu.SemaphoreType.DMA,
        pltpu.SemaphoreType.DMA,
        pltpu.SemaphoreType.DMA,
    ],
)
def _agg0(h_hbm, src_hbm, dst_hbm, acc_out, deg_out,
          src_v, dst_v, buf, ones_v, acc_sh, deg_sh, gsem, ssem, dsem):
    cid = lax.axis_index("c")
    sid = lax.axis_index("s")
    on_core0 = cid == 0
    on_core1 = cid == 1

    pltpu.sync_copy(src_hbm.at[sid], src_v)
    pltpu.sync_copy(dst_hbm.at[sid], dst_v)

    zbuf = buf.at[0]
    _zero_fill(zbuf, 64)
    _zero_fill(ones_v, 16)
    base = sid * _RPT
    for t in range(_RPT // _K):
        pltpu.sync_copy(zbuf, acc_sh.at[pl.ds(base + t * _K, _K), pl.ds(0, 64)])
        pltpu.sync_copy(ones_v, deg_sh.at[pl.ds(base + t * _K, _K)])
    _one_fill(ones_v)

    hview = h_hbm.at[cid]

    for b in range(_NBUF):
        pltpu.async_copy(hview.at[src_v.at[b]], buf.at[b], gsem)
    plsc.subcore_barrier()

    def group(g, _):
        for b in range(_NBUF):
            j = g * _NBUF + b
            pltpu.make_async_copy(hview.at[src_v.at[0]], buf.at[b],
                                  gsem).wait()
            pltpu.async_copy(buf.at[b], acc_sh.at[dst_v.at[j]], ssem,
                             add=True)

            @pl.when((on_core0 & (j < _CH0 // 2))
                     | (on_core1 & (j >= _CH0 // 2)))
            def _():
                pltpu.async_copy(ones_v, deg_sh.at[dst_v.at[j]], dsem,
                                 add=True)

            bl = (b - _LAG) % _NBUF

            @pl.when(j >= _LAG)
            def _():
                pltpu.make_async_copy(buf.at[bl], acc_sh.at[dst_v.at[0]],
                                      ssem).wait()

            @pl.when((j >= _LAG) & (j - _LAG + _NBUF < _CH0))
            def _():
                pltpu.async_copy(hview.at[src_v.at[j - _LAG + _NBUF]],
                                 buf.at[bl], gsem)
        return 0

    lax.fori_loop(0, _CH0 // _NBUF, group, 0)

    for b in range(_LAG):
        pltpu.make_async_copy(buf.at[b], acc_sh.at[dst_v.at[0]],
                              ssem).wait()

    def ddrain(j, _):
        pltpu.make_async_copy(ones_v, deg_sh.at[dst_v.at[0]], dsem).wait()
        return 0

    lax.fori_loop(0, _CH0 // 2, ddrain, 0)

    plsc.subcore_barrier()

    for t in range(_RPT // _K):
        pltpu.sync_copy(acc_sh.at[pl.ds(base + t * _K, _K)],
                        acc_out.at[cid, pl.ds(base + t * _K, _K)])

        pltpu.sync_copy(deg_sh.at[pl.ds(base + t * _K, _K)],
                        deg_out.at[cid, pl.ds(base + t * _K, _K)])


@functools.partial(
    pl.kernel,
    out_type=(jax.ShapeDtypeStruct((_NC, _NPAD, 16), jnp.float32),
              jax.ShapeDtypeStruct((_NC, _NPAD, 16), jnp.float32)),
    mesh=plsc.VectorSubcoreMesh(core_axis_name="c", subcore_axis_name="s"),
    compiler_params=pltpu.CompilerParams(use_tc_tiling_on_sc=False),
    scratch_types=[
        pltpu.VMEM((_CHA, _K), jnp.int32),
        pltpu.VMEM((_CHA, _K), jnp.int32),
        pltpu.VMEM((_NB1, _K, 16), jnp.float32),
        pltpu.VMEM((_K, 16), jnp.float32),
        pltpu.VMEM_SHARED((_NPAD, 16), jnp.float32),
        pltpu.VMEM_SHARED((_NPAD, 16), jnp.float32),
        pltpu.SemaphoreType.DMA,
        pltpu.SemaphoreType.DMA,
        pltpu.SemaphoreType.DMA,
    ],
)
def _agg1(g_hbm, src_hbm, dst_hbm, acc_out, deg_out,
          src_v, dst_v, buf, ones_v, acc_sh, deg_sh, gsem, ssem, dsem):
    cid = lax.axis_index("c")
    sid = lax.axis_index("s")
    wid = sid * _NC + cid
    on_a = cid == 1
    nch = jnp.where(on_a, _CHA, _CHB)

    pltpu.sync_copy(src_hbm.at[wid], src_v.at[pl.ds(0, _CH1)])
    pltpu.sync_copy(dst_hbm.at[wid], dst_v.at[pl.ds(0, _CH1)])

    @pl.when(on_a)
    def _():
        pltpu.sync_copy(src_hbm.at[wid - 1, pl.ds(_CHB, _CHA - _CH1)],
                        src_v.at[pl.ds(_CH1, _CHA - _CH1)])
        pltpu.sync_copy(dst_hbm.at[wid - 1, pl.ds(_CHB, _CHA - _CH1)],
                        dst_v.at[pl.ds(_CH1, _CHA - _CH1)])

    zbuf = buf.at[0]
    _zero_fill(zbuf, 16)
    _zero_fill(ones_v, 16)
    base = sid * _RPT
    for t in range(_RPT // _K):
        pltpu.sync_copy(zbuf, acc_sh.at[pl.ds(base + t * _K, _K)])
        pltpu.sync_copy(ones_v, deg_sh.at[pl.ds(base + t * _K, _K)])
    _one_fill(ones_v)

    for b in range(_NB1):
        pltpu.async_copy(g_hbm.at[src_v.at[b]], buf.at[b], gsem)
    plsc.subcore_barrier()

    def group(g, _):
        for b in range(_NB1):
            j = g * _NB1 + b
            pltpu.make_async_copy(g_hbm.at[src_v.at[0]], buf.at[b],
                                  gsem).wait()
            pltpu.async_copy(buf.at[b], acc_sh.at[dst_v.at[j]], ssem,
                             add=True)
            pltpu.async_copy(ones_v, deg_sh.at[dst_v.at[j]], dsem,
                             add=True)
            bl = (b - _LAG) % _NB1

            @pl.when(j >= _LAG)
            def _():
                pltpu.make_async_copy(buf.at[bl], acc_sh.at[dst_v.at[0]],
                                      ssem).wait()

            @pl.when((j >= _LAG) & (j - _LAG + _NB1 < nch))
            def _():
                pltpu.async_copy(g_hbm.at[src_v.at[j - _LAG + _NB1]],
                                 buf.at[bl], gsem)
        return 0

    lax.fori_loop(0, nch // _NB1, group, 0)

    for b in range(_LAG):
        pltpu.make_async_copy(buf.at[b], acc_sh.at[dst_v.at[0]],
                              ssem).wait()

    def ddrain(j, _):
        pltpu.make_async_copy(ones_v, deg_sh.at[dst_v.at[0]], dsem).wait()
        return 0

    lax.fori_loop(0, nch, ddrain, 0)

    plsc.subcore_barrier()

    for t in range(_RPT // _K):
        pltpu.sync_copy(acc_sh.at[pl.ds(base + t * _K, _K)],
                        acc_out.at[cid, pl.ds(base + t * _K, _K)])
        pltpu.sync_copy(deg_sh.at[pl.ds(base + t * _K, _K)],
                        deg_out.at[cid, pl.ds(base + t * _K, _K)])


def _prep_edges(ei, nsplit, chunks):
    tot = nsplit * chunks * _K
    fill = jnp.full((tot - _E,), _N, jnp.int32)
    src = jnp.concatenate([ei[0], fill]).reshape(nsplit, chunks, _K)
    dst = jnp.concatenate([ei[1], fill]).reshape(nsplit, chunks, _K)
    return src, dst


def _tc_fc(x, w, b):
    def body(x_ref, w_ref, b_ref, o_ref):
        r = jnp.maximum(
            jnp.dot(x_ref[...], w_ref[...],
                    preferred_element_type=jnp.float32) + b_ref[...], 0.0)
        o_ref[...] = jnp.stack([r[:, :64], r[:, 64:]], axis=0)

    return pl.pallas_call(
        body,
        grid=(10,),
        in_specs=[pl.BlockSpec((1024, _D), lambda i: (i, 0)),
                  pl.BlockSpec((_D, _H), lambda i: (0, 0)),
                  pl.BlockSpec((1, _H), lambda i: (0, 0))],
        out_specs=pl.BlockSpec((_NC, 1024, 64), lambda i: (0, i, 0)),
        out_shape=jax.ShapeDtypeStruct((_NC, _NPAD, 64), jnp.float32),
    )(x, w, b)


def _tc_mid(hs, acc, deg, ws0, wn0, b0, ws1, wn1):
    def body(h_ref, a_ref, d_ref, ws0_r, wn0_r, b0_r, ws1_r, wn1_r,
             s_ref, g_ref):
        h = jnp.concatenate([h_ref[0], h_ref[1]], axis=-1)
        d = jnp.maximum(d_ref[0, :, 0:1] + d_ref[1, :, 0:1], 1.0)
        mean = jnp.concatenate([a_ref[0], a_ref[1]], axis=-1) / d
        h1 = jnp.maximum(
            jnp.dot(h, ws0_r[...], preferred_element_type=jnp.float32)
            + jnp.dot(mean, wn0_r[...], preferred_element_type=jnp.float32)
            + b0_r[...], 0.0)
        s_ref[...] = jnp.dot(h1, ws1_r[...], preferred_element_type=jnp.float32)
        g_ref[...] = jnp.dot(h1, wn1_r[...], preferred_element_type=jnp.float32)

    return pl.pallas_call(
        body,
        grid=(5,),
        in_specs=[pl.BlockSpec((_NC, 2048, 64), lambda i: (0, i, 0)),
                  pl.BlockSpec((_NC, 2048, 64), lambda i: (0, i, 0)),
                  pl.BlockSpec((_NC, 2048, 16), lambda i: (0, i, 0)),
                  pl.BlockSpec((_H, _H), lambda i: (0, 0)),
                  pl.BlockSpec((_H, _H), lambda i: (0, 0)),
                  pl.BlockSpec((1, _H), lambda i: (0, 0)),
                  pl.BlockSpec((_H, _C), lambda i: (0, 0)),
                  pl.BlockSpec((_H, _C), lambda i: (0, 0))],
        out_specs=[pl.BlockSpec((2048, _C), lambda i: (i, 0)),
                   pl.BlockSpec((2048, _C), lambda i: (i, 0))],
        out_shape=[jax.ShapeDtypeStruct((_NPAD, _C), jnp.float32),
                   jax.ShapeDtypeStruct((_NPAD, _C), jnp.float32)],
    )(hs, acc, deg, ws0, wn0, b0, ws1, wn1)


def _tc_out(sv, a1, d1, b1):
    def body(s_ref, a_ref, d_ref, b_ref, o_ref):
        agg = ((a_ref[0] + a_ref[1])
               / jnp.maximum(d_ref[0] + d_ref[1], 1.0))
        o_ref[...] = s_ref[...] + agg + b_ref[...]

    return pl.pallas_call(
        body,
        grid=(10,),
        in_specs=[pl.BlockSpec((1000, _C), lambda i: (i, 0)),
                  pl.BlockSpec((_NC, 1000, _C), lambda i: (0, i, 0)),
                  pl.BlockSpec((_NC, 1000, _C), lambda i: (0, i, 0)),
                  pl.BlockSpec((1, _C), lambda i: (0, 0))],
        out_specs=pl.BlockSpec((1000, _C), lambda i: (i, 0)),
        out_shape=jax.ShapeDtypeStruct((_N, _C), jnp.float32),
    )(sv, a1, d1, b1)


def kernel(x, edge_index0, edge_index1, W_fc, b_fc,
           W_self0, W_neigh0, b0, W_self1, W_neigh1, b1):
    src0, dst0 = _prep_edges(edge_index0, _NS, _CH0)
    src1, dst1 = _prep_edges(edge_index1, _NW, _CH1)

    hs = _tc_fc(x, W_fc, b_fc.reshape(1, _H))
    acc0, deg0 = _agg0(hs, src0, dst0)
    s, g = _tc_mid(hs, acc0, deg0, W_self0, W_neigh0, b0.reshape(1, _H),
                   W_self1, W_neigh1)
    acc1, deg1 = _agg1(g, src1, dst1)
    return _tc_out(s, acc1, deg1, b1.reshape(1, _C))

# --- scband reference (transcript-rebuilt; emitter-appended) ---
"""Pipeline reference for scband-graph-sage-420906795209 (READ-ONLY COPY).

The authoritative reference and input builder live on the scoring server;
editing this copy changes nothing except your own understanding.
"""

import jax, jax.numpy as jnp
import numpy as np

N = 10000
E = 320000
D = 128
H = 128
C = 16


def setup_inputs(seed: int = 0) -> dict:
    key = jax.random.key(seed)
    ks = jax.random.split(key, 12)
    x = jax.random.normal(ks[0], (N, D), dtype=jnp.float32)
    edge_index0 = jax.random.randint(ks[1], (2, E), 0, N, dtype=jnp.int32)
    edge_index1 = jax.random.randint(ks[2], (2, E), 0, N, dtype=jnp.int32)
    # parameters
    W_fc = jax.random.normal(ks[3], (D, H), dtype=jnp.float32) / np.sqrt(D)
    b_fc = jnp.zeros((H,), dtype=jnp.float32)
    W_self0 = jax.random.normal(ks[4], (H, H), dtype=jnp.float32) / np.sqrt(H)
    W_neigh0 = jax.random.normal(ks[5], (H, H), dtype=jnp.float32) / np.sqrt(H)
    b0 = jnp.zeros((H,), dtype=jnp.float32)
    W_self1 = jax.random.normal(ks[6], (H, C), dtype=jnp.float32) / np.sqrt(H)
    W_neigh1 = jax.random.normal(ks[7], (H, C), dtype=jnp.float32) / np.sqrt(H)
    b1 = jnp.zeros((C,), dtype=jnp.float32)
    return {"x": x, "edge_index0": edge_index0, "edge_index1": edge_index1,
            "W_fc": W_fc, "b_fc": b_fc,
            "W_self0": W_self0, "W_neigh0": W_neigh0, "b0": b0,
            "W_self1": W_self1, "W_neigh1": W_neigh1, "b1": b1}


def _sage_conv(h_src, h_dst, src, dst, W_self, W_neigh, b, n_dst):
    # DGL SAGEConv with 'mean' aggregator on a bipartite block:
    # h_neigh = mean over in-edges of h_src; out = h_dst @ W_self + h_neigh @ W_neigh + b
    msgs = jnp.take(h_src, src, axis=0)
    agg = jax.ops.segment_sum(msgs, dst, num_segments=n_dst)
    deg = jax.ops.segment_sum(jnp.ones((src.shape[0],), dtype=h_src.dtype), dst, num_segments=n_dst)
    mean = agg / jnp.clip(deg, 1.0, None)[:, None]
    return h_dst @ W_self + mean @ W_neigh + b


def reference(x, edge_index0, edge_index1, W_fc, b_fc, W_self0, W_neigh0, b0, W_self1, W_neigh1, b1):
    # h = dropout(act(fc(x))); dropout p=0.0 -> identity
    h = jax.nn.relu(x @ W_fc + b_fc)
    # layer 0: all dst nodes == all src nodes (full-neighborhood block)
    h_dst = h[:N]
    h = _sage_conv(h, h_dst, edge_index0[0], edge_index0[1], W_self0, W_neigh0, b0, N)
    h = jax.nn.relu(h)
    # layer 1 (output layer, no activation)
    h_dst = h[:N]
    out = _sage_conv(h, h_dst, edge_index1[0], edge_index1[1], W_self1, W_neigh1, b1, N)
    return out

if __name__ == "__main__":
    import jax
    _d = setup_inputs()
    print(jax.jit(kernel)(*tuple(_d.values())))

</pallas_src>

<mosaic_0001>
#map = affine_map<(d0, d1) -> (0, 0, 0)>
module attributes {stable_mosaic.version = 14 : i64} {
  func.func @_agg0(%arg0: i32, %arg1: i32, %arg2: memref<2x10240x64xf32, #tpu.memory_space<hbm>>, %arg3: memref<16x160x128xi32, #tpu.memory_space<hbm>>, %arg4: memref<16x160x128xi32, #tpu.memory_space<hbm>>, %arg5: memref<2x10240x64xf32, #tpu.memory_space<hbm>>, %arg6: memref<2x10240x16xf32, #tpu.memory_space<hbm>>, %arg7: memref<160x128xi32, #tpu.memory_space<vmem>>, %arg8: memref<160x128xi32, #tpu.memory_space<vmem>>, %arg9: memref<4x128x64xf32, #tpu.memory_space<vmem>>, %arg10: memref<128x16xf32, #tpu.memory_space<vmem>>, %arg11: memref<10240x64xf32, #tpu.memory_space<vmem_shared>>, %arg12: memref<10240x16xf32, #tpu.memory_space<vmem_shared>>, %arg13: memref<!tpu.dma_semaphore, #tpu.memory_space<semaphore_mem>>, %arg14: memref<!tpu.dma_semaphore, #tpu.memory_space<semaphore_mem>>, %arg15: memref<!tpu.dma_semaphore, #tpu.memory_space<semaphore_mem>>) attributes {dimension_semantics = [#tpu.dimension_semantics<core_parallel>, #tpu.dimension_semantics<subcore_parallel>], iteration_bounds = array<i64: 2, 16>, scalar_prefetch = 0 : i64, scratch_operands = 9 : i64, tpu.core_type = #tpu.core_type<sc_vector_subcore>, window_params = [{transform_indices = #map}, {transform_indices = #map}, {transform_indices = #map}, {transform_indices = #map}, {transform_indices = #map}]} {
    %eq3A = arith.constant 0 : i32
    %eq3A_0 = arith.cmpi eq, %arg0, %eq3A : i32
    %eq3A_1 = arith.constant 1 : i32
    %eq3A_2 = arith.cmpi eq, %arg0, %eq3A_1 : i32
    "tpu.region"() ({
      %run_scoped3A_182 = tpu.sem_alloc : memref<!tpu.dma_semaphore, #tpu.memory_space<semaphore_mem>>
      %dma_start3A_183 = arith.constant 0 : i32
      %dma_start3A_184 = arith.constant 0 : i32
      %dma_start3A_185 = tpu.memref_slice %arg3[%arg1, %dma_start3A_183, %dma_start3A_184] : memref<16x160x128xi32, #tpu.memory_space<hbm>> -> memref<1x160x128xi32, #tpu.memory_space<hbm>>
      %dma_start3A_186 = tpu.memref_squeeze %dma_start3A_185 : memref<1x160x128xi32, #tpu.memory_space<hbm>> -> memref<160x128xi32, #tpu.memory_space<hbm>>
      %dma_start3A_187 = arith.constant 0 : i32
      %dma_start3A_188 = arith.constant 0 : i32
      %dma_start3A_189 = tpu.memref_slice %arg3[%arg1, %dma_start3A_187, %dma_start3A_188] : memref<16x160x128xi32, #tpu.memory_space<hbm>> -> memref<1x160x128xi32, #tpu.memory_space<hbm>>
      %dma_start3A_190 = tpu.memref_squeeze %dma_start3A_189 : memref<1x160x128xi32, #tpu.memory_space<hbm>> -> memref<160x128xi32, #tpu.memory_space<hbm>>
      tpu.enqueue_dma source(%dma_start3A_190 : memref<160x128xi32, #tpu.memory_space<hbm>>) target(%arg7 : memref<160x128xi32, #tpu.memory_space<vmem>>) target_semaphore(%run_scoped3A_182 : memref<!tpu.dma_semaphore, #tpu.memory_space<semaphore_mem>>)
      %dma_wait3A_191 = arith.constant 0 : i32
      %dma_wait3A_192 = arith.constant 0 : i32
      %dma_wait3A_193 = tpu.memref_slice %arg3[%arg1, %dma_wait3A_191, %dma_wait3A_192] : memref<16x160x128xi32, #tpu.memory_space<hbm>> -> memref<1x160x128xi32, #tpu.memory_space<hbm>>
      %dma_wait3A_194 = tpu.memref_squeeze %dma_wait3A_193 : memref<1x160x128xi32, #tpu.memory_space<hbm>> -> memref<160x128xi32, #tpu.memory_space<hbm>>
      %dma_wait3A_195 = arith.constant 0 : i32
      %dma_wait3A_196 = arith.constant 0 : i32
      %dma_wait3A_197 = tpu.memref_slice %arg3[%arg1, %dma_wait3A_195, %dma_wait3A_196] : memref<16x160x128xi32, #tpu.memory_space<hbm>> -> memref<1x160x128xi32, #tpu.memory_space<hbm>>
      %dma_wait3A_198 = tpu.memref_squeeze %dma_wait3A_197 : memref<1x160x128xi32, #tpu.memory_space<hbm>> -> memref<160x128xi32, #tpu.memory_space<hbm>>
      tpu.wait_dma2 semaphore(%run_scoped3A_182 : memref<!tpu.dma_semaphore, #tpu.memory_space<semaphore_mem>>) src(%dma_wait3A_198 : memref<160x128xi32, #tpu.memory_space<hbm>>) dst(%arg7 : memref<160x128xi32, #tpu.memory_space<vmem>>)
      tpu.yield
    }) : () -> ()
    "tpu.region"() ({
      %run_scoped3A_182 = tpu.sem_alloc : memref<!tpu.dma_semaphore, #tpu.memory_space<semaphore_mem>>
      %dma_start3A_183 = arith.constant 0 : i32
      %dma_start3A_184 = arith.constant 0 : i32
      %dma_start3A_185 = tpu.memref_slice %arg4[%arg1, %dma_start3A_183, %dma_start3A_184] : memref<16x160x128xi32, #tpu.memory_space<hbm>> -> memref<1x160x128xi32, #tpu.memory_space<hbm>>
      %dma_start3A_186 = tpu.memref_squeeze %dma_start3A_185 : memref<1x160x128xi32, #tpu.memory_space<hbm>> -> memref<160x128xi32, #tpu.memory_space<hbm>>
      %dma_start3A_187 = arith.constant 0 : i32
      %dma_start3A_188 = arith.constant 0 : i32
      %dma_start3A_189 = tpu.memref_slice %arg4[%arg1, %dma_start3A_187, %dma_start3A_188] : memref<16x160x128xi32, #tpu.memory_space<hbm>> -> memref<1x160x128xi32, #tpu.memory_space<hbm>>
      %dma_start3A_190 = tpu.memref_squeeze %dma_start3A_189 : memref<1x160x128xi32, #tpu.memory_space<hbm>> -> memref<160x128xi32, #tpu.memory_space<hbm>>
      tpu.enqueue_dma source(%dma_start3A_190 : memref<160x128xi32, #tpu.memory_space<hbm>>) target(%arg8 : memref<160x128xi32, #tpu.memory_space<vmem>>) target_semaphore(%run_scoped3A_182 : memref<!tpu.dma_semaphore, #tpu.memory_space<semaphore_mem>>)
      %dma_wait3A_191 = arith.constant 0 : i32
      %dma_wait3A_192 = arith.constant 0 : i32
      %dma_wait3A_193 = tpu.memref_slice %arg4[%arg1, %dma_wait3A_191, %dma_wait3A_192] : memref<16x160x128xi32, #tpu.memory_space<hbm>> -> memref<1x160x128xi32, #tpu.memory_space<hbm>>
      %dma_wait3A_194 = tpu.memref_squeeze %dma_wait3A_193 : memref<1x160x128xi32, #tpu.memory_space<hbm>> -> memref<160x128xi32, #tpu.memory_space<hbm>>
      %dma_wait3A_195 = arith.constant 0 : i32
      %dma_wait3A_196 = arith.constant 0 : i32
      %dma_wait3A_197 = tpu.memref_slice %arg4[%arg1, %dma_wait3A_195, %dma_wait3A_196] : memref<16x160x128xi32, #tpu.memory_space<hbm>> -> memref<1x160x128xi32, #tpu.memory_space<hbm>>
      %dma_wait3A_198 = tpu.memref_squeeze %dma_wait3A_197 : memref<1x160x128xi32, #tpu.memory_space<hbm>> -> memref<160x128xi32, #tpu.memory_space<hbm>>
      tpu.wait_dma2 semaphore(%run_scoped3A_182 : memref<!tpu.dma_semaphore, #tpu.memory_space<semaphore_mem>>) src(%dma_wait3A_198 : memref<160x128xi32, #tpu.memory_space<hbm>>) dst(%arg8 : memref<160x128xi32, #tpu.memory_space<vmem>>)
      tpu.yield
    }) : () -> ()
    %broadcast_in_dim3A = arith.constant 0.000000e+00 : f32
    %broadcast_in_dim3A_3 = vector.broadcast %broadcast_in_dim3A : f32 to vector<16xf32>
    %scan3A = arith.constant 0 : i32
    %scan3A_4 = arith.constant 0 : i32
    %scan3A_5 = arith.constant 0 : i32
    %scan3A_6 = arith.constant 128 : i32
    %scan3A_7 = arith.addi %scan3A_5, %scan3A_6 : i32
    %scan3A_8 = arith.constant 1 : i32
    %scan3A_9 = scf.for %scan3A_182 = %scan3A_5 to %scan3A_7 step %scan3A_8 iter_args(%scan3A_183 = %scan3A_4) -> (i32)  : i32 {
      %swap3A = arith.constant 0 : i32
      %swap3A_184 = arith.constant 0 : i32
      %swap3A_185 = tpu.memref_slice %arg9[%scan3A, %swap3A, %swap3A_184] : memref<4x128x64xf32, #tpu.memory_space<vmem>> -> memref<1x128x64xf32, #tpu.memory_space<vmem>>
      %swap3A_186 = tpu.memref_squeeze %swap3A_185 : memref<1x128x64xf32, #tpu.memory_space<vmem>> -> memref<128x64xf32, #tpu.memory_space<vmem>>
      %swap3A_187 = arith.index_cast %scan3A_182 : i32 to index
      %swap3A_188 = arith.constant 0 : index
      %swap3A_189 = tpu.vector_load %swap3A_186[%swap3A_187, %swap3A_188] {strides = array<i32>} : memref<128x64xf32, #tpu.memory_space<vmem>>, vector<1x16xf32>,
      %swap3A_190 = vector.shape_cast %swap3A_189 : vector<1x16xf32> to vector<16xf32>
      %swap3A_191 = vector.shape_cast %broadcast_in_dim3A_3 : vector<16xf32> to vector<1x16xf32>
      tpu.vector_store %swap3A_186[%swap3A_187, %swap3A_188], %swap3A_191 {strides = array<i32>} : memref<128x64xf32, #tpu.memory_space<vmem>>, vector<1x16xf32>,
      %swap3A_192 = arith.constant 0 : i32
      %swap3A_193 = arith.constant 0 : i32
      %swap3A_194 = tpu.memref_slice %arg9[%scan3A, %swap3A_192, %swap3A_193] : memref<4x128x64xf32, #tpu.memory_space<vmem>> -> memref<1x128x64xf32, #tpu.memory_space<vmem>>
      %swap3A_195 = tpu.memref_squeeze %swap3A_194 : memref<1x128x64xf32, #tpu.memory_space<vmem>> -> memref<128x64xf32, #tpu.memory_space<vmem>>
      %swap3A_196 = arith.index_cast %scan3A_182 : i32 to index
      %swap3A_197 = arith.constant 16 : index
      %swap3A_198 = tpu.vector_load %swap3A_195[%swap3A_196, %swap3A_197] {strides = array<i32>} : memref<128x64xf32, #tpu.memory_space<vmem>>, vector<1x16xf32>,
      %swap3A_199 = vector.shape_cast %swap3A_198 : vector<1x16xf32> to vector<16xf32>
      %swap3A_200 = vector.shape_cast %broadcast_in_dim3A_3 : vector<16xf32> to vector<1x16xf32>
      tpu.vector_store %swap3A_195[%swap3A_196, %swap3A_197], %swap3A_200 {strides = array<i32>} : memref<128x64xf32, #tpu.memory_space<vmem>>, vector<1x16xf32>,
      %swap3A_201 = arith.constant 0 : i32
      %swap3A_202 = arith.constant 0 : i32
      %swap3A_203 = tpu.memref_slice %arg9[%scan3A, %swap3A_201, %swap3A_202] : memref<4x128x64xf32, #tpu.memory_space<vmem>> -> memref<1x128x64xf32, #tpu.memory_space<vmem>>
      %swap3A_204 = tpu.memref_squeeze %swap3A_203 : memref<1x128x64xf32, #tpu.memory_space<vmem>> -> memref<128x64xf32, #tpu.memory_space<vmem>>
      %swap3A_205 = arith.index_cast %scan3A_182 : i32 to index
      %swap3A_206 = arith.constant 32 : index
      %swap3A_207 = tpu.vector_load %swap3A_204[%swap3A_205, %swap3A_206] {strides = array<i32>} : memref<128x64xf32, #tpu.memory_space<vmem>>, vector<1x16xf32>,
      %swap3A_208 = vector.shape_cast %swap3A_207 : vector<1x16xf32> to vector<16xf32>
      %swap3A_209 = vector.shape_cast %broadcast_in_dim3A_3 : vector<16xf32> to vector<1x16xf32>
      tpu.vector_store %swap3A_204[%swap3A_205, %swap3A_206], %swap3A_209 {strides = array<i32>} : memref<128x64xf32, #tpu.memory_space<vmem>>, vector<1x16xf32>,
      %swap3A_210 = arith.constant 0 : i32
      %swap3A_211 = arith.constant 0 : i32
      %swap3A_212 = tpu.memref_slice %arg9[%scan3A, %swap3A_210, %swap3A_211] : memref<4x128x64xf32, #tpu.memory_space<vmem>> -> memref<1x128x64xf32, #tpu.memory_space<vmem>>
      %swap3A_213 = tpu.memref_squeeze %swap3A_212 : memref<1x128x64xf32, #tpu.memory_space<vmem>> -> memref<128x64xf32, #tpu.memory_space<vmem>>
      %swap3A_214 = arith.index_cast %scan3A_182 : i32 to index
      %swap3A_215 = arith.constant 48 : index
      %swap3A_216 = tpu.vector_load %swap3A_213[%swap3A_214, %swap3A_215] {strides = array<i32>} : memref<128x64xf32, #tpu.memory_space<vmem>>, vector<1x16xf32>,
      %swap3A_217 = vector.shape_cast %swap3A_216 : vector<1x16xf32> to vector<16xf32>
      %swap3A_218 = vector.shape_cast %broadcast_in_dim3A_3 : vector<16xf32> to vector<1x16xf32>
      tpu.vector_store %swap3A_213[%swap3A_214, %swap3A_215], %swap3A_218 {strides = array<i32>} : memref<128x64xf32, #tpu.memory_space<vmem>>, vector<1x16xf32>,
      %scan3A_219 = arith.constant 0 : i32
      scf.yield %scan3A_219 : i32
    }
    %scan3A_10 = arith.constant 128 : i32
    %broadcast_in_dim3A_11 = arith.constant 0.000000e+00 : f32
    %broadcast_in_dim3A_12 = vector.broadcast %broadcast_in_dim3A_11 : f32 to vector<16xf32>
    %scan3A_13 = arith.constant 0 : i32
    %scan3A_14 = arith.constant 0 : i32
    %scan3A_15 = arith.constant 128 : i32
    %scan3A_16 = arith.addi %scan3A_14, %scan3A_15 : i32
    %scan3A_17 = arith.constant 1 : i32
    %scan3A_18 = scf.for %scan3A_182 = %scan3A_14 to %scan3A_16 step %scan3A_17 iter_args(%scan3A_183 = %scan3A_13) -> (i32)  : i32 {
      %swap3A = arith.index_cast %scan3A_182 : i32 to index
      %swap3A_184 = arith.constant 0 : index
      %swap3A_185 = tpu.vector_load %arg10[%swap3A, %swap3A_184] {strides = array<i32>} : memref<128x16xf32, #tpu.memory_space<vmem>>, vector<1x16xf32>,
      %swap3A_186 = vector.shape_cast %swap3A_185 : vector<1x16xf32> to vector<16xf32>
      %swap3A_187 = vector.shape_cast %broadcast_in_dim3A_12 : vector<16xf32> to vector<1x16xf32>
      tpu.vector_store %arg10[%swap3A, %swap3A_184], %swap3A_187 {strides = array<i32>} : memref<128x16xf32, #tpu.memory_space<vmem>>, vector<1x16xf32>,
      %scan3A_188 = arith.constant 0 : i32
      scf.yield %scan3A_188 : i32
    }
    %scan3A_19 = arith.constant 128 : i32
    %mul3A = arith.constant 640 : i32
    %mul3A_20 = arith.muli %arg1, %mul3A : i32
    %add3A = arith.constant 0 : i32
    %add3A_21 = arith.addi %mul3A_20, %add3A : i32
    %run_scoped3A = arith.constant 0 : i32
    "tpu.region"() ({
      %run_scoped3A_182 = tpu.sem_alloc : memref<!tpu.dma_semaphore, #tpu.memory_space<semaphore_mem>>
      %dma_start3A_183 = arith.constant 0 : i32
      %dma_start3A_184 = arith.constant 0 : i32
      %dma_start3A_185 = tpu.memref_slice %arg9[%run_scoped3A, %dma_start3A_183, %dma_start3A_184] : memref<4x128x64xf32, #tpu.memory_space<vmem>> -> memref<1x128x64xf32, #tpu.memory_space<vmem>>
      %dma_start3A_186 = tpu.memref_squeeze %dma_start3A_185 : memref<1x128x64xf32, #tpu.memory_space<vmem>> -> memref<128x64xf32, #tpu.memory_space<vmem>>
      %dma_start3A_187 = arith.constant 0 : i32
      %dma_start3A_188 = tpu.memref_slice %arg11[%add3A_21, %dma_start3A_187] : memref<10240x64xf32, #tpu.memory_space<vmem_shared>> -> memref<128x64xf32, #tpu.memory_space<vmem_shared>>
      %dma_start3A_189 = arith.constant 0 : i32
      %dma_start3A_190 = tpu.memref_slice %arg11[%add3A_21, %dma_start3A_189] : memref<10240x64xf32, #tpu.memory_space<vmem_shared>> -> memref<128x64xf32, #tpu.memory_space<vmem_shared>>
      %dma_start3A_191 = arith.constant 0 : i32
      %dma_start3A_192 = arith.constant 0 : i32
      %dma_start3A_193 = tpu.memref_slice %arg9[%run_scoped3A, %dma_start3A_191, %dma_start3A_192] : memref<4x128x64xf32, #tpu.memory_space<vmem>> -> memref<1x128x64xf32, #tpu.memory_space<vmem>>
      %dma_start3A_194 = tpu.memref_squeeze %dma_start3A_193 : memref<1x128x64xf32, #tpu.memory_space<vmem>> -> memref<128x64xf32, #tpu.memory_space<vmem>>
      tpu.enqueue_dma source(%dma_start3A_194 : memref<128x64xf32, #tpu.memory_space<vmem>>) target(%dma_start3A_190 : memref<128x64xf32, #tpu.memory_space<vmem_shared>>) target_semaphore(%run_scoped3A_182 : memref<!tpu.dma_semaphore, #tpu.memory_space<semaphore_mem>>)
      %dma_wait3A_195 = arith.constant 0 : i32
      %dma_wait3A_196 = arith.constant 0 : i32
      %dma_wait3A_197 = tpu.memref_slice %arg9[%run_scoped3A, %dma_wait3A_195, %dma_wait3A_196] : memref<4x128x64xf32, #tpu.memory_space<vmem>> -> memref<1x128x64xf32, #tpu.memory_space<vmem>>
      %dma_wait3A_198 = tpu.memref_squeeze %dma_wait3A_197 : memref<1x128x64xf32, #tpu.memory_space<vmem>> -> memref<128x64xf32, #tpu.memory_space<vmem>>
      %dma_wait3A_199 = arith.constant 0 : i32
      %dma_wait3A_200 = tpu.memref_slice %arg11[%add3A_21, %dma_wait3A_199] : memref<10240x64xf32, #tpu.memory_space<vmem_shared>> -> memref<128x64xf32, #tpu.memory_space<vmem_shared>>
      %dma_wait3A_201 = arith.constant 0 : i32
      %dma_wait3A_202 = tpu.memref_slice %arg11[%add3A_21, %dma_wait3A_201] : memref<10240x64xf32, #tpu.memory_space<vmem_shared>> -> memref<128x64xf32, #tpu.memory_space<vmem_shared>>
      %dma_wait3A_203 = arith.constant 0 : i32
      %dma_wait3A_204 = arith.constant 0 : i32
      %dma_wait3A_205 = tpu.memref_slice %arg9[%run_scoped3A, %dma_wait3A_203, %dma_wait3A_204] : memref<4x128x64xf32, #tpu.memory_space<vmem>> -> memref<1x128x64xf32, #tpu.memory_space<vmem>>
      %dma_wait3A_206 = tpu.memref_squeeze %dma_wait3A_205 : memref<1x128x64xf32, #tpu.memory_space<vmem>> -> memref<128x64xf32, #tpu.memory_space<vmem>>
      tpu.wait_dma2 semaphore(%run_scoped3A_182 : memref<!tpu.dma_semaphore, #tpu.memory_space<semaphore_mem>>) src(%dma_wait3A_206 : memref<128x64xf32, #tpu.memory_space<vmem>>) dst(%dma_wait3A_202 : memref<128x64xf32, #tpu.memory_space<vmem_shared>>)
      tpu.yield
    }) : () -> ()
    %add3A_22 = arith.constant 0 : i32
    %add3A_23 = arith.addi %mul3A_20, %add3A_22 : i32
    "tpu.region"() ({
      %run_scoped3A_182 = tpu.sem_alloc : memref<!tpu.dma_semaphore, #tpu.memory_space<semaphore_mem>>
      %dma_start3A_183 = arith.constant 0 : i32
      %dma_start3A_184 = tpu.memref_slice %arg12[%add3A_23, %dma_start3A_183] : memref<10240x16xf32, #tpu.memory_space<vmem_shared>> -> memref<128x16xf32, #tpu.memory_space<vmem_shared>>
      %dma_start3A_185 = arith.constant 0 : i32
      %dma_start3A_186 = tpu.memref_slice %arg12[%add3A_23, %dma_start3A_185] : memref<10240x16xf32, #tpu.memory_space<vmem_shared>> -> memref<128x16xf32, #tpu.memory_space<vmem_shared>>
      tpu.enqueue_dma source(%arg10 : memref<128x16xf32, #tpu.memory_space<vmem>>) target(%dma_start3A_186 : memref<128x16xf32, #tpu.memory_space<vmem_shared>>) target_semaphore(%run_scoped3A_182 : memref<!tpu.dma_semaphore, #tpu.memory_space<semaphore_mem>>)
      %dma_wait3A_187 = arith.constant 0 : i32
      %dma_wait3A_188 = tpu.memref_slice %arg12[%add3A_23, %dma_wait3A_187] : memref<10240x16xf32, #tpu.memory_space<vmem_shared>> -> memref<128x16xf32, #tpu.memory_space<vmem_shared>>
      %dma_wait3A_189 = arith.constant 0 : i32
      %dma_wait3A_190 = tpu.memref_slice %arg12[%add3A_23, %dma_wait3A_189] : memref<10240x16xf32, #tpu.memory_space<vmem_shared>> -> memref<128x16xf32, #tpu.memory_space<vmem_shared>>
      tpu.wait_dma2 semaphore(%run_scoped3A_182 : memref<!tpu.dma_semaphore, #tpu.memory_space<semaphore_mem>>) src(%arg10 : memref<128x16xf32, #tpu.memory_space<vmem>>) dst(%dma_wait3A_190 : memref<128x16xf32, #tpu.memory_space<vmem_shared>>)
      tpu.yield
    }) : () -> ()
    %add3A_24 = arith.constant 128 : i32
    %add3A_25 = arith.addi %mul3A_20, %add3A_24 : i32
    %run_scoped3A_26 = arith.constant 0 : i32
    "tpu.region"() ({
      %run_scoped3A_182 = tpu.sem_alloc : memref<!tpu.dma_semaphore, #tpu.memory_space<semaphore_mem>>
      %dma_start3A_183 = arith.constant 0 : i32
      %dma_start3A_184 = arith.constant 0 : i32
      %dma_start3A_185 = tpu.memref_slice %arg9[%run_scoped3A_26, %dma_start3A_183, %dma_start3A_184] : memref<4x128x64xf32, #tpu.memory_space<vmem>> -> memref<1x128x64xf32, #tpu.memory_space<vmem>>
      %dma_start3A_186 = tpu.memref_squeeze %dma_start3A_185 : memref<1x128x64xf32, #tpu.memory_space<vmem>> -> memref<128x64xf32, #tpu.memory_space<vmem>>
      %dma_start3A_187 = arith.constant 0 : i32
      %dma_start3A_188 = tpu.memref_slice %arg11[%add3A_25, %dma_start3A_187] : memref<10240x64xf32, #tpu.memory_space<vmem_shared>> -> memref<128x64xf32, #tpu.memory_space<vmem_shared>>
      %dma_start3A_189 = arith.constant 0 : i32
      %dma_start3A_190 = tpu.memref_slice %arg11[%add3A_25, %dma_start3A_189] : memref<10240x64xf32, #tpu.memory_space<vmem_shared>> -> memref<128x64xf32, #tpu.memory_space<vmem_shared>>
      %dma_start3A_191 = arith.constant 0 : i32
      %dma_start3A_192 = arith.constant 0 : i32
      %dma_start3A_193 = tpu.memref_slice %arg9[%run_scoped3A_26, %dma_start3A_191, %dma_start3A_192] : memref<4x128x64xf32, #tpu.memory_space<vmem>> -> memref<1x128x64xf32, #tpu.memory_space<vmem>>
      %dma_start3A_194 = tpu.memref_squeeze %dma_start3A_193 : memref<1x128x64xf32, #tpu.memory_space<vmem>> -> memref<128x64xf32, #tpu.memory_space<vmem>>
      tpu.enqueue_dma source(%dma_start3A_194 : memref<128x64xf32, #tpu.memory_space<vmem>>) target(%dma_start3A_190 : memref<128x64xf32, #tpu.memory_space<vmem_shared>>) target_semaphore(%run_scoped3A_182 : memref<!tpu.dma_semaphore, #tpu.memory_space<semaphore_mem>>)
      %dma_wait3A_195 = arith.constant 0 : i32
      %dma_wait3A_196 = arith.constant 0 : i32
      %dma_wait3A_197 = tpu.memref_slice %arg9[%run_scoped3A_26, %dma_wait3A_195, %dma_wait3A_196] : memref<4x128x64xf32, #tpu.memory_space<vmem>> -> memref<1x128x64xf32, #tpu.memory_space<vmem>>
      %dma_wait3A_198 = tpu.memref_squeeze %dma_wait3A_197 : memref<1x128x64xf32, #tpu.memory_space<vmem>> -> memref<128x64xf32, #tpu.memory_space<vmem>>
      %dma_wait3A_199 = arith.constant 0 : i32
      %dma_wait3A_200 = tpu.memref_slice %arg11[%add3A_25, %dma_wait3A_199] : memref<10240x64xf32, #tpu.memory_space<vmem_shared>> -> memref<128x64xf32, #tpu.memory_space<vmem_shared>>
      %dma_wait3A_201 = arith.constant 0 : i32
      %dma_wait3A_202 = tpu.memref_slice %arg11[%add3A_25, %dma_wait3A_201] : memref<10240x64xf32, #tpu.memory_space<vmem_shared>> -> memref<128x64xf32, #tpu.memory_space<vmem_shared>>
      %dma_wait3A_203 = arith.constant 0 : i32
      %dma_wait3A_204 = arith.constant 0 : i32
      %dma_wait3A_205 = tpu.memref_slice %arg9[%run_scoped3A_26, %dma_wait3A_203, %dma_wait3A_204] : memref<4x128x64xf32, #tpu.memory_space<vmem>> -> memref<1x128x64xf32, #tpu.memory_space<vmem>>
      %dma_wait3A_206 = tpu.memref_squeeze %dma_wait3A_205 : memref<1x128x64xf32, #tpu.memory_space<vmem>> -> memref<128x64xf32, #tpu.memory_space<vmem>>
      tpu.wait_dma2 semaphore(%run_scoped3A_182 : memref<!tpu.dma_semaphore, #tpu.memory_space<semaphore_mem>>) src(%dma_wait3A_206 : memref<128x64xf32, #tpu.memory_space<vmem>>) dst(%dma_wait3A_202 : memref<128x64xf32, #tpu.memory_space<vmem_shared>>)
      tpu.yield
    }) : () -> ()
    %add3A_27 = arith.constant 128 : i32
    %add3A_28 = arith.addi %mul3A_20, %add3A_27 : i32
    "tpu.region"() ({
      %run_scoped3A_182 = tpu.sem_alloc : memref<!tpu.dma_semaphore, #tpu.memory_space<semaphore_mem>>
      %dma_start3A_183 = arith.constant 0 : i32
      %dma_start3A_184 = tpu.memref_slice %arg12[%add3A_28, %dma_start3A_183] : memref<10240x16xf32, #tpu.memory_space<vmem_shared>> -> memref<128x16xf32, #tpu.memory_space<vmem_shared>>
      %dma_start3A_185 = arith.constant 0 : i32
      %dma_start3A_186 = tpu.memref_slice %arg12[%add3A_28, %dma_start3A_185] : memref<10240x16xf32, #tpu.memory_space<vmem_shared>> -> memref<128x16xf32, #tpu.memory_space<vmem_shared>>
      tpu.enqueue_dma source(%arg10 : memref<128x16xf32, #tpu.memory_space<vmem>>) target(%dma_start3A_186 : memref<128x16xf32, #tpu.memory_space<vmem_shared>>) target_semaphore(%run_scoped3A_182 : memref<!tpu.dma_semaphore, #tpu.memory_space<semaphore_mem>>)
      %dma_wait3A_187 = arith.constant 0 : i32
      %dma_wait3A_188 = tpu.memref_slice %arg12[%add3A_28, %dma_wait3A_187] : memref<10240x16xf32, #tpu.memory_space<vmem_shared>> -> memref<128x16xf32, #tpu.memory_space<vmem_shared>>
      %dma_wait3A_189 = arith.constant 0 : i32
      %dma_wait3A_190 = tpu.memref_slice %arg12[%add3A_28, %dma_wait3A_189] : memref<10240x16xf32, #tpu.memory_space<vmem_shared>> -> memref<128x16xf32, #tpu.memory_space<vmem_shared>>
      tpu.wait_dma2 semaphore(%run_scoped3A_182 : memref<!tpu.dma_semaphore, #tpu.memory_space<semaphore_mem>>) src(%arg10 : memref<128x16xf32, #tpu.memory_space<vmem>>) dst(%dma_wait3A_190 : memref<128x16xf32, #tpu.memory_space<vmem_shared>>)
      tpu.yield
    }) : () -> ()
    %add3A_29 = arith.constant 256 : i32
    %add3A_30 = arith.addi %mul3A_20, %add3A_29 : i32
    %run_scoped3A_31 = arith.constant 0 : i32
    "tpu.region"() ({
      %run_scoped3A_182 = tpu.sem_alloc : memref<!tpu.dma_semaphore, #tpu.memory_space<semaphore_mem>>
      %dma_start3A_183 = arith.constant 0 : i32
      %dma_start3A_184 = arith.constant 0 : i32
      %dma_start3A_185 = tpu.memref_slice %arg9[%run_scoped3A_31, %dma_start3A_183, %dma_start3A_184] : memref<4x128x64xf32, #tpu.memory_space<vmem>> -> memref<1x128x64xf32, #tpu.memory_space<vmem>>
      %dma_start3A_186 = tpu.memref_squeeze %dma_start3A_185 : memref<1x128x64xf32, #tpu.memory_space<vmem>> -> memref<128x64xf32, #tpu.memory_space<vmem>>
      %dma_start3A_187 = arith.constant 0 : i32
      %dma_start3A_188 = tpu.memref_slice %arg11[%add3A_30, %dma_start3A_187] : memref<10240x64xf32, #tpu.memory_space<vmem_shared>> -> memref<128x64xf32, #tpu.memory_space<vmem_shared>>
      %dma_start3A_189 = arith.constant 0 : i32
      %dma_start3A_190 = tpu.memref_slice %arg11[%add3A_30, %dma_start3A_189] : memref<10240x64xf32, #tpu.memory_space<vmem_shared>> -> memref<128x64xf32, #tpu.memory_space<vmem_shared>>
      %dma_start3A_191 = arith.constant 0 : i32
      %dma_start3A_192 = arith.constant 0 : i32
      %dma_start3A_193 = tpu.memref_slice %arg9[%run_scoped3A_31, %dma_start3A_191, %dma_start3A_192] : memref<4x128x64xf32, #tpu.memory_space<vmem>> -> memref<1x128x64xf32, #tpu.memory_space<vmem>>
      %dma_start3A_194 = tpu.memref_squeeze %dma_start3A_193 : memref<1x128x64xf32, #tpu.memory_space<vmem>> -> memref<128x64xf32, #tpu.memory_space<vmem>>
      tpu.enqueue_dma source(%dma_start3A_194 : memref<128x64xf32, #tpu.memory_space<vmem>>) target(%dma_start3A_190 : memref<128x64xf32, #tpu.memory_space<vmem_shared>>) target_semaphore(%run_scoped3A_182 : memref<!tpu.dma_semaphore, #tpu.memory_space<semaphore_mem>>)
      %dma_wait3A_195 = arith.constant 0 : i32
      %dma_wait3A_196 = arith.constant 0 : i32
      %dma_wait3A_197 = tpu.memref_slice %arg9[%run_scoped3A_31, %dma_wait3A_195, %dma_wait3A_196] : memref<4x128x64xf32, #tpu.memory_space<vmem>> -> memref<1x128x64xf32, #tpu.memory_space<vmem>>
      %dma_wait3A_198 = tpu.memref_squeeze %dma_wait3A_197 : memref<1x128x64xf32, #tpu.memory_space<vmem>> -> memref<128x64xf32, #tpu.memory_space<vmem>>
      %dma_wait3A_199 = arith.constant 0 : i32
      %dma_wait3A_200 = tpu.memref_slice %arg11[%add3A_30, %dma_wait3A_199] : memref<10240x64xf32, #tpu.memory_space<vmem_shared>> -> memref<128x64xf32, #tpu.memory_space<vmem_shared>>
      %dma_wait3A_201 = arith.constant 0 : i32
      %dma_wait3A_202 = tpu.memref_slice %arg11[%add3A_30, %dma_wait3A_201] : memref<10240x64xf32, #tpu.memory_space<vmem_shared>> -> memref<128x64xf32, #tpu.memory_space<vmem_shared>>
      %dma_wait3A_203 = arith.constant 0 : i32
      %dma_wait3A_204 = arith.constant 0 : i32
      %dma_wait3A_205 = tpu.memref_slice %arg9[%run_scoped3A_31, %dma_wait3A_203, %dma_wait3A_204] : memref<4x128x64xf32, #tpu.memory_space<vmem>> -> memref<1x128x64xf32, #tpu.memory_space<vmem>>
      %dma_wait3A_206 = tpu.memref_squeeze %dma_wait3A_205 : memref<1x128x64xf32, #tpu.memory_space<vmem>> -> memref<128x64xf32, #tpu.memory_space<vmem>>
      tpu.wait_dma2 semaphore(%run_scoped3A_182 : memref<!tpu.dma_semaphore, #tpu.memory_space<semaphore_mem>>) src(%dma_wait3A_206 : memref<128x64xf32, #tpu.memory_space<vmem>>) dst(%dma_wait3A_202 : memref<128x64xf32, #tpu.memory_space<vmem_shared>>)
      tpu.yield
    }) : () -> ()
    %add3A_32 = arith.constant 256 : i32
    %add3A_33 = arith.addi %mul3A_20, %add3A_32 : i32
    "tpu.region"() ({
      %run_scoped3A_182 = tpu.sem_alloc : memref<!tpu.dma_semaphore, #tpu.memory_space<semaphore_mem>>
      %dma_start3A_183 = arith.constant 0 : i32
      %dma_start3A_184 = tpu.memref_slice %arg12[%add3A_33, %dma_start3A_183] : memref<10240x16xf32, #tpu.memory_space<vmem_shared>> -> memref<128x16xf32, #tpu.memory_space<vmem_shared>>
      %dma_start3A_185 = arith.constant 0 : i32
      %dma_start3A_186 = tpu.memref_slice %arg12[%add3A_33, %dma_start3A_185] : memref<10240x16xf32, #tpu.memory_space<vmem_shared>> -> memref<128x16xf32, #tpu.memory_space<vmem_shared>>
      tpu.enqueue_dma source(%arg10 : memref<128x16xf32, #tpu.memory_space<vmem>>) target(%dma_start3A_186 : memref<128x16xf32, #tpu.memory_space<vmem_shared>>) target_semaphore(%run_scoped3A_182 : memref<!tpu.dma_semaphore, #tpu.memory_space<semaphore_mem>>)
      %dma_wait3A_187 = arith.constant 0 : i32
      %dma_wait3A_188 = tpu.memref_slice %arg12[%add3A_33, %dma_wait3A_187] : memref<10240x16xf32, #tpu.memory_space<vmem_shared>> -> memref<128x16xf32, #tpu.memory_space<vmem_shared>>
      %dma_wait3A_189 = arith.constant 0 : i32
      %dma_wait3A_190 = tpu.memref_slice %arg12[%add3A_33, %dma_wait3A_189] : memref<10240x16xf32, #tpu.memory_space<vmem_shared>> -> memref<128x16xf32, #tpu.memory_space<vmem_shared>>
      tpu.wait_dma2 semaphore(%run_scoped3A_182 : memref<!tpu.dma_semaphore, #tpu.memory_space<semaphore_mem>>) src(%arg10 : memref<128x16xf32, #tpu.memory_space<vmem>>) dst(%dma_wait3A_190 : memref<128x16xf32, #tpu.memory_space<vmem_shared>>)
      tpu.yield
    }) : () -> ()
    %add3A_34 = arith.constant 384 : i32
    %add3A_35 = arith.addi %mul3A_20, %add3A_34 : i32
    %run_scoped3A_36 = arith.constant 0 : i32
    "tpu.region"() ({
      %run_scoped3A_182 = tpu.sem_alloc : memref<!tpu.dma_semaphore, #tpu.memory_space<semaphore_mem>>
      %dma_start3A_183 = arith.constant 0 : i32
      %dma_start3A_184 = arith.constant 0 : i32
      %dma_start3A_185 = tpu.memref_slice %arg9[%run_scoped3A_36, %dma_start3A_183, %dma_start3A_184] : memref<4x128x64xf32, #tpu.memory_space<vmem>> -> memref<1x128x64xf32, #tpu.memory_space<vmem>>
      %dma_start3A_186 = tpu.memref_squeeze %dma_start3A_185 : memref<1x128x64xf32, #tpu.memory_space<vmem>> -> memref<128x64xf32, #tpu.memory_space<vmem>>
      %dma_start3A_187 = arith.constant 0 : i32
      %dma_start3A_188 = tpu.memref_slice %arg11[%add3A_35, %dma_start3A_187] : memref<10240x64xf32, #tpu.memory_space<vmem_shared>> -> memref<128x64xf32, #tpu.memory_space<vmem_shared>>
      %dma_start3A_189 = arith.constant 0 : i32
      %dma_start3A_190 = tpu.memref_slice %arg11[%add3A_35, %dma_start3A_189] : memref<10240x64xf32, #tpu.memory_space<vmem_shared>> -> memref<128x64xf32, #tpu.memory_space<vmem_shared>>
      %dma_start3A_191 = arith.constant 0 : i32
      %dma_start3A_192 = arith.constant 0 : i32
      %dma_start3A_193 = tpu.memref_slice %arg9[%run_scoped3A_36, %dma_start3A_191, %dma_start3A_192] : memref<4x128x64xf32, #tpu.memory_space<vmem>> -> memref<1x128x64xf32, #tpu.memory_space<vmem>>
      %dma_start3A_194 = tpu.memref_squeeze %dma_start3A_193 : memref<1x128x64xf32, #tpu.memory_space<vmem>> -> memref<128x64xf32, #tpu.memory_space<vmem>>
      tpu.enqueue_dma source(%dma_start3A_194 : memref<128x64xf32, #tpu.memory_space<vmem>>) target(%dma_start3A_190 : memref<128x64xf32, #tpu.memory_space<vmem_shared>>) target_semaphore(%run_scoped3A_182 : memref<!tpu.dma_semaphore, #tpu.memory_space<semaphore_mem>>)
      %dma_wait3A_195 = arith.constant 0 : i32
      %dma_wait3A_196 = arith.constant 0 : i32
      %dma_wait3A_197 = tpu.memref_slice %arg9[%run_scoped3A_36, %dma_wait3A_195, %dma_wait3A_196] : memref<4x128x64xf32, #tpu.memory_space<vmem>> -> memref<1x128x64xf32, #tpu.memory_space<vmem>>
      %dma_wait3A_198 = tpu.memref_squeeze %dma_wait3A_197 : memref<1x128x64xf32, #tpu.memory_space<vmem>> -> memref<128x64xf32, #tpu.memory_space<vmem>>
      %dma_wait3A_199 = arith.constant 0 : i32
      %dma_wait3A_200 = tpu.memref_slice %arg11[%add3A_35, %dma_wait3A_199] : memref<10240x64xf32, #tpu.memory_space<vmem_shared>> -> memref<128x64xf32, #tpu.memory_space<vmem_shared>>
      %dma_wait3A_201 = arith.constant 0 : i32
      %dma_wait3A_202 = tpu.memref_slice %arg11[%add3A_35, %dma_wait3A_201] : memref<10240x64xf32, #tpu.memory_space<vmem_shared>> -> memref<128x64xf32, #tpu.memory_space<vmem_shared>>
      %dma_wait3A_203 = arith.constant 0 : i32
      %dma_wait3A_204 = arith.constant 0 : i32
      %dma_wait3A_205 = tpu.memref_slice %arg9[%run_scoped3A_36, %dma_wait3A_203, %dma_wait3A_204] : memref<4x128x64xf32, #tpu.memory_space<vmem>> -> memref<1x128x64xf32, #tpu.memory_space<vmem>>
      %dma_wait3A_206 = tpu.memref_squeeze %dma_wait3A_205 : memref<1x128x64xf32, #tpu.memory_space<vmem>> -> memref<128x64xf32, #tpu.memory_space<vmem>>
      tpu.wait_dma2 semaphore(%run_scoped3A_182 : memref<!tpu.dma_semaphore, #tpu.memory_space<semaphore_mem>>) src(%dma_wait3A_206 : memref<128x64xf32, #tpu.memory_space<vmem>>) dst(%dma_wait3A_202 : memref<128x64xf32, #tpu.memory_space<vmem_shared>>)
      tpu.yield
    }) : () -> ()
    %add3A_37 = arith.constant 384 : i32
    %add3A_38 = arith.addi %mul3A_20, %add3A_37 : i32
    "tpu.region"() ({
      %run_scoped3A_182 = tpu.sem_alloc : memref<!tpu.dma_semaphore, #tpu.memory_space<semaphore_mem>>
      %dma_start3A_183 = arith.constant 0 : i32
      %dma_start3A_184 = tpu.memref_slice %arg12[%add3A_38, %dma_start3A_183] : memref<10240x16xf32, #tpu.memory_space<vmem_shared>> -> memref<128x16xf32, #tpu.memory_space<vmem_shared>>
      %dma_start3A_185 = arith.constant 0 : i32
      %dma_start3A_186 = tpu.memref_slice %arg12[%add3A_38, %dma_start3A_185] : memref<10240x16xf32, #tpu.memory_space<vmem_shared>> -> memref<128x16xf32, #tpu.memory_space<vmem_shared>>
      tpu.enqueue_dma source(%arg10 : memref<128x16xf32, #tpu.memory_space<vmem>>) target(%dma_start3A_186 : memref<128x16xf32, #tpu.memory_space<vmem_shared>>) target_semaphore(%run_scoped3A_182 : memref<!tpu.dma_semaphore, #tpu.memory_space<semaphore_mem>>)
      %dma_wait3A_187 = arith.constant 0 : i32
      %dma_wait3A_188 = tpu.memref_slice %arg12[%add3A_38, %dma_wait3A_187] : memref<10240x16xf32, #tpu.memory_space<vmem_shared>> -> memref<128x16xf32, #tpu.memory_space<vmem_shared>>
      %dma_wait3A_189 = arith.constant 0 : i32
      %dma_wait3A_190 = tpu.memref_slice %arg12[%add3A_38, %dma_wait3A_189] : memref<10240x16xf32, #tpu.memory_space<vmem_shared>> -> memref<128x16xf32, #tpu.memory_space<vmem_shared>>
      tpu.wait_dma2 semaphore(%run_scoped3A_182 : memref<!tpu.dma_semaphore, #tpu.memory_space<semaphore_mem>>) src(%arg10 : memref<128x16xf32, #tpu.memory_space<vmem>>) dst(%dma_wait3A_190 : memref<128x16xf32, #tpu.memory_space<vmem_shared>>)
      tpu.yield
    }) : () -> ()
    %add3A_39 = arith.constant 512 : i32
    %add3A_40 = arith.addi %mul3A_20, %add3A_39 : i32
    %run_scoped3A_41 = arith.constant 0 : i32
    "tpu.region"() ({
      %run_scoped3A_182 = tpu.sem_alloc : memref<!tpu.dma_semaphore, #tpu.memory_space<semaphore_mem>>
      %dma_start3A_183 = arith.constant 0 : i32
      %dma_start3A_184 = arith.constant 0 : i32
      %dma_start3A_185 = tpu.memref_slice %arg9[%run_scoped3A_41, %dma_start3A_183, %dma_start3A_184] : memref<4x128x64xf32, #tpu.memory_space<vmem>> -> memref<1x128x64xf32, #tpu.memory_space<vmem>>
      %dma_start3A_186 = tpu.memref_squeeze %dma_start3A_185 : memref<1x128x64xf32, #tpu.memory_space<vmem>> -> memref<128x64xf32, #tpu.memory_space<vmem>>
      %dma_start3A_187 = arith.constant 0 : i32
      %dma_start3A_188 = tpu.memref_slice %arg11[%add3A_40, %dma_start3A_187] : memref<10240x64xf32, #tpu.memory_space<vmem_shared>> -> memref<128x64xf32, #tpu.memory_space<vmem_shared>>
      %dma_start3A_189 = arith.constant 0 : i32
      %dma_start3A_190 = tpu.memref_slice %arg11[%add3A_40, %dma_start3A_189] : memref<10240x64xf32, #tpu.memory_space<vmem_shared>> -> memref<128x64xf32, #tpu.memory_space<vmem_shared>>
      %dma_start3A_191 = arith.constant 0 : i32
      %dma_start3A_192 = arith.constant 0 : i32
      %dma_start3A_193 = tpu.memref_slice %arg9[%run_scoped3A_41, %dma_start3A_191, %dma_start3A_192] : memref<4x128x64xf32, #tpu.memory_space<vmem>> -> memref<1x128x64xf32, #tpu.memory_space<vmem>>
      %dma_start3A_194 = tpu.memref_squeeze %dma_start3A_193 : memref<1x128x64xf32, #tpu.memory_space<vmem>> -> memref<128x64xf32, #tpu.memory_space<vmem>>
      tpu.enqueue_dma source(%dma_start3A_194 : memref<128x64xf32, #tpu.memory_space<vmem>>) target(%dma_start3A_190 : memref<128x64xf32, #tpu.memory_space<vmem_shared>>) target_semaphore(%run_scoped3A_182 : memref<!tpu.dma_semaphore, #tpu.memory_space<semaphore_mem>>)
      %dma_wait3A_195 = arith.constant 0 : i32
      %dma_wait3A_196 = arith.constant 0 : i32
      %dma_wait3A_197 = tpu.memref_slice %arg9[%run_scoped3A_41, %dma_wait3A_195, %dma_wait3A_196] : memref<4x128x64xf32, #tpu.memory_space<vmem>> -> memref<1x128x64xf32, #tpu.memory_space<vmem>>
      %dma_wait3A_198 = tpu.memref_squeeze %dma_wait3A_197 : memref<1x128x64xf32, #tpu.memory_space<vmem>> -> memref<128x64xf32, #tpu.memory_space<vmem>>
      %dma_wait3A_199 = arith.constant 0 : i32
      %dma_wait3A_200 = tpu.memref_slice %arg11[%add3A_40, %dma_wait3A_199] : memref<10240x64xf32, #tpu.memory_space<vmem_shared>> -> memref<128x64xf32, #tpu.memory_space<vmem_shared>>
      %dma_wait3A_201 = arith.constant 0 : i32
      %dma_wait3A_202 = tpu.memref_slice %arg11[%add3A_40, %dma_wait3A_201] : memref<10240x64xf32, #tpu.memory_space<vmem_shared>> -> memref<128x64xf32, #tpu.memory_space<vmem_shared>>
      %dma_wait3A_203 = arith.constant 0 : i32
      %dma_wait3A_204 = arith.constant 0 : i32
      %dma_wait3A_205 = tpu.memref_slice %arg9[%run_scoped3A_41, %dma_wait3A_203, %dma_wait3A_204] : memref<4x128x64xf32, #tpu.memory_space<vmem>> -> memref<1x128x64xf32, #tpu.memory_space<vmem>>
      %dma_wait3A_206 = tpu.memref_squeeze %dma_wait3A_205 : memref<1x128x64xf32, #tpu.memory_space<vmem>> -> memref<128x64xf32, #tpu.memory_space<vmem>>
      tpu.wait_dma2 semaphore(%run_scoped3A_182 : memref<!tpu.dma_semaphore, #tpu.memory_space<semaphore_mem>>) src(%dma_wait3A_206 : memref<128x64xf32, #tpu.memory_space<vmem>>) dst(%dma_wait3A_202 : memref<128x64xf32, #tpu.memory_space<vmem_shared>>)
      tpu.yield
    }) : () -> ()
    %add3A_42 = arith.constant 512 : i32
    %add3A_43 = arith.addi %mul3A_20, %add3A_42 : i32
    "tpu.region"() ({
      %run_scoped3A_182 = tpu.sem_alloc : memref<!tpu.dma_semaphore, #tpu.memory_space<semaphore_mem>>
      %dma_start3A_183 = arith.constant 0 : i32
      %dma_start3A_184 = tpu.memref_slice %arg12[%add3A_43, %dma_start3A_183] : memref<10240x16xf32, #tpu.memory_space<vmem_shared>> -> memref<128x16xf32, #tpu.memory_space<vmem_shared>>
      %dma_start3A_185 = arith.constant 0 : i32
      %dma_start3A_186 = tpu.memref_slice %arg12[%add3A_43, %dma_start3A_185] : memref<10240x16xf32, #tpu.memory_space<vmem_shared>> -> memref<128x16xf32, #tpu.memory_space<vmem_shared>>
      tpu.enqueue_dma source(%arg10 : memref<128x16xf32, #tpu.memory_space<vmem>>) target(%dma_start3A_186 : memref<128x16xf32, #tpu.memory_space<vmem_shared>>) target_semaphore(%run_scoped3A_182 : memref<!tpu.dma_semaphore, #tpu.memory_space<semaphore_mem>>)
      %dma_wait3A_187 = arith.constant 0 : i32
      %dma_wait3A_188 = tpu.memref_slice %arg12[%add3A_43, %dma_wait3A_187] : memref<10240x16xf32, #tpu.memory_space<vmem_shared>> -> memref<128x16xf32, #tpu.memory_space<vmem_shared>>
      %dma_wait3A_189 = arith.constant 0 : i32
      %dma_wait3A_190 = tpu.memref_slice %arg12[%add3A_43, %dma_wait3A_189] : memref<10240x16xf32, #tpu.memory_space<vmem_shared>> -> memref<128x16xf32, #tpu.memory_space<vmem_shared>>
      tpu.wait_dma2 semaphore(%run_scoped3A_182 : memref<!tpu.dma_semaphore, #tpu.memory_space<semaphore_mem>>) src(%arg10 : memref<128x16xf32, #tpu.memory_space<vmem>>) dst(%dma_wait3A_190 : memref<128x16xf32, #tpu.memory_space<vmem_shared>>)
      tpu.yield
    }) : () -> ()
    %broadcast_in_dim3A_44 = arith.constant 1.000000e+00 : f32
    %broadcast_in_dim3A_45 = vector.broadcast %broadcast_in_dim3A_44 : f32 to vector<16xf32>
    %scan3A_46 = arith.constant 0 : i32
    %scan3A_47 = arith.constant 0 : i32
    %scan3A_48 = arith.constant 128 : i32
    %scan3A_49 = arith.addi %scan3A_47, %scan3A_48 : i32
    %scan3A_50 = arith.constant 1 : i32
    %scan3A_51 = scf.for %scan3A_182 = %scan3A_47 to %scan3A_49 step %scan3A_50 iter_args(%scan3A_183 = %scan3A_46) -> (i32)  : i32 {
      %swap3A = arith.index_cast %scan3A_182 : i32 to index
      %swap3A_184 = arith.constant 0 : index
      %swap3A_185 = tpu.vector_load %arg10[%swap3A, %swap3A_184] {strides = array<i32>} : memref<128x16xf32, #tpu.memory_space<vmem>>, vector<1x16xf32>,
      %swap3A_186 = vector.shape_cast %swap3A_185 : vector<1x16xf32> to vector<16xf32>
      %swap3A_187 = vector.shape_cast %broadcast_in_dim3A_45 : vector<16xf32> to vector<1x16xf32>
      tpu.vector_store %arg10[%swap3A, %swap3A_184], %swap3A_187 {strides = array<i32>} : memref<128x16xf32, #tpu.memory_space<vmem>>, vector<1x16xf32>,
      %scan3A_188 = arith.constant 0 : i32
      scf.yield %scan3A_188 : i32
    }
    %scan3A_52 = arith.constant 128 : i32
    %dma_start3A = arith.constant 0 : i32
    %dma_start3A_53 = arith.constant 0 : i32
    %dma_start3A_54 = arith.constant 0 : i32
    %dma_start3A_55 = arith.constant 0 : i32
    %dma_start3A_56 = tpu.memref_slice %arg9[%dma_start3A_53, %dma_start3A_54, %dma_start3A_55] : memref<4x128x64xf32, #tpu.memory_space<vmem>> -> memref<1x128x64xf32, #tpu.memory_space<vmem>>
    %dma_start3A_57 = tpu.memref_squeeze %dma_start3A_56 : memref<1x128x64xf32, #tpu.memory_space<vmem>> -> memref<128x64xf32, #tpu.memory_space<vmem>>
    %dma_start3A_58 = arith.constant 0 : i32
    %dma_start3A_59 = tpu.memref_slice %arg7[%dma_start3A, %dma_start3A_58] : memref<160x128xi32, #tpu.memory_space<vmem>> -> memref<1x128xi32, #tpu.memory_space<vmem>>
    %dma_start3A_60 = tpu.memref_squeeze %dma_start3A_59 : memref<1x128xi32, #tpu.memory_space<vmem>> -> memref<128xi32, #tpu.memory_space<vmem>>
    %dma_start3A_61 = arith.constant 0 : i32
    %dma_start3A_62 = arith.constant 0 : i32
    %dma_start3A_63 = tpu.memref_slice %arg2[%arg0, %dma_start3A_61, %dma_start3A_62] : memref<2x10240x64xf32, #tpu.memory_space<hbm>> -> memref<1x10240x64xf32, #tpu.memory_space<hbm>>
    %dma_start3A_64 = tpu.memref_squeeze %dma_start3A_63 : memref<1x10240x64xf32, #tpu.memory_space<hbm>> -> memref<10240x64xf32, #tpu.memory_space<hbm>>
    %dma_start3A_65 = arith.constant 0 : i32
    %dma_start3A_66 = arith.constant 0 : i32
    %dma_start3A_67 = tpu.memref_slice %dma_start3A_64[%dma_start3A_65, %dma_start3A_66] : memref<10240x64xf32, #tpu.memory_space<hbm>> -> memref<10240x64xf32, #tpu.memory_space<hbm>>
    tpu.enqueue_indirect_dma source(%dma_start3A_67 : memref<10240x64xf32, #tpu.memory_space<hbm>>) target(%dma_start3A_57 : memref<128x64xf32, #tpu.memory_space<vmem>>) offsets(%dma_start3A_60 : memref<128xi32, #tpu.memory_space<vmem>>) semaphore(%arg13 : memref<!tpu.dma_semaphore, #tpu.memory_space<semaphore_mem>>)
    %dma_start3A_68 = arith.constant 1 : i32
    %dma_start3A_69 = arith.constant 1 : i32
    %dma_start3A_70 = arith.constant 0 : i32
    %dma_start3A_71 = arith.constant 0 : i32
    %dma_start3A_72 = tpu.memref_slice %arg9[%dma_start3A_69, %dma_start3A_70, %dma_start3A_71] : memref<4x128x64xf32, #tpu.memory_space<vmem>> -> memref<1x128x64xf32, #tpu.memory_space<vmem>>
    %dma_start3A_73 = tpu.memref_squeeze %dma_start3A_72 : memref<1x128x64xf32, #tpu.memory_space<vmem>> -> memref<128x64xf32, #tpu.memory_space<vmem>>
    %dma_start3A_74 = arith.constant 0 : i32
    %dma_start3A_75 = tpu.memref_slice %arg7[%dma_start3A_68, %dma_start3A_74] : memref<160x128xi32, #tpu.memory_space<vmem>> -> memref<1x128xi32, #tpu.memory_space<vmem>>
    %dma_start3A_76 = tpu.memref_squeeze %dma_start3A_75 : memref<1x128xi32, #tpu.memory_space<vmem>> -> memref<128xi32, #tpu.memory_space<vmem>>
    %dma_start3A_77 = arith.constant 0 : i32
    %dma_start3A_78 = arith.constant 0 : i32
    %dma_start3A_79 = tpu.memref_slice %arg2[%arg0, %dma_start3A_77, %dma_start3A_78] : memref<2x10240x64xf32, #tpu.memory_space<hbm>> -> memref<1x10240x64xf32, #tpu.memory_space<hbm>>
    %dma_start3A_80 = tpu.memref_squeeze %dma_start3A_79 : memref<1x10240x64xf32, #tpu.memory_space<hbm>> -> memref<10240x64xf32, #tpu.memory_space<hbm>>
    %dma_start3A_81 = arith.constant 0 : i32
    %dma_start3A_82 = arith.constant 0 : i32
    %dma_start3A_83 = tpu.memref_slice %dma_start3A_80[%dma_start3A_81, %dma_start3A_82] : memref<10240x64xf32, #tpu.memory_space<hbm>> -> memref<10240x64xf32, #tpu.memory_space<hbm>>
    tpu.enqueue_indirect_dma source(%dma_start3A_83 : memref<10240x64xf32, #tpu.memory_space<hbm>>) target(%dma_start3A_73 : memref<128x64xf32, #tpu.memory_space<vmem>>) offsets(%dma_start3A_76 : memref<128xi32, #tpu.memory_space<vmem>>) semaphore(%arg13 : memref<!tpu.dma_semaphore, #tpu.memory_space<semaphore_mem>>)
    %dma_start3A_84 = arith.constant 2 : i32
    %dma_start3A_85 = arith.constant 2 : i32
    %dma_start3A_86 = arith.constant 0 : i32
    %dma_start3A_87 = arith.constant 0 : i32
    %dma_start3A_88 = tpu.memref_slice %arg9[%dma_start3A_85, %dma_start3A_86, %dma_start3A_87] : memref<4x128x64xf32, #tpu.memory_space<vmem>> -> memref<1x128x64xf32, #tpu.memory_space<vmem>>
    %dma_start3A_89 = tpu.memref_squeeze %dma_start3A_88 : memref<1x128x64xf32, #tpu.memory_space<vmem>> -> memref<128x64xf32, #tpu.memory_space<vmem>>
    %dma_start3A_90 = arith.constant 0 : i32
    %dma_start3A_91 = tpu.memref_slice %arg7[%dma_start3A_84, %dma_start3A_90] : memref<160x128xi32, #tpu.memory_space<vmem>> -> memref<1x128xi32, #tpu.memory_space<vmem>>
    %dma_start3A_92 = tpu.memref_squeeze %dma_start3A_91 : memref<1x128xi32, #tpu.memory_space<vmem>> -> memref<128xi32, #tpu.memory_space<vmem>>
    %dma_start3A_93 = arith.constant 0 : i32
    %dma_start3A_94 = arith.constant 0 : i32
    %dma_start3A_95 = tpu.memref_slice %arg2[%arg0, %dma_start3A_93, %dma_start3A_94] : memref<2x10240x64xf32, #tpu.memory_space<hbm>> -> memref<1x10240x64xf32, #tpu.memory_space<hbm>>
    %dma_start3A_96 = tpu.memref_squeeze %dma_start3A_95 : memref<1x10240x64xf32, #tpu.memory_space<hbm>> -> memref<10240x64xf32, #tpu.memory_space<hbm>>
    %dma_start3A_97 = arith.constant 0 : i32
    %dma_start3A_98 = arith.constant 0 : i32
    %dma_start3A_99 = tpu.memref_slice %dma_start3A_96[%dma_start3A_97, %dma_start3A_98] : memref<10240x64xf32, #tpu.memory_space<hbm>> -> memref<10240x64xf32, #tpu.memory_space<hbm>>
    tpu.enqueue_indirect_dma source(%dma_start3A_99 : memref<10240x64xf32, #tpu.memory_space<hbm>>) target(%dma_start3A_89 : memref<128x64xf32, #tpu.memory_space<vmem>>) offsets(%dma_start3A_92 : memref<128xi32, #tpu.memory_space<vmem>>) semaphore(%arg13 : memref<!tpu.dma_semaphore, #tpu.memory_space<semaphore_mem>>)
    %dma_start3A_100 = arith.constant 3 : i32
    %dma_start3A_101 = arith.constant 3 : i32
    %dma_start3A_102 = arith.constant 0 : i32
    %dma_start3A_103 = arith.constant 0 : i32
    %dma_start3A_104 = tpu.memref_slice %arg9[%dma_start3A_101, %dma_start3A_102, %dma_start3A_103] : memref<4x128x64xf32, #tpu.memory_space<vmem>> -> memref<1x128x64xf32, #tpu.memory_space<vmem>>
    %dma_start3A_105 = tpu.memref_squeeze %dma_start3A_104 : memref<1x128x64xf32, #tpu.memory_space<vmem>> -> memref<128x64xf32, #tpu.memory_space<vmem>>
    %dma_start3A_106 = arith.constant 0 : i32
    %dma_start3A_107 = tpu.memref_slice %arg7[%dma_start3A_100, %dma_start3A_106] : memref<160x128xi32, #tpu.memory_space<vmem>> -> memref<1x128xi32, #tpu.memory_space<vmem>>
    %dma_start3A_108 = tpu.memref_squeeze %dma_start3A_107 : memref<1x128xi32, #tpu.memory_space<vmem>> -> memref<128xi32, #tpu.memory_space<vmem>>
    %dma_start3A_109 = arith.constant 0 : i32
    %dma_start3A_110 = arith.constant 0 : i32
    %dma_start3A_111 = tpu.memref_slice %arg2[%arg0, %dma_start3A_109, %dma_start3A_110] : memref<2x10240x64xf32, #tpu.memory_space<hbm>> -> memref<1x10240x64xf32, #tpu.memory_space<hbm>>
    %dma_start3A_112 = tpu.memref_squeeze %dma_start3A_111 : memref<1x10240x64xf32, #tpu.memory_space<hbm>> -> memref<10240x64xf32, #tpu.memory_space<hbm>>
    %dma_start3A_113 = arith.constant 0 : i32
    %dma_start3A_114 = arith.constant 0 : i32
    %dma_start3A_115 = tpu.memref_slice %dma_start3A_112[%dma_start3A_113, %dma_start3A_114] : memref<10240x64xf32, #tpu.memory_space<hbm>> -> memref<10240x64xf32, #tpu.memory_space<hbm>>
    tpu.enqueue_indirect_dma source(%dma_start3A_115 : memref<10240x64xf32, #tpu.memory_space<hbm>>) target(%dma_start3A_105 : memref<128x64xf32, #tpu.memory_space<vmem>>) offsets(%dma_start3A_108 : memref<128xi32, #tpu.memory_space<vmem>>) semaphore(%arg13 : memref<!tpu.dma_semaphore, #tpu.memory_space<semaphore_mem>>)
    %barrier3A = arith.constant 0 : index
    tpu.barrier barrier_id(%barrier3A)
    %scan3A_116 = arith.constant 0 : i32
    %scan3A_117 = arith.constant 0 : i32
    %scan3A_118 = arith.constant 40 : i32
    %scan3A_119 = arith.addi %scan3A_117, %scan3A_118 : i32
    %scan3A_120 = arith.constant 1 : i32
    %scan3A_121 = scf.for %scan3A_182 = %scan3A_117 to %scan3A_119 step %scan3A_120 iter_args(%scan3A_183 = %scan3A_116) -> (i32)  : i32 {
      %mul3A_184 = arith.constant 4 : i32
      %mul3A_185 = arith.muli %scan3A_182, %mul3A_184 : i32
      %add3A_186 = arith.constant 0 : i32
      %add3A_187 = arith.addi %mul3A_185, %add3A_186 : i32
      %dma_wait3A_188 = arith.constant 0 : i32
      %dma_wait3A_189 = arith.constant 0 : i32
      %dma_wait3A_190 = arith.constant 0 : i32
      %dma_wait3A_191 = arith.constant 0 : i32
      %dma_wait3A_192 = tpu.memref_slice %arg9[%dma_wait3A_189, %dma_wait3A_190, %dma_wait3A_191] : memref<4x128x64xf32, #tpu.memory_space<vmem>> -> memref<1x128x64xf32, #tpu.memory_space<vmem>>
      %dma_wait3A_193 = tpu.memref_squeeze %dma_wait3A_192 : memref<1x128x64xf32, #tpu.memory_space<vmem>> -> memref<128x64xf32, #tpu.memory_space<vmem>>
      %dma_wait3A_194 = arith.constant 0 : i32
      %dma_wait3A_195 = tpu.memref_slice %arg7[%dma_wait3A_188, %dma_wait3A_194] : memref<160x128xi32, #tpu.memory_space<vmem>> -> memref<1x128xi32, #tpu.memory_space<vmem>>
      %dma_wait3A_196 = tpu.memref_squeeze %dma_wait3A_195 : memref<1x128xi32, #tpu.memory_space<vmem>> -> memref<128xi32, #tpu.memory_space<vmem>>
      %dma_wait3A_197 = arith.constant 0 : i32
      %dma_wait3A_198 = arith.constant 0 : i32
      %dma_wait3A_199 = tpu.memref_slice %arg2[%arg0, %dma_wait3A_197, %dma_wait3A_198] : memref<2x10240x64xf32, #tpu.memory_space<hbm>> -> memref<1x10240x64xf32, #tpu.memory_space<hbm>>
      %dma_wait3A_200 = tpu.memref_squeeze %dma_wait3A_199 : memref<1x10240x64xf32, #tpu.memory_space<hbm>> -> memref<10240x64xf32, #tpu.memory_space<hbm>>
      %dma_wait3A_201 = arith.constant 0 : i32
      %dma_wait3A_202 = arith.constant 0 : i32
      %dma_wait3A_203 = tpu.memref_slice %dma_wait3A_200[%dma_wait3A_201, %dma_wait3A_202] : memref<10240x64xf32, #tpu.memory_space<hbm>> -> memref<10240x64xf32, #tpu.memory_space<hbm>>
      tpu.wait_indirect_dma semaphore(%arg13 : memref<!tpu.dma_semaphore, #tpu.memory_space<semaphore_mem>>) src(%dma_wait3A_203 : memref<10240x64xf32, #tpu.memory_space<hbm>>) dst(%dma_wait3A_193 : memref<128x64xf32, #tpu.memory_space<vmem>>)
      %dma_start3A_204 = arith.constant 0 : i32
      %dma_start3A_205 = arith.constant 0 : i32
      %dma_start3A_206 = arith.constant 0 : i32
      %dma_start3A_207 = tpu.memref_slice %arg9[%dma_start3A_204, %dma_start3A_205, %dma_start3A_206] : memref<4x128x64xf32, #tpu.memory_space<vmem>> -> memref<1x128x64xf32, #tpu.memory_space<vmem>>
      %dma_start3A_208 = tpu.memref_squeeze %dma_start3A_207 : memref<1x128x64xf32, #tpu.memory_space<vmem>> -> memref<128x64xf32, #tpu.memory_space<vmem>>
      %dma_start3A_209 = arith.constant 0 : i32
      %dma_start3A_210 = tpu.memref_slice %arg8[%add3A_187, %dma_start3A_209] : memref<160x128xi32, #tpu.memory_space<vmem>> -> memref<1x128xi32, #tpu.memory_space<vmem>>
      %dma_start3A_211 = tpu.memref_squeeze %dma_start3A_210 : memref<1x128xi32, #tpu.memory_space<vmem>> -> memref<128xi32, #tpu.memory_space<vmem>>
      %dma_start3A_212 = arith.constant 0 : i32
      %dma_start3A_213 = arith.constant 0 : i32
      %dma_start3A_214 = tpu.memref_slice %arg11[%dma_start3A_212, %dma_start3A_213] : memref<10240x64xf32, #tpu.memory_space<vmem_shared>> -> memref<10240x64xf32, #tpu.memory_space<vmem_shared>>
      tpu.enqueue_indirect_dma source(%dma_start3A_208 : memref<128x64xf32, #tpu.memory_space<vmem>>) target(%dma_start3A_214 : memref<10240x64xf32, #tpu.memory_space<vmem_shared>>) offsets(%dma_start3A_211 : memref<128xi32, #tpu.memory_space<vmem>>) semaphore(%arg14 : memref<!tpu.dma_semaphore, #tpu.memory_space<semaphore_mem>>) {add = true}
      %lt3A = arith.constant 80 : i32
      %lt3A_215 = arith.cmpi slt, %add3A_187, %lt3A : i32
      %and3A = arith.andi %eq3A_0, %lt3A_215 : i1
      %ge3A = arith.constant 80 : i32
      %ge3A_216 = arith.cmpi sge, %add3A_187, %ge3A : i32
      %and3A_217 = arith.andi %eq3A_2, %ge3A_216 : i1
      %or3A = arith.ori %and3A, %and3A_217 : i1
      %convert_element_type3A = arith.extui %or3A : i1 to i32
      %cond3A = arith.constant 0 : i32
      %cond3A_218 = arith.cmpi ne, %convert_element_type3A, %cond3A : i32
      scf.if %cond3A_218 {
        %dma_start3A_410 = arith.constant 0 : i32
        %dma_start3A_411 = tpu.memref_slice %arg8[%add3A_187, %dma_start3A_410] : memref<160x128xi32, #tpu.memory_space<vmem>> -> memref<1x128xi32, #tpu.memory_space<vmem>>
        %dma_start3A_412 = tpu.memref_squeeze %dma_start3A_411 : memref<1x128xi32, #tpu.memory_space<vmem>> -> memref<128xi32, #tpu.memory_space<vmem>>
        %dma_start3A_413 = arith.constant 0 : i32
        %dma_start3A_414 = arith.constant 0 : i32
        %dma_start3A_415 = tpu.memref_slice %arg12[%dma_start3A_413, %dma_start3A_414] : memref<10240x16xf32, #tpu.memory_space<vmem_shared>> -> memref<10240x16xf32, #tpu.memory_space<vmem_shared>>
        tpu.enqueue_indirect_dma source(%arg10 : memref<128x16xf32, #tpu.memory_space<vmem>>) target(%dma_start3A_415 : memref<10240x16xf32, #tpu.memory_space<vmem_shared>>) offsets(%dma_start3A_412 : memref<128xi32, #tpu.memory_space<vmem>>) semaphore(%arg15 : memref<!tpu.dma_semaphore, #tpu.memory_space<semaphore_mem>>) {add = true}
      } else {
      }
      %ge3A_219 = arith.constant 1 : i32
      %ge3A_220 = arith.cmpi sge, %add3A_187, %ge3A_219 : i32
      %convert_element_type3A_221 = arith.extui %ge3A_220 : i1 to i32
      %cond3A_222 = arith.constant 0 : i32
      %cond3A_223 = arith.cmpi ne, %convert_element_type3A_221, %cond3A_222 : i32
      scf.if %cond3A_223 {
        %dma_wait3A_410 = arith.constant 3 : i32
        %dma_wait3A_411 = arith.constant 0 : i32
        %dma_wait3A_412 = arith.constant 0 : i32
        %dma_wait3A_413 = arith.constant 0 : i32
        %dma_wait3A_414 = tpu.memref_slice %arg9[%dma_wait3A_410, %dma_wait3A_412, %dma_wait3A_413] : memref<4x128x64xf32, #tpu.memory_space<vmem>> -> memref<1x128x64xf32, #tpu.memory_space<vmem>>
        %dma_wait3A_415 = tpu.memref_squeeze %dma_wait3A_414 : memref<1x128x64xf32, #tpu.memory_space<vmem>> -> memref<128x64xf32, #tpu.memory_space<vmem>>
        %dma_wait3A_416 = arith.constant 0 : i32
        %dma_wait3A_417 = tpu.memref_slice %arg8[%dma_wait3A_411, %dma_wait3A_416] : memref<160x128xi32, #tpu.memory_space<vmem>> -> memref<1x128xi32, #tpu.memory_space<vmem>>
        %dma_wait3A_418 = tpu.memref_squeeze %dma_wait3A_417 : memref<1x128xi32, #tpu.memory_space<vmem>> -> memref<128xi32, #tpu.memory_space<vmem>>
        %dma_wait3A_419 = arith.constant 0 : i32
        %dma_wait3A_420 = arith.constant 0 : i32
        %dma_wait3A_421 = tpu.memref_slice %arg11[%dma_wait3A_419, %dma_wait3A_420] : memref<10240x64xf32, #tpu.memory_space<vmem_shared>> -> memref<10240x64xf32, #tpu.memory_space<vmem_shared>>
        tpu.wait_indirect_dma semaphore(%arg14 : memref<!tpu.dma_semaphore, #tpu.memory_space<semaphore_mem>>) src(%dma_wait3A_415 : memref<128x64xf32, #tpu.memory_space<vmem>>) dst(%dma_wait3A_421 : memref<10240x64xf32, #tpu.memory_space<vmem_shared>>)
      } else {
      }
      %ge3A_224 = arith.constant 1 : i32
      %ge3A_225 = arith.cmpi sge, %add3A_187, %ge3A_224 : i32
      %sub3A = arith.constant 1 : i32
      %sub3A_226 = arith.subi %add3A_187, %sub3A : i32
      %add3A_227 = arith.constant 4 : i32
      %add3A_228 = arith.addi %sub3A_226, %add3A_227 : i32
      %lt3A_229 = arith.constant 160 : i32
      %lt3A_230 = arith.cmpi slt, %add3A_228, %lt3A_229 : i32
      %and3A_231 = arith.andi %ge3A_225, %lt3A_230 : i1
      %convert_element_type3A_232 = arith.extui %and3A_231 : i1 to i32
      %cond3A_233 = arith.constant 0 : i32
      %cond3A_234 = arith.cmpi ne, %convert_element_type3A_232, %cond3A_233 : i32
      scf.if %cond3A_234 {
        %sub3A_410 = arith.constant 1 : i32
        %sub3A_411 = arith.subi %add3A_187, %sub3A_410 : i32
        %add3A_412 = arith.constant 4 : i32
        %add3A_413 = arith.addi %sub3A_411, %add3A_412 : i32
        %dma_start3A_414 = arith.constant 3 : i32
        %dma_start3A_415 = arith.constant 0 : i32
        %dma_start3A_416 = arith.constant 0 : i32
        %dma_start3A_417 = tpu.memref_slice %arg9[%dma_start3A_414, %dma_start3A_415, %dma_start3A_416] : memref<4x128x64xf32, #tpu.memory_space<vmem>> -> memref<1x128x64xf32, #tpu.memory_space<vmem>>
        %dma_start3A_418 = tpu.memref_squeeze %dma_start3A_417 : memref<1x128x64xf32, #tpu.memory_space<vmem>> -> memref<128x64xf32, #tpu.memory_space<vmem>>
        %dma_start3A_419 = arith.constant 0 : i32
        %dma_start3A_420 = tpu.memref_slice %arg7[%add3A_413, %dma_start3A_419] : memref<160x128xi32, #tpu.memory_space<vmem>> -> memref<1x128xi32, #tpu.memory_space<vmem>>
        %dma_start3A_421 = tpu.memref_squeeze %dma_start3A_420 : memref<1x128xi32, #tpu.memory_space<vmem>> -> memref<128xi32, #tpu.memory_space<vmem>>
        %dma_start3A_422 = arith.constant 0 : i32
        %dma_start3A_423 = arith.constant 0 : i32
        %dma_start3A_424 = tpu.memref_slice %arg2[%arg0, %dma_start3A_422, %dma_start3A_423] : memref<2x10240x64xf32, #tpu.memory_space<hbm>> -> memref<1x10240x64xf32, #tpu.memory_space<hbm>>
        %dma_start3A_425 = tpu.memref_squeeze %dma_start3A_424 : memref<1x10240x64xf32, #tpu.memory_space<hbm>> -> memref<10240x64xf32, #tpu.memory_space<hbm>>
        %dma_start3A_426 = arith.constant 0 : i32
        %dma_start3A_427 = arith.constant 0 : i32
        %dma_start3A_428 = tpu.memref_slice %dma_start3A_425[%dma_start3A_426, %dma_start3A_427] : memref<10240x64xf32, #tpu.memory_space<hbm>> -> memref<10240x64xf32, #tpu.memory_space<hbm>>
        tpu.enqueue_indirect_dma source(%dma_start3A_428 : memref<10240x64xf32, #tpu.memory_space<hbm>>) target(%dma_start3A_418 : memref<128x64xf32, #tpu.memory_space<vmem>>) offsets(%dma_start3A_421 : memref<128xi32, #tpu.memory_space<vmem>>) semaphore(%arg13 : memref<!tpu.dma_semaphore, #tpu.memory_space<semaphore_mem>>)
      } else {
      }
      %mul3A_235 = arith.constant 4 : i32
      %mul3A_236 = arith.muli %scan3A_182, %mul3A_235 : i32
      %add3A_237 = arith.constant 1 : i32
      %add3A_238 = arith.addi %mul3A_236, %add3A_237 : i32
      %dma_wait3A_239 = arith.constant 0 : i32
      %dma_wait3A_240 = arith.constant 1 : i32
      %dma_wait3A_241 = arith.constant 0 : i32
      %dma_wait3A_242 = arith.constant 0 : i32
      %dma_wait3A_243 = tpu.memref_slice %arg9[%dma_wait3A_240, %dma_wait3A_241, %dma_wait3A_242] : memref<4x128x64xf32, #tpu.memory_space<vmem>> -> memref<1x128x64xf32, #tpu.memory_space<vmem>>
      %dma_wait3A_244 = tpu.memref_squeeze %dma_wait3A_243 : memref<1x128x64xf32, #tpu.memory_space<vmem>> -> memref<128x64xf32, #tpu.memory_space<vmem>>
      %dma_wait3A_245 = arith.constant 0 : i32
      %dma_wait3A_246 = tpu.memref_slice %arg7[%dma_wait3A_239, %dma_wait3A_245] : memref<160x128xi32, #tpu.memory_space<vmem>> -> memref<1x128xi32, #tpu.memory_space<vmem>>
      %dma_wait3A_247 = tpu.memref_squeeze %dma_wait3A_246 : memref<1x128xi32, #tpu.memory_space<vmem>> -> memref<128xi32, #tpu.memory_space<vmem>>
      %dma_wait3A_248 = arith.constant 0 : i32
      %dma_wait3A_249 = arith.constant 0 : i32
      %dma_wait3A_250 = tpu.memref_slice %arg2[%arg0, %dma_wait3A_248, %dma_wait3A_249] : memref<2x10240x64xf32, #tpu.memory_space<hbm>> -> memref<1x10240x64xf32, #tpu.memory_space<hbm>>
      %dma_wait3A_251 = tpu.memref_squeeze %dma_wait3A_250 : memref<1x10240x64xf32, #tpu.memory_space<hbm>> -> memref<10240x64xf32, #tpu.memory_space<hbm>>
      %dma_wait3A_252 = arith.constant 0 : i32
      %dma_wait3A_253 = arith.constant 0 : i32
      %dma_wait3A_254 = tpu.memref_slice %dma_wait3A_251[%dma_wait3A_252, %dma_wait3A_253] : memref<10240x64xf32, #tpu.memory_space<hbm>> -> memref<10240x64xf32, #tpu.memory_space<hbm>>
      tpu.wait_indirect_dma semaphore(%arg13 : memref<!tpu.dma_semaphore, #tpu.memory_space<semaphore_mem>>) src(%dma_wait3A_254 : memref<10240x64xf32, #tpu.memory_space<hbm>>) dst(%dma_wait3A_244 : memref<128x64xf32, #tpu.memory_space<vmem>>)
      %dma_start3A_255 = arith.constant 1 : i32
      %dma_start3A_256 = arith.constant 0 : i32
      %dma_start3A_257 = arith.constant 0 : i32
      %dma_start3A_258 = tpu.memref_slice %arg9[%dma_start3A_255, %dma_start3A_256, %dma_start3A_257] : memref<4x128x64xf32, #tpu.memory_space<vmem>> -> memref<1x128x64xf32, #tpu.memory_space<vmem>>
      %dma_start3A_259 = tpu.memref_squeeze %dma_start3A_258 : memref<1x128x64xf32, #tpu.memory_space<vmem>> -> memref<128x64xf32, #tpu.memory_space<vmem>>
      %dma_start3A_260 = arith.constant 0 : i32
      %dma_start3A_261 = tpu.memref_slice %arg8[%add3A_238, %dma_start3A_260] : memref<160x128xi32, #tpu.memory_space<vmem>> -> memref<1x128xi32, #tpu.memory_space<vmem>>
      %dma_start3A_262 = tpu.memref_squeeze %dma_start3A_261 : memref<1x128xi32, #tpu.memory_space<vmem>> -> memref<128xi32, #tpu.memory_space<vmem>>
      %dma_start3A_263 = arith.constant 0 : i32
      %dma_start3A_264 = arith.constant 0 : i32
      %dma_start3A_265 = tpu.memref_slice %arg11[%dma_start3A_263, %dma_start3A_264] : memref<10240x64xf32, #tpu.memory_space<vmem_shared>> -> memref<10240x64xf32, #tpu.memory_space<vmem_shared>>
      tpu.enqueue_indirect_dma source(%dma_start3A_259 : memref<128x64xf32, #tpu.memory_space<vmem>>) target(%dma_start3A_265 : memref<10240x64xf32, #tpu.memory_space<vmem_shared>>) offsets(%dma_start3A_262 : memref<128xi32, #tpu.memory_space<vmem>>) semaphore(%arg14 : memref<!tpu.dma_semaphore, #tpu.memory_space<semaphore_mem>>) {add = true}
      %lt3A_266 = arith.constant 80 : i32
      %lt3A_267 = arith.cmpi slt, %add3A_238, %lt3A_266 : i32
      %and3A_268 = arith.andi %eq3A_0, %lt3A_267 : i1
      %ge3A_269 = arith.constant 80 : i32
      %ge3A_270 = arith.cmpi sge, %add3A_238, %ge3A_269 : i32
      %and3A_271 = arith.andi %eq3A_2, %ge3A_270 : i1
      %or3A_272 = arith.ori %and3A_268, %and3A_271 : i1
      %convert_element_type3A_273 = arith.extui %or3A_272 : i1 to i32
      %cond3A_274 = arith.constant 0 : i32
      %cond3A_275 = arith.cmpi ne, %convert_element_type3A_273, %cond3A_274 : i32
      scf.if %cond3A_275 {
        %dma_start3A_410 = arith.constant 0 : i32
        %dma_start3A_411 = tpu.memref_slice %arg8[%add3A_238, %dma_start3A_410] : memref<160x128xi32, #tpu.memory_space<vmem>> -> memref<1x128xi32, #tpu.memory_space<vmem>>
        %dma_start3A_412 = tpu.memref_squeeze %dma_start3A_411 : memref<1x128xi32, #tpu.memory_space<vmem>> -> memref<128xi32, #tpu.memory_space<vmem>>
        %dma_start3A_413 = arith.constant 0 : i32
        %dma_start3A_414 = arith.constant 0 : i32
        %dma_start3A_415 = tpu.memref_slice %arg12[%dma_start3A_413, %dma_start3A_414] : memref<10240x16xf32, #tpu.memory_space<vmem_shared>> -> memref<10240x16xf32, #tpu.memory_space<vmem_shared>>
        tpu.enqueue_indirect_dma source(%arg10 : memref<128x16xf32, #tpu.memory_space<vmem>>) target(%dma_start3A_415 : memref<10240x16xf32, #tpu.memory_space<vmem_shared>>) offsets(%dma_start3A_412 : memref<128xi32, #tpu.memory_space<vmem>>) semaphore(%arg15 : memref<!tpu.dma_semaphore, #tpu.memory_space<semaphore_mem>>) {add = true}
      } else {
      }
      %ge3A_276 = arith.constant 1 : i32
      %ge3A_277 = arith.cmpi sge, %add3A_238, %ge3A_276 : i32
      %convert_element_type3A_278 = arith.extui %ge3A_277 : i1 to i32
      %cond3A_279 = arith.constant 0 : i32
      %cond3A_280 = arith.cmpi ne, %convert_element_type3A_278, %cond3A_279 : i32
      scf.if %cond3A_280 {
        %dma_wait3A_410 = arith.constant 0 : i32
        %dma_wait3A_411 = arith.constant 0 : i32
        %dma_wait3A_412 = arith.constant 0 : i32
        %dma_wait3A_413 = arith.constant 0 : i32
        %dma_wait3A_414 = tpu.memref_slice %arg9[%dma_wait3A_410, %dma_wait3A_412, %dma_wait3A_413] : memref<4x128x64xf32, #tpu.memory_space<vmem>> -> memref<1x128x64xf32, #tpu.memory_space<vmem>>
        %dma_wait3A_415 = tpu.memref_squeeze %dma_wait3A_414 : memref<1x128x64xf32, #tpu.memory_space<vmem>> -> memref<128x64xf32, #tpu.memory_space<vmem>>
        %dma_wait3A_416 = arith.constant 0 : i32
        %dma_wait3A_417 = tpu.memref_slice %arg8[%dma_wait3A_411, %dma_wait3A_416] : memref<160x128xi32, #tpu.memory_space<vmem>> -> memref<1x128xi32, #tpu.memory_space<vmem>>
        %dma_wait3A_418 = tpu.memref_squeeze %dma_wait3A_417 : memref<1x128xi32, #tpu.memory_space<vmem>> -> memref<128xi32, #tpu.memory_space<vmem>>
        %dma_wait3A_419 = arith.constant 0 : i32
        %dma_wait3A_420 = arith.constant 0 : i32
        %dma_wait3A_421 = tpu.memref_slice %arg11[%dma_wait3A_419, %dma_wait3A_420] : memref<10240x64xf32, #tpu.memory_space<vmem_shared>> -> memref<10240x64xf32, #tpu.memory_space<vmem_shared>>
        tpu.wait_indirect_dma semaphore(%arg14 : memref<!tpu.dma_semaphore, #tpu.memory_space<semaphore_mem>>) src(%dma_wait3A_415 : memref<128x64xf32, #tpu.memory_space<vmem>>) dst(%dma_wait3A_421 : memref<10240x64xf32, #tpu.memory_space<vmem_shared>>)
      } else {
      }
      %ge3A_281 = arith.constant 1 : i32
      %ge3A_282 = arith.cmpi sge, %add3A_238, %ge3A_281 : i32
      %sub3A_283 = arith.constant 1 : i32
      %sub3A_284 = arith.subi %add3A_238, %sub3A_283 : i32
      %add3A_285 = arith.constant 4 : i32
      %add3A_286 = arith.addi %sub3A_284, %add3A_285 : i32
      %lt3A_287 = arith.constant 160 : i32
      %lt3A_288 = arith.cmpi slt, %add3A_286, %lt3A_287 : i32
      %and3A_289 = arith.andi %ge3A_282, %lt3A_288 : i1
      %convert_element_type3A_290 = arith.extui %and3A_289 : i1 to i32
      %cond3A_291 = arith.constant 0 : i32
      %cond3A_292 = arith.cmpi ne, %convert_element_type3A_290, %cond3A_291 : i32
      scf.if %cond3A_292 {
        %sub3A_410 = arith.constant 1 : i32
        %sub3A_411 = arith.subi %add3A_238, %sub3A_410 : i32
        %add3A_412 = arith.constant 4 : i32
        %add3A_413 = arith.addi %sub3A_411, %add3A_412 : i32
        %dma_start3A_414 = arith.constant 0 : i32
        %dma_start3A_415 = arith.constant 0 : i32
        %dma_start3A_416 = arith.constant 0 : i32
        %dma_start3A_417 = tpu.memref_slice %arg9[%dma_start3A_414, %dma_start3A_415, %dma_start3A_416] : memref<4x128x64xf32, #tpu.memory_space<vmem>> -> memref<1x128x64xf32, #tpu.memory_space<vmem>>
        %dma_start3A_418 = tpu.memref_squeeze %dma_start3A_417 : memref<1x128x64xf32, #tpu.memory_space<vmem>> -> memref<128x64xf32, #tpu.memory_space<vmem>>
        %dma_start3A_419 = arith.constant 0 : i32
        %dma_start3A_420 = tpu.memref_slice %arg7[%add3A_413, %dma_start3A_419] : memref<160x128xi32, #tpu.memory_space<vmem>> -> memref<1x128xi32, #tpu.memory_space<vmem>>
        %dma_start3A_421 = tpu.memref_squeeze %dma_start3A_420 : memref<1x128xi32, #tpu.memory_space<vmem>> -> memref<128xi32, #tpu.memory_space<vmem>>
        %dma_start3A_422 = arith.constant 0 : i32
        %dma_start3A_423 = arith.constant 0 : i32
        %dma_start3A_424 = tpu.memref_slice %arg2[%arg0, %dma_start3A_422, %dma_start3A_423] : memref<2x10240x64xf32, #tpu.memory_space<hbm>> -> memref<1x10240x64xf32, #tpu.memory_space<hbm>>
        %dma_start3A_425 = tpu.memref_squeeze %dma_start3A_424 : memref<1x10240x64xf32, #tpu.memory_space<hbm>> -> memref<10240x64xf32, #tpu.memory_space<hbm>>
        %dma_start3A_426 = arith.constant 0 : i32
        %dma_start3A_427 = arith.constant 0 : i32
        %dma_start3A_428 = tpu.memref_slice %dma_start3A_425[%dma_start3A_426, %dma_start3A_427] : memref<10240x64xf32, #tpu.memory_space<hbm>> -> memref<10240x64xf32, #tpu.memory_space<hbm>>
        tpu.enqueue_indirect_dma source(%dma_start3A_428 : memref<10240x64xf32, #tpu.memory_space<hbm>>) target(%dma_start3A_418 : memref<128x64xf32, #tpu.memory_space<vmem>>) offsets(%dma_start3A_421 : memref<128xi32, #tpu.memory_space<vmem>>) semaphore(%arg13 : memref<!tpu.dma_semaphore, #tpu.memory_space<semaphore_mem>>)
      } else {
      }
      %mul3A_293 = arith.constant 4 : i32
      %mul3A_294 = arith.muli %scan3A_182, %mul3A_293 : i32
      %add3A_295 = arith.constant 2 : i32
      %add3A_296 = arith.addi %mul3A_294, %add3A_295 : i32
      %dma_wait3A_297 = arith.constant 0 : i32
      %dma_wait3A_298 = arith.constant 2 : i32
      %dma_wait3A_299 = arith.constant 0 : i32
      %dma_wait3A_300 = arith.constant 0 : i32
      %dma_wait3A_301 = tpu.memref_slice %arg9[%dma_wait3A_298, %dma_wait3A_299, %dma_wait3A_300] : memref<4x128x64xf32, #tpu.memory_space<vmem>> -> memref<1x128x64xf32, #tpu.memory_space<vmem>>
      %dma_wait3A_302 = tpu.memref_squeeze %dma_wait3A_301 : memref<1x128x64xf32, #tpu.memory_space<vmem>> -> memref<128x64xf32, #tpu.memory_space<vmem>>
      %dma_wait3A_303 = arith.constant 0 : i32
      %dma_wait3A_304 = tpu.memref_slice %arg7[%dma_wait3A_297, %dma_wait3A_303] : memref<160x128xi32, #tpu.memory_space<vmem>> -> memref<1x128xi32, #tpu.memory_space<vmem>>
      %dma_wait3A_305 = tpu.memref_squeeze %dma_wait3A_304 : memref<1x128xi32, #tpu.memory_space<vmem>> -> memref<128xi32, #tpu.memory_space<vmem>>
      %dma_wait3A_306 = arith.constant 0 : i32
      %dma_wait3A_307 = arith.constant 0 : i32
      %dma_wait3A_308 = tpu.memref_slice %arg2[%arg0, %dma_wait3A_306, %dma_wait3A_307] : memref<2x10240x64xf32, #tpu.memory_space<hbm>> -> memref<1x10240x64xf32, #tpu.memory_space<hbm>>
      %dma_wait3A_309 = tpu.memref_squeeze %dma_wait3A_308 : memref<1x10240x64xf32, #tpu.memory_space<hbm>> -> memref<10240x64xf32, #tpu.memory_space<hbm>>
      %dma_wait3A_310 = arith.constant 0 : i32
      %dma_wait3A_311 = arith.constant 0 : i32
      %dma_wait3A_312 = tpu.memref_slice %dma_wait3A_309[%dma_wait3A_310, %dma_wait3A_311] : memref<10240x64xf32, #tpu.memory_space<hbm>> -> memref<10240x64xf32, #tpu.memory_space<hbm>>
      tpu.wait_indirect_dma semaphore(%arg13 : memref<!tpu.dma_semaphore, #tpu.memory_space<semaphore_mem>>) src(%dma_wait3A_312 : memref<10240x64xf32, #tpu.memory_space<hbm>>) dst(%dma_wait3A_302 : memref<128x64xf32, #tpu.memory_space<vmem>>)
      %dma_start3A_313 = arith.constant 2 : i32
      %dma_start3A_314 = arith.constant 0 : i32
      %dma_start3A_315 = arith.constant 0 : i32
      %dma_start3A_316 = tpu.memref_slice %arg9[%dma_start3A_313, %dma_start3A_314, %dma_start3A_315] : memref<4x128x64xf32, #tpu.memory_space<vmem>> -> memref<1x128x64xf32, #tpu.memory_space<vmem>>
      %dma_start3A_317 = tpu.memref_squeeze %dma_start3A_316 : memref<1x128x64xf32, #tpu.memory_space<vmem>> -> memref<128x64xf32, #tpu.memory_space<vmem>>
      %dma_start3A_318 = arith.constant 0 : i32
      %dma_start3A_319 = tpu.memref_slice %arg8[%add3A_296, %dma_start3A_318] : memref<160x128xi32, #tpu.memory_space<vmem>> -> memref<1x128xi32, #tpu.memory_space<vmem>>
      %dma_start3A_320 = tpu.memref_squeeze %dma_start3A_319 : memref<1x128xi32, #tpu.memory_space<vmem>> -> memref<128xi32, #tpu.memory_space<vmem>>
      %dma_start3A_321 = arith.constant 0 : i32
      %dma_start3A_322 = arith.constant 0 : i32
      %dma_start3A_323 = tpu.memref_slice %arg11[%dma_start3A_321, %dma_start3A_322] : memref<10240x64xf32, #tpu.memory_space<vmem_shared>> -> memref<10240x64xf32, #tpu.memory_space<vmem_shared>>
      tpu.enqueue_indirect_dma source(%dma_start3A_317 : memref<128x64xf32, #tpu.memory_space<vmem>>) target(%dma_start3A_323 : memref<10240x64xf32, #tpu.memory_space<vmem_shared>>) offsets(%dma_start3A_320 : memref<128xi32, #tpu.memory_space<vmem>>) semaphore(%arg14 : memref<!tpu.dma_semaphore, #tpu.memory_space<semaphore_mem>>) {add = true}
      %lt3A_324 = arith.constant 80 : i32
      %lt3A_325 = arith.cmpi slt, %add3A_296, %lt3A_324 : i32
      %and3A_326 = arith.andi %eq3A_0, %lt3A_325 : i1
      %ge3A_327 = arith.constant 80 : i32
      %ge3A_328 = arith.cmpi sge, %add3A_296, %ge3A_327 : i32
      %and3A_329 = arith.andi %eq3A_2, %ge3A_328 : i1
      %or3A_330 = arith.ori %and3A_326, %and3A_329 : i1
      %convert_element_type3A_331 = arith.extui %or3A_330 : i1 to i32
      %cond3A_332 = arith.constant 0 : i32
      %cond3A_333 = arith.cmpi ne, %convert_element_type3A_331, %cond3A_332 : i32
      scf.if %cond3A_333 {
        %dma_start3A_410 = arith.constant 0 : i32
        %dma_start3A_411 = tpu.memref_slice %arg8[%add3A_296, %dma_start3A_410] : memref<160x128xi32, #tpu.memory_space<vmem>> -> memref<1x128xi32, #tpu.memory_space<vmem>>
        %dma_start3A_412 = tpu.memref_squeeze %dma_start3A_411 : memref<1x128xi32, #tpu.memory_space<vmem>> -> memref<128xi32, #tpu.memory_space<vmem>>
        %dma_start3A_413 = arith.constant 0 : i32
        %dma_start3A_414 = arith.constant 0 : i32
        %dma_start3A_415 = tpu.memref_slice %arg12[%dma_start3A_413, %dma_start3A_414] : memref<10240x16xf32, #tpu.memory_space<vmem_shared>> -> memref<10240x16xf32, #tpu.memory_space<vmem_shared>>
        tpu.enqueue_indirect_dma source(%arg10 : memref<128x16xf32, #tpu.memory_space<vmem>>) target(%dma_start3A_415 : memref<10240x16xf32, #tpu.memory_space<vmem_shared>>) offsets(%dma_start3A_412 : memref<128xi32, #tpu.memory_space<vmem>>) semaphore(%arg15 : memref<!tpu.dma_semaphore, #tpu.memory_space<semaphore_mem>>) {add = true}
      } else {
      }
      %ge3A_334 = arith.constant 1 : i32
      %ge3A_335 = arith.cmpi sge, %add3A_296, %ge3A_334 : i32
      %convert_element_type3A_336 = arith.extui %ge3A_335 : i1 to i32
      %cond3A_337 = arith.constant 0 : i32
      %cond3A_338 = arith.cmpi ne, %convert_element_type3A_336, %cond3A_337 : i32
      scf.if %cond3A_338 {
        %dma_wait3A_410 = arith.constant 1 : i32
        %dma_wait3A_411 = arith.constant 0 : i32
        %dma_wait3A_412 = arith.constant 0 : i32
        %dma_wait3A_413 = arith.constant 0 : i32
        %dma_wait3A_414 = tpu.memref_slice %arg9[%dma_wait3A_410, %dma_wait3A_412, %dma_wait3A_413] : memref<4x128x64xf32, #tpu.memory_space<vmem>> -> memref<1x128x64xf32, #tpu.memory_space<vmem>>
        %dma_wait3A_415 = tpu.memref_squeeze %dma_wait3A_414 : memref<1x128x64xf32, #tpu.memory_space<vmem>> -> memref<128x64xf32, #tpu.memory_space<vmem>>
        %dma_wait3A_416 = arith.constant 0 : i32
        %dma_wait3A_417 = tpu.memref_slice %arg8[%dma_wait3A_411, %dma_wait3A_416] : memref<160x128xi32, #tpu.memory_space<vmem>> -> memref<1x128xi32, #tpu.memory_space<vmem>>
        %dma_wait3A_418 = tpu.memref_squeeze %dma_wait3A_417 : memref<1x128xi32, #tpu.memory_space<vmem>> -> memref<128xi32, #tpu.memory_space<vmem>>
        %dma_wait3A_419 = arith.constant 0 : i32
        %dma_wait3A_420 = arith.constant 0 : i32
        %dma_wait3A_421 = tpu.memref_slice %arg11[%dma_wait3A_419, %dma_wait3A_420] : memref<10240x64xf32, #tpu.memory_space<vmem_shared>> -> memref<10240x64xf32, #tpu.memory_space<vmem_shared>>
        tpu.wait_indirect_dma semaphore(%arg14 : memref<!tpu.dma_semaphore, #tpu.memory_space<semaphore_mem>>) src(%dma_wait3A_415 : memref<128x64xf32, #tpu.memory_space<vmem>>) dst(%dma_wait3A_421 : memref<10240x64xf32, #tpu.memory_space<vmem_shared>>)
      } else {
      }
      %ge3A_339 = arith.constant 1 : i32
      %ge3A_340 = arith.cmpi sge, %add3A_296, %ge3A_339 : i32
      %sub3A_341 = arith.constant 1 : i32
      %sub3A_342 = arith.subi %add3A_296, %sub3A_341 : i32
      %add3A_343 = arith.constant 4 : i32
      %add3A_344 = arith.addi %sub3A_342, %add3A_343 : i32
      %lt3A_345 = arith.constant 160 : i32
      %lt3A_346 = arith.cmpi slt, %add3A_344, %lt3A_345 : i32
      %and3A_347 = arith.andi %ge3A_340, %lt3A_346 : i1
      %convert_element_type3A_348 = arith.extui %and3A_347 : i1 to i32
      %cond3A_349 = arith.constant 0 : i32
      %cond3A_350 = arith.cmpi ne, %convert_element_type3A_348, %cond3A_349 : i32
      scf.if %cond3A_350 {
        %sub3A_410 = arith.constant 1 : i32
        %sub3A_411 = arith.subi %add3A_296, %sub3A_410 : i32
        %add3A_412 = arith.constant 4 : i32
        %add3A_413 = arith.addi %sub3A_411, %add3A_412 : i32
        %dma_start3A_414 = arith.constant 1 : i32
        %dma_start3A_415 = arith.constant 0 : i32
        %dma_start3A_416 = arith.constant 0 : i32
        %dma_start3A_417 = tpu.memref_slice %arg9[%dma_start3A_414, %dma_start3A_415, %dma_start3A_416] : memref<4x128x64xf32, #tpu.memory_space<vmem>> -> memref<1x128x64xf32, #tpu.memory_space<vmem>>
        %dma_start3A_418 = tpu.memref_squeeze %dma_start3A_417 : memref<1x128x64xf32, #tpu.memory_space<vmem>> -> memref<128x64xf32, #tpu.memory_space<vmem>>
        %dma_start3A_419 = arith.constant 0 : i32
        %dma_start3A_420 = tpu.memref_slice %arg7[%add3A_413, %dma_start3A_419] : memref<160x128xi32, #tpu.memory_space<vmem>> -> memref<1x128xi32, #tpu.memory_space<vmem>>
        %dma_start3A_421 = tpu.memref_squeeze %dma_start3A_420 : memref<1x128xi32, #tpu.memory_space<vmem>> -> memref<128xi32, #tpu.memory_space<vmem>>
        %dma_start3A_422 = arith.constant 0 : i32
        %dma_start3A_423 = arith.constant 0 : i32
        %dma_start3A_424 = tpu.memref_slice %arg2[%arg0, %dma_start3A_422, %dma_start3A_423] : memref<2x10240x64xf32, #tpu.memory_space<hbm>> -> memref<1x10240x64xf32, #tpu.memory_space<hbm>>
        %dma_start3A_425 = tpu.memref_squeeze %dma_start3A_424 : memref<1x10240x64xf32, #tpu.memory_space<hbm>> -> memref<10240x64xf32, #tpu.memory_space<hbm>>
        %dma_start3A_426 = arith.constant 0 : i32
        %dma_start3A_427 = arith.constant 0 : i32
        %dma_start3A_428 = tpu.memref_slice %dma_start3A_425[%dma_start3A_426, %dma_start3A_427] : memref<10240x64xf32, #tpu.memory_space<hbm>> -> memref<10240x64xf32, #tpu.memory_space<hbm>>
        tpu.enqueue_indirect_dma source(%dma_start3A_428 : memref<10240x64xf32, #tpu.memory_space<hbm>>) target(%dma_start3A_418 : memref<128x64xf32, #tpu.memory_space<vmem>>) offsets(%dma_start3A_421 : memref<128xi32, #tpu.memory_space<vmem>>) semaphore(%arg13 : memref<!tpu.dma_semaphore, #tpu.memory_space<semaphore_mem>>)
      } else {
      }
      %mul3A_351 = arith.constant 4 : i32
      %mul3A_352 = arith.muli %scan3A_182, %mul3A_351 : i32
      %add3A_353 = arith.constant 3 : i32
      %add3A_354 = arith.addi %mul3A_352, %add3A_353 : i32
      %dma_wait3A_355 = arith.constant 0 : i32
      %dma_wait3A_356 = arith.constant 3 : i32
      %dma_wait3A_357 = arith.constant 0 : i32
      %dma_wait3A_358 = arith.constant 0 : i32
      %dma_wait3A_359 = tpu.memref_slice %arg9[%dma_wait3A_356, %dma_wait3A_357, %dma_wait3A_358] : memref<4x128x64xf32, #tpu.memory_space<vmem>> -> memref<1x128x64xf32, #tpu.memory_space<vmem>>
      %dma_wait3A_360 = tpu.memref_squeeze %dma_wait3A_359 : memref<1x128x64xf32, #tpu.memory_space<vmem>> -> memref<128x64xf32, #tpu.memory_space<vmem>>
      %dma_wait3A_361 = arith.constant 0 : i32
      %dma_wait3A_362 = tpu.memref_slice %arg7[%dma_wait3A_355, %dma_wait3A_361] : memref<160x128xi32, #tpu.memory_space<vmem>> -> memref<1x128xi32, #tpu.memory_space<vmem>>
      %dma_wait3A_363 = tpu.memref_squeeze %dma_wait3A_362 : memref<1x128xi32, #tpu.memory_space<vmem>> -> memref<128xi32, #tpu.memory_space<vmem>>
      %dma_wait3A_364 = arith.constant 0 : i32
      %dma_wait3A_365 = arith.constant 0 : i32
      %dma_wait3A_366 = tpu.memref_slice %arg2[%arg0, %dma_wait3A_364, %dma_wait3A_365] : memref<2x10240x64xf32, #tpu.memory_space<hbm>> -> memref<1x10240x64xf32, #tpu.memory_space<hbm>>
      %dma_wait3A_367 = tpu.memref_squeeze %dma_wait3A_366 : memref<1x10240x64xf32, #tpu.memory_space<hbm>> -> memref<10240x64xf32, #tpu.memory_space<hbm>>
      %dma_wait3A_368 = arith.constant 0 : i32
      %dma_wait3A_369 = arith.constant 0 : i32
      %dma_wait3A_370 = tpu.memref_slice %dma_wait3A_367[%dma_wait3A_368, %dma_wait3A_369] : memref<10240x64xf32, #tpu.memory_space<hbm>> -> memref<10240x64xf32, #tpu.memory_space<hbm>>
      tpu.wait_indirect_dma semaphore(%arg13 : memref<!tpu.dma_semaphore, #tpu.memory_space<semaphore_mem>>) src(%dma_wait3A_370 : memref<10240x64xf32, #tpu.memory_space<hbm>>) dst(%dma_wait3A_360 : memref<128x64xf32, #tpu.memory_space<vmem>>)
      %dma_start3A_371 = arith.constant 3 : i32
      %dma_start3A_372 = arith.constant 0 : i32
      %dma_start3A_373 = arith.constant 0 : i32
      %dma_start3A_374 = tpu.memref_slice %arg9[%dma_start3A_371, %dma_start3A_372, %dma_start3A_373] : memref<4x128x64xf32, #tpu.memory_space<vmem>> -> memref<1x128x64xf32, #tpu.memory_space<vmem>>
      %dma_start3A_375 = tpu.memref_squeeze %dma_start3A_374 : memref<1x128x64xf32, #tpu.memory_space<vmem>> -> memref<128x64xf32, #tpu.memory_space<vmem>>
      %dma_start3A_376 = arith.constant 0 : i32
      %dma_start3A_377 = tpu.memref_slice %arg8[%add3A_354, %dma_start3A_376] : memref<160x128xi32, #tpu.memory_space<vmem>> -> memref<1x128xi32, #tpu.memory_space<vmem>>
      %dma_start3A_378 = tpu.memref_squeeze %dma_start3A_377 : memref<1x128xi32, #tpu.memory_space<vmem>> -> memref<128xi32, #tpu.memory_space<vmem>>
      %dma_start3A_379 = arith.constant 0 : i32
      %dma_start3A_380 = arith.constant 0 : i32
      %dma_start3A_381 = tpu.memref_slice %arg11[%dma_start3A_379, %dma_start3A_380] : memref<10240x64xf32, #tpu.memory_space<vmem_shared>> -> memref<10240x64xf32, #tpu.memory_space<vmem_shared>>
      tpu.enqueue_indirect_dma source(%dma_start3A_375 : memref<128x64xf32, #tpu.memory_space<vmem>>) target(%dma_start3A_381 : memref<10240x64xf32, #tpu.memory_space<vmem_shared>>) offsets(%dma_start3A_378 : memref<128xi32, #tpu.memory_space<vmem>>) semaphore(%arg14 : memref<!tpu.dma_semaphore, #tpu.memory_space<semaphore_mem>>) {add = true}
      %lt3A_382 = arith.constant 80 : i32
      %lt3A_383 = arith.cmpi slt, %add3A_354, %lt3A_382 : i32
      %and3A_384 = arith.andi %eq3A_0, %lt3A_383 : i1
      %ge3A_385 = arith.constant 80 : i32
      %ge3A_386 = arith.cmpi sge, %add3A_354, %ge3A_385 : i32
      %and3A_387 = arith.andi %eq3A_2, %ge3A_386 : i1
      %or3A_388 = arith.ori %and3A_384, %and3A_387 : i1
      %convert_element_type3A_389 = arith.extui %or3A_388 : i1 to i32
      %cond3A_390 = arith.constant 0 : i32
      %cond3A_391 = arith.cmpi ne, %convert_element_type3A_389, %cond3A_390 : i32
      scf.if %cond3A_391 {
        %dma_start3A_410 = arith.constant 0 : i32
        %dma_start3A_411 = tpu.memref_slice %arg8[%add3A_354, %dma_start3A_410] : memref<160x128xi32, #tpu.memory_space<vmem>> -> memref<1x128xi32, #tpu.memory_space<vmem>>
        %dma_start3A_412 = tpu.memref_squeeze %dma_start3A_411 : memref<1x128xi32, #tpu.memory_space<vmem>> -> memref<128xi32, #tpu.memory_space<vmem>>
        %dma_start3A_413 = arith.constant 0 : i32
        %dma_start3A_414 = arith.constant 0 : i32
        %dma_start3A_415 = tpu.memref_slice %arg12[%dma_start3A_413, %dma_start3A_414] : memref<10240x16xf32, #tpu.memory_space<vmem_shared>> -> memref<10240x16xf32, #tpu.memory_space<vmem_shared>>
        tpu.enqueue_indirect_dma source(%arg10 : memref<128x16xf32, #tpu.memory_space<vmem>>) target(%dma_start3A_415 : memref<10240x16xf32, #tpu.memory_space<vmem_shared>>) offsets(%dma_start3A_412 : memref<128xi32, #tpu.memory_space<vmem>>) semaphore(%arg15 : memref<!tpu.dma_semaphore, #tpu.memory_space<semaphore_mem>>) {add = true}
      } else {
      }
      %ge3A_392 = arith.constant 1 : i32
      %ge3A_393 = arith.cmpi sge, %add3A_354, %ge3A_392 : i32
      %convert_element_type3A_394 = arith.extui %ge3A_393 : i1 to i32
      %cond3A_395 = arith.constant 0 : i32
      %cond3A_396 = arith.cmpi ne, %convert_element_type3A_394, %cond3A_395 : i32
      scf.if %cond3A_396 {
        %dma_wait3A_410 = arith.constant 2 : i32
        %dma_wait3A_411 = arith.constant 0 : i32
        %dma_wait3A_412 = arith.constant 0 : i32
        %dma_wait3A_413 = arith.constant 0 : i32
        %dma_wait3A_414 = tpu.memref_slice %arg9[%dma_wait3A_410, %dma_wait3A_412, %dma_wait3A_413] : memref<4x128x64xf32, #tpu.memory_space<vmem>> -> memref<1x128x64xf32, #tpu.memory_space<vmem>>
        %dma_wait3A_415 = tpu.memref_squeeze %dma_wait3A_414 : memref<1x128x64xf32, #tpu.memory_space<vmem>> -> memref<128x64xf32, #tpu.memory_space<vmem>>
        %dma_wait3A_416 = arith.constant 0 : i32
        %dma_wait3A_417 = tpu.memref_slice %arg8[%dma_wait3A_411, %dma_wait3A_416] : memref<160x128xi32, #tpu.memory_space<vmem>> -> memref<1x128xi32, #tpu.memory_space<vmem>>
        %dma_wait3A_418 = tpu.memref_squeeze %dma_wait3A_417 : memref<1x128xi32, #tpu.memory_space<vmem>> -> memref<128xi32, #tpu.memory_space<vmem>>
        %dma_wait3A_419 = arith.constant 0 : i32
        %dma_wait3A_420 = arith.constant 0 : i32
        %dma_wait3A_421 = tpu.memref_slice %arg11[%dma_wait3A_419, %dma_wait3A_420] : memref<10240x64xf32, #tpu.memory_space<vmem_shared>> -> memref<10240x64xf32, #tpu.memory_space<vmem_shared>>
        tpu.wait_indirect_dma semaphore(%arg14 : memref<!tpu.dma_semaphore, #tpu.memory_space<semaphore_mem>>) src(%dma_wait3A_415 : memref<128x64xf32, #tpu.memory_space<vmem>>) dst(%dma_wait3A_421 : memref<10240x64xf32, #tpu.memory_space<vmem_shared>>)
      } else {
      }
      %ge3A_397 = arith.constant 1 : i32
      %ge3A_398 = arith.cmpi sge, %add3A_354, %ge3A_397 : i32
      %sub3A_399 = arith.constant 1 : i32
      %sub3A_400 = arith.subi %add3A_354, %sub3A_399 : i32
      %add3A_401 = arith.constant 4 : i32
      %add3A_402 = arith.addi %sub3A_400, %add3A_401 : i32
      %lt3A_403 = arith.constant 160 : i32
      %lt3A_404 = arith.cmpi slt, %add3A_402, %lt3A_403 : i32
      %and3A_405 = arith.andi %ge3A_398, %lt3A_404 : i1
      %convert_element_type3A_406 = arith.extui %and3A_405 : i1 to i32
      %cond3A_407 = arith.constant 0 : i32
      %cond3A_408 = arith.cmpi ne, %convert_element_type3A_406, %cond3A_407 : i32
      scf.if %cond3A_408 {
        %sub3A_410 = arith.constant 1 : i32
        %sub3A_411 = arith.subi %add3A_354, %sub3A_410 : i32
        %add3A_412 = arith.constant 4 : i32
        %add3A_413 = arith.addi %sub3A_411, %add3A_412 : i32
        %dma_start3A_414 = arith.constant 2 : i32
        %dma_start3A_415 = arith.constant 0 : i32
        %dma_start3A_416 = arith.constant 0 : i32
        %dma_start3A_417 = tpu.memref_slice %arg9[%dma_start3A_414, %dma_start3A_415, %dma_start3A_416] : memref<4x128x64xf32, #tpu.memory_space<vmem>> -> memref<1x128x64xf32, #tpu.memory_space<vmem>>
        %dma_start3A_418 = tpu.memref_squeeze %dma_start3A_417 : memref<1x128x64xf32, #tpu.memory_space<vmem>> -> memref<128x64xf32, #tpu.memory_space<vmem>>
        %dma_start3A_419 = arith.constant 0 : i32
        %dma_start3A_420 = tpu.memref_slice %arg7[%add3A_413, %dma_start3A_419] : memref<160x128xi32, #tpu.memory_space<vmem>> -> memref<1x128xi32, #tpu.memory_space<vmem>>
        %dma_start3A_421 = tpu.memref_squeeze %dma_start3A_420 : memref<1x128xi32, #tpu.memory_space<vmem>> -> memref<128xi32, #tpu.memory_space<vmem>>
        %dma_start3A_422 = arith.constant 0 : i32
        %dma_start3A_423 = arith.constant 0 : i32
        %dma_start3A_424 = tpu.memref_slice %arg2[%arg0, %dma_start3A_422, %dma_start3A_423] : memref<2x10240x64xf32, #tpu.memory_space<hbm>> -> memref<1x10240x64xf32, #tpu.memory_space<hbm>>
        %dma_start3A_425 = tpu.memref_squeeze %dma_start3A_424 : memref<1x10240x64xf32, #tpu.memory_space<hbm>> -> memref<10240x64xf32, #tpu.memory_space<hbm>>
        %dma_start3A_426 = arith.constant 0 : i32
        %dma_start3A_427 = arith.constant 0 : i32
        %dma_start3A_428 = tpu.memref_slice %dma_start3A_425[%dma_start3A_426, %dma_start3A_427] : memref<10240x64xf32, #tpu.memory_space<hbm>> -> memref<10240x64xf32, #tpu.memory_space<hbm>>
        tpu.enqueue_indirect_dma source(%dma_start3A_428 : memref<10240x64xf32, #tpu.memory_space<hbm>>) target(%dma_start3A_418 : memref<128x64xf32, #tpu.memory_space<vmem>>) offsets(%dma_start3A_421 : memref<128xi32, #tpu.memory_space<vmem>>) semaphore(%arg13 : memref<!tpu.dma_semaphore, #tpu.memory_space<semaphore_mem>>)
      } else {
      }
      %scan3A_409 = arith.constant 0 : i32
      scf.yield %scan3A_409 : i32
    }
    %scan3A_122 = arith.constant 40 : i32
    %dma_wait3A = arith.constant 0 : i32
    %dma_wait3A_123 = arith.constant 0 : i32
    %dma_wait3A_124 = arith.constant 0 : i32
    %dma_wait3A_125 = arith.constant 0 : i32
    %dma_wait3A_126 = tpu.memref_slice %arg9[%dma_wait3A, %dma_wait3A_124, %dma_wait3A_125] : memref<4x128x64xf32, #tpu.memory_space<vmem>> -> memref<1x128x64xf32, #tpu.memory_space<vmem>>
    %dma_wait3A_127 = tpu.memref_squeeze %dma_wait3A_126 : memref<1x128x64xf32, #tpu.memory_space<vmem>> -> memref<128x64xf32, #tpu.memory_space<vmem>>
    %dma_wait3A_128 = arith.constant 0 : i32
    %dma_wait3A_129 = tpu.memref_slice %arg8[%dma_wait3A_123, %dma_wait3A_128] : memref<160x128xi32, #tpu.memory_space<vmem>> -> memref<1x128xi32, #tpu.memory_space<vmem>>
    %dma_wait3A_130 = tpu.memref_squeeze %dma_wait3A_129 : memref<1x128xi32, #tpu.memory_space<vmem>> -> memref<128xi32, #tpu.memory_space<vmem>>
    %dma_wait3A_131 = arith.constant 0 : i32
    %dma_wait3A_132 = arith.constant 0 : i32
    %dma_wait3A_133 = tpu.memref_slice %arg11[%dma_wait3A_131, %dma_wait3A_132] : memref<10240x64xf32, #tpu.memory_space<vmem_shared>> -> memref<10240x64xf32, #tpu.memory_space<vmem_shared>>
    tpu.wait_indirect_dma semaphore(%arg14 : memref<!tpu.dma_semaphore, #tpu.memory_space<semaphore_mem>>) src(%dma_wait3A_127 : memref<128x64xf32, #tpu.memory_space<vmem>>) dst(%dma_wait3A_133 : memref<10240x64xf32, #tpu.memory_space<vmem_shared>>)
    %scan3A_134 = arith.constant 0 : i32
    %scan3A_135 = arith.constant 0 : i32
    %scan3A_136 = arith.constant 80 : i32
    %scan3A_137 = arith.addi %scan3A_135, %scan3A_136 : i32
    %scan3A_138 = arith.constant 1 : i32
    %scan3A_139 = scf.for %scan3A_182 = %scan3A_135 to %scan3A_137 step %scan3A_138 iter_args(%scan3A_183 = %scan3A_134) -> (i32)  : i32 {
      %dma_wait3A_184 = arith.constant 0 : i32
      %dma_wait3A_185 = arith.constant 0 : i32
      %dma_wait3A_186 = tpu.memref_slice %arg8[%dma_wait3A_184, %dma_wait3A_185] : memref<160x128xi32, #tpu.memory_space<vmem>> -> memref<1x128xi32, #tpu.memory_space<vmem>>
      %dma_wait3A_187 = tpu.memref_squeeze %dma_wait3A_186 : memref<1x128xi32, #tpu.memory_space<vmem>> -> memref<128xi32, #tpu.memory_space<vmem>>
      %dma_wait3A_188 = arith.constant 0 : i32
      %dma_wait3A_189 = arith.constant 0 : i32
      %dma_wait3A_190 = tpu.memref_slice %arg12[%dma_wait3A_188, %dma_wait3A_189] : memref<10240x16xf32, #tpu.memory_space<vmem_shared>> -> memref<10240x16xf32, #tpu.memory_space<vmem_shared>>
      tpu.wait_indirect_dma semaphore(%arg15 : memref<!tpu.dma_semaphore, #tpu.memory_space<semaphore_mem>>) src(%arg10 : memref<128x16xf32, #tpu.memory_space<vmem>>) dst(%dma_wait3A_190 : memref<10240x16xf32, #tpu.memory_space<vmem_shared>>)
      %scan3A_191 = arith.constant 0 : i32
      scf.yield %scan3A_191 : i32
    }
    %scan3A_140 = arith.constant 80 : i32
    %barrier3A_141 = arith.constant 0 : index
    tpu.barrier barrier_id(%barrier3A_141)
    %add3A_142 = arith.constant 0 : i32
    %add3A_143 = arith.addi %mul3A_20, %add3A_142 : i32
    %add3A_144 = arith.constant 0 : i32
    %add3A_145 = arith.addi %mul3A_20, %add3A_144 : i32
    "tpu.region"() ({
      %run_scoped3A_182 = tpu.sem_alloc : memref<!tpu.dma_semaphore, #tpu.memory_space<semaphore_mem>>
      %dma_start3A_183 = arith.constant 0 : i32
      %dma_start3A_184 = tpu.memref_slice %arg5[%arg0, %add3A_145, %dma_start3A_183] : memref<2x10240x64xf32, #tpu.memory_space<hbm>> -> memref<1x128x64xf32, #tpu.memory_space<hbm>>
      %dma_start3A_185 = tpu.memref_squeeze %dma_start3A_184 : memref<1x128x64xf32, #tpu.memory_space<hbm>> -> memref<128x64xf32, #tpu.memory_space<hbm>>
      %dma_start3A_186 = arith.constant 0 : i32
      %dma_start3A_187 = tpu.memref_slice %arg11[%add3A_143, %dma_start3A_186] : memref<10240x64xf32, #tpu.memory_space<vmem_shared>> -> memref<128x64xf32, #tpu.memory_space<vmem_shared>>
      tpu.enqueue_dma source(%dma_start3A_187 : memref<128x64xf32, #tpu.memory_space<vmem_shared>>) target(%dma_start3A_185 : memref<128x64xf32, #tpu.memory_space<hbm>>) target_semaphore(%run_scoped3A_182 : memref<!tpu.dma_semaphore, #tpu.memory_space<semaphore_mem>>)
      %dma_wait3A_188 = arith.constant 0 : i32
      %dma_wait3A_189 = tpu.memref_slice %arg5[%arg0, %add3A_145, %dma_wait3A_188] : memref<2x10240x64xf32, #tpu.memory_space<hbm>> -> memref<1x128x64xf32, #tpu.memory_space<hbm>>
      %dma_wait3A_190 = tpu.memref_squeeze %dma_wait3A_189 : memref<1x128x64xf32, #tpu.memory_space<hbm>> -> memref<128x64xf32, #tpu.memory_space<hbm>>
      %dma_wait3A_191 = arith.constant 0 : i32
      %dma_wait3A_192 = tpu.memref_slice %arg11[%add3A_143, %dma_wait3A_191] : memref<10240x64xf32, #tpu.memory_space<vmem_shared>> -> memref<128x64xf32, #tpu.memory_space<vmem_shared>>
      tpu.wait_dma2 semaphore(%run_scoped3A_182 : memref<!tpu.dma_semaphore, #tpu.memory_space<semaphore_mem>>) src(%dma_wait3A_192 : memref<128x64xf32, #tpu.memory_space<vmem_shared>>) dst(%dma_wait3A_190 : memref<128x64xf32, #tpu.memory_space<hbm>>)
      tpu.yield
    }) : () -> ()
    %add3A_146 = arith.constant 0 : i32
    %add3A_147 = arith.addi %mul3A_20, %add3A_146 : i32
    %add3A_148 = arith.constant 0 : i32
    %add3A_149 = arith.addi %mul3A_20, %add3A_148 : i32
    "tpu.region"() ({
      %run_scoped3A_182 = tpu.sem_alloc : memref<!tpu.dma_semaphore, #tpu.memory_space<semaphore_mem>>
      %dma_start3A_183 = arith.constant 0 : i32
      %dma_start3A_184 = tpu.memref_slice %arg6[%arg0, %add3A_149, %dma_start3A_183] : memref<2x10240x16xf32, #tpu.memory_space<hbm>> -> memref<1x128x16xf32, #tpu.memory_space<hbm>>
      %dma_start3A_185 = tpu.memref_squeeze %dma_start3A_184 : memref<1x128x16xf32, #tpu.memory_space<hbm>> -> memref<128x16xf32, #tpu.memory_space<hbm>>
      %dma_start3A_186 = arith.constant 0 : i32
      %dma_start3A_187 = tpu.memref_slice %arg12[%add3A_147, %dma_start3A_186] : memref<10240x16xf32, #tpu.memory_space<vmem_shared>> -> memref<128x16xf32, #tpu.memory_space<vmem_shared>>
      tpu.enqueue_dma source(%dma_start3A_187 : memref<128x16xf32, #tpu.memory_space<vmem_shared>>) target(%dma_start3A_185 : memref<128x16xf32, #tpu.memory_space<hbm>>) target_semaphore(%run_scoped3A_182 : memref<!tpu.dma_semaphore, #tpu.memory_space<semaphore_mem>>)
      %dma_wait3A_188 = arith.constant 0 : i32
      %dma_wait3A_189 = tpu.memref_slice %arg6[%arg0, %add3A_149, %dma_wait3A_188] : memref<2x10240x16xf32, #tpu.memory_space<hbm>> -> memref<1x128x16xf32, #tpu.memory_space<hbm>>
      %dma_wait3A_190 = tpu.memref_squeeze %dma_wait3A_189 : memref<1x128x16xf32, #tpu.memory_space<hbm>> -> memref<128x16xf32, #tpu.memory_space<hbm>>
      %dma_wait3A_191 = arith.constant 0 : i32
      %dma_wait3A_192 = tpu.memref_slice %arg12[%add3A_147, %dma_wait3A_191] : memref<10240x16xf32, #tpu.memory_space<vmem_shared>> -> memref<128x16xf32, #tpu.memory_space<vmem_shared>>
      tpu.wait_dma2 semaphore(%run_scoped3A_182 : memref<!tpu.dma_semaphore, #tpu.memory_space<semaphore_mem>>) src(%dma_wait3A_192 : memref<128x16xf32, #tpu.memory_space<vmem_shared>>) dst(%dma_wait3A_190 : memref<128x16xf32, #tpu.memory_space<hbm>>)
      tpu.yield
    }) : () -> ()
    %add3A_150 = arith.constant 128 : i32
    %add3A_151 = arith.addi %mul3A_20, %add3A_150 : i32
    %add3A_152 = arith.constant 128 : i32
    %add3A_153 = arith.addi %mul3A_20, %add3A_152 : i32
    "tpu.region"() ({
      %run_scoped3A_182 = tpu.sem_alloc : memref<!tpu.dma_semaphore, #tpu.memory_space<semaphore_mem>>
      %dma_start3A_183 = arith.constant 0 : i32
      %dma_start3A_184 = tpu.memref_slice %arg5[%arg0, %add3A_153, %dma_start3A_183] : memref<2x10240x64xf32, #tpu.memory_space<hbm>> -> memref<1x128x64xf32, #tpu.memory_space<hbm>>
      %dma_start3A_185 = tpu.memref_squeeze %dma_start3A_184 : memref<1x128x64xf32, #tpu.memory_space<hbm>> -> memref<128x64xf32, #tpu.memory_space<hbm>>
      %dma_start3A_186 = arith.constant 0 : i32
      %dma_start3A_187 = tpu.memref_slice %arg11[%add3A_151, %dma_start3A_186] : memref<10240x64xf32, #tpu.memory_space<vmem_shared>> -> memref<128x64xf32, #tpu.memory_space<vmem_shared>>
      tpu.enqueue_dma source(%dma_start3A_187 : memref<128x64xf32, #tpu.memory_space<vmem_shared>>) target(%dma_start3A_185 : memref<128x64xf32, #tpu.memory_space<hbm>>) target_semaphore(%run_scoped3A_182 : memref<!tpu.dma_semaphore, #tpu.memory_space<semaphore_mem>>)
      %dma_wait3A_188 = arith.constant 0 : i32
      %dma_wait3A_189 = tpu.memref_slice %arg5[%arg0, %add3A_153, %dma_wait3A_188] : memref<2x10240x64xf32, #tpu.memory_space<hbm>> -> memref<1x128x64xf32, #tpu.memory_space<hbm>>
      %dma_wait3A_190 = tpu.memref_squeeze %dma_wait3A_189 : memref<1x128x64xf32, #tpu.memory_space<hbm>> -> memref<128x64xf32, #tpu.memory_space<hbm>>
      %dma_wait3A_191 = arith.constant 0 : i32
      %dma_wait3A_192 = tpu.memref_slice %arg11[%add3A_151, %dma_wait3A_191] : memref<10240x64xf32, #tpu.memory_space<vmem_shared>> -> memref<128x64xf32, #tpu.memory_space<vmem_shared>>
      tpu.wait_dma2 semaphore(%run_scoped3A_182 : memref<!tpu.dma_semaphore, #tpu.memory_space<semaphore_mem>>) src(%dma_wait3A_192 : memref<128x64xf32, #tpu.memory_space<vmem_shared>>) dst(%dma_wait3A_190 : memref<128x64xf32, #tpu.memory_space<hbm>>)
      tpu.yield
    }) : () -> ()
    %add3A_154 = arith.constant 128 : i32
    %add3A_155 = arith.addi %mul3A_20, %add3A_154 : i32
    %add3A_156 = arith.constant 128 : i32
    %add3A_157 = arith.addi %mul3A_20, %add3A_156 : i32
    "tpu.region"() ({
      %run_scoped3A_182 = tpu.sem_alloc : memref<!tpu.dma_semaphore, #tpu.memory_space<semaphore_mem>>
      %dma_start3A_183 = arith.constant 0 : i32
      %dma_start3A_184 = tpu.memref_slice %arg6[%arg0, %add3A_157, %dma_start3A_183] : memref<2x10240x16xf32, #tpu.memory_space<hbm>> -> memref<1x128x16xf32, #tpu.memory_space<hbm>>
      %dma_start3A_185 = tpu.memref_squeeze %dma_start3A_184 : memref<1x128x16xf32, #tpu.memory_space<hbm>> -> memref<128x16xf32, #tpu.memory_space<hbm>>
      %dma_start3A_186 = arith.constant 0 : i32
      %dma_start3A_187 = tpu.memref_slice %arg12[%add3A_155, %dma_start3A_186] : memref<10240x16xf32, #tpu.memory_space<vmem_shared>> -> memref<128x16xf32, #tpu.memory_space<vmem_shared>>
      tpu.enqueue_dma source(%dma_start3A_187 : memref<128x16xf32, #tpu.memory_space<vmem_shared>>) target(%dma_start3A_185 : memref<128x16xf32, #tpu.memory_space<hbm>>) target_semaphore(%run_scoped3A_182 : memref<!tpu.dma_semaphore, #tpu.memory_space<semaphore_mem>>)
      %dma_wait3A_188 = arith.constant 0 : i32
      %dma_wait3A_189 = tpu.memref_slice %arg6[%arg0, %add3A_157, %dma_wait3A_188] : memref<2x10240x16xf32, #tpu.memory_space<hbm>> -> memref<1x128x16xf32, #tpu.memory_space<hbm>>
      %dma_wait3A_190 = tpu.memref_squeeze %dma_wait3A_189 : memref<1x128x16xf32, #tpu.memory_space<hbm>> -> memref<128x16xf32, #tpu.memory_space<hbm>>
      %dma_wait3A_191 = arith.constant 0 : i32
      %dma_wait3A_192 = tpu.memref_slice %arg12[%add3A_155, %dma_wait3A_191] : memref<10240x16xf32, #tpu.memory_space<vmem_shared>> -> memref<128x16xf32, #tpu.memory_space<vmem_shared>>
      tpu.wait_dma2 semaphore(%run_scoped3A_182 : memref<!tpu.dma_semaphore, #tpu.memory_space<semaphore_mem>>) src(%dma_wait3A_192 : memref<128x16xf32, #tpu.memory_space<vmem_shared>>) dst(%dma_wait3A_190 : memref<128x16xf32, #tpu.memory_space<hbm>>)
      tpu.yield
    }) : () -> ()
    %add3A_158 = arith.constant 256 : i32
    %add3A_159 = arith.addi %mul3A_20, %add3A_158 : i32
    %add3A_160 = arith.constant 256 : i32
    %add3A_161 = arith.addi %mul3A_20, %add3A_160 : i32
    "tpu.region"() ({
      %run_scoped3A_182 = tpu.sem_alloc : memref<!tpu.dma_semaphore, #tpu.memory_space<semaphore_mem>>
      %dma_start3A_183 = arith.constant 0 : i32
      %dma_start3A_184 = tpu.memref_slice %arg5[%arg0, %add3A_161, %dma_start3A_183] : memref<2x10240x64xf32, #tpu.memory_space<hbm>> -> memref<1x128x64xf32, #tpu.memory_space<hbm>>
      %dma_start3A_185 = tpu.memref_squeeze %dma_start3A_184 : memref<1x128x64xf32, #tpu.memory_space<hbm>> -> memref<128x64xf32, #tpu.memory_space<hbm>>
      %dma_start3A_186 = arith.constant 0 : i32
      %dma_start3A_187 = tpu.memref_slice %arg11[%add3A_159, %dma_start3A_186] : memref<10240x64xf32, #tpu.memory_space<vmem_shared>> -> memref<128x64xf32, #tpu.memory_space<vmem_shared>>
      tpu.enqueue_dma source(%dma_start3A_187 : memref<128x64xf32, #tpu.memory_space<vmem_shared>>) target(%dma_start3A_185 : memref<128x64xf32, #tpu.memory_space<hbm>>) target_semaphore(%run_scoped3A_182 : memref<!tpu.dma_semaphore, #tpu.memory_space<semaphore_mem>>)
      %dma_wait3A_188 = arith.constant 0 : i32
      %dma_wait3A_189 = tpu.memref_slice %arg5[%arg0, %add3A_161, %dma_wait3A_188] : memref<2x10240x64xf32, #tpu.memory_space<hbm>> -> memref<1x128x64xf32, #tpu.memory_space<hbm>>
      %dma_wait3A_190 = tpu.memref_squeeze %dma_wait3A_189 : memref<1x128x64xf32, #tpu.memory_space<hbm>> -> memref<128x64xf32, #tpu.memory_space<hbm>>
      %dma_wait3A_191 = arith.constant 0 : i32
      %dma_wait3A_192 = tpu.memref_slice %arg11[%add3A_159, %dma_wait3A_191] : memref<10240x64xf32, #tpu.memory_space<vmem_shared>> -> memref<128x64xf32, #tpu.memory_space<vmem_shared>>
      tpu.wait_dma2 semaphore(%run_scoped3A_182 : memref<!tpu.dma_semaphore, #tpu.memory_space<semaphore_mem>>) src(%dma_wait3A_192 : memref<128x64xf32, #tpu.memory_space<vmem_shared>>) dst(%dma_wait3A_190 : memref<128x64xf32, #tpu.memory_space<hbm>>)
      tpu.yield
    }) : () -> ()
    %add3A_162 = arith.constant 256 : i32
    %add3A_163 = arith.addi %mul3A_20, %add3A_162 : i32
    %add3A_164 = arith.constant 256 : i32
    %add3A_165 = arith.addi %mul3A_20, %add3A_164 : i32
    "tpu.region"() ({
      %run_scoped3A_182 = tpu.sem_alloc : memref<!tpu.dma_semaphore, #tpu.memory_space<semaphore_mem>>
      %dma_start3A_183 = arith.constant 0 : i32
      %dma_start3A_184 = tpu.memref_slice %arg6[%arg0, %add3A_165, %dma_start3A_183] : memref<2x10240x16xf32, #tpu.memory_space<hbm>> -> memref<1x128x16xf32, #tpu.memory_space<hbm>>
      %dma_start3A_185 = tpu.memref_squeeze %dma_start3A_184 : memref<1x128x16xf32, #tpu.memory_space<hbm>> -> memref<128x16xf32, #tpu.memory_space<hbm>>
      %dma_start3A_186 = arith.constant 0 : i32
      %dma_start3A_187 = tpu.memref_slice %arg12[%add3A_163, %dma_start3A_186] : memref<10240x16xf32, #tpu.memory_space<vmem_shared>> -> memref<128x16xf32, #tpu.memory_space<vmem_shared>>
      tpu.enqueue_dma source(%dma_start3A_187 : memref<128x16xf32, #tpu.memory_space<vmem_shared>>) target(%dma_start3A_185 : memref<128x16xf32, #tpu.memory_space<hbm>>) target_semaphore(%run_scoped3A_182 : memref<!tpu.dma_semaphore, #tpu.memory_space<semaphore_mem>>)
      %dma_wait3A_188 = arith.constant 0 : i32
      %dma_wait3A_189 = tpu.memref_slice %arg6[%arg0, %add3A_165, %dma_wait3A_188] : memref<2x10240x16xf32, #tpu.memory_space<hbm>> -> memref<1x128x16xf32, #tpu.memory_space<hbm>>
      %dma_wait3A_190 = tpu.memref_squeeze %dma_wait3A_189 : memref<1x128x16xf32, #tpu.memory_space<hbm>> -> memref<128x16xf32, #tpu.memory_space<hbm>>
      %dma_wait3A_191 = arith.constant 0 : i32
      %dma_wait3A_192 = tpu.memref_slice %arg12[%add3A_163, %dma_wait3A_191] : memref<10240x16xf32, #tpu.memory_space<vmem_shared>> -> memref<128x16xf32, #tpu.memory_space<vmem_shared>>
      tpu.wait_dma2 semaphore(%run_scoped3A_182 : memref<!tpu.dma_semaphore, #tpu.memory_space<semaphore_mem>>) src(%dma_wait3A_192 : memref<128x16xf32, #tpu.memory_space<vmem_shared>>) dst(%dma_wait3A_190 : memref<128x16xf32, #tpu.memory_space<hbm>>)
      tpu.yield
    }) : () -> ()
    %add3A_166 = arith.constant 384 : i32
    %add3A_167 = arith.addi %mul3A_20, %add3A_166 : i32
    %add3A_168 = arith.constant 384 : i32
    %add3A_169 = arith.addi %mul3A_20, %add3A_168 : i32
    "tpu.region"() ({
      %run_scoped3A_182 = tpu.sem_alloc : memref<!tpu.dma_semaphore, #tpu.memory_space<semaphore_mem>>
      %dma_start3A_183 = arith.constant 0 : i32
      %dma_start3A_184 = tpu.memref_slice %arg5[%arg0, %add3A_169, %dma_start3A_183] : memref<2x10240x64xf32, #tpu.memory_space<hbm>> -> memref<1x128x64xf32, #tpu.memory_space<hbm>>
      %dma_start3A_185 = tpu.memref_squeeze %dma_start3A_184 : memref<1x128x64xf32, #tpu.memory_space<hbm>> -> memref<128x64xf32, #tpu.memory_space<hbm>>
      %dma_start3A_186 = arith.constant 0 : i32
      %dma_start3A_187 = tpu.memref_slice %arg11[%add3A_167, %dma_start3A_186] : memref<10240x64xf32, #tpu.memory_space<vmem_shared>> -> memref<128x64xf32, #tpu.memory_space<vmem_shared>>
      tpu.enqueue_dma source(%dma_start3A_187 : memref<128x64xf32, #tpu.memory_space<vmem_shared>>) target(%dma_start3A_185 : memref<128x64xf32, #tpu.memory_space<hbm>>) target_semaphore(%run_scoped3A_182 : memref<!tpu.dma_semaphore, #tpu.memory_space<semaphore_mem>>)
      %dma_wait3A_188 = arith.constant 0 : i32
      %dma_wait3A_189 = tpu.memref_slice %arg5[%arg0, %add3A_169, %dma_wait3A_188] : memref<2x10240x64xf32, #tpu.memory_space<hbm>> -> memref<1x128x64xf32, #tpu.memory_space<hbm>>
      %dma_wait3A_190 = tpu.memref_squeeze %dma_wait3A_189 : memref<1x128x64xf32, #tpu.memory_space<hbm>> -> memref<128x64xf32, #tpu.memory_space<hbm>>
      %dma_wait3A_191 = arith.constant 0 : i32
      %dma_wait3A_192 = tpu.memref_slice %arg11[%add3A_167, %dma_wait3A_191] : memref<10240x64xf32, #tpu.memory_space<vmem_shared>> -> memref<128x64xf32, #tpu.memory_space<vmem_shared>>
      tpu.wait_dma2 semaphore(%run_scoped3A_182 : memref<!tpu.dma_semaphore, #tpu.memory_space<semaphore_mem>>) src(%dma_wait3A_192 : memref<128x64xf32, #tpu.memory_space<vmem_shared>>) dst(%dma_wait3A_190 : memref<128x64xf32, #tpu.memory_space<hbm>>)
      tpu.yield
    }) : () -> ()
    %add3A_170 = arith.constant 384 : i32
    %add3A_171 = arith.addi %mul3A_20, %add3A_170 : i32
    %add3A_172 = arith.constant 384 : i32
    %add3A_173 = arith.addi %mul3A_20, %add3A_172 : i32
    "tpu.region"() ({
      %run_scoped3A_182 = tpu.sem_alloc : memref<!tpu.dma_semaphore, #tpu.memory_space<semaphore_mem>>
      %dma_start3A_183 = arith.constant 0 : i32
      %dma_start3A_184 = tpu.memref_slice %arg6[%arg0, %add3A_173, %dma_start3A_183] : memref<2x10240x16xf32, #tpu.memory_space<hbm>> -> memref<1x128x16xf32, #tpu.memory_space<hbm>>
      %dma_start3A_185 = tpu.memref_squeeze %dma_start3A_184 : memref<1x128x16xf32, #tpu.memory_space<hbm>> -> memref<128x16xf32, #tpu.memory_space<hbm>>
      %dma_start3A_186 = arith.constant 0 : i32
      %dma_start3A_187 = tpu.memref_slice %arg12[%add3A_171, %dma_start3A_186] : memref<10240x16xf32, #tpu.memory_space<vmem_shared>> -> memref<128x16xf32, #tpu.memory_space<vmem_shared>>
      tpu.enqueue_dma source(%dma_start3A_187 : memref<128x16xf32, #tpu.memory_space<vmem_shared>>) target(%dma_start3A_185 : memref<128x16xf32, #tpu.memory_space<hbm>>) target_semaphore(%run_scoped3A_182 : memref<!tpu.dma_semaphore, #tpu.memory_space<semaphore_mem>>)
      %dma_wait3A_188 = arith.constant 0 : i32
      %dma_wait3A_189 = tpu.memref_slice %arg6[%arg0, %add3A_173, %dma_wait3A_188] : memref<2x10240x16xf32, #tpu.memory_space<hbm>> -> memref<1x128x16xf32, #tpu.memory_space<hbm>>
      %dma_wait3A_190 = tpu.memref_squeeze %dma_wait3A_189 : memref<1x128x16xf32, #tpu.memory_space<hbm>> -> memref<128x16xf32, #tpu.memory_space<hbm>>
      %dma_wait3A_191 = arith.constant 0 : i32
      %dma_wait3A_192 = tpu.memref_slice %arg12[%add3A_171, %dma_wait3A_191] : memref<10240x16xf32, #tpu.memory_space<vmem_shared>> -> memref<128x16xf32, #tpu.memory_space<vmem_shared>>
      tpu.wait_dma2 semaphore(%run_scoped3A_182 : memref<!tpu.dma_semaphore, #tpu.memory_space<semaphore_mem>>) src(%dma_wait3A_192 : memref<128x16xf32, #tpu.memory_space<vmem_shared>>) dst(%dma_wait3A_190 : memref<128x16xf32, #tpu.memory_space<hbm>>)
      tpu.yield
    }) : () -> ()
    %add3A_174 = arith.constant 512 : i32
    %add3A_175 = arith.addi %mul3A_20, %add3A_174 : i32
    %add3A_176 = arith.constant 512 : i32
    %add3A_177 = arith.addi %mul3A_20, %add3A_176 : i32
    "tpu.region"() ({
      %run_scoped3A_182 = tpu.sem_alloc : memref<!tpu.dma_semaphore, #tpu.memory_space<semaphore_mem>>
      %dma_start3A_183 = arith.constant 0 : i32
      %dma_start3A_184 = tpu.memref_slice %arg5[%arg0, %add3A_177, %dma_start3A_183] : memref<2x10240x64xf32, #tpu.memory_space<hbm>> -> memref<1x128x64xf32, #tpu.memory_space<hbm>>
      %dma_start3A_185 = tpu.memref_squeeze %dma_start3A_184 : memref<1x128x64xf32, #tpu.memory_space<hbm>> -> memref<128x64xf32, #tpu.memory_space<hbm>>
      %dma_start3A_186 = arith.constant 0 : i32
      %dma_start3A_187 = tpu.memref_slice %arg11[%add3A_175, %dma_start3A_186] : memref<10240x64xf32, #tpu.memory_space<vmem_shared>> -> memref<128x64xf32, #tpu.memory_space<vmem_shared>>
      tpu.enqueue_dma source(%dma_start3A_187 : memref<128x64xf32, #tpu.memory_space<vmem_shared>>) target(%dma_start3A_185 : memref<128x64xf32, #tpu.memory_space<hbm>>) target_semaphore(%run_scoped3A_182 : memref<!tpu.dma_semaphore, #tpu.memory_space<semaphore_mem>>)
      %dma_wait3A_188 = arith.constant 0 : i32
      %dma_wait3A_189 = tpu.memref_slice %arg5[%arg0, %add3A_177, %dma_wait3A_188] : memref<2x10240x64xf32, #tpu.memory_space<hbm>> -> memref<1x128x64xf32, #tpu.memory_space<hbm>>
      %dma_wait3A_190 = tpu.memref_squeeze %dma_wait3A_189 : memref<1x128x64xf32, #tpu.memory_space<hbm>> -> memref<128x64xf32, #tpu.memory_space<hbm>>
      %dma_wait3A_191 = arith.constant 0 : i32
      %dma_wait3A_192 = tpu.memref_slice %arg11[%add3A_175, %dma_wait3A_191] : memref<10240x64xf32, #tpu.memory_space<vmem_shared>> -> memref<128x64xf32, #tpu.memory_space<vmem_shared>>
      tpu.wait_dma2 semaphore(%run_scoped3A_182 : memref<!tpu.dma_semaphore, #tpu.memory_space<semaphore_mem>>) src(%dma_wait3A_192 : memref<128x64xf32, #tpu.memory_space<vmem_shared>>) dst(%dma_wait3A_190 : memref<128x64xf32, #tpu.memory_space<hbm>>)
      tpu.yield
    }) : () -> ()
    %add3A_178 = arith.constant 512 : i32
    %add3A_179 = arith.addi %mul3A_20, %add3A_178 : i32
    %add3A_180 = arith.constant 512 : i32
    %add3A_181 = arith.addi %mul3A_20, %add3A_180 : i32
    "tpu.region"() ({
      %run_scoped3A_182 = tpu.sem_alloc : memref<!tpu.dma_semaphore, #tpu.memory_space<semaphore_mem>>
      %dma_start3A_183 = arith.constant 0 : i32
      %dma_start3A_184 = tpu.memref_slice %arg6[%arg0, %add3A_181, %dma_start3A_183] : memref<2x10240x16xf32, #tpu.memory_space<hbm>> -> memref<1x128x16xf32, #tpu.memory_space<hbm>>
      %dma_start3A_185 = tpu.memref_squeeze %dma_start3A_184 : memref<1x128x16xf32, #tpu.memory_space<hbm>> -> memref<128x16xf32, #tpu.memory_space<hbm>>
      %dma_start3A_186 = arith.constant 0 : i32
      %dma_start3A_187 = tpu.memref_slice %arg12[%add3A_179, %dma_start3A_186] : memref<10240x16xf32, #tpu.memory_space<vmem_shared>> -> memref<128x16xf32, #tpu.memory_space<vmem_shared>>
      tpu.enqueue_dma source(%dma_start3A_187 : memref<128x16xf32, #tpu.memory_space<vmem_shared>>) target(%dma_start3A_185 : memref<128x16xf32, #tpu.memory_space<hbm>>) target_semaphore(%run_scoped3A_182 : memref<!tpu.dma_semaphore, #tpu.memory_space<semaphore_mem>>)
      %dma_wait3A_188 = arith.constant 0 : i32
      %dma_wait3A_189 = tpu.memref_slice %arg6[%arg0, %add3A_181, %dma_wait3A_188] : memref<2x10240x16xf32, #tpu.memory_space<hbm>> -> memref<1x128x16xf32, #tpu.memory_space<hbm>>
      %dma_wait3A_190 = tpu.memref_squeeze %dma_wait3A_189 : memref<1x128x16xf32, #tpu.memory_space<hbm>> -> memref<128x16xf32, #tpu.memory_space<hbm>>
      %dma_wait3A_191 = arith.constant 0 : i32
      %dma_wait3A_192 = tpu.memref_slice %arg12[%add3A_179, %dma_wait3A_191] : memref<10240x16xf32, #tpu.memory_space<vmem_shared>> -> memref<128x16xf32, #tpu.memory_space<vmem_shared>>
      tpu.wait_dma2 semaphore(%run_scoped3A_182 : memref<!tpu.dma_semaphore, #tpu.memory_space<semaphore_mem>>) src(%dma_wait3A_192 : memref<128x16xf32, #tpu.memory_space<vmem_shared>>) dst(%dma_wait3A_190 : memref<128x16xf32, #tpu.memory_space<hbm>>)
      tpu.yield
    }) : () -> ()
    return
  }
}

#map = affine_map<(d0, d1) -> (0, 0)>
#map1 = affine_map<(d0, d1) -> (0, 0, 0)>
module attributes {stable_mosaic.version = 14 : i64} {
  func.func @_agg1(%arg0: i32, %arg1: i32, %arg2: memref<10240x16xf32, #tpu.memory_space<hbm>>, %arg3: memref<32x80x128xi32, #tpu.memory_space<hbm>>, %arg4: memref<32x80x128xi32, #tpu.memory_space<hbm>>, %arg5: memref<2x10240x16xf32, #tpu.memory_space<hbm>>, %arg6: memref<2x10240x16xf32, #tpu.memory_space<hbm>>, %arg7: memref<100x128xi32, #tpu.memory_space<vmem>>, %arg8: memref<100x128xi32, #tpu.memory_space<vmem>>, %arg9: memref<5x128x16xf32, #tpu.memory_space<vmem>>, %arg10: memref<128x16xf32, #tpu.memory_space<vmem>>, %arg11: memref<10240x16xf32, #tpu.memory_space<vmem_shared>>, %arg12: memref<10240x16xf32, #tpu.memory_space<vmem_shared>>, %arg13: memref<!tpu.dma_semaphore, #tpu.memory_space<semaphore_mem>>, %arg14: memref<!tpu.dma_semaphore, #tpu.memory_space<semaphore_mem>>, %arg15: memref<!tpu.dma_semaphore, #tpu.memory_space<semaphore_mem>>) attributes {dimension_semantics = [#tpu.dimension_semantics<core_parallel>, #tpu.dimension_semantics<subcore_parallel>], iteration_bounds = array<i64: 2, 16>, scalar_prefetch = 0 : i64, scratch_operands = 9 : i64, tpu.core_type = #tpu.core_type<sc_vector_subcore>, window_params = [{transform_indices = #map}, {transform_indices = #map1}, {transform_indices = #map1}, {transform_indices = #map1}, {transform_indices = #map1}]} {
    %mul3A = arith.constant 2 : i32
    %mul3A_0 = arith.muli %arg1, %mul3A : i32
    %add3A = arith.addi %mul3A_0, %arg0 : i32
    %eq3A = arith.constant 1 : i32
    %eq3A_1 = arith.cmpi eq, %arg0, %eq3A : i32
    %jit3A = arith.constant 100 : i32
    %jit3A_2 = arith.constant 60 : i32
    %select_n3A = arith.select %eq3A_1, %jit3A, %jit3A_2 : i32
    "tpu.region"() ({
      %run_scoped3A_208 = tpu.sem_alloc : memref<!tpu.dma_semaphore, #tpu.memory_space<semaphore_mem>>
      %dma_start3A_209 = arith.constant 0 : i32
      %dma_start3A_210 = arith.constant 0 : i32
      %dma_start3A_211 = tpu.memref_slice %arg7[%dma_start3A_209, %dma_start3A_210] : memref<100x128xi32, #tpu.memory_space<vmem>> -> memref<80x128xi32, #tpu.memory_space<vmem>>
      %dma_start3A_212 = arith.constant 0 : i32
      %dma_start3A_213 = arith.constant 0 : i32
      %dma_start3A_214 = tpu.memref_slice %arg3[%add3A, %dma_start3A_212, %dma_start3A_213] : memref<32x80x128xi32, #tpu.memory_space<hbm>> -> memref<1x80x128xi32, #tpu.memory_space<hbm>>
      %dma_start3A_215 = tpu.memref_squeeze %dma_start3A_214 : memref<1x80x128xi32, #tpu.memory_space<hbm>> -> memref<80x128xi32, #tpu.memory_space<hbm>>
      %dma_start3A_216 = arith.constant 0 : i32
      %dma_start3A_217 = arith.constant 0 : i32
      %dma_start3A_218 = tpu.memref_slice %arg7[%dma_start3A_216, %dma_start3A_217] : memref<100x128xi32, #tpu.memory_space<vmem>> -> memref<80x128xi32, #tpu.memory_space<vmem>>
      %dma_start3A_219 = arith.constant 0 : i32
      %dma_start3A_220 = arith.constant 0 : i32
      %dma_start3A_221 = tpu.memref_slice %arg3[%add3A, %dma_start3A_219, %dma_start3A_220] : memref<32x80x128xi32, #tpu.memory_space<hbm>> -> memref<1x80x128xi32, #tpu.memory_space<hbm>>
      %dma_start3A_222 = tpu.memref_squeeze %dma_start3A_221 : memref<1x80x128xi32, #tpu.memory_space<hbm>> -> memref<80x128xi32, #tpu.memory_space<hbm>>
      tpu.enqueue_dma source(%dma_start3A_222 : memref<80x128xi32, #tpu.memory_space<hbm>>) target(%dma_start3A_218 : memref<80x128xi32, #tpu.memory_space<vmem>>) target_semaphore(%run_scoped3A_208 : memref<!tpu.dma_semaphore, #tpu.memory_space<semaphore_mem>>)
      %dma_wait3A_223 = arith.constant 0 : i32
      %dma_wait3A_224 = arith.constant 0 : i32
      %dma_wait3A_225 = tpu.memref_slice %arg7[%dma_wait3A_223, %dma_wait3A_224] : memref<100x128xi32, #tpu.memory_space<vmem>> -> memref<80x128xi32, #tpu.memory_space<vmem>>
      %dma_wait3A_226 = arith.constant 0 : i32
      %dma_wait3A_227 = arith.constant 0 : i32
      %dma_wait3A_228 = tpu.memref_slice %arg3[%add3A, %dma_wait3A_226, %dma_wait3A_227] : memref<32x80x128xi32, #tpu.memory_space<hbm>> -> memref<1x80x128xi32, #tpu.memory_space<hbm>>
      %dma_wait3A_229 = tpu.memref_squeeze %dma_wait3A_228 : memref<1x80x128xi32, #tpu.memory_space<hbm>> -> memref<80x128xi32, #tpu.memory_space<hbm>>
      %dma_wait3A_230 = arith.constant 0 : i32
      %dma_wait3A_231 = arith.constant 0 : i32
      %dma_wait3A_232 = tpu.memref_slice %arg7[%dma_wait3A_230, %dma_wait3A_231] : memref<100x128xi32, #tpu.memory_space<vmem>> -> memref<80x128xi32, #tpu.memory_space<vmem>>
      %dma_wait3A_233 = arith.constant 0 : i32
      %dma_wait3A_234 = arith.constant 0 : i32
      %dma_wait3A_235 = tpu.memref_slice %arg3[%add3A, %dma_wait3A_233, %dma_wait3A_234] : memref<32x80x128xi32, #tpu.memory_space<hbm>> -> memref<1x80x128xi32, #tpu.memory_space<hbm>>
      %dma_wait3A_236 = tpu.memref_squeeze %dma_wait3A_235 : memref<1x80x128xi32, #tpu.memory_space<hbm>> -> memref<80x128xi32, #tpu.memory_space<hbm>>
      tpu.wait_dma2 semaphore(%run_scoped3A_208 : memref<!tpu.dma_semaphore, #tpu.memory_space<semaphore_mem>>) src(%dma_wait3A_236 : memref<80x128xi32, #tpu.memory_space<hbm>>) dst(%dma_wait3A_232 : memref<80x128xi32, #tpu.memory_space<vmem>>)
      tpu.yield
    }) : () -> ()
    "tpu.region"() ({
      %run_scoped3A_208 = tpu.sem_alloc : memref<!tpu.dma_semaphore, #tpu.memory_space<semaphore_mem>>
      %dma_start3A_209 = arith.constant 0 : i32
      %dma_start3A_210 = arith.constant 0 : i32
      %dma_start3A_211 = tpu.memref_slice %arg8[%dma_start3A_209, %dma_start3A_210] : memref<100x128xi32, #tpu.memory_space<vmem>> -> memref<80x128xi32, #tpu.memory_space<vmem>>
      %dma_start3A_212 = arith.constant 0 : i32
      %dma_start3A_213 = arith.constant 0 : i32
      %dma_start3A_214 = tpu.memref_slice %arg4[%add3A, %dma_start3A_212, %dma_start3A_213] : memref<32x80x128xi32, #tpu.memory_space<hbm>> -> memref<1x80x128xi32, #tpu.memory_space<hbm>>
      %dma_start3A_215 = tpu.memref_squeeze %dma_start3A_214 : memref<1x80x128xi32, #tpu.memory_space<hbm>> -> memref<80x128xi32, #tpu.memory_space<hbm>>
      %dma_start3A_216 = arith.constant 0 : i32
      %dma_start3A_217 = arith.constant 0 : i32
      %dma_start3A_218 = tpu.memref_slice %arg8[%dma_start3A_216, %dma_start3A_217] : memref<100x128xi32, #tpu.memory_space<vmem>> -> memref<80x128xi32, #tpu.memory_space<vmem>>
      %dma_start3A_219 = arith.constant 0 : i32
      %dma_start3A_220 = arith.constant 0 : i32
      %dma_start3A_221 = tpu.memref_slice %arg4[%add3A, %dma_start3A_219, %dma_start3A_220] : memref<32x80x128xi32, #tpu.memory_space<hbm>> -> memref<1x80x128xi32, #tpu.memory_space<hbm>>
      %dma_start3A_222 = tpu.memref_squeeze %dma_start3A_221 : memref<1x80x128xi32, #tpu.memory_space<hbm>> -> memref<80x128xi32, #tpu.memory_space<hbm>>
      tpu.enqueue_dma source(%dma_start3A_222 : memref<80x128xi32, #tpu.memory_space<hbm>>) target(%dma_start3A_218 : memref<80x128xi32, #tpu.memory_space<vmem>>) target_semaphore(%run_scoped3A_208 : memref<!tpu.dma_semaphore, #tpu.memory_space<semaphore_mem>>)
      %dma_wait3A_223 = arith.constant 0 : i32
      %dma_wait3A_224 = arith.constant 0 : i32
      %dma_wait3A_225 = tpu.memref_slice %arg8[%dma_wait3A_223, %dma_wait3A_224] : memref<100x128xi32, #tpu.memory_space<vmem>> -> memref<80x128xi32, #tpu.memory_space<vmem>>
      %dma_wait3A_226 = arith.constant 0 : i32
      %dma_wait3A_227 = arith.constant 0 : i32
      %dma_wait3A_228 = tpu.memref_slice %arg4[%add3A, %dma_wait3A_226, %dma_wait3A_227] : memref<32x80x128xi32, #tpu.memory_space<hbm>> -> memref<1x80x128xi32, #tpu.memory_space<hbm>>
      %dma_wait3A_229 = tpu.memref_squeeze %dma_wait3A_228 : memref<1x80x128xi32, #tpu.memory_space<hbm>> -> memref<80x128xi32, #tpu.memory_space<hbm>>
      %dma_wait3A_230 = arith.constant 0 : i32
      %dma_wait3A_231 = arith.constant 0 : i32
      %dma_wait3A_232 = tpu.memref_slice %arg8[%dma_wait3A_230, %dma_wait3A_231] : memref<100x128xi32, #tpu.memory_space<vmem>> -> memref<80x128xi32, #tpu.memory_space<vmem>>
      %dma_wait3A_233 = arith.constant 0 : i32
      %dma_wait3A_234 = arith.constant 0 : i32
      %dma_wait3A_235 = tpu.memref_slice %arg4[%add3A, %dma_wait3A_233, %dma_wait3A_234] : memref<32x80x128xi32, #tpu.memory_space<hbm>> -> memref<1x80x128xi32, #tpu.memory_space<hbm>>
      %dma_wait3A_236 = tpu.memref_squeeze %dma_wait3A_235 : memref<1x80x128xi32, #tpu.memory_space<hbm>> -> memref<80x128xi32, #tpu.memory_space<hbm>>
      tpu.wait_dma2 semaphore(%run_scoped3A_208 : memref<!tpu.dma_semaphore, #tpu.memory_space<semaphore_mem>>) src(%dma_wait3A_236 : memref<80x128xi32, #tpu.memory_space<hbm>>) dst(%dma_wait3A_232 : memref<80x128xi32, #tpu.memory_space<vmem>>)
      tpu.yield
    }) : () -> ()
    %convert_element_type3A = arith.extui %eq3A_1 : i1 to i32
    %cond3A = arith.constant 0 : i32
    %cond3A_3 = arith.cmpi ne, %convert_element_type3A, %cond3A : i32
    scf.if %cond3A_3 {
      %sub3A_208 = arith.constant 1 : i32
      %sub3A_209 = arith.subi %add3A, %sub3A_208 : i32
      "tpu.region"() ({
        %run_scoped3A_212 = tpu.sem_alloc : memref<!tpu.dma_semaphore, #tpu.memory_space<semaphore_mem>>
        %dma_start3A_213 = arith.constant 80 : i32
        %dma_start3A_214 = arith.constant 0 : i32
        %dma_start3A_215 = tpu.memref_slice %arg7[%dma_start3A_213, %dma_start3A_214] : memref<100x128xi32, #tpu.memory_space<vmem>> -> memref<20x128xi32, #tpu.memory_space<vmem>>
        %dma_start3A_216 = arith.constant 60 : i32
        %dma_start3A_217 = arith.constant 0 : i32
        %dma_start3A_218 = tpu.memref_slice %arg3[%sub3A_209, %dma_start3A_216, %dma_start3A_217] : memref<32x80x128xi32, #tpu.memory_space<hbm>> -> memref<1x20x128xi32, #tpu.memory_space<hbm>>
        %dma_start3A_219 = tpu.memref_squeeze %dma_start3A_218 : memref<1x20x128xi32, #tpu.memory_space<hbm>> -> memref<20x128xi32, #tpu.memory_space<hbm>>
        %dma_start3A_220 = arith.constant 80 : i32
        %dma_start3A_221 = arith.constant 0 : i32
        %dma_start3A_222 = tpu.memref_slice %arg7[%dma_start3A_220, %dma_start3A_221] : memref<100x128xi32, #tpu.memory_space<vmem>> -> memref<20x128xi32, #tpu.memory_space<vmem>>
        %dma_start3A_223 = arith.constant 60 : i32
        %dma_start3A_224 = arith.constant 0 : i32
        %dma_start3A_225 = tpu.memref_slice %arg3[%sub3A_209, %dma_start3A_223, %dma_start3A_224] : memref<32x80x128xi32, #tpu.memory_space<hbm>> -> memref<1x20x128xi32, #tpu.memory_space<hbm>>
        %dma_start3A_226 = tpu.memref_squeeze %dma_start3A_225 : memref<1x20x128xi32, #tpu.memory_space<hbm>> -> memref<20x128xi32, #tpu.memory_space<hbm>>
        tpu.enqueue_dma source(%dma_start3A_226 : memref<20x128xi32, #tpu.memory_space<hbm>>) target(%dma_start3A_222 : memref<20x128xi32, #tpu.memory_space<vmem>>) target_semaphore(%run_scoped3A_212 : memref<!tpu.dma_semaphore, #tpu.memory_space<semaphore_mem>>)
        %dma_wait3A_227 = arith.constant 80 : i32
        %dma_wait3A_228 = arith.constant 0 : i32
        %dma_wait3A_229 = tpu.memref_slice %arg7[%dma_wait3A_227, %dma_wait3A_228] : memref<100x128xi32, #tpu.memory_space<vmem>> -> memref<20x128xi32, #tpu.memory_space<vmem>>
        %dma_wait3A_230 = arith.constant 60 : i32
        %dma_wait3A_231 = arith.constant 0 : i32
        %dma_wait3A_232 = tpu.memref_slice %arg3[%sub3A_209, %dma_wait3A_230, %dma_wait3A_231] : memref<32x80x128xi32, #tpu.memory_space<hbm>> -> memref<1x20x128xi32, #tpu.memory_space<hbm>>
        %dma_wait3A_233 = tpu.memref_squeeze %dma_wait3A_232 : memref<1x20x128xi32, #tpu.memory_space<hbm>> -> memref<20x128xi32, #tpu.memory_space<hbm>>
        %dma_wait3A_234 = arith.constant 80 : i32
        %dma_wait3A_235 = arith.constant 0 : i32
        %dma_wait3A_236 = tpu.memref_slice %arg7[%dma_wait3A_234, %dma_wait3A_235] : memref<100x128xi32, #tpu.memory_space<vmem>> -> memref<20x128xi32, #tpu.memory_space<vmem>>
        %dma_wait3A_237 = arith.constant 60 : i32
        %dma_wait3A_238 = arith.constant 0 : i32
        %dma_wait3A_239 = tpu.memref_slice %arg3[%sub3A_209, %dma_wait3A_237, %dma_wait3A_238] : memref<32x80x128xi32, #tpu.memory_space<hbm>> -> memref<1x20x128xi32, #tpu.memory_space<hbm>>
        %dma_wait3A_240 = tpu.memref_squeeze %dma_wait3A_239 : memref<1x20x128xi32, #tpu.memory_space<hbm>> -> memref<20x128xi32, #tpu.memory_space<hbm>>
        tpu.wait_dma2 semaphore(%run_scoped3A_212 : memref<!tpu.dma_semaphore, #tpu.memory_space<semaphore_mem>>) src(%dma_wait3A_240 : memref<20x128xi32, #tpu.memory_space<hbm>>) dst(%dma_wait3A_236 : memref<20x128xi32, #tpu.memory_space<vmem>>)
        tpu.yield
      }) : () -> ()
      %sub3A_210 = arith.constant 1 : i32
      %sub3A_211 = arith.subi %add3A, %sub3A_210 : i32
      "tpu.region"() ({
        %run_scoped3A_212 = tpu.sem_alloc : memref<!tpu.dma_semaphore, #tpu.memory_space<semaphore_mem>>
        %dma_start3A_213 = arith.constant 80 : i32
        %dma_start3A_214 = arith.constant 0 : i32
        %dma_start3A_215 = tpu.memref_slice %arg8[%dma_start3A_213, %dma_start3A_214] : memref<100x128xi32, #tpu.memory_space<vmem>> -> memref<20x128xi32, #tpu.memory_space<vmem>>
        %dma_start3A_216 = arith.constant 60 : i32
        %dma_start3A_217 = arith.constant 0 : i32
        %dma_start3A_218 = tpu.memref_slice %arg4[%sub3A_211, %dma_start3A_216, %dma_start3A_217] : memref<32x80x128xi32, #tpu.memory_space<hbm>> -> memref<1x20x128xi32, #tpu.memory_space<hbm>>
        %dma_start3A_219 = tpu.memref_squeeze %dma_start3A_218 : memref<1x20x128xi32, #tpu.memory_space<hbm>> -> memref<20x128xi32, #tpu.memory_space<hbm>>
        %dma_start3A_220 = arith.constant 80 : i32
        %dma_start3A_221 = arith.constant 0 : i32
        %dma_start3A_222 = tpu.memref_slice %arg8[%dma_start3A_220, %dma_start3A_221] : memref<100x128xi32, #tpu.memory_space<vmem>> -> memref<20x128xi32, #tpu.memory_space<vmem>>
        %dma_start3A_223 = arith.constant 60 : i32
        %dma_start3A_224 = arith.constant 0 : i32
        %dma_start3A_225 = tpu.memref_slice %arg4[%sub3A_211, %dma_start3A_223, %dma_start3A_224] : memref<32x80x128xi32, #tpu.memory_space<hbm>> -> memref<1x20x128xi32, #tpu.memory_space<hbm>>
        %dma_start3A_226 = tpu.memref_squeeze %dma_start3A_225 : memref<1x20x128xi32, #tpu.memory_space<hbm>> -> memref<20x128xi32, #tpu.memory_space<hbm>>
        tpu.enqueue_dma source(%dma_start3A_226 : memref<20x128xi32, #tpu.memory_space<hbm>>) target(%dma_start3A_222 : memref<20x128xi32, #tpu.memory_space<vmem>>) target_semaphore(%run_scoped3A_212 : memref<!tpu.dma_semaphore, #tpu.memory_space<semaphore_mem>>)
        %dma_wait3A_227 = arith.constant 80 : i32
        %dma_wait3A_228 = arith.constant 0 : i32
        %dma_wait3A_229 = tpu.memref_slice %arg8[%dma_wait3A_227, %dma_wait3A_228] : memref<100x128xi32, #tpu.memory_space<vmem>> -> memref<20x128xi32, #tpu.memory_space<vmem>>
        %dma_wait3A_230 = arith.constant 60 : i32
        %dma_wait3A_231 = arith.constant 0 : i32
        %dma_wait3A_232 = tpu.memref_slice %arg4[%sub3A_211, %dma_wait3A_230, %dma_wait3A_231] : memref<32x80x128xi32, #tpu.memory_space<hbm>> -> memref<1x20x128xi32, #tpu.memory_space<hbm>>
        %dma_wait3A_233 = tpu.memref_squeeze %dma_wait3A_232 : memref<1x20x128xi32, #tpu.memory_space<hbm>> -> memref<20x128xi32, #tpu.memory_space<hbm>>
        %dma_wait3A_234 = arith.constant 80 : i32
        %dma_wait3A_235 = arith.constant 0 : i32
        %dma_wait3A_236 = tpu.memref_slice %arg8[%dma_wait3A_234, %dma_wait3A_235] : memref<100x128xi32, #tpu.memory_space<vmem>> -> memref<20x128xi32, #tpu.memory_space<vmem>>
        %dma_wait3A_237 = arith.constant 60 : i32
        %dma_wait3A_238 = arith.constant 0 : i32
        %dma_wait3A_239 = tpu.memref_slice %arg4[%sub3A_211, %dma_wait3A_237, %dma_wait3A_238] : memref<32x80x128xi32, #tpu.memory_space<hbm>> -> memref<1x20x128xi32, #tpu.memory_space<hbm>>
        %dma_wait3A_240 = tpu.memref_squeeze %dma_wait3A_239 : memref<1x20x128xi32, #tpu.memory_space<hbm>> -> memref<20x128xi32, #tpu.memory_space<hbm>>
        tpu.wait_dma2 semaphore(%run_scoped3A_212 : memref<!tpu.dma_semaphore, #tpu.memory_space<semaphore_mem>>) src(%dma_wait3A_240 : memref<20x128xi32, #tpu.memory_space<hbm>>) dst(%dma_wait3A_236 : memref<20x128xi32, #tpu.memory_space<vmem>>)
        tpu.yield
      }) : () -> ()
    } else {
    }
    %broadcast_in_dim3A = arith.constant 0.000000e+00 : f32
    %broadcast_in_dim3A_4 = vector.broadcast %broadcast_in_dim3A : f32 to vector<16xf32>
    %scan3A = arith.constant 0 : i32
    %scan3A_5 = arith.constant 0 : i32
    %scan3A_6 = arith.constant 0 : i32
    %scan3A_7 = arith.constant 128 : i32
    %scan3A_8 = arith.addi %scan3A_6, %scan3A_7 : i32
    %scan3A_9 = arith.constant 1 : i32
    %scan3A_10 = scf.for %scan3A_208 = %scan3A_6 to %scan3A_8 step %scan3A_9 iter_args(%scan3A_209 = %scan3A_5) -> (i32)  : i32 {
      %swap3A = arith.constant 0 : i32
      %swap3A_210 = arith.constant 0 : i32
      %swap3A_211 = tpu.memref_slice %arg9[%scan3A, %swap3A, %swap3A_210] : memref<5x128x16xf32, #tpu.memory_space<vmem>> -> memref<1x128x16xf32, #tpu.memory_space<vmem>>
      %swap3A_212 = tpu.memref_squeeze %swap3A_211 : memref<1x128x16xf32, #tpu.memory_space<vmem>> -> memref<128x16xf32, #tpu.memory_space<vmem>>
      %swap3A_213 = arith.index_cast %scan3A_208 : i32 to index
      %swap3A_214 = arith.constant 0 : index
      %swap3A_215 = tpu.vector_load %swap3A_212[%swap3A_213, %swap3A_214] {strides = array<i32>} : memref<128x16xf32, #tpu.memory_space<vmem>>, vector<1x16xf32>,
      %swap3A_216 = vector.shape_cast %swap3A_215 : vector<1x16xf32> to vector<16xf32>
      %swap3A_217 = vector.shape_cast %broadcast_in_dim3A_4 : vector<16xf32> to vector<1x16xf32>
      tpu.vector_store %swap3A_212[%swap3A_213, %swap3A_214], %swap3A_217 {strides = array<i32>} : memref<128x16xf32, #tpu.memory_space<vmem>>, vector<1x16xf32>,
      %scan3A_218 = arith.constant 0 : i32
      scf.yield %scan3A_218 : i32
    }
    %scan3A_11 = arith.constant 128 : i32
    %broadcast_in_dim3A_12 = arith.constant 0.000000e+00 : f32
    %broadcast_in_dim3A_13 = vector.broadcast %broadcast_in_dim3A_12 : f32 to vector<16xf32>
    %scan3A_14 = arith.constant 0 : i32
    %scan3A_15 = arith.constant 0 : i32
    %scan3A_16 = arith.constant 128 : i32
    %scan3A_17 = arith.addi %scan3A_15, %scan3A_16 : i32
    %scan3A_18 = arith.constant 1 : i32
    %scan3A_19 = scf.for %scan3A_208 = %scan3A_15 to %scan3A_17 step %scan3A_18 iter_args(%scan3A_209 = %scan3A_14) -> (i32)  : i32 {
      %swap3A = arith.index_cast %scan3A_208 : i32 to index
      %swap3A_210 = arith.constant 0 : index
      %swap3A_211 = tpu.vector_load %arg10[%swap3A, %swap3A_210] {strides = array<i32>} : memref<128x16xf32, #tpu.memory_space<vmem>>, vector<1x16xf32>,
      %swap3A_212 = vector.shape_cast %swap3A_211 : vector<1x16xf32> to vector<16xf32>
      %swap3A_213 = vector.shape_cast %broadcast_in_dim3A_13 : vector<16xf32> to vector<1x16xf32>
      tpu.vector_store %arg10[%swap3A, %swap3A_210], %swap3A_213 {strides = array<i32>} : memref<128x16xf32, #tpu.memory_space<vmem>>, vector<1x16xf32>,
      %scan3A_214 = arith.constant 0 : i32
      scf.yield %scan3A_214 : i32
    }
    %scan3A_20 = arith.constant 128 : i32
    %mul3A_21 = arith.constant 640 : i32
    %mul3A_22 = arith.muli %arg1, %mul3A_21 : i32
    %add3A_23 = arith.constant 0 : i32
    %add3A_24 = arith.addi %mul3A_22, %add3A_23 : i32
    %run_scoped3A = arith.constant 0 : i32
    "tpu.region"() ({
      %run_scoped3A_208 = tpu.sem_alloc : memref<!tpu.dma_semaphore, #tpu.memory_space<semaphore_mem>>
      %dma_start3A_209 = arith.constant 0 : i32
      %dma_start3A_210 = arith.constant 0 : i32
      %dma_start3A_211 = tpu.memref_slice %arg9[%run_scoped3A, %dma_start3A_209, %dma_start3A_210] : memref<5x128x16xf32, #tpu.memory_space<vmem>> -> memref<1x128x16xf32, #tpu.memory_space<vmem>>
      %dma_start3A_212 = tpu.memref_squeeze %dma_start3A_211 : memref<1x128x16xf32, #tpu.memory_space<vmem>> -> memref<128x16xf32, #tpu.memory_space<vmem>>
      %dma_start3A_213 = arith.constant 0 : i32
      %dma_start3A_214 = tpu.memref_slice %arg11[%add3A_24, %dma_start3A_213] : memref<10240x16xf32, #tpu.memory_space<vmem_shared>> -> memref<128x16xf32, #tpu.memory_space<vmem_shared>>
      %dma_start3A_215 = arith.constant 0 : i32
      %dma_start3A_216 = tpu.memref_slice %arg11[%add3A_24, %dma_start3A_215] : memref<10240x16xf32, #tpu.memory_space<vmem_shared>> -> memref<128x16xf32, #tpu.memory_space<vmem_shared>>
      %dma_start3A_217 = arith.constant 0 : i32
      %dma_start3A_218 = arith.constant 0 : i32
      %dma_start3A_219 = tpu.memref_slice %arg9[%run_scoped3A, %dma_start3A_217, %dma_start3A_218] : memref<5x128x16xf32, #tpu.memory_space<vmem>> -> memref<1x128x16xf32, #tpu.memory_space<vmem>>
      %dma_start3A_220 = tpu.memref_squeeze %dma_start3A_219 : memref<1x128x16xf32, #tpu.memory_space<vmem>> -> memref<128x16xf32, #tpu.memory_space<vmem>>
      tpu.enqueue_dma source(%dma_start3A_220 : memref<128x16xf32, #tpu.memory_space<vmem>>) target(%dma_start3A_216 : memref<128x16xf32, #tpu.memory_space<vmem_shared>>) target_semaphore(%run_scoped3A_208 : memref<!tpu.dma_semaphore, #tpu.memory_space<semaphore_mem>>)
      %dma_wait3A_221 = arith.constant 0 : i32
      %dma_wait3A_222 = arith.constant 0 : i32
      %dma_wait3A_223 = tpu.memref_slice %arg9[%run_scoped3A, %dma_wait3A_221, %dma_wait3A_222] : memref<5x128x16xf32, #tpu.memory_space<vmem>> -> memref<1x128x16xf32, #tpu.memory_space<vmem>>
      %dma_wait3A_224 = tpu.memref_squeeze %dma_wait3A_223 : memref<1x128x16xf32, #tpu.memory_space<vmem>> -> memref<128x16xf32, #tpu.memory_space<vmem>>
      %dma_wait3A_225 = arith.constant 0 : i32
      %dma_wait3A_226 = tpu.memref_slice %arg11[%add3A_24, %dma_wait3A_225] : memref<10240x16xf32, #tpu.memory_space<vmem_shared>> -> memref<128x16xf32, #tpu.memory_space<vmem_shared>>
      %dma_wait3A_227 = arith.constant 0 : i32
      %dma_wait3A_228 = tpu.memref_slice %arg11[%add3A_24, %dma_wait3A_227] : memref<10240x16xf32, #tpu.memory_space<vmem_shared>> -> memref<128x16xf32, #tpu.memory_space<vmem_shared>>
      %dma_wait3A_229 = arith.constant 0 : i32
      %dma_wait3A_230 = arith.constant 0 : i32
      %dma_wait3A_231 = tpu.memref_slice %arg9[%run_scoped3A, %dma_wait3A_229, %dma_wait3A_230] : memref<5x128x16xf32, #tpu.memory_space<vmem>> -> memref<1x128x16xf32, #tpu.memory_space<vmem>>
      %dma_wait3A_232 = tpu.memref_squeeze %dma_wait3A_231 : memref<1x128x16xf32, #tpu.memory_space<vmem>> -> memref<128x16xf32, #tpu.memory_space<vmem>>
      tpu.wait_dma2 semaphore(%run_scoped3A_208 : memref<!tpu.dma_semaphore, #tpu.memory_space<semaphore_mem>>) src(%dma_wait3A_232 : memref<128x16xf32, #tpu.memory_space<vmem>>) dst(%dma_wait3A_228 : memref<128x16xf32, #tpu.memory_space<vmem_shared>>)
      tpu.yield
    }) : () -> ()
    %add3A_25 = arith.constant 0 : i32
    %add3A_26 = arith.addi %mul3A_22, %add3A_25 : i32
    "tpu.region"() ({
      %run_scoped3A_208 = tpu.sem_alloc : memref<!tpu.dma_semaphore, #tpu.memory_space<semaphore_mem>>
      %dma_start3A_209 = arith.constant 0 : i32
      %dma_start3A_210 = tpu.memref_slice %arg12[%add3A_26, %dma_start3A_209] : memref<10240x16xf32, #tpu.memory_space<vmem_shared>> -> memref<128x16xf32, #tpu.memory_space<vmem_shared>>
      %dma_start3A_211 = arith.constant 0 : i32
      %dma_start3A_212 = tpu.memref_slice %arg12[%add3A_26, %dma_start3A_211] : memref<10240x16xf32, #tpu.memory_space<vmem_shared>> -> memref<128x16xf32, #tpu.memory_space<vmem_shared>>
      tpu.enqueue_dma source(%arg10 : memref<128x16xf32, #tpu.memory_space<vmem>>) target(%dma_start3A_212 : memref<128x16xf32, #tpu.memory_space<vmem_shared>>) target_semaphore(%run_scoped3A_208 : memref<!tpu.dma_semaphore, #tpu.memory_space<semaphore_mem>>)
      %dma_wait3A_213 = arith.constant 0 : i32
      %dma_wait3A_214 = tpu.memref_slice %arg12[%add3A_26, %dma_wait3A_213] : memref<10240x16xf32, #tpu.memory_space<vmem_shared>> -> memref<128x16xf32, #tpu.memory_space<vmem_shared>>
      %dma_wait3A_215 = arith.constant 0 : i32
      %dma_wait3A_216 = tpu.memref_slice %arg12[%add3A_26, %dma_wait3A_215] : memref<10240x16xf32, #tpu.memory_space<vmem_shared>> -> memref<128x16xf32, #tpu.memory_space<vmem_shared>>
      tpu.wait_dma2 semaphore(%run_scoped3A_208 : memref<!tpu.dma_semaphore, #tpu.memory_space<semaphore_mem>>) src(%arg10 : memref<128x16xf32, #tpu.memory_space<vmem>>) dst(%dma_wait3A_216 : memref<128x16xf32, #tpu.memory_space<vmem_shared>>)
      tpu.yield
    }) : () -> ()
    %add3A_27 = arith.constant 128 : i32
    %add3A_28 = arith.addi %mul3A_22, %add3A_27 : i32
    %run_scoped3A_29 = arith.constant 0 : i32
    "tpu.region"() ({
      %run_scoped3A_208 = tpu.sem_alloc : memref<!tpu.dma_semaphore, #tpu.memory_space<semaphore_mem>>
      %dma_start3A_209 = arith.constant 0 : i32
      %dma_start3A_210 = arith.constant 0 : i32
      %dma_start3A_211 = tpu.memref_slice %arg9[%run_scoped3A_29, %dma_start3A_209, %dma_start3A_210] : memref<5x128x16xf32, #tpu.memory_space<vmem>> -> memref<1x128x16xf32, #tpu.memory_space<vmem>>
      %dma_start3A_212 = tpu.memref_squeeze %dma_start3A_211 : memref<1x128x16xf32, #tpu.memory_space<vmem>> -> memref<128x16xf32, #tpu.memory_space<vmem>>
      %dma_start3A_213 = arith.constant 0 : i32
      %dma_start3A_214 = tpu.memref_slice %arg11[%add3A_28, %dma_start3A_213] : memref<10240x16xf32, #tpu.memory_space<vmem_shared>> -> memref<128x16xf32, #tpu.memory_space<vmem_shared>>
      %dma_start3A_215 = arith.constant 0 : i32
      %dma_start3A_216 = tpu.memref_slice %arg11[%add3A_28, %dma_start3A_215] : memref<10240x16xf32, #tpu.memory_space<vmem_shared>> -> memref<128x16xf32, #tpu.memory_space<vmem_shared>>
      %dma_start3A_217 = arith.constant 0 : i32
      %dma_start3A_218 = arith.constant 0 : i32
      %dma_start3A_219 = tpu.memref_slice %arg9[%run_scoped3A_29, %dma_start3A_217, %dma_start3A_218] : memref<5x128x16xf32, #tpu.memory_space<vmem>> -> memref<1x128x16xf32, #tpu.memory_space<vmem>>
      %dma_start3A_220 = tpu.memref_squeeze %dma_start3A_219 : memref<1x128x16xf32, #tpu.memory_space<vmem>> -> memref<128x16xf32, #tpu.memory_space<vmem>>
      tpu.enqueue_dma source(%dma_start3A_220 : memref<128x16xf32, #tpu.memory_space<vmem>>) target(%dma_start3A_216 : memref<128x16xf32, #tpu.memory_space<vmem_shared>>) target_semaphore(%run_scoped3A_208 : memref<!tpu.dma_semaphore, #tpu.memory_space<semaphore_mem>>)
      %dma_wait3A_221 = arith.constant 0 : i32
      %dma_wait3A_222 = arith.constant 0 : i32
      %dma_wait3A_223 = tpu.memref_slice %arg9[%run_scoped3A_29, %dma_wait3A_221, %dma_wait3A_222] : memref<5x128x16xf32, #tpu.memory_space<vmem>> -> memref<1x128x16xf32, #tpu.memory_space<vmem>>
      %dma_wait3A_224 = tpu.memref_squeeze %dma_wait3A_223 : memref<1x128x16xf32, #tpu.memory_space<vmem>> -> memref<128x16xf32, #tpu.memory_space<vmem>>
      %dma_wait3A_225 = arith.constant 0 : i32
      %dma_wait3A_226 = tpu.memref_slice %arg11[%add3A_28, %dma_wait3A_225] : memref<10240x16xf32, #tpu.memory_space<vmem_shared>> -> memref<128x16xf32, #tpu.memory_space<vmem_shared>>
      %dma_wait3A_227 = arith.constant 0 : i32
      %dma_wait3A_228 = tpu.memref_slice %arg11[%add3A_28, %dma_wait3A_227] : memref<10240x16xf32, #tpu.memory_space<vmem_shared>> -> memref<128x16xf32, #tpu.memory_space<vmem_shared>>
      %dma_wait3A_229 = arith.constant 0 : i32
      %dma_wait3A_230 = arith.constant 0 : i32
      %dma_wait3A_231 = tpu.memref_slice %arg9[%run_scoped3A_29, %dma_wait3A_229, %dma_wait3A_230] : memref<5x128x16xf32, #tpu.memory_space<vmem>> -> memref<1x128x16xf32, #tpu.memory_space<vmem>>
      %dma_wait3A_232 = tpu.memref_squeeze %dma_wait3A_231 : memref<1x128x16xf32, #tpu.memory_space<vmem>> -> memref<128x16xf32, #tpu.memory_space<vmem>>
      tpu.wait_dma2 semaphore(%run_scoped3A_208 : memref<!tpu.dma_semaphore, #tpu.memory_space<semaphore_mem>>) src(%dma_wait3A_232 : memref<128x16xf32, #tpu.memory_space<vmem>>) dst(%dma_wait3A_228 : memref<128x16xf32, #tpu.memory_space<vmem_shared>>)
      tpu.yield
    }) : () -> ()
    %add3A_30 = arith.constant 128 : i32
    %add3A_31 = arith.addi %mul3A_22, %add3A_30 : i32
    "tpu.region"() ({
      %run_scoped3A_208 = tpu.sem_alloc : memref<!tpu.dma_semaphore, #tpu.memory_space<semaphore_mem>>
      %dma_start3A_209 = arith.constant 0 : i32
      %dma_start3A_210 = tpu.memref_slice %arg12[%add3A_31, %dma_start3A_209] : memref<10240x16xf32, #tpu.memory_space<vmem_shared>> -> memref<128x16xf32, #tpu.memory_space<vmem_shared>>
      %dma_start3A_211 = arith.constant 0 : i32
      %dma_start3A_212 = tpu.memref_slice %arg12[%add3A_31, %dma_start3A_211] : memref<10240x16xf32, #tpu.memory_space<vmem_shared>> -> memref<128x16xf32, #tpu.memory_space<vmem_shared>>
      tpu.enqueue_dma source(%arg10 : memref<128x16xf32, #tpu.memory_space<vmem>>) target(%dma_start3A_212 : memref<128x16xf32, #tpu.memory_space<vmem_shared>>) target_semaphore(%run_scoped3A_208 : memref<!tpu.dma_semaphore, #tpu.memory_space<semaphore_mem>>)
      %dma_wait3A_213 = arith.constant 0 : i32
      %dma_wait3A_214 = tpu.memref_slice %arg12[%add3A_31, %dma_wait3A_213] : memref<10240x16xf32, #tpu.memory_space<vmem_shared>> -> memref<128x16xf32, #tpu.memory_space<vmem_shared>>
      %dma_wait3A_215 = arith.constant 0 : i32
      %dma_wait3A_216 = tpu.memref_slice %arg12[%add3A_31, %dma_wait3A_215] : memref<10240x16xf32, #tpu.memory_space<vmem_shared>> -> memref<128x16xf32, #tpu.memory_space<vmem_shared>>
      tpu.wait_dma2 semaphore(%run_scoped3A_208 : memref<!tpu.dma_semaphore, #tpu.memory_space<semaphore_mem>>) src(%arg10 : memref<128x16xf32, #tpu.memory_space<vmem>>) dst(%dma_wait3A_216 : memref<128x16xf32, #tpu.memory_space<vmem_shared>>)
      tpu.yield
    }) : () -> ()
    %add3A_32 = arith.constant 256 : i32
    %add3A_33 = arith.addi %mul3A_22, %add3A_32 : i32
    %run_scoped3A_34 = arith.constant 0 : i32
    "tpu.region"() ({
      %run_scoped3A_208 = tpu.sem_alloc : memref<!tpu.dma_semaphore, #tpu.memory_space<semaphore_mem>>
      %dma_start3A_209 = arith.constant 0 : i32
      %dma_start3A_210 = arith.constant 0 : i32
      %dma_start3A_211 = tpu.memref_slice %arg9[%run_scoped3A_34, %dma_start3A_209, %dma_start3A_210] : memref<5x128x16xf32, #tpu.memory_space<vmem>> -> memref<1x128x16xf32, #tpu.memory_space<vmem>>
      %dma_start3A_212 = tpu.memref_squeeze %dma_start3A_211 : memref<1x128x16xf32, #tpu.memory_space<vmem>> -> memref<128x16xf32, #tpu.memory_space<vmem>>
      %dma_start3A_213 = arith.constant 0 : i32
      %dma_start3A_214 = tpu.memref_slice %arg11[%add3A_33, %dma_start3A_213] : memref<10240x16xf32, #tpu.memory_space<vmem_shared>> -> memref<128x16xf32, #tpu.memory_space<vmem_shared>>
      %dma_start3A_215 = arith.constant 0 : i32
      %dma_start3A_216 = tpu.memref_slice %arg11[%add3A_33, %dma_start3A_215] : memref<10240x16xf32, #tpu.memory_space<vmem_shared>> -> memref<128x16xf32, #tpu.memory_space<vmem_shared>>
      %dma_start3A_217 = arith.constant 0 : i32
      %dma_start3A_218 = arith.constant 0 : i32
      %dma_start3A_219 = tpu.memref_slice %arg9[%run_scoped3A_34, %dma_start3A_217, %dma_start3A_218] : memref<5x128x16xf32, #tpu.memory_space<vmem>> -> memref<1x128x16xf32, #tpu.memory_space<vmem>>
      %dma_start3A_220 = tpu.memref_squeeze %dma_start3A_219 : memref<1x128x16xf32, #tpu.memory_space<vmem>> -> memref<128x16xf32, #tpu.memory_space<vmem>>
      tpu.enqueue_dma source(%dma_start3A_220 : memref<128x16xf32, #tpu.memory_space<vmem>>) target(%dma_start3A_216 : memref<128x16xf32, #tpu.memory_space<vmem_shared>>) target_semaphore(%run_scoped3A_208 : memref<!tpu.dma_semaphore, #tpu.memory_space<semaphore_mem>>)
      %dma_wait3A_221 = arith.constant 0 : i32
      %dma_wait3A_222 = arith.constant 0 : i32
      %dma_wait3A_223 = tpu.memref_slice %arg9[%run_scoped3A_34, %dma_wait3A_221, %dma_wait3A_222] : memref<5x128x16xf32, #tpu.memory_space<vmem>> -> memref<1x128x16xf32, #tpu.memory_space<vmem>>
      %dma_wait3A_224 = tpu.memref_squeeze %dma_wait3A_223 : memref<1x128x16xf32, #tpu.memory_space<vmem>> -> memref<128x16xf32, #tpu.memory_space<vmem>>
      %dma_wait3A_225 = arith.constant 0 : i32
      %dma_wait3A_226 = tpu.memref_slice %arg11[%add3A_33, %dma_wait3A_225] : memref<10240x16xf32, #tpu.memory_space<vmem_shared>> -> memref<128x16xf32, #tpu.memory_space<vmem_shared>>
      %dma_wait3A_227 = arith.constant 0 : i32
      %dma_wait3A_228 = tpu.memref_slice %arg11[%add3A_33, %dma_wait3A_227] : memref<10240x16xf32, #tpu.memory_space<vmem_shared>> -> memref<128x16xf32, #tpu.memory_space<vmem_shared>>
      %dma_wait3A_229 = arith.constant 0 : i32
      %dma_wait3A_230 = arith.constant 0 : i32
      %dma_wait3A_231 = tpu.memref_slice %arg9[%run_scoped3A_34, %dma_wait3A_229, %dma_wait3A_230] : memref<5x128x16xf32, #tpu.memory_space<vmem>> -> memref<1x128x16xf32, #tpu.memory_space<vmem>>
      %dma_wait3A_232 = tpu.memref_squeeze %dma_wait3A_231 : memref<1x128x16xf32, #tpu.memory_space<vmem>> -> memref<128x16xf32, #tpu.memory_space<vmem>>
      tpu.wait_dma2 semaphore(%run_scoped3A_208 : memref<!tpu.dma_semaphore, #tpu.memory_space<semaphore_mem>>) src(%dma_wait3A_232 : memref<128x16xf32, #tpu.memory_space<vmem>>) dst(%dma_wait3A_228 : memref<128x16xf32, #tpu.memory_space<vmem_shared>>)
      tpu.yield
    }) : () -> ()
    %add3A_35 = arith.constant 256 : i32
    %add3A_36 = arith.addi %mul3A_22, %add3A_35 : i32
    "tpu.region"() ({
      %run_scoped3A_208 = tpu.sem_alloc : memref<!tpu.dma_semaphore, #tpu.memory_space<semaphore_mem>>
      %dma_start3A_209 = arith.constant 0 : i32
      %dma_start3A_210 = tpu.memref_slice %arg12[%add3A_36, %dma_start3A_209] : memref<10240x16xf32, #tpu.memory_space<vmem_shared>> -> memref<128x16xf32, #tpu.memory_space<vmem_shared>>
      %dma_start3A_211 = arith.constant 0 : i32
      %dma_start3A_212 = tpu.memref_slice %arg12[%add3A_36, %dma_start3A_211] : memref<10240x16xf32, #tpu.memory_space<vmem_shared>> -> memref<128x16xf32, #tpu.memory_space<vmem_shared>>
      tpu.enqueue_dma source(%arg10 : memref<128x16xf32, #tpu.memory_space<vmem>>) target(%dma_start3A_212 : memref<128x16xf32, #tpu.memory_space<vmem_shared>>) target_semaphore(%run_scoped3A_208 : memref<!tpu.dma_semaphore, #tpu.memory_space<semaphore_mem>>)
      %dma_wait3A_213 = arith.constant 0 : i32
      %dma_wait3A_214 = tpu.memref_slice %arg12[%add3A_36, %dma_wait3A_213] : memref<10240x16xf32, #tpu.memory_space<vmem_shared>> -> memref<128x16xf32, #tpu.memory_space<vmem_shared>>
      %dma_wait3A_215 = arith.constant 0 : i32
      %dma_wait3A_216 = tpu.memref_slice %arg12[%add3A_36, %dma_wait3A_215] : memref<10240x16xf32, #tpu.memory_space<vmem_shared>> -> memref<128x16xf32, #tpu.memory_space<vmem_shared>>
      tpu.wait_dma2 semaphore(%run_scoped3A_208 : memref<!tpu.dma_semaphore, #tpu.memory_space<semaphore_mem>>) src(%arg10 : memref<128x16xf32, #tpu.memory_space<vmem>>) dst(%dma_wait3A_216 : memref<128x16xf32, #tpu.memory_space<vmem_shared>>)
      tpu.yield
    }) : () -> ()
    %add3A_37 = arith.constant 384 : i32
    %add3A_38 = arith.addi %mul3A_22, %add3A_37 : i32
    %run_scoped3A_39 = arith.constant 0 : i32
    "tpu.region"() ({
      %run_scoped3A_208 = tpu.sem_alloc : memref<!tpu.dma_semaphore, #tpu.memory_space<semaphore_mem>>
      %dma_start3A_209 = arith.constant 0 : i32
      %dma_start3A_210 = arith.constant 0 : i32
      %dma_start3A_211 = tpu.memref_slice %arg9[%run_scoped3A_39, %dma_start3A_209, %dma_start3A_210] : memref<5x128x16xf32, #tpu.memory_space<vmem>> -> memref<1x128x16xf32, #tpu.memory_space<vmem>>
      %dma_start3A_212 = tpu.memref_squeeze %dma_start3A_211 : memref<1x128x16xf32, #tpu.memory_space<vmem>> -> memref<128x16xf32, #tpu.memory_space<vmem>>
      %dma_start3A_213 = arith.constant 0 : i32
      %dma_start3A_214 = tpu.memref_slice %arg11[%add3A_38, %dma_start3A_213] : memref<10240x16xf32, #tpu.memory_space<vmem_shared>> -> memref<128x16xf32, #tpu.memory_space<vmem_shared>>
      %dma_start3A_215 = arith.constant 0 : i32
      %dma_start3A_216 = tpu.memref_slice %arg11[%add3A_38, %dma_start3A_215] : memref<10240x16xf32, #tpu.memory_space<vmem_shared>> -> memref<128x16xf32, #tpu.memory_space<vmem_shared>>
      %dma_start3A_217 = arith.constant 0 : i32
      %dma_start3A_218 = arith.constant 0 : i32
      %dma_start3A_219 = tpu.memref_slice %arg9[%run_scoped3A_39, %dma_start3A_217, %dma_start3A_218] : memref<5x128x16xf32, #tpu.memory_space<vmem>> -> memref<1x128x16xf32, #tpu.memory_space<vmem>>
      %dma_start3A_220 = tpu.memref_squeeze %dma_start3A_219 : memref<1x128x16xf32, #tpu.memory_space<vmem>> -> memref<128x16xf32, #tpu.memory_space<vmem>>
      tpu.enqueue_dma source(%dma_start3A_220 : memref<128x16xf32, #tpu.memory_space<vmem>>) target(%dma_start3A_216 : memref<128x16xf32, #tpu.memory_space<vmem_shared>>) target_semaphore(%run_scoped3A_208 : memref<!tpu.dma_semaphore, #tpu.memory_space<semaphore_mem>>)
      %dma_wait3A_221 = arith.constant 0 : i32
      %dma_wait3A_222 = arith.constant 0 : i32
      %dma_wait3A_223 = tpu.memref_slice %arg9[%run_scoped3A_39, %dma_wait3A_221, %dma_wait3A_222] : memref<5x128x16xf32, #tpu.memory_space<vmem>> -> memref<1x128x16xf32, #tpu.memory_space<vmem>>
      %dma_wait3A_224 = tpu.memref_squeeze %dma_wait3A_223 : memref<1x128x16xf32, #tpu.memory_space<vmem>> -> memref<128x16xf32, #tpu.memory_space<vmem>>
      %dma_wait3A_225 = arith.constant 0 : i32
      %dma_wait3A_226 = tpu.memref_slice %arg11[%add3A_38, %dma_wait3A_225] : memref<10240x16xf32, #tpu.memory_space<vmem_shared>> -> memref<128x16xf32, #tpu.memory_space<vmem_shared>>
      %dma_wait3A_227 = arith.constant 0 : i32
      %dma_wait3A_228 = tpu.memref_slice %arg11[%add3A_38, %dma_wait3A_227] : memref<10240x16xf32, #tpu.memory_space<vmem_shared>> -> memref<128x16xf32, #tpu.memory_space<vmem_shared>>
      %dma_wait3A_229 = arith.constant 0 : i32
      %dma_wait3A_230 = arith.constant 0 : i32
      %dma_wait3A_231 = tpu.memref_slice %arg9[%run_scoped3A_39, %dma_wait3A_229, %dma_wait3A_230] : memref<5x128x16xf32, #tpu.memory_space<vmem>> -> memref<1x128x16xf32, #tpu.memory_space<vmem>>
      %dma_wait3A_232 = tpu.memref_squeeze %dma_wait3A_231 : memref<1x128x16xf32, #tpu.memory_space<vmem>> -> memref<128x16xf32, #tpu.memory_space<vmem>>
      tpu.wait_dma2 semaphore(%run_scoped3A_208 : memref<!tpu.dma_semaphore, #tpu.memory_space<semaphore_mem>>) src(%dma_wait3A_232 : memref<128x16xf32, #tpu.memory_space<vmem>>) dst(%dma_wait3A_228 : memref<128x16xf32, #tpu.memory_space<vmem_shared>>)
      tpu.yield
    }) : () -> ()
    %add3A_40 = arith.constant 384 : i32
    %add3A_41 = arith.addi %mul3A_22, %add3A_40 : i32
    "tpu.region"() ({
      %run_scoped3A_208 = tpu.sem_alloc : memref<!tpu.dma_semaphore, #tpu.memory_space<semaphore_mem>>
      %dma_start3A_209 = arith.constant 0 : i32
      %dma_start3A_210 = tpu.memref_slice %arg12[%add3A_41, %dma_start3A_209] : memref<10240x16xf32, #tpu.memory_space<vmem_shared>> -> memref<128x16xf32, #tpu.memory_space<vmem_shared>>
      %dma_start3A_211 = arith.constant 0 : i32
      %dma_start3A_212 = tpu.memref_slice %arg12[%add3A_41, %dma_start3A_211] : memref<10240x16xf32, #tpu.memory_space<vmem_shared>> -> memref<128x16xf32, #tpu.memory_space<vmem_shared>>
      tpu.enqueue_dma source(%arg10 : memref<128x16xf32, #tpu.memory_space<vmem>>) target(%dma_start3A_212 : memref<128x16xf32, #tpu.memory_space<vmem_shared>>) target_semaphore(%run_scoped3A_208 : memref<!tpu.dma_semaphore, #tpu.memory_space<semaphore_mem>>)
      %dma_wait3A_213 = arith.constant 0 : i32
      %dma_wait3A_214 = tpu.memref_slice %arg12[%add3A_41, %dma_wait3A_213] : memref<10240x16xf32, #tpu.memory_space<vmem_shared>> -> memref<128x16xf32, #tpu.memory_space<vmem_shared>>
      %dma_wait3A_215 = arith.constant 0 : i32
      %dma_wait3A_216 = tpu.memref_slice %arg12[%add3A_41, %dma_wait3A_215] : memref<10240x16xf32, #tpu.memory_space<vmem_shared>> -> memref<128x16xf32, #tpu.memory_space<vmem_shared>>
      tpu.wait_dma2 semaphore(%run_scoped3A_208 : memref<!tpu.dma_semaphore, #tpu.memory_space<semaphore_mem>>) src(%arg10 : memref<128x16xf32, #tpu.memory_space<vmem>>) dst(%dma_wait3A_216 : memref<128x16xf32, #tpu.memory_space<vmem_shared>>)
      tpu.yield
    }) : () -> ()
    %add3A_42 = arith.constant 512 : i32
    %add3A_43 = arith.addi %mul3A_22, %add3A_42 : i32
    %run_scoped3A_44 = arith.constant 0 : i32
    "tpu.region"() ({
      %run_scoped3A_208 = tpu.sem_alloc : memref<!tpu.dma_semaphore, #tpu.memory_space<semaphore_mem>>
      %dma_start3A_209 = arith.constant 0 : i32
      %dma_start3A_210 = arith.constant 0 : i32
      %dma_start3A_211 = tpu.memref_slice %arg9[%run_scoped3A_44, %dma_start3A_209, %dma_start3A_210] : memref<5x128x16xf32, #tpu.memory_space<vmem>> -> memref<1x128x16xf32, #tpu.memory_space<vmem>>
      %dma_start3A_212 = tpu.memref_squeeze %dma_start3A_211 : memref<1x128x16xf32, #tpu.memory_space<vmem>> -> memref<128x16xf32, #tpu.memory_space<vmem>>
      %dma_start3A_213 = arith.constant 0 : i32
      %dma_start3A_214 = tpu.memref_slice %arg11[%add3A_43, %dma_start3A_213] : memref<10240x16xf32, #tpu.memory_space<vmem_shared>> -> memref<128x16xf32, #tpu.memory_space<vmem_shared>>
      %dma_start3A_215 = arith.constant 0 : i32
      %dma_start3A_216 = tpu.memref_slice %arg11[%add3A_43, %dma_start3A_215] : memref<10240x16xf32, #tpu.memory_space<vmem_shared>> -> memref<128x16xf32, #tpu.memory_space<vmem_shared>>
      %dma_start3A_217 = arith.constant 0 : i32
      %dma_start3A_218 = arith.constant 0 : i32
      %dma_start3A_219 = tpu.memref_slice %arg9[%run_scoped3A_44, %dma_start3A_217, %dma_start3A_218] : memref<5x128x16xf32, #tpu.memory_space<vmem>> -> memref<1x128x16xf32, #tpu.memory_space<vmem>>
      %dma_start3A_220 = tpu.memref_squeeze %dma_start3A_219 : memref<1x128x16xf32, #tpu.memory_space<vmem>> -> memref<128x16xf32, #tpu.memory_space<vmem>>
      tpu.enqueue_dma source(%dma_start3A_220 : memref<128x16xf32, #tpu.memory_space<vmem>>) target(%dma_start3A_216 : memref<128x16xf32, #tpu.memory_space<vmem_shared>>) target_semaphore(%run_scoped3A_208 : memref<!tpu.dma_semaphore, #tpu.memory_space<semaphore_mem>>)
      %dma_wait3A_221 = arith.constant 0 : i32
      %dma_wait3A_222 = arith.constant 0 : i32
      %dma_wait3A_223 = tpu.memref_slice %arg9[%run_scoped3A_44, %dma_wait3A_221, %dma_wait3A_222] : memref<5x128x16xf32, #tpu.memory_space<vmem>> -> memref<1x128x16xf32, #tpu.memory_space<vmem>>
      %dma_wait3A_224 = tpu.memref_squeeze %dma_wait3A_223 : memref<1x128x16xf32, #tpu.memory_space<vmem>> -> memref<128x16xf32, #tpu.memory_space<vmem>>
      %dma_wait3A_225 = arith.constant 0 : i32
      %dma_wait3A_226 = tpu.memref_slice %arg11[%add3A_43, %dma_wait3A_225] : memref<10240x16xf32, #tpu.memory_space<vmem_shared>> -> memref<128x16xf32, #tpu.memory_space<vmem_shared>>
      %dma_wait3A_227 = arith.constant 0 : i32
      %dma_wait3A_228 = tpu.memref_slice %arg11[%add3A_43, %dma_wait3A_227] : memref<10240x16xf32, #tpu.memory_space<vmem_shared>> -> memref<128x16xf32, #tpu.memory_space<vmem_shared>>
      %dma_wait3A_229 = arith.constant 0 : i32
      %dma_wait3A_230 = arith.constant 0 : i32
      %dma_wait3A_231 = tpu.memref_slice %arg9[%run_scoped3A_44, %dma_wait3A_229, %dma_wait3A_230] : memref<5x128x16xf32, #tpu.memory_space<vmem>> -> memref<1x128x16xf32, #tpu.memory_space<vmem>>
      %dma_wait3A_232 = tpu.memref_squeeze %dma_wait3A_231 : memref<1x128x16xf32, #tpu.memory_space<vmem>> -> memref<128x16xf32, #tpu.memory_space<vmem>>
      tpu.wait_dma2 semaphore(%run_scoped3A_208 : memref<!tpu.dma_semaphore, #tpu.memory_space<semaphore_mem>>) src(%dma_wait3A_232 : memref<128x16xf32, #tpu.memory_space<vmem>>) dst(%dma_wait3A_228 : memref<128x16xf32, #tpu.memory_space<vmem_shared>>)
      tpu.yield
    }) : () -> ()
    %add3A_45 = arith.constant 512 : i32
    %add3A_46 = arith.addi %mul3A_22, %add3A_45 : i32
    "tpu.region"() ({
      %run_scoped3A_208 = tpu.sem_alloc : memref<!tpu.dma_semaphore, #tpu.memory_space<semaphore_mem>>
      %dma_start3A_209 = arith.constant 0 : i32
      %dma_start3A_210 = tpu.memref_slice %arg12[%add3A_46, %dma_start3A_209] : memref<10240x16xf32, #tpu.memory_space<vmem_shared>> -> memref<128x16xf32, #tpu.memory_space<vmem_shared>>
      %dma_start3A_211 = arith.constant 0 : i32
      %dma_start3A_212 = tpu.memref_slice %arg12[%add3A_46, %dma_start3A_211] : memref<10240x16xf32, #tpu.memory_space<vmem_shared>> -> memref<128x16xf32, #tpu.memory_space<vmem_shared>>
      tpu.enqueue_dma source(%arg10 : memref<128x16xf32, #tpu.memory_space<vmem>>) target(%dma_start3A_212 : memref<128x16xf32, #tpu.memory_space<vmem_shared>>) target_semaphore(%run_scoped3A_208 : memref<!tpu.dma_semaphore, #tpu.memory_space<semaphore_mem>>)
      %dma_wait3A_213 = arith.constant 0 : i32
      %dma_wait3A_214 = tpu.memref_slice %arg12[%add3A_46, %dma_wait3A_213] : memref<10240x16xf32, #tpu.memory_space<vmem_shared>> -> memref<128x16xf32, #tpu.memory_space<vmem_shared>>
      %dma_wait3A_215 = arith.constant 0 : i32
      %dma_wait3A_216 = tpu.memref_slice %arg12[%add3A_46, %dma_wait3A_215] : memref<10240x16xf32, #tpu.memory_space<vmem_shared>> -> memref<128x16xf32, #tpu.memory_space<vmem_shared>>
      tpu.wait_dma2 semaphore(%run_scoped3A_208 : memref<!tpu.dma_semaphore, #tpu.memory_space<semaphore_mem>>) src(%arg10 : memref<128x16xf32, #tpu.memory_space<vmem>>) dst(%dma_wait3A_216 : memref<128x16xf32, #tpu.memory_space<vmem_shared>>)
      tpu.yield
    }) : () -> ()
    %broadcast_in_dim3A_47 = arith.constant 1.000000e+00 : f32
    %broadcast_in_dim3A_48 = vector.broadcast %broadcast_in_dim3A_47 : f32 to vector<16xf32>
    %scan3A_49 = arith.constant 0 : i32
    %scan3A_50 = arith.constant 0 : i32
    %scan3A_51 = arith.constant 128 : i32
    %scan3A_52 = arith.addi %scan3A_50, %scan3A_51 : i32
    %scan3A_53 = arith.constant 1 : i32
    %scan3A_54 = scf.for %scan3A_208 = %scan3A_50 to %scan3A_52 step %scan3A_53 iter_args(%scan3A_209 = %scan3A_49) -> (i32)  : i32 {
      %swap3A = arith.index_cast %scan3A_208 : i32 to index
      %swap3A_210 = arith.constant 0 : index
      %swap3A_211 = tpu.vector_load %arg10[%swap3A, %swap3A_210] {strides = array<i32>} : memref<128x16xf32, #tpu.memory_space<vmem>>, vector<1x16xf32>,
      %swap3A_212 = vector.shape_cast %swap3A_211 : vector<1x16xf32> to vector<16xf32>
      %swap3A_213 = vector.shape_cast %broadcast_in_dim3A_48 : vector<16xf32> to vector<1x16xf32>
      tpu.vector_store %arg10[%swap3A, %swap3A_210], %swap3A_213 {strides = array<i32>} : memref<128x16xf32, #tpu.memory_space<vmem>>, vector<1x16xf32>,
      %scan3A_214 = arith.constant 0 : i32
      scf.yield %scan3A_214 : i32
    }
    %scan3A_55 = arith.constant 128 : i32
    %dma_start3A = arith.constant 0 : i32
    %dma_start3A_56 = arith.constant 0 : i32
    %dma_start3A_57 = arith.constant 0 : i32
    %dma_start3A_58 = arith.constant 0 : i32
    %dma_start3A_59 = tpu.memref_slice %arg9[%dma_start3A_56, %dma_start3A_57, %dma_start3A_58] : memref<5x128x16xf32, #tpu.memory_space<vmem>> -> memref<1x128x16xf32, #tpu.memory_space<vmem>>
    %dma_start3A_60 = tpu.memref_squeeze %dma_start3A_59 : memref<1x128x16xf32, #tpu.memory_space<vmem>> -> memref<128x16xf32, #tpu.memory_space<vmem>>
    %dma_start3A_61 = arith.constant 0 : i32
    %dma_start3A_62 = tpu.memref_slice %arg7[%dma_start3A, %dma_start3A_61] : memref<100x128xi32, #tpu.memory_space<vmem>> -> memref<1x128xi32, #tpu.memory_space<vmem>>
    %dma_start3A_63 = tpu.memref_squeeze %dma_start3A_62 : memref<1x128xi32, #tpu.memory_space<vmem>> -> memref<128xi32, #tpu.memory_space<vmem>>
    %dma_start3A_64 = arith.constant 0 : i32
    %dma_start3A_65 = arith.constant 0 : i32
    %dma_start3A_66 = tpu.memref_slice %arg2[%dma_start3A_64, %dma_start3A_65] : memref<10240x16xf32, #tpu.memory_space<hbm>> -> memref<10240x16xf32, #tpu.memory_space<hbm>>
    tpu.enqueue_indirect_dma source(%dma_start3A_66 : memref<10240x16xf32, #tpu.memory_space<hbm>>) target(%dma_start3A_60 : memref<128x16xf32, #tpu.memory_space<vmem>>) offsets(%dma_start3A_63 : memref<128xi32, #tpu.memory_space<vmem>>) semaphore(%arg13 : memref<!tpu.dma_semaphore, #tpu.memory_space<semaphore_mem>>)
    %dma_start3A_67 = arith.constant 1 : i32
    %dma_start3A_68 = arith.constant 1 : i32
    %dma_start3A_69 = arith.constant 0 : i32
    %dma_start3A_70 = arith.constant 0 : i32
    %dma_start3A_71 = tpu.memref_slice %arg9[%dma_start3A_68, %dma_start3A_69, %dma_start3A_70] : memref<5x128x16xf32, #tpu.memory_space<vmem>> -> memref<1x128x16xf32, #tpu.memory_space<vmem>>
    %dma_start3A_72 = tpu.memref_squeeze %dma_start3A_71 : memref<1x128x16xf32, #tpu.memory_space<vmem>> -> memref<128x16xf32, #tpu.memory_space<vmem>>
    %dma_start3A_73 = arith.constant 0 : i32
    %dma_start3A_74 = tpu.memref_slice %arg7[%dma_start3A_67, %dma_start3A_73] : memref<100x128xi32, #tpu.memory_space<vmem>> -> memref<1x128xi32, #tpu.memory_space<vmem>>
    %dma_start3A_75 = tpu.memref_squeeze %dma_start3A_74 : memref<1x128xi32, #tpu.memory_space<vmem>> -> memref<128xi32, #tpu.memory_space<vmem>>
    %dma_start3A_76 = arith.constant 0 : i32
    %dma_start3A_77 = arith.constant 0 : i32
    %dma_start3A_78 = tpu.memref_slice %arg2[%dma_start3A_76, %dma_start3A_77] : memref<10240x16xf32, #tpu.memory_space<hbm>> -> memref<10240x16xf32, #tpu.memory_space<hbm>>
    tpu.enqueue_indirect_dma source(%dma_start3A_78 : memref<10240x16xf32, #tpu.memory_space<hbm>>) target(%dma_start3A_72 : memref<128x16xf32, #tpu.memory_space<vmem>>) offsets(%dma_start3A_75 : memref<128xi32, #tpu.memory_space<vmem>>) semaphore(%arg13 : memref<!tpu.dma_semaphore, #tpu.memory_space<semaphore_mem>>)
    %dma_start3A_79 = arith.constant 2 : i32
    %dma_start3A_80 = arith.constant 2 : i32
    %dma_start3A_81 = arith.constant 0 : i32
    %dma_start3A_82 = arith.constant 0 : i32
    %dma_start3A_83 = tpu.memref_slice %arg9[%dma_start3A_80, %dma_start3A_81, %dma_start3A_82] : memref<5x128x16xf32, #tpu.memory_space<vmem>> -> memref<1x128x16xf32, #tpu.memory_space<vmem>>
    %dma_start3A_84 = tpu.memref_squeeze %dma_start3A_83 : memref<1x128x16xf32, #tpu.memory_space<vmem>> -> memref<128x16xf32, #tpu.memory_space<vmem>>
    %dma_start3A_85 = arith.constant 0 : i32
    %dma_start3A_86 = tpu.memref_slice %arg7[%dma_start3A_79, %dma_start3A_85] : memref<100x128xi32, #tpu.memory_space<vmem>> -> memref<1x128xi32, #tpu.memory_space<vmem>>
    %dma_start3A_87 = tpu.memref_squeeze %dma_start3A_86 : memref<1x128xi32, #tpu.memory_space<vmem>> -> memref<128xi32, #tpu.memory_space<vmem>>
    %dma_start3A_88 = arith.constant 0 : i32
    %dma_start3A_89 = arith.constant 0 : i32
    %dma_start3A_90 = tpu.memref_slice %arg2[%dma_start3A_88, %dma_start3A_89] : memref<10240x16xf32, #tpu.memory_space<hbm>> -> memref<10240x16xf32, #tpu.memory_space<hbm>>
    tpu.enqueue_indirect_dma source(%dma_start3A_90 : memref<10240x16xf32, #tpu.memory_space<hbm>>) target(%dma_start3A_84 : memref<128x16xf32, #tpu.memory_space<vmem>>) offsets(%dma_start3A_87 : memref<128xi32, #tpu.memory_space<vmem>>) semaphore(%arg13 : memref<!tpu.dma_semaphore, #tpu.memory_space<semaphore_mem>>)
    %dma_start3A_91 = arith.constant 3 : i32
    %dma_start3A_92 = arith.constant 3 : i32
    %dma_start3A_93 = arith.constant 0 : i32
    %dma_start3A_94 = arith.constant 0 : i32
    %dma_start3A_95 = tpu.memref_slice %arg9[%dma_start3A_92, %dma_start3A_93, %dma_start3A_94] : memref<5x128x16xf32, #tpu.memory_space<vmem>> -> memref<1x128x16xf32, #tpu.memory_space<vmem>>
    %dma_start3A_96 = tpu.memref_squeeze %dma_start3A_95 : memref<1x128x16xf32, #tpu.memory_space<vmem>> -> memref<128x16xf32, #tpu.memory_space<vmem>>
    %dma_start3A_97 = arith.constant 0 : i32
    %dma_start3A_98 = tpu.memref_slice %arg7[%dma_start3A_91, %dma_start3A_97] : memref<100x128xi32, #tpu.memory_space<vmem>> -> memref<1x128xi32, #tpu.memory_space<vmem>>
    %dma_start3A_99 = tpu.memref_squeeze %dma_start3A_98 : memref<1x128xi32, #tpu.memory_space<vmem>> -> memref<128xi32, #tpu.memory_space<vmem>>
    %dma_start3A_100 = arith.constant 0 : i32
    %dma_start3A_101 = arith.constant 0 : i32
    %dma_start3A_102 = tpu.memref_slice %arg2[%dma_start3A_100, %dma_start3A_101] : memref<10240x16xf32, #tpu.memory_space<hbm>> -> memref<10240x16xf32, #tpu.memory_space<hbm>>
    tpu.enqueue_indirect_dma source(%dma_start3A_102 : memref<10240x16xf32, #tpu.memory_space<hbm>>) target(%dma_start3A_96 : memref<128x16xf32, #tpu.memory_space<vmem>>) offsets(%dma_start3A_99 : memref<128xi32, #tpu.memory_space<vmem>>) semaphore(%arg13 : memref<!tpu.dma_semaphore, #tpu.memory_space<semaphore_mem>>)
    %dma_start3A_103 = arith.constant 4 : i32
    %dma_start3A_104 = arith.constant 4 : i32
    %dma_start3A_105 = arith.constant 0 : i32
    %dma_start3A_106 = arith.constant 0 : i32
    %dma_start3A_107 = tpu.memref_slice %arg9[%dma_start3A_104, %dma_start3A_105, %dma_start3A_106] : memref<5x128x16xf32, #tpu.memory_space<vmem>> -> memref<1x128x16xf32, #tpu.memory_space<vmem>>
    %dma_start3A_108 = tpu.memref_squeeze %dma_start3A_107 : memref<1x128x16xf32, #tpu.memory_space<vmem>> -> memref<128x16xf32, #tpu.memory_space<vmem>>
    %dma_start3A_109 = arith.constant 0 : i32
    %dma_start3A_110 = tpu.memref_slice %arg7[%dma_start3A_103, %dma_start3A_109] : memref<100x128xi32, #tpu.memory_space<vmem>> -> memref<1x128xi32, #tpu.memory_space<vmem>>
    %dma_start3A_111 = tpu.memref_squeeze %dma_start3A_110 : memref<1x128xi32, #tpu.memory_space<vmem>> -> memref<128xi32, #tpu.memory_space<vmem>>
    %dma_start3A_112 = arith.constant 0 : i32
    %dma_start3A_113 = arith.constant 0 : i32
    %dma_start3A_114 = tpu.memref_slice %arg2[%dma_start3A_112, %dma_start3A_113] : memref<10240x16xf32, #tpu.memory_space<hbm>> -> memref<10240x16xf32, #tpu.memory_space<hbm>>
    tpu.enqueue_indirect_dma source(%dma_start3A_114 : memref<10240x16xf32, #tpu.memory_space<hbm>>) target(%dma_start3A_108 : memref<128x16xf32, #tpu.memory_space<vmem>>) offsets(%dma_start3A_111 : memref<128xi32, #tpu.memory_space<vmem>>) semaphore(%arg13 : memref<!tpu.dma_semaphore, #tpu.memory_space<semaphore_mem>>)
    %barrier3A = arith.constant 0 : index
    tpu.barrier barrier_id(%barrier3A)
    %jit3A_115 = arith.constant 5 : i32
    %div3A = arith.divsi %select_n3A, %jit3A_115 : i32
    %sign3A = arith.constant 0 : i32
    %sign3A_116 = arith.cmpi sgt, %select_n3A, %sign3A : i32
    %sign3A_117 = arith.extui %sign3A_116 : i1 to i32
    %sign3A_118 = arith.constant 0 : i32
    %sign3A_119 = arith.cmpi slt, %select_n3A, %sign3A_118 : i32
    %sign3A_120 = arith.extui %sign3A_119 : i1 to i32
    %sign3A_121 = arith.subi %sign3A_117, %sign3A_120 : i32
    %sign3A_122 = arith.constant 0 : i32
    %sign3A_123 = arith.cmpi sgt, %jit3A_115, %sign3A_122 : i32
    %sign3A_124 = arith.extui %sign3A_123 : i1 to i32
    %sign3A_125 = arith.constant 0 : i32
    %sign3A_126 = arith.cmpi slt, %jit3A_115, %sign3A_125 : i32
    %sign3A_127 = arith.extui %sign3A_126 : i1 to i32
    %sign3A_128 = arith.subi %sign3A_124, %sign3A_127 : i32
    %ne3A = arith.cmpi ne, %sign3A_121, %sign3A_128 : i32
    %rem3A = arith.remsi %select_n3A, %jit3A_115 : i32
    %ne3A_129 = arith.constant 0 : i32
    %ne3A_130 = arith.cmpi ne, %rem3A, %ne3A_129 : i32
    %and3A = arith.andi %ne3A, %ne3A_130 : i1
    %sub3A = arith.constant 1 : i32
    %sub3A_131 = arith.subi %div3A, %sub3A : i32
    %select_n3A_132 = arith.select %and3A, %sub3A_131, %div3A : i32
    %while3A = arith.constant 0 : i32
    %while3A_133 = arith.constant 0 : i32
    %while3A_134 = arith.subi %select_n3A_132, %while3A : i32
    %while3A_135 = arith.addi %while3A, %while3A_134 : i32
    %while3A_136 = arith.constant 1 : i32
    %while3A_137 = arith.divsi %while3A_134, %while3A_136 : i32
    %while3A_138 = arith.muli %while3A_137, %while3A_136 : i32
    %while3A_139 = arith.addi %while3A, %while3A_138 : i32
    %while3A_140 = arith.constant 1 : i32
    %while3A_141 = scf.for %while3A_208 = %while3A to %while3A_139 step %while3A_140 iter_args(%while3A_209 = %while3A_133) -> (i32)  : i32 {
      %mul3A_210 = arith.constant 5 : i32
      %mul3A_211 = arith.muli %while3A_208, %mul3A_210 : i32
      %add3A_212 = arith.constant 0 : i32
      %add3A_213 = arith.addi %mul3A_211, %add3A_212 : i32
      %dma_wait3A_214 = arith.constant 0 : i32
      %dma_wait3A_215 = arith.constant 0 : i32
      %dma_wait3A_216 = arith.constant 0 : i32
      %dma_wait3A_217 = arith.constant 0 : i32
      %dma_wait3A_218 = tpu.memref_slice %arg9[%dma_wait3A_215, %dma_wait3A_216, %dma_wait3A_217] : memref<5x128x16xf32, #tpu.memory_space<vmem>> -> memref<1x128x16xf32, #tpu.memory_space<vmem>>
      %dma_wait3A_219 = tpu.memref_squeeze %dma_wait3A_218 : memref<1x128x16xf32, #tpu.memory_space<vmem>> -> memref<128x16xf32, #tpu.memory_space<vmem>>
      %dma_wait3A_220 = arith.constant 0 : i32
      %dma_wait3A_221 = tpu.memref_slice %arg7[%dma_wait3A_214, %dma_wait3A_220] : memref<100x128xi32, #tpu.memory_space<vmem>> -> memref<1x128xi32, #tpu.memory_space<vmem>>
      %dma_wait3A_222 = tpu.memref_squeeze %dma_wait3A_221 : memref<1x128xi32, #tpu.memory_space<vmem>> -> memref<128xi32, #tpu.memory_space<vmem>>
      %dma_wait3A_223 = arith.constant 0 : i32
      %dma_wait3A_224 = arith.constant 0 : i32
      %dma_wait3A_225 = tpu.memref_slice %arg2[%dma_wait3A_223, %dma_wait3A_224] : memref<10240x16xf32, #tpu.memory_space<hbm>> -> memref<10240x16xf32, #tpu.memory_space<hbm>>
      tpu.wait_indirect_dma semaphore(%arg13 : memref<!tpu.dma_semaphore, #tpu.memory_space<semaphore_mem>>) src(%dma_wait3A_225 : memref<10240x16xf32, #tpu.memory_space<hbm>>) dst(%dma_wait3A_219 : memref<128x16xf32, #tpu.memory_space<vmem>>)
      %dma_start3A_226 = arith.constant 0 : i32
      %dma_start3A_227 = arith.constant 0 : i32
      %dma_start3A_228 = arith.constant 0 : i32
      %dma_start3A_229 = tpu.memref_slice %arg9[%dma_start3A_226, %dma_start3A_227, %dma_start3A_228] : memref<5x128x16xf32, #tpu.memory_space<vmem>> -> memref<1x128x16xf32, #tpu.memory_space<vmem>>
      %dma_start3A_230 = tpu.memref_squeeze %dma_start3A_229 : memref<1x128x16xf32, #tpu.memory_space<vmem>> -> memref<128x16xf32, #tpu.memory_space<vmem>>
      %dma_start3A_231 = arith.constant 0 : i32
      %dma_start3A_232 = tpu.memref_slice %arg8[%add3A_213, %dma_start3A_231] : memref<100x128xi32, #tpu.memory_space<vmem>> -> memref<1x128xi32, #tpu.memory_space<vmem>>
      %dma_start3A_233 = tpu.memref_squeeze %dma_start3A_232 : memref<1x128xi32, #tpu.memory_space<vmem>> -> memref<128xi32, #tpu.memory_space<vmem>>
      %dma_start3A_234 = arith.constant 0 : i32
      %dma_start3A_235 = arith.constant 0 : i32
      %dma_start3A_236 = tpu.memref_slice %arg11[%dma_start3A_234, %dma_start3A_235] : memref<10240x16xf32, #tpu.memory_space<vmem_shared>> -> memref<10240x16xf32, #tpu.memory_space<vmem_shared>>
      tpu.enqueue_indirect_dma source(%dma_start3A_230 : memref<128x16xf32, #tpu.memory_space<vmem>>) target(%dma_start3A_236 : memref<10240x16xf32, #tpu.memory_space<vmem_shared>>) offsets(%dma_start3A_233 : memref<128xi32, #tpu.memory_space<vmem>>) semaphore(%arg14 : memref<!tpu.dma_semaphore, #tpu.memory_space<semaphore_mem>>) {add = true}
      %dma_start3A_237 = arith.constant 0 : i32
      %dma_start3A_238 = tpu.memref_slice %arg8[%add3A_213, %dma_start3A_237] : memref<100x128xi32, #tpu.memory_space<vmem>> -> memref<1x128xi32, #tpu.memory_space<vmem>>
      %dma_start3A_239 = tpu.memref_squeeze %dma_start3A_238 : memref<1x128xi32, #tpu.memory_space<vmem>> -> memref<128xi32, #tpu.memory_space<vmem>>
      %dma_start3A_240 = arith.constant 0 : i32
      %dma_start3A_241 = arith.constant 0 : i32
      %dma_start3A_242 = tpu.memref_slice %arg12[%dma_start3A_240, %dma_start3A_241] : memref<10240x16xf32, #tpu.memory_space<vmem_shared>> -> memref<10240x16xf32, #tpu.memory_space<vmem_shared>>
      tpu.enqueue_indirect_dma source(%arg10 : memref<128x16xf32, #tpu.memory_space<vmem>>) target(%dma_start3A_242 : memref<10240x16xf32, #tpu.memory_space<vmem_shared>>) offsets(%dma_start3A_239 : memref<128xi32, #tpu.memory_space<vmem>>) semaphore(%arg15 : memref<!tpu.dma_semaphore, #tpu.memory_space<semaphore_mem>>) {add = true}
      %ge3A = arith.constant 1 : i32
      %ge3A_243 = arith.cmpi sge, %add3A_213, %ge3A : i32
      %convert_element_type3A_244 = arith.extui %ge3A_243 : i1 to i32
      %cond3A_245 = arith.constant 0 : i32
      %cond3A_246 = arith.cmpi ne, %convert_element_type3A_244, %cond3A_245 : i32
      scf.if %cond3A_246 {
        %dma_wait3A_454 = arith.constant 4 : i32
        %dma_wait3A_455 = arith.constant 0 : i32
        %dma_wait3A_456 = arith.constant 0 : i32
        %dma_wait3A_457 = arith.constant 0 : i32
        %dma_wait3A_458 = tpu.memref_slice %arg9[%dma_wait3A_454, %dma_wait3A_456, %dma_wait3A_457] : memref<5x128x16xf32, #tpu.memory_space<vmem>> -> memref<1x128x16xf32, #tpu.memory_space<vmem>>
        %dma_wait3A_459 = tpu.memref_squeeze %dma_wait3A_458 : memref<1x128x16xf32, #tpu.memory_space<vmem>> -> memref<128x16xf32, #tpu.memory_space<vmem>>
        %dma_wait3A_460 = arith.constant 0 : i32
        %dma_wait3A_461 = tpu.memref_slice %arg8[%dma_wait3A_455, %dma_wait3A_460] : memref<100x128xi32, #tpu.memory_space<vmem>> -> memref<1x128xi32, #tpu.memory_space<vmem>>
        %dma_wait3A_462 = tpu.memref_squeeze %dma_wait3A_461 : memref<1x128xi32, #tpu.memory_space<vmem>> -> memref<128xi32, #tpu.memory_space<vmem>>
        %dma_wait3A_463 = arith.constant 0 : i32
        %dma_wait3A_464 = arith.constant 0 : i32
        %dma_wait3A_465 = tpu.memref_slice %arg11[%dma_wait3A_463, %dma_wait3A_464] : memref<10240x16xf32, #tpu.memory_space<vmem_shared>> -> memref<10240x16xf32, #tpu.memory_space<vmem_shared>>
        tpu.wait_indirect_dma semaphore(%arg14 : memref<!tpu.dma_semaphore, #tpu.memory_space<semaphore_mem>>) src(%dma_wait3A_459 : memref<128x16xf32, #tpu.memory_space<vmem>>) dst(%dma_wait3A_465 : memref<10240x16xf32, #tpu.memory_space<vmem_shared>>)
      } else {
      }
      %ge3A_247 = arith.constant 1 : i32
      %ge3A_248 = arith.cmpi sge, %add3A_213, %ge3A_247 : i32
      %sub3A_249 = arith.constant 1 : i32
      %sub3A_250 = arith.subi %add3A_213, %sub3A_249 : i32
      %add3A_251 = arith.constant 5 : i32
      %add3A_252 = arith.addi %sub3A_250, %add3A_251 : i32
      %lt3A = arith.cmpi slt, %add3A_252, %select_n3A : i32
      %and3A_253 = arith.andi %ge3A_248, %lt3A : i1
      %convert_element_type3A_254 = arith.extui %and3A_253 : i1 to i32
      %cond3A_255 = arith.constant 0 : i32
      %cond3A_256 = arith.cmpi ne, %convert_element_type3A_254, %cond3A_255 : i32
      scf.if %cond3A_256 {
        %sub3A_454 = arith.constant 1 : i32
        %sub3A_455 = arith.subi %add3A_213, %sub3A_454 : i32
        %add3A_456 = arith.constant 5 : i32
        %add3A_457 = arith.addi %sub3A_455, %add3A_456 : i32
        %dma_start3A_458 = arith.constant 4 : i32
        %dma_start3A_459 = arith.constant 0 : i32
        %dma_start3A_460 = arith.constant 0 : i32
        %dma_start3A_461 = tpu.memref_slice %arg9[%dma_start3A_458, %dma_start3A_459, %dma_start3A_460] : memref<5x128x16xf32, #tpu.memory_space<vmem>> -> memref<1x128x16xf32, #tpu.memory_space<vmem>>
        %dma_start3A_462 = tpu.memref_squeeze %dma_start3A_461 : memref<1x128x16xf32, #tpu.memory_space<vmem>> -> memref<128x16xf32, #tpu.memory_space<vmem>>
        %dma_start3A_463 = arith.constant 0 : i32
        %dma_start3A_464 = tpu.memref_slice %arg7[%add3A_457, %dma_start3A_463] : memref<100x128xi32, #tpu.memory_space<vmem>> -> memref<1x128xi32, #tpu.memory_space<vmem>>
        %dma_start3A_465 = tpu.memref_squeeze %dma_start3A_464 : memref<1x128xi32, #tpu.memory_space<vmem>> -> memref<128xi32, #tpu.memory_space<vmem>>
        %dma_start3A_466 = arith.constant 0 : i32
        %dma_start3A_467 = arith.constant 0 : i32
        %dma_start3A_468 = tpu.memref_slice %arg2[%dma_start3A_466, %dma_start3A_467] : memref<10240x16xf32, #tpu.memory_space<hbm>> -> memref<10240x16xf32, #tpu.memory_space<hbm>>
        tpu.enqueue_indirect_dma source(%dma_start3A_468 : memref<10240x16xf32, #tpu.memory_space<hbm>>) target(%dma_start3A_462 : memref<128x16xf32, #tpu.memory_space<vmem>>) offsets(%dma_start3A_465 : memref<128xi32, #tpu.memory_space<vmem>>) semaphore(%arg13 : memref<!tpu.dma_semaphore, #tpu.memory_space<semaphore_mem>>)
      } else {
      }
      %mul3A_257 = arith.constant 5 : i32
      %mul3A_258 = arith.muli %while3A_208, %mul3A_257 : i32
      %add3A_259 = arith.constant 1 : i32
      %add3A_260 = arith.addi %mul3A_258, %add3A_259 : i32
      %dma_wait3A_261 = arith.constant 0 : i32
      %dma_wait3A_262 = arith.constant 1 : i32
      %dma_wait3A_263 = arith.constant 0 : i32
      %dma_wait3A_264 = arith.constant 0 : i32
      %dma_wait3A_265 = tpu.memref_slice %arg9[%dma_wait3A_262, %dma_wait3A_263, %dma_wait3A_264] : memref<5x128x16xf32, #tpu.memory_space<vmem>> -> memref<1x128x16xf32, #tpu.memory_space<vmem>>
      %dma_wait3A_266 = tpu.memref_squeeze %dma_wait3A_265 : memref<1x128x16xf32, #tpu.memory_space<vmem>> -> memref<128x16xf32, #tpu.memory_space<vmem>>
      %dma_wait3A_267 = arith.constant 0 : i32
      %dma_wait3A_268 = tpu.memref_slice %arg7[%dma_wait3A_261, %dma_wait3A_267] : memref<100x128xi32, #tpu.memory_space<vmem>> -> memref<1x128xi32, #tpu.memory_space<vmem>>
      %dma_wait3A_269 = tpu.memref_squeeze %dma_wait3A_268 : memref<1x128xi32, #tpu.memory_space<vmem>> -> memref<128xi32, #tpu.memory_space<vmem>>
      %dma_wait3A_270 = arith.constant 0 : i32
      %dma_wait3A_271 = arith.constant 0 : i32
      %dma_wait3A_272 = tpu.memref_slice %arg2[%dma_wait3A_270, %dma_wait3A_271] : memref<10240x16xf32, #tpu.memory_space<hbm>> -> memref<10240x16xf32, #tpu.memory_space<hbm>>
      tpu.wait_indirect_dma semaphore(%arg13 : memref<!tpu.dma_semaphore, #tpu.memory_space<semaphore_mem>>) src(%dma_wait3A_272 : memref<10240x16xf32, #tpu.memory_space<hbm>>) dst(%dma_wait3A_266 : memref<128x16xf32, #tpu.memory_space<vmem>>)
      %dma_start3A_273 = arith.constant 1 : i32
      %dma_start3A_274 = arith.constant 0 : i32
      %dma_start3A_275 = arith.constant 0 : i32
      %dma_start3A_276 = tpu.memref_slice %arg9[%dma_start3A_273, %dma_start3A_274, %dma_start3A_275] : memref<5x128x16xf32, #tpu.memory_space<vmem>> -> memref<1x128x16xf32, #tpu.memory_space<vmem>>
      %dma_start3A_277 = tpu.memref_squeeze %dma_start3A_276 : memref<1x128x16xf32, #tpu.memory_space<vmem>> -> memref<128x16xf32, #tpu.memory_space<vmem>>
      %dma_start3A_278 = arith.constant 0 : i32
      %dma_start3A_279 = tpu.memref_slice %arg8[%add3A_260, %dma_start3A_278] : memref<100x128xi32, #tpu.memory_space<vmem>> -> memref<1x128xi32, #tpu.memory_space<vmem>>
      %dma_start3A_280 = tpu.memref_squeeze %dma_start3A_279 : memref<1x128xi32, #tpu.memory_space<vmem>> -> memref<128xi32, #tpu.memory_space<vmem>>
      %dma_start3A_281 = arith.constant 0 : i32
      %dma_start3A_282 = arith.constant 0 : i32
      %dma_start3A_283 = tpu.memref_slice %arg11[%dma_start3A_281, %dma_start3A_282] : memref<10240x16xf32, #tpu.memory_space<vmem_shared>> -> memref<10240x16xf32, #tpu.memory_space<vmem_shared>>
      tpu.enqueue_indirect_dma source(%dma_start3A_277 : memref<128x16xf32, #tpu.memory_space<vmem>>) target(%dma_start3A_283 : memref<10240x16xf32, #tpu.memory_space<vmem_shared>>) offsets(%dma_start3A_280 : memref<128xi32, #tpu.memory_space<vmem>>) semaphore(%arg14 : memref<!tpu.dma_semaphore, #tpu.memory_space<semaphore_mem>>) {add = true}
      %dma_start3A_284 = arith.constant 0 : i32
      %dma_start3A_285 = tpu.memref_slice %arg8[%add3A_260, %dma_start3A_284] : memref<100x128xi32, #tpu.memory_space<vmem>> -> memref<1x128xi32, #tpu.memory_space<vmem>>
      %dma_start3A_286 = tpu.memref_squeeze %dma_start3A_285 : memref<1x128xi32, #tpu.memory_space<vmem>> -> memref<128xi32, #tpu.memory_space<vmem>>
      %dma_start3A_287 = arith.constant 0 : i32
      %dma_start3A_288 = arith.constant 0 : i32
      %dma_start3A_289 = tpu.memref_slice %arg12[%dma_start3A_287, %dma_start3A_288] : memref<10240x16xf32, #tpu.memory_space<vmem_shared>> -> memref<10240x16xf32, #tpu.memory_space<vmem_shared>>
      tpu.enqueue_indirect_dma source(%arg10 : memref<128x16xf32, #tpu.memory_space<vmem>>) target(%dma_start3A_289 : memref<10240x16xf32, #tpu.memory_space<vmem_shared>>) offsets(%dma_start3A_286 : memref<128xi32, #tpu.memory_space<vmem>>) semaphore(%arg15 : memref<!tpu.dma_semaphore, #tpu.memory_space<semaphore_mem>>) {add = true}
      %ge3A_290 = arith.constant 1 : i32
      %ge3A_291 = arith.cmpi sge, %add3A_260, %ge3A_290 : i32
      %convert_element_type3A_292 = arith.extui %ge3A_291 : i1 to i32
      %cond3A_293 = arith.constant 0 : i32
      %cond3A_294 = arith.cmpi ne, %convert_element_type3A_292, %cond3A_293 : i32
      scf.if %cond3A_294 {
        %dma_wait3A_454 = arith.constant 0 : i32
        %dma_wait3A_455 = arith.constant 0 : i32
        %dma_wait3A_456 = arith.constant 0 : i32
        %dma_wait3A_457 = arith.constant 0 : i32
        %dma_wait3A_458 = tpu.memref_slice %arg9[%dma_wait3A_454, %dma_wait3A_456, %dma_wait3A_457] : memref<5x128x16xf32, #tpu.memory_space<vmem>> -> memref<1x128x16xf32, #tpu.memory_space<vmem>>
        %dma_wait3A_459 = tpu.memref_squeeze %dma_wait3A_458 : memref<1x128x16xf32, #tpu.memory_space<vmem>> -> memref<128x16xf32, #tpu.memory_space<vmem>>
        %dma_wait3A_460 = arith.constant 0 : i32
        %dma_wait3A_461 = tpu.memref_slice %arg8[%dma_wait3A_455, %dma_wait3A_460] : memref<100x128xi32, #tpu.memory_space<vmem>> -> memref<1x128xi32, #tpu.memory_space<vmem>>
        %dma_wait3A_462 = tpu.memref_squeeze %dma_wait3A_461 : memref<1x128xi32, #tpu.memory_space<vmem>> -> memref<128xi32, #tpu.memory_space<vmem>>
        %dma_wait3A_463 = arith.constant 0 : i32
        %dma_wait3A_464 = arith.constant 0 : i32
        %dma_wait3A_465 = tpu.memref_slice %arg11[%dma_wait3A_463, %dma_wait3A_464] : memref<10240x16xf32, #tpu.memory_space<vmem_shared>> -> memref<10240x16xf32, #tpu.memory_space<vmem_shared>>
        tpu.wait_indirect_dma semaphore(%arg14 : memref<!tpu.dma_semaphore, #tpu.memory_space<semaphore_mem>>) src(%dma_wait3A_459 : memref<128x16xf32, #tpu.memory_space<vmem>>) dst(%dma_wait3A_465 : memref<10240x16xf32, #tpu.memory_space<vmem_shared>>)
      } else {
      }
      %ge3A_295 = arith.constant 1 : i32
      %ge3A_296 = arith.cmpi sge, %add3A_260, %ge3A_295 : i32
      %sub3A_297 = arith.constant 1 : i32
      %sub3A_298 = arith.subi %add3A_260, %sub3A_297 : i32
      %add3A_299 = arith.constant 5 : i32
      %add3A_300 = arith.addi %sub3A_298, %add3A_299 : i32
      %lt3A_301 = arith.cmpi slt, %add3A_300, %select_n3A : i32
      %and3A_302 = arith.andi %ge3A_296, %lt3A_301 : i1
      %convert_element_type3A_303 = arith.extui %and3A_302 : i1 to i32
      %cond3A_304 = arith.constant 0 : i32
      %cond3A_305 = arith.cmpi ne, %convert_element_type3A_303, %cond3A_304 : i32
      scf.if %cond3A_305 {
        %sub3A_454 = arith.constant 1 : i32
        %sub3A_455 = arith.subi %add3A_260, %sub3A_454 : i32
        %add3A_456 = arith.constant 5 : i32
        %add3A_457 = arith.addi %sub3A_455, %add3A_456 : i32
        %dma_start3A_458 = arith.constant 0 : i32
        %dma_start3A_459 = arith.constant 0 : i32
        %dma_start3A_460 = arith.constant 0 : i32
        %dma_start3A_461 = tpu.memref_slice %arg9[%dma_start3A_458, %dma_start3A_459, %dma_start3A_460] : memref<5x128x16xf32, #tpu.memory_space<vmem>> -> memref<1x128x16xf32, #tpu.memory_space<vmem>>
        %dma_start3A_462 = tpu.memref_squeeze %dma_start3A_461 : memref<1x128x16xf32, #tpu.memory_space<vmem>> -> memref<128x16xf32, #tpu.memory_space<vmem>>
        %dma_start3A_463 = arith.constant 0 : i32
        %dma_start3A_464 = tpu.memref_slice %arg7[%add3A_457, %dma_start3A_463] : memref<100x128xi32, #tpu.memory_space<vmem>> -> memref<1x128xi32, #tpu.memory_space<vmem>>
        %dma_start3A_465 = tpu.memref_squeeze %dma_start3A_464 : memref<1x128xi32, #tpu.memory_space<vmem>> -> memref<128xi32, #tpu.memory_space<vmem>>
        %dma_start3A_466 = arith.constant 0 : i32
        %dma_start3A_467 = arith.constant 0 : i32
        %dma_start3A_468 = tpu.memref_slice %arg2[%dma_start3A_466, %dma_start3A_467] : memref<10240x16xf32, #tpu.memory_space<hbm>> -> memref<10240x16xf32, #tpu.memory_space<hbm>>
        tpu.enqueue_indirect_dma source(%dma_start3A_468 : memref<10240x16xf32, #tpu.memory_space<hbm>>) target(%dma_start3A_462 : memref<128x16xf32, #tpu.memory_space<vmem>>) offsets(%dma_start3A_465 : memref<128xi32, #tpu.memory_space<vmem>>) semaphore(%arg13 : memref<!tpu.dma_semaphore, #tpu.memory_space<semaphore_mem>>)
      } else {
      }
      %mul3A_306 = arith.constant 5 : i32
      %mul3A_307 = arith.muli %while3A_208, %mul3A_306 : i32
      %add3A_308 = arith.constant 2 : i32
      %add3A_309 = arith.addi %mul3A_307, %add3A_308 : i32
      %dma_wait3A_310 = arith.constant 0 : i32
      %dma_wait3A_311 = arith.constant 2 : i32
      %dma_wait3A_312 = arith.constant 0 : i32
      %dma_wait3A_313 = arith.constant 0 : i32
      %dma_wait3A_314 = tpu.memref_slice %arg9[%dma_wait3A_311, %dma_wait3A_312, %dma_wait3A_313] : memref<5x128x16xf32, #tpu.memory_space<vmem>> -> memref<1x128x16xf32, #tpu.memory_space<vmem>>
      %dma_wait3A_315 = tpu.memref_squeeze %dma_wait3A_314 : memref<1x128x16xf32, #tpu.memory_space<vmem>> -> memref<128x16xf32, #tpu.memory_space<vmem>>
      %dma_wait3A_316 = arith.constant 0 : i32
      %dma_wait3A_317 = tpu.memref_slice %arg7[%dma_wait3A_310, %dma_wait3A_316] : memref<100x128xi32, #tpu.memory_space<vmem>> -> memref<1x128xi32, #tpu.memory_space<vmem>>
      %dma_wait3A_318 = tpu.memref_squeeze %dma_wait3A_317 : memref<1x128xi32, #tpu.memory_space<vmem>> -> memref<128xi32, #tpu.memory_space<vmem>>
      %dma_wait3A_319 = arith.constant 0 : i32
      %dma_wait3A_320 = arith.constant 0 : i32
      %dma_wait3A_321 = tpu.memref_slice %arg2[%dma_wait3A_319, %dma_wait3A_320] : memref<10240x16xf32, #tpu.memory_space<hbm>> -> memref<10240x16xf32, #tpu.memory_space<hbm>>
      tpu.wait_indirect_dma semaphore(%arg13 : memref<!tpu.dma_semaphore, #tpu.memory_space<semaphore_mem>>) src(%dma_wait3A_321 : memref<10240x16xf32, #tpu.memory_space<hbm>>) dst(%dma_wait3A_315 : memref<128x16xf32, #tpu.memory_space<vmem>>)
      %dma_start3A_322 = arith.constant 2 : i32
      %dma_start3A_323 = arith.constant 0 : i32
      %dma_start3A_324 = arith.constant 0 : i32
      %dma_start3A_325 = tpu.memref_slice %arg9[%dma_start3A_322, %dma_start3A_323, %dma_start3A_324] : memref<5x128x16xf32, #tpu.memory_space<vmem>> -> memref<1x128x16xf32, #tpu.memory_space<vmem>>
      %dma_start3A_326 = tpu.memref_squeeze %dma_start3A_325 : memref<1x128x16xf32, #tpu.memory_space<vmem>> -> memref<128x16xf32, #tpu.memory_space<vmem>>
      %dma_start3A_327 = arith.constant 0 : i32
      %dma_start3A_328 = tpu.memref_slice %arg8[%add3A_309, %dma_start3A_327] : memref<100x128xi32, #tpu.memory_space<vmem>> -> memref<1x128xi32, #tpu.memory_space<vmem>>
      %dma_start3A_329 = tpu.memref_squeeze %dma_start3A_328 : memref<1x128xi32, #tpu.memory_space<vmem>> -> memref<128xi32, #tpu.memory_space<vmem>>
      %dma_start3A_330 = arith.constant 0 : i32
      %dma_start3A_331 = arith.constant 0 : i32
      %dma_start3A_332 = tpu.memref_slice %arg11[%dma_start3A_330, %dma_start3A_331] : memref<10240x16xf32, #tpu.memory_space<vmem_shared>> -> memref<10240x16xf32, #tpu.memory_space<vmem_shared>>
      tpu.enqueue_indirect_dma source(%dma_start3A_326 : memref<128x16xf32, #tpu.memory_space<vmem>>) target(%dma_start3A_332 : memref<10240x16xf32, #tpu.memory_space<vmem_shared>>) offsets(%dma_start3A_329 : memref<128xi32, #tpu.memory_space<vmem>>) semaphore(%arg14 : memref<!tpu.dma_semaphore, #tpu.memory_space<semaphore_mem>>) {add = true}
      %dma_start3A_333 = arith.constant 0 : i32
      %dma_start3A_334 = tpu.memref_slice %arg8[%add3A_309, %dma_start3A_333] : memref<100x128xi32, #tpu.memory_space<vmem>> -> memref<1x128xi32, #tpu.memory_space<vmem>>
      %dma_start3A_335 = tpu.memref_squeeze %dma_start3A_334 : memref<1x128xi32, #tpu.memory_space<vmem>> -> memref<128xi32, #tpu.memory_space<vmem>>
      %dma_start3A_336 = arith.constant 0 : i32
      %dma_start3A_337 = arith.constant 0 : i32
      %dma_start3A_338 = tpu.memref_slice %arg12[%dma_start3A_336, %dma_start3A_337] : memref<10240x16xf32, #tpu.memory_space<vmem_shared>> -> memref<10240x16xf32, #tpu.memory_space<vmem_shared>>
      tpu.enqueue_indirect_dma source(%arg10 : memref<128x16xf32, #tpu.memory_space<vmem>>) target(%dma_start3A_338 : memref<10240x16xf32, #tpu.memory_space<vmem_shared>>) offsets(%dma_start3A_335 : memref<128xi32, #tpu.memory_space<vmem>>) semaphore(%arg15 : memref<!tpu.dma_semaphore, #tpu.memory_space<semaphore_mem>>) {add = true}
      %ge3A_339 = arith.constant 1 : i32
      %ge3A_340 = arith.cmpi sge, %add3A_309, %ge3A_339 : i32
      %convert_element_type3A_341 = arith.extui %ge3A_340 : i1 to i32
      %cond3A_342 = arith.constant 0 : i32
      %cond3A_343 = arith.cmpi ne, %convert_element_type3A_341, %cond3A_342 : i32
      scf.if %cond3A_343 {
        %dma_wait3A_454 = arith.constant 1 : i32
        %dma_wait3A_455 = arith.constant 0 : i32
        %dma_wait3A_456 = arith.constant 0 : i32
        %dma_wait3A_457 = arith.constant 0 : i32
        %dma_wait3A_458 = tpu.memref_slice %arg9[%dma_wait3A_454, %dma_wait3A_456, %dma_wait3A_457] : memref<5x128x16xf32, #tpu.memory_space<vmem>> -> memref<1x128x16xf32, #tpu.memory_space<vmem>>
        %dma_wait3A_459 = tpu.memref_squeeze %dma_wait3A_458 : memref<1x128x16xf32, #tpu.memory_space<vmem>> -> memref<128x16xf32, #tpu.memory_space<vmem>>
        %dma_wait3A_460 = arith.constant 0 : i32
        %dma_wait3A_461 = tpu.memref_slice %arg8[%dma_wait3A_455, %dma_wait3A_460] : memref<100x128xi32, #tpu.memory_space<vmem>> -> memref<1x128xi32, #tpu.memory_space<vmem>>
        %dma_wait3A_462 = tpu.memref_squeeze %dma_wait3A_461 : memref<1x128xi32, #tpu.memory_space<vmem>> -> memref<128xi32, #tpu.memory_space<vmem>>
        %dma_wait3A_463 = arith.constant 0 : i32
        %dma_wait3A_464 = arith.constant 0 : i32
        %dma_wait3A_465 = tpu.memref_slice %arg11[%dma_wait3A_463, %dma_wait3A_464] : memref<10240x16xf32, #tpu.memory_space<vmem_shared>> -> memref<10240x16xf32, #tpu.memory_space<vmem_shared>>
        tpu.wait_indirect_dma semaphore(%arg14 : memref<!tpu.dma_semaphore, #tpu.memory_space<semaphore_mem>>) src(%dma_wait3A_459 : memref<128x16xf32, #tpu.memory_space<vmem>>) dst(%dma_wait3A_465 : memref<10240x16xf32, #tpu.memory_space<vmem_shared>>)
      } else {
      }
      %ge3A_344 = arith.constant 1 : i32
      %ge3A_345 = arith.cmpi sge, %add3A_309, %ge3A_344 : i32
      %sub3A_346 = arith.constant 1 : i32
      %sub3A_347 = arith.subi %add3A_309, %sub3A_346 : i32
      %add3A_348 = arith.constant 5 : i32
      %add3A_349 = arith.addi %sub3A_347, %add3A_348 : i32
      %lt3A_350 = arith.cmpi slt, %add3A_349, %select_n3A : i32
      %and3A_351 = arith.andi %ge3A_345, %lt3A_350 : i1
      %convert_element_type3A_352 = arith.extui %and3A_351 : i1 to i32
      %cond3A_353 = arith.constant 0 : i32
      %cond3A_354 = arith.cmpi ne, %convert_element_type3A_352, %cond3A_353 : i32
      scf.if %cond3A_354 {
        %sub3A_454 = arith.constant 1 : i32
        %sub3A_455 = arith.subi %add3A_309, %sub3A_454 : i32
        %add3A_456 = arith.constant 5 : i32
        %add3A_457 = arith.addi %sub3A_455, %add3A_456 : i32
        %dma_start3A_458 = arith.constant 1 : i32
        %dma_start3A_459 = arith.constant 0 : i32
        %dma_start3A_460 = arith.constant 0 : i32
        %dma_start3A_461 = tpu.memref_slice %arg9[%dma_start3A_458, %dma_start3A_459, %dma_start3A_460] : memref<5x128x16xf32, #tpu.memory_space<vmem>> -> memref<1x128x16xf32, #tpu.memory_space<vmem>>
        %dma_start3A_462 = tpu.memref_squeeze %dma_start3A_461 : memref<1x128x16xf32, #tpu.memory_space<vmem>> -> memref<128x16xf32, #tpu.memory_space<vmem>>
        %dma_start3A_463 = arith.constant 0 : i32
        %dma_start3A_464 = tpu.memref_slice %arg7[%add3A_457, %dma_start3A_463] : memref<100x128xi32, #tpu.memory_space<vmem>> -> memref<1x128xi32, #tpu.memory_space<vmem>>
        %dma_start3A_465 = tpu.memref_squeeze %dma_start3A_464 : memref<1x128xi32, #tpu.memory_space<vmem>> -> memref<128xi32, #tpu.memory_space<vmem>>
        %dma_start3A_466 = arith.constant 0 : i32
        %dma_start3A_467 = arith.constant 0 : i32
        %dma_start3A_468 = tpu.memref_slice %arg2[%dma_start3A_466, %dma_start3A_467] : memref<10240x16xf32, #tpu.memory_space<hbm>> -> memref<10240x16xf32, #tpu.memory_space<hbm>>
        tpu.enqueue_indirect_dma source(%dma_start3A_468 : memref<10240x16xf32, #tpu.memory_space<hbm>>) target(%dma_start3A_462 : memref<128x16xf32, #tpu.memory_space<vmem>>) offsets(%dma_start3A_465 : memref<128xi32, #tpu.memory_space<vmem>>) semaphore(%arg13 : memref<!tpu.dma_semaphore, #tpu.memory_space<semaphore_mem>>)
      } else {
      }
      %mul3A_355 = arith.constant 5 : i32
      %mul3A_356 = arith.muli %while3A_208, %mul3A_355 : i32
      %add3A_357 = arith.constant 3 : i32
      %add3A_358 = arith.addi %mul3A_356, %add3A_357 : i32
      %dma_wait3A_359 = arith.constant 0 : i32
      %dma_wait3A_360 = arith.constant 3 : i32
      %dma_wait3A_361 = arith.constant 0 : i32
      %dma_wait3A_362 = arith.constant 0 : i32
      %dma_wait3A_363 = tpu.memref_slice %arg9[%dma_wait3A_360, %dma_wait3A_361, %dma_wait3A_362] : memref<5x128x16xf32, #tpu.memory_space<vmem>> -> memref<1x128x16xf32, #tpu.memory_space<vmem>>
      %dma_wait3A_364 = tpu.memref_squeeze %dma_wait3A_363 : memref<1x128x16xf32, #tpu.memory_space<vmem>> -> memref<128x16xf32, #tpu.memory_space<vmem>>
      %dma_wait3A_365 = arith.constant 0 : i32
      %dma_wait3A_366 = tpu.memref_slice %arg7[%dma_wait3A_359, %dma_wait3A_365] : memref<100x128xi32, #tpu.memory_space<vmem>> -> memref<1x128xi32, #tpu.memory_space<vmem>>
      %dma_wait3A_367 = tpu.memref_squeeze %dma_wait3A_366 : memref<1x128xi32, #tpu.memory_space<vmem>> -> memref<128xi32, #tpu.memory_space<vmem>>
      %dma_wait3A_368 = arith.constant 0 : i32
      %dma_wait3A_369 = arith.constant 0 : i32
      %dma_wait3A_370 = tpu.memref_slice %arg2[%dma_wait3A_368, %dma_wait3A_369] : memref<10240x16xf32, #tpu.memory_space<hbm>> -> memref<10240x16xf32, #tpu.memory_space<hbm>>
      tpu.wait_indirect_dma semaphore(%arg13 : memref<!tpu.dma_semaphore, #tpu.memory_space<semaphore_mem>>) src(%dma_wait3A_370 : memref<10240x16xf32, #tpu.memory_space<hbm>>) dst(%dma_wait3A_364 : memref<128x16xf32, #tpu.memory_space<vmem>>)
      %dma_start3A_371 = arith.constant 3 : i32
      %dma_start3A_372 = arith.constant 0 : i32
      %dma_start3A_373 = arith.constant 0 : i32
      %dma_start3A_374 = tpu.memref_slice %arg9[%dma_start3A_371, %dma_start3A_372, %dma_start3A_373] : memref<5x128x16xf32, #tpu.memory_space<vmem>> -> memref<1x128x16xf32, #tpu.memory_space<vmem>>
      %dma_start3A_375 = tpu.memref_squeeze %dma_start3A_374 : memref<1x128x16xf32, #tpu.memory_space<vmem>> -> memref<128x16xf32, #tpu.memory_space<vmem>>
      %dma_start3A_376 = arith.constant 0 : i32
      %dma_start3A_377 = tpu.memref_slice %arg8[%add3A_358, %dma_start3A_376] : memref<100x128xi32, #tpu.memory_space<vmem>> -> memref<1x128xi32, #tpu.memory_space<vmem>>
      %dma_start3A_378 = tpu.memref_squeeze %dma_start3A_377 : memref<1x128xi32, #tpu.memory_space<vmem>> -> memref<128xi32, #tpu.memory_space<vmem>>
      %dma_start3A_379 = arith.constant 0 : i32
      %dma_start3A_380 = arith.constant 0 : i32
      %dma_start3A_381 = tpu.memref_slice %arg11[%dma_start3A_379, %dma_start3A_380] : memref<10240x16xf32, #tpu.memory_space<vmem_shared>> -> memref<10240x16xf32, #tpu.memory_space<vmem_shared>>
      tpu.enqueue_indirect_dma source(%dma_start3A_375 : memref<128x16xf32, #tpu.memory_space<vmem>>) target(%dma_start3A_381 : memref<10240x16xf32, #tpu.memory_space<vmem_shared>>) offsets(%dma_start3A_378 : memref<128xi32, #tpu.memory_space<vmem>>) semaphore(%arg14 : memref<!tpu.dma_semaphore, #tpu.memory_space<semaphore_mem>>) {add = true}
      %dma_start3A_382 = arith.constant 0 : i32
      %dma_start3A_383 = tpu.memref_slice %arg8[%add3A_358, %dma_start3A_382] : memref<100x128xi32, #tpu.memory_space<vmem>> -> memref<1x128xi32, #tpu.memory_space<vmem>>
      %dma_start3A_384 = tpu.memref_squeeze %dma_start3A_383 : memref<1x128xi32, #tpu.memory_space<vmem>> -> memref<128xi32, #tpu.memory_space<vmem>>
      %dma_start3A_385 = arith.constant 0 : i32
      %dma_start3A_386 = arith.constant 0 : i32
      %dma_start3A_387 = tpu.memref_slice %arg12[%dma_start3A_385, %dma_start3A_386] : memref<10240x16xf32, #tpu.memory_space<vmem_shared>> -> memref<10240x16xf32, #tpu.memory_space<vmem_shared>>
      tpu.enqueue_indirect_dma source(%arg10 : memref<128x16xf32, #tpu.memory_space<vmem>>) target(%dma_start3A_387 : memref<10240x16xf32, #tpu.memory_space<vmem_shared>>) offsets(%dma_start3A_384 : memref<128xi32, #tpu.memory_space<vmem>>) semaphore(%arg15 : memref<!tpu.dma_semaphore, #tpu.memory_space<semaphore_mem>>) {add = true}
      %ge3A_388 = arith.constant 1 : i32
      %ge3A_389 = arith.cmpi sge, %add3A_358, %ge3A_388 : i32
      %convert_element_type3A_390 = arith.extui %ge3A_389 : i1 to i32
      %cond3A_391 = arith.constant 0 : i32
      %cond3A_392 = arith.cmpi ne, %convert_element_type3A_390, %cond3A_391 : i32
      scf.if %cond3A_392 {
        %dma_wait3A_454 = arith.constant 2 : i32
        %dma_wait3A_455 = arith.constant 0 : i32
        %dma_wait3A_456 = arith.constant 0 : i32
        %dma_wait3A_457 = arith.constant 0 : i32
        %dma_wait3A_458 = tpu.memref_slice %arg9[%dma_wait3A_454, %dma_wait3A_456, %dma_wait3A_457] : memref<5x128x16xf32, #tpu.memory_space<vmem>> -> memref<1x128x16xf32, #tpu.memory_space<vmem>>
        %dma_wait3A_459 = tpu.memref_squeeze %dma_wait3A_458 : memref<1x128x16xf32, #tpu.memory_space<vmem>> -> memref<128x16xf32, #tpu.memory_space<vmem>>
        %dma_wait3A_460 = arith.constant 0 : i32
        %dma_wait3A_461 = tpu.memref_slice %arg8[%dma_wait3A_455, %dma_wait3A_460] : memref<100x128xi32, #tpu.memory_space<vmem>> -> memref<1x128xi32, #tpu.memory_space<vmem>>
        %dma_wait3A_462 = tpu.memref_squeeze %dma_wait3A_461 : memref<1x128xi32, #tpu.memory_space<vmem>> -> memref<128xi32, #tpu.memory_space<vmem>>
        %dma_wait3A_463 = arith.constant 0 : i32
        %dma_wait3A_464 = arith.constant 0 : i32
        %dma_wait3A_465 = tpu.memref_slice %arg11[%dma_wait3A_463, %dma_wait3A_464] : memref<10240x16xf32, #tpu.memory_space<vmem_shared>> -> memref<10240x16xf32, #tpu.memory_space<vmem_shared>>
        tpu.wait_indirect_dma semaphore(%arg14 : memref<!tpu.dma_semaphore, #tpu.memory_space<semaphore_mem>>) src(%dma_wait3A_459 : memref<128x16xf32, #tpu.memory_space<vmem>>) dst(%dma_wait3A_465 : memref<10240x16xf32, #tpu.memory_space<vmem_shared>>)
      } else {
      }
      %ge3A_393 = arith.constant 1 : i32
      %ge3A_394 = arith.cmpi sge, %add3A_358, %ge3A_393 : i32
      %sub3A_395 = arith.constant 1 : i32
      %sub3A_396 = arith.subi %add3A_358, %sub3A_395 : i32
      %add3A_397 = arith.constant 5 : i32
      %add3A_398 = arith.addi %sub3A_396, %add3A_397 : i32
      %lt3A_399 = arith.cmpi slt, %add3A_398, %select_n3A : i32
      %and3A_400 = arith.andi %ge3A_394, %lt3A_399 : i1
      %convert_element_type3A_401 = arith.extui %and3A_400 : i1 to i32
      %cond3A_402 = arith.constant 0 : i32
      %cond3A_403 = arith.cmpi ne, %convert_element_type3A_401, %cond3A_402 : i32
      scf.if %cond3A_403 {
        %sub3A_454 = arith.constant 1 : i32
        %sub3A_455 = arith.subi %add3A_358, %sub3A_454 : i32
        %add3A_456 = arith.constant 5 : i32
        %add3A_457 = arith.addi %sub3A_455, %add3A_456 : i32
        %dma_start3A_458 = arith.constant 2 : i32
        %dma_start3A_459 = arith.constant 0 : i32
        %dma_start3A_460 = arith.constant 0 : i32
        %dma_start3A_461 = tpu.memref_slice %arg9[%dma_start3A_458, %dma_start3A_459, %dma_start3A_460] : memref<5x128x16xf32, #tpu.memory_space<vmem>> -> memref<1x128x16xf32, #tpu.memory_space<vmem>>
        %dma_start3A_462 = tpu.memref_squeeze %dma_start3A_461 : memref<1x128x16xf32, #tpu.memory_space<vmem>> -> memref<128x16xf32, #tpu.memory_space<vmem>>
        %dma_start3A_463 = arith.constant 0 : i32
        %dma_start3A_464 = tpu.memref_slice %arg7[%add3A_457, %dma_start3A_463] : memref<100x128xi32, #tpu.memory_space<vmem>> -> memref<1x128xi32, #tpu.memory_space<vmem>>
        %dma_start3A_465 = tpu.memref_squeeze %dma_start3A_464 : memref<1x128xi32, #tpu.memory_space<vmem>> -> memref<128xi32, #tpu.memory_space<vmem>>
        %dma_start3A_466 = arith.constant 0 : i32
        %dma_start3A_467 = arith.constant 0 : i32
        %dma_start3A_468 = tpu.memref_slice %arg2[%dma_start3A_466, %dma_start3A_467] : memref<10240x16xf32, #tpu.memory_space<hbm>> -> memref<10240x16xf32, #tpu.memory_space<hbm>>
        tpu.enqueue_indirect_dma source(%dma_start3A_468 : memref<10240x16xf32, #tpu.memory_space<hbm>>) target(%dma_start3A_462 : memref<128x16xf32, #tpu.memory_space<vmem>>) offsets(%dma_start3A_465 : memref<128xi32, #tpu.memory_space<vmem>>) semaphore(%arg13 : memref<!tpu.dma_semaphore, #tpu.memory_space<semaphore_mem>>)
      } else {
      }
      %mul3A_404 = arith.constant 5 : i32
      %mul3A_405 = arith.muli %while3A_208, %mul3A_404 : i32
      %add3A_406 = arith.constant 4 : i32
      %add3A_407 = arith.addi %mul3A_405, %add3A_406 : i32
      %dma_wait3A_408 = arith.constant 0 : i32
      %dma_wait3A_409 = arith.constant 4 : i32
      %dma_wait3A_410 = arith.constant 0 : i32
      %dma_wait3A_411 = arith.constant 0 : i32
      %dma_wait3A_412 = tpu.memref_slice %arg9[%dma_wait3A_409, %dma_wait3A_410, %dma_wait3A_411] : memref<5x128x16xf32, #tpu.memory_space<vmem>> -> memref<1x128x16xf32, #tpu.memory_space<vmem>>
      %dma_wait3A_413 = tpu.memref_squeeze %dma_wait3A_412 : memref<1x128x16xf32, #tpu.memory_space<vmem>> -> memref<128x16xf32, #tpu.memory_space<vmem>>
      %dma_wait3A_414 = arith.constant 0 : i32
      %dma_wait3A_415 = tpu.memref_slice %arg7[%dma_wait3A_408, %dma_wait3A_414] : memref<100x128xi32, #tpu.memory_space<vmem>> -> memref<1x128xi32, #tpu.memory_space<vmem>>
      %dma_wait3A_416 = tpu.memref_squeeze %dma_wait3A_415 : memref<1x128xi32, #tpu.memory_space<vmem>> -> memref<128xi32, #tpu.memory_space<vmem>>
      %dma_wait3A_417 = arith.constant 0 : i32
      %dma_wait3A_418 = arith.constant 0 : i32
      %dma_wait3A_419 = tpu.memref_slice %arg2[%dma_wait3A_417, %dma_wait3A_418] : memref<10240x16xf32, #tpu.memory_space<hbm>> -> memref<10240x16xf32, #tpu.memory_space<hbm>>
      tpu.wait_indirect_dma semaphore(%arg13 : memref<!tpu.dma_semaphore, #tpu.memory_space<semaphore_mem>>) src(%dma_wait3A_419 : memref<10240x16xf32, #tpu.memory_space<hbm>>) dst(%dma_wait3A_413 : memref<128x16xf32, #tpu.memory_space<vmem>>)
      %dma_start3A_420 = arith.constant 4 : i32
      %dma_start3A_421 = arith.constant 0 : i32
      %dma_start3A_422 = arith.constant 0 : i32
      %dma_start3A_423 = tpu.memref_slice %arg9[%dma_start3A_420, %dma_start3A_421, %dma_start3A_422] : memref<5x128x16xf32, #tpu.memory_space<vmem>> -> memref<1x128x16xf32, #tpu.memory_space<vmem>>
      %dma_start3A_424 = tpu.memref_squeeze %dma_start3A_423 : memref<1x128x16xf32, #tpu.memory_space<vmem>> -> memref<128x16xf32, #tpu.memory_space<vmem>>
      %dma_start3A_425 = arith.constant 0 : i32
      %dma_start3A_426 = tpu.memref_slice %arg8[%add3A_407, %dma_start3A_425] : memref<100x128xi32, #tpu.memory_space<vmem>> -> memref<1x128xi32, #tpu.memory_space<vmem>>
      %dma_start3A_427 = tpu.memref_squeeze %dma_start3A_426 : memref<1x128xi32, #tpu.memory_space<vmem>> -> memref<128xi32, #tpu.memory_space<vmem>>
      %dma_start3A_428 = arith.constant 0 : i32
      %dma_start3A_429 = arith.constant 0 : i32
      %dma_start3A_430 = tpu.memref_slice %arg11[%dma_start3A_428, %dma_start3A_429] : memref<10240x16xf32, #tpu.memory_space<vmem_shared>> -> memref<10240x16xf32, #tpu.memory_space<vmem_shared>>
      tpu.enqueue_indirect_dma source(%dma_start3A_424 : memref<128x16xf32, #tpu.memory_space<vmem>>) target(%dma_start3A_430 : memref<10240x16xf32, #tpu.memory_space<vmem_shared>>) offsets(%dma_start3A_427 : memref<128xi32, #tpu.memory_space<vmem>>) semaphore(%arg14 : memref<!tpu.dma_semaphore, #tpu.memory_space<semaphore_mem>>) {add = true}
      %dma_start3A_431 = arith.constant 0 : i32
      %dma_start3A_432 = tpu.memref_slice %arg8[%add3A_407, %dma_start3A_431] : memref<100x128xi32, #tpu.memory_space<vmem>> -> memref<1x128xi32, #tpu.memory_space<vmem>>
      %dma_start3A_433 = tpu.memref_squeeze %dma_start3A_432 : memref<1x128xi32, #tpu.memory_space<vmem>> -> memref<128xi32, #tpu.memory_space<vmem>>
      %dma_start3A_434 = arith.constant 0 : i32
      %dma_start3A_435 = arith.constant 0 : i32
      %dma_start3A_436 = tpu.memref_slice %arg12[%dma_start3A_434, %dma_start3A_435] : memref<10240x16xf32, #tpu.memory_space<vmem_shared>> -> memref<10240x16xf32, #tpu.memory_space<vmem_shared>>
      tpu.enqueue_indirect_dma source(%arg10 : memref<128x16xf32, #tpu.memory_space<vmem>>) target(%dma_start3A_436 : memref<10240x16xf32, #tpu.memory_space<vmem_shared>>) offsets(%dma_start3A_433 : memref<128xi32, #tpu.memory_space<vmem>>) semaphore(%arg15 : memref<!tpu.dma_semaphore, #tpu.memory_space<semaphore_mem>>) {add = true}
      %ge3A_437 = arith.constant 1 : i32
      %ge3A_438 = arith.cmpi sge, %add3A_407, %ge3A_437 : i32
      %convert_element_type3A_439 = arith.extui %ge3A_438 : i1 to i32
      %cond3A_440 = arith.constant 0 : i32
      %cond3A_441 = arith.cmpi ne, %convert_element_type3A_439, %cond3A_440 : i32
      scf.if %cond3A_441 {
        %dma_wait3A_454 = arith.constant 3 : i32
        %dma_wait3A_455 = arith.constant 0 : i32
        %dma_wait3A_456 = arith.constant 0 : i32
        %dma_wait3A_457 = arith.constant 0 : i32
        %dma_wait3A_458 = tpu.memref_slice %arg9[%dma_wait3A_454, %dma_wait3A_456, %dma_wait3A_457] : memref<5x128x16xf32, #tpu.memory_space<vmem>> -> memref<1x128x16xf32, #tpu.memory_space<vmem>>
        %dma_wait3A_459 = tpu.memref_squeeze %dma_wait3A_458 : memref<1x128x16xf32, #tpu.memory_space<vmem>> -> memref<128x16xf32, #tpu.memory_space<vmem>>
        %dma_wait3A_460 = arith.constant 0 : i32
        %dma_wait3A_461 = tpu.memref_slice %arg8[%dma_wait3A_455, %dma_wait3A_460] : memref<100x128xi32, #tpu.memory_space<vmem>> -> memref<1x128xi32, #tpu.memory_space<vmem>>
        %dma_wait3A_462 = tpu.memref_squeeze %dma_wait3A_461 : memref<1x128xi32, #tpu.memory_space<vmem>> -> memref<128xi32, #tpu.memory_space<vmem>>
        %dma_wait3A_463 = arith.constant 0 : i32
        %dma_wait3A_464 = arith.constant 0 : i32
        %dma_wait3A_465 = tpu.memref_slice %arg11[%dma_wait3A_463, %dma_wait3A_464] : memref<10240x16xf32, #tpu.memory_space<vmem_shared>> -> memref<10240x16xf32, #tpu.memory_space<vmem_shared>>
        tpu.wait_indirect_dma semaphore(%arg14 : memref<!tpu.dma_semaphore, #tpu.memory_space<semaphore_mem>>) src(%dma_wait3A_459 : memref<128x16xf32, #tpu.memory_space<vmem>>) dst(%dma_wait3A_465 : memref<10240x16xf32, #tpu.memory_space<vmem_shared>>)
      } else {
      }
      %ge3A_442 = arith.constant 1 : i32
      %ge3A_443 = arith.cmpi sge, %add3A_407, %ge3A_442 : i32
      %sub3A_444 = arith.constant 1 : i32
      %sub3A_445 = arith.subi %add3A_407, %sub3A_444 : i32
      %add3A_446 = arith.constant 5 : i32
      %add3A_447 = arith.addi %sub3A_445, %add3A_446 : i32
      %lt3A_448 = arith.cmpi slt, %add3A_447, %select_n3A : i32
      %and3A_449 = arith.andi %ge3A_443, %lt3A_448 : i1
      %convert_element_type3A_450 = arith.extui %and3A_449 : i1 to i32
      %cond3A_451 = arith.constant 0 : i32
      %cond3A_452 = arith.cmpi ne, %convert_element_type3A_450, %cond3A_451 : i32
      scf.if %cond3A_452 {
        %sub3A_454 = arith.constant 1 : i32
        %sub3A_455 = arith.subi %add3A_407, %sub3A_454 : i32
        %add3A_456 = arith.constant 5 : i32
        %add3A_457 = arith.addi %sub3A_455, %add3A_456 : i32
        %dma_start3A_458 = arith.constant 3 : i32
        %dma_start3A_459 = arith.constant 0 : i32
        %dma_start3A_460 = arith.constant 0 : i32
        %dma_start3A_461 = tpu.memref_slice %arg9[%dma_start3A_458, %dma_start3A_459, %dma_start3A_460] : memref<5x128x16xf32, #tpu.memory_space<vmem>> -> memref<1x128x16xf32, #tpu.memory_space<vmem>>
        %dma_start3A_462 = tpu.memref_squeeze %dma_start3A_461 : memref<1x128x16xf32, #tpu.memory_space<vmem>> -> memref<128x16xf32, #tpu.memory_space<vmem>>
        %dma_start3A_463 = arith.constant 0 : i32
        %dma_start3A_464 = tpu.memref_slice %arg7[%add3A_457, %dma_start3A_463] : memref<100x128xi32, #tpu.memory_space<vmem>> -> memref<1x128xi32, #tpu.memory_space<vmem>>
        %dma_start3A_465 = tpu.memref_squeeze %dma_start3A_464 : memref<1x128xi32, #tpu.memory_space<vmem>> -> memref<128xi32, #tpu.memory_space<vmem>>
        %dma_start3A_466 = arith.constant 0 : i32
        %dma_start3A_467 = arith.constant 0 : i32
        %dma_start3A_468 = tpu.memref_slice %arg2[%dma_start3A_466, %dma_start3A_467] : memref<10240x16xf32, #tpu.memory_space<hbm>> -> memref<10240x16xf32, #tpu.memory_space<hbm>>
        tpu.enqueue_indirect_dma source(%dma_start3A_468 : memref<10240x16xf32, #tpu.memory_space<hbm>>) target(%dma_start3A_462 : memref<128x16xf32, #tpu.memory_space<vmem>>) offsets(%dma_start3A_465 : memref<128xi32, #tpu.memory_space<vmem>>) semaphore(%arg13 : memref<!tpu.dma_semaphore, #tpu.memory_space<semaphore_mem>>)
      } else {
      }
      %while3A_453 = arith.constant 0 : i32
      scf.yield %while3A_453 : i32
    }
    %while3A_142 = arith.constant 1 : i32
    %while3A_143 = scf.for %while3A_208 = %while3A_139 to %while3A_135 step %while3A_142 iter_args(%while3A_209 = %while3A_141) -> (i32)  : i32 {
      %mul3A_210 = arith.constant 5 : i32
      %mul3A_211 = arith.muli %while3A_208, %mul3A_210 : i32
      %add3A_212 = arith.constant 0 : i32
      %add3A_213 = arith.addi %mul3A_211, %add3A_212 : i32
      %dma_wait3A_214 = arith.constant 0 : i32
      %dma_wait3A_215 = arith.constant 0 : i32
      %dma_wait3A_216 = arith.constant 0 : i32
      %dma_wait3A_217 = arith.constant 0 : i32
      %dma_wait3A_218 = tpu.memref_slice %arg9[%dma_wait3A_215, %dma_wait3A_216, %dma_wait3A_217] : memref<5x128x16xf32, #tpu.memory_space<vmem>> -> memref<1x128x16xf32, #tpu.memory_space<vmem>>
      %dma_wait3A_219 = tpu.memref_squeeze %dma_wait3A_218 : memref<1x128x16xf32, #tpu.memory_space<vmem>> -> memref<128x16xf32, #tpu.memory_space<vmem>>
      %dma_wait3A_220 = arith.constant 0 : i32
      %dma_wait3A_221 = tpu.memref_slice %arg7[%dma_wait3A_214, %dma_wait3A_220] : memref<100x128xi32, #tpu.memory_space<vmem>> -> memref<1x128xi32, #tpu.memory_space<vmem>>
      %dma_wait3A_222 = tpu.memref_squeeze %dma_wait3A_221 : memref<1x128xi32, #tpu.memory_space<vmem>> -> memref<128xi32, #tpu.memory_space<vmem>>
      %dma_wait3A_223 = arith.constant 0 : i32
      %dma_wait3A_224 = arith.constant 0 : i32
      %dma_wait3A_225 = tpu.memref_slice %arg2[%dma_wait3A_223, %dma_wait3A_224] : memref<10240x16xf32, #tpu.memory_space<hbm>> -> memref<10240x16xf32, #tpu.memory_space<hbm>>
      tpu.wait_indirect_dma semaphore(%arg13 : memref<!tpu.dma_semaphore, #tpu.memory_space<semaphore_mem>>) src(%dma_wait3A_225 : memref<10240x16xf32, #tpu.memory_space<hbm>>) dst(%dma_wait3A_219 : memref<128x16xf32, #tpu.memory_space<vmem>>)
      %dma_start3A_226 = arith.constant 0 : i32
      %dma_start3A_227 = arith.constant 0 : i32
      %dma_start3A_228 = arith.constant 0 : i32
      %dma_start3A_229 = tpu.memref_slice %arg9[%dma_start3A_226, %dma_start3A_227, %dma_start3A_228] : memref<5x128x16xf32, #tpu.memory_space<vmem>> -> memref<1x128x16xf32, #tpu.memory_space<vmem>>
      %dma_start3A_230 = tpu.memref_squeeze %dma_start3A_229 : memref<1x128x16xf32, #tpu.memory_space<vmem>> -> memref<128x16xf32, #tpu.memory_space<vmem>>
      %dma_start3A_231 = arith.constant 0 : i32
      %dma_start3A_232 = tpu.memref_slice %arg8[%add3A_213, %dma_start3A_231] : memref<100x128xi32, #tpu.memory_space<vmem>> -> memref<1x128xi32, #tpu.memory_space<vmem>>
      %dma_start3A_233 = tpu.memref_squeeze %dma_start3A_232 : memref<1x128xi32, #tpu.memory_space<vmem>> -> memref<128xi32, #tpu.memory_space<vmem>>
      %dma_start3A_234 = arith.constant 0 : i32
      %dma_start3A_235 = arith.constant 0 : i32
      %dma_start3A_236 = tpu.memref_slice %arg11[%dma_start3A_234, %dma_start3A_235] : memref<10240x16xf32, #tpu.memory_space<vmem_shared>> -> memref<10240x16xf32, #tpu.memory_space<vmem_shared>>
      tpu.enqueue_indirect_dma source(%dma_start3A_230 : memref<128x16xf32, #tpu.memory_space<vmem>>) target(%dma_start3A_236 : memref<10240x16xf32, #tpu.memory_space<vmem_shared>>) offsets(%dma_start3A_233 : memref<128xi32, #tpu.memory_space<vmem>>) semaphore(%arg14 : memref<!tpu.dma_semaphore, #tpu.memory_space<semaphore_mem>>) {add = true}
      %dma_start3A_237 = arith.constant 0 : i32
      %dma_start3A_238 = tpu.memref_slice %arg8[%add3A_213, %dma_start3A_237] : memref<100x128xi32, #tpu.memory_space<vmem>> -> memref<1x128xi32, #tpu.memory_space<vmem>>
      %dma_start3A_239 = tpu.memref_squeeze %dma_start3A_238 : memref<1x128xi32, #tpu.memory_space<vmem>> -> memref<128xi32, #tpu.memory_space<vmem>>
      %dma_start3A_240 = arith.constant 0 : i32
      %dma_start3A_241 = arith.constant 0 : i32
      %dma_start3A_242 = tpu.memref_slice %arg12[%dma_start3A_240, %dma_start3A_241] : memref<10240x16xf32, #tpu.memory_space<vmem_shared>> -> memref<10240x16xf32, #tpu.memory_space<vmem_shared>>
      tpu.enqueue_indirect_dma source(%arg10 : memref<128x16xf32, #tpu.memory_space<vmem>>) target(%dma_start3A_242 : memref<10240x16xf32, #tpu.memory_space<vmem_shared>>) offsets(%dma_start3A_239 : memref<128xi32, #tpu.memory_space<vmem>>) semaphore(%arg15 : memref<!tpu.dma_semaphore, #tpu.memory_space<semaphore_mem>>) {add = true}
      %ge3A = arith.constant 1 : i32
      %ge3A_243 = arith.cmpi sge, %add3A_213, %ge3A : i32
      %convert_element_type3A_244 = arith.extui %ge3A_243 : i1 to i32
      %cond3A_245 = arith.constant 0 : i32
      %cond3A_246 = arith.cmpi ne, %convert_element_type3A_244, %cond3A_245 : i32
      scf.if %cond3A_246 {
        %dma_wait3A_454 = arith.constant 4 : i32
        %dma_wait3A_455 = arith.constant 0 : i32
        %dma_wait3A_456 = arith.constant 0 : i32
        %dma_wait3A_457 = arith.constant 0 : i32
        %dma_wait3A_458 = tpu.memref_slice %arg9[%dma_wait3A_454, %dma_wait3A_456, %dma_wait3A_457] : memref<5x128x16xf32, #tpu.memory_space<vmem>> -> memref<1x128x16xf32, #tpu.memory_space<vmem>>
        %dma_wait3A_459 = tpu.memref_squeeze %dma_wait3A_458 : memref<1x128x16xf32, #tpu.memory_space<vmem>> -> memref<128x16xf32, #tpu.memory_space<vmem>>
        %dma_wait3A_460 = arith.constant 0 : i32
        %dma_wait3A_461 = tpu.memref_slice %arg8[%dma_wait3A_455, %dma_wait3A_460] : memref<100x128xi32, #tpu.memory_space<vmem>> -> memref<1x128xi32, #tpu.memory_space<vmem>>
        %dma_wait3A_462 = tpu.memref_squeeze %dma_wait3A_461 : memref<1x128xi32, #tpu.memory_space<vmem>> -> memref<128xi32, #tpu.memory_space<vmem>>
        %dma_wait3A_463 = arith.constant 0 : i32
        %dma_wait3A_464 = arith.constant 0 : i32
        %dma_wait3A_465 = tpu.memref_slice %arg11[%dma_wait3A_463, %dma_wait3A_464] : memref<10240x16xf32, #tpu.memory_space<vmem_shared>> -> memref<10240x16xf32, #tpu.memory_space<vmem_shared>>
        tpu.wait_indirect_dma semaphore(%arg14 : memref<!tpu.dma_semaphore, #tpu.memory_space<semaphore_mem>>) src(%dma_wait3A_459 : memref<128x16xf32, #tpu.memory_space<vmem>>) dst(%dma_wait3A_465 : memref<10240x16xf32, #tpu.memory_space<vmem_shared>>)
      } else {
      }
      %ge3A_247 = arith.constant 1 : i32
      %ge3A_248 = arith.cmpi sge, %add3A_213, %ge3A_247 : i32
      %sub3A_249 = arith.constant 1 : i32
      %sub3A_250 = arith.subi %add3A_213, %sub3A_249 : i32
      %add3A_251 = arith.constant 5 : i32
      %add3A_252 = arith.addi %sub3A_250, %add3A_251 : i32
      %lt3A = arith.cmpi slt, %add3A_252, %select_n3A : i32
      %and3A_253 = arith.andi %ge3A_248, %lt3A : i1
      %convert_element_type3A_254 = arith.extui %and3A_253 : i1 to i32
      %cond3A_255 = arith.constant 0 : i32
      %cond3A_256 = arith.cmpi ne, %convert_element_type3A_254, %cond3A_255 : i32
      scf.if %cond3A_256 {
        %sub3A_454 = arith.constant 1 : i32
        %sub3A_455 = arith.subi %add3A_213, %sub3A_454 : i32
        %add3A_456 = arith.constant 5 : i32
        %add3A_457 = arith.addi %sub3A_455, %add3A_456 : i32
        %dma_start3A_458 = arith.constant 4 : i32
        %dma_start3A_459 = arith.constant 0 : i32
        %dma_start3A_460 = arith.constant 0 : i32
        %dma_start3A_461 = tpu.memref_slice %arg9[%dma_start3A_458, %dma_start3A_459, %dma_start3A_460] : memref<5x128x16xf32, #tpu.memory_space<vmem>> -> memref<1x128x16xf32, #tpu.memory_space<vmem>>
        %dma_start3A_462 = tpu.memref_squeeze %dma_start3A_461 : memref<1x128x16xf32, #tpu.memory_space<vmem>> -> memref<128x16xf32, #tpu.memory_space<vmem>>
        %dma_start3A_463 = arith.constant 0 : i32
        %dma_start3A_464 = tpu.memref_slice %arg7[%add3A_457, %dma_start3A_463] : memref<100x128xi32, #tpu.memory_space<vmem>> -> memref<1x128xi32, #tpu.memory_space<vmem>>
        %dma_start3A_465 = tpu.memref_squeeze %dma_start3A_464 : memref<1x128xi32, #tpu.memory_space<vmem>> -> memref<128xi32, #tpu.memory_space<vmem>>
        %dma_start3A_466 = arith.constant 0 : i32
        %dma_start3A_467 = arith.constant 0 : i32
        %dma_start3A_468 = tpu.memref_slice %arg2[%dma_start3A_466, %dma_start3A_467] : memref<10240x16xf32, #tpu.memory_space<hbm>> -> memref<10240x16xf32, #tpu.memory_space<hbm>>
        tpu.enqueue_indirect_dma source(%dma_start3A_468 : memref<10240x16xf32, #tpu.memory_space<hbm>>) target(%dma_start3A_462 : memref<128x16xf32, #tpu.memory_space<vmem>>) offsets(%dma_start3A_465 : memref<128xi32, #tpu.memory_space<vmem>>) semaphore(%arg13 : memref<!tpu.dma_semaphore, #tpu.memory_space<semaphore_mem>>)
      } else {
      }
      %mul3A_257 = arith.constant 5 : i32
      %mul3A_258 = arith.muli %while3A_208, %mul3A_257 : i32
      %add3A_259 = arith.constant 1 : i32
      %add3A_260 = arith.addi %mul3A_258, %add3A_259 : i32
      %dma_wait3A_261 = arith.constant 0 : i32
      %dma_wait3A_262 = arith.constant 1 : i32
      %dma_wait3A_263 = arith.constant 0 : i32
      %dma_wait3A_264 = arith.constant 0 : i32
      %dma_wait3A_265 = tpu.memref_slice %arg9[%dma_wait3A_262, %dma_wait3A_263, %dma_wait3A_264] : memref<5x128x16xf32, #tpu.memory_space<vmem>> -> memref<1x128x16xf32, #tpu.memory_space<vmem>>
      %dma_wait3A_266 = tpu.memref_squeeze %dma_wait3A_265 : memref<1x128x16xf32, #tpu.memory_space<vmem>> -> memref<128x16xf32, #tpu.memory_space<vmem>>
      %dma_wait3A_267 = arith.constant 0 : i32
      %dma_wait3A_268 = tpu.memref_slice %arg7[%dma_wait3A_261, %dma_wait3A_267] : memref<100x128xi32, #tpu.memory_space<vmem>> -> memref<1x128xi32, #tpu.memory_space<vmem>>
      %dma_wait3A_269 = tpu.memref_squeeze %dma_wait3A_268 : memref<1x128xi32, #tpu.memory_space<vmem>> -> memref<128xi32, #tpu.memory_space<vmem>>
      %dma_wait3A_270 = arith.constant 0 : i32
      %dma_wait3A_271 = arith.constant 0 : i32
      %dma_wait3A_272 = tpu.memref_slice %arg2[%dma_wait3A_270, %dma_wait3A_271] : memref<10240x16xf32, #tpu.memory_space<hbm>> -> memref<10240x16xf32, #tpu.memory_space<hbm>>
      tpu.wait_indirect_dma semaphore(%arg13 : memref<!tpu.dma_semaphore, #tpu.memory_space<semaphore_mem>>) src(%dma_wait3A_272 : memref<10240x16xf32, #tpu.memory_space<hbm>>) dst(%dma_wait3A_266 : memref<128x16xf32, #tpu.memory_space<vmem>>)
      %dma_start3A_273 = arith.constant 1 : i32
      %dma_start3A_274 = arith.constant 0 : i32
      %dma_start3A_275 = arith.constant 0 : i32
      %dma_start3A_276 = tpu.memref_slice %arg9[%dma_start3A_273, %dma_start3A_274, %dma_start3A_275] : memref<5x128x16xf32, #tpu.memory_space<vmem>> -> memref<1x128x16xf32, #tpu.memory_space<vmem>>
      %dma_start3A_277 = tpu.memref_squeeze %dma_start3A_276 : memref<1x128x16xf32, #tpu.memory_space<vmem>> -> memref<128x16xf32, #tpu.memory_space<vmem>>
      %dma_start3A_278 = arith.constant 0 : i32
      %dma_start3A_279 = tpu.memref_slice %arg8[%add3A_260, %dma_start3A_278] : memref<100x128xi32, #tpu.memory_space<vmem>> -> memref<1x128xi32, #tpu.memory_space<vmem>>
      %dma_start3A_280 = tpu.memref_squeeze %dma_start3A_279 : memref<1x128xi32, #tpu.memory_space<vmem>> -> memref<128xi32, #tpu.memory_space<vmem>>
      %dma_start3A_281 = arith.constant 0 : i32
      %dma_start3A_282 = arith.constant 0 : i32
      %dma_start3A_283 = tpu.memref_slice %arg11[%dma_start3A_281, %dma_start3A_282] : memref<10240x16xf32, #tpu.memory_space<vmem_shared>> -> memref<10240x16xf32, #tpu.memory_space<vmem_shared>>
      tpu.enqueue_indirect_dma source(%dma_start3A_277 : memref<128x16xf32, #tpu.memory_space<vmem>>) target(%dma_start3A_283 : memref<10240x16xf32, #tpu.memory_space<vmem_shared>>) offsets(%dma_start3A_280 : memref<128xi32, #tpu.memory_space<vmem>>) semaphore(%arg14 : memref<!tpu.dma_semaphore, #tpu.memory_space<semaphore_mem>>) {add = true}
      %dma_start3A_284 = arith.constant 0 : i32
      %dma_start3A_285 = tpu.memref_slice %arg8[%add3A_260, %dma_start3A_284] : memref<100x128xi32, #tpu.memory_space<vmem>> -> memref<1x128xi32, #tpu.memory_space<vmem>>
      %dma_start3A_286 = tpu.memref_squeeze %dma_start3A_285 : memref<1x128xi32, #tpu.memory_space<vmem>> -> memref<128xi32, #tpu.memory_space<vmem>>
      %dma_start3A_287 = arith.constant 0 : i32
      %dma_start3A_288 = arith.constant 0 : i32
      %dma_start3A_289 = tpu.memref_slice %arg12[%dma_start3A_287, %dma_start3A_288] : memref<10240x16xf32, #tpu.memory_space<vmem_shared>> -> memref<10240x16xf32, #tpu.memory_space<vmem_shared>>
      tpu.enqueue_indirect_dma source(%arg10 : memref<128x16xf32, #tpu.memory_space<vmem>>) target(%dma_start3A_289 : memref<10240x16xf32, #tpu.memory_space<vmem_shared>>) offsets(%dma_start3A_286 : memref<128xi32, #tpu.memory_space<vmem>>) semaphore(%arg15 : memref<!tpu.dma_semaphore, #tpu.memory_space<semaphore_mem>>) {add = true}
      %ge3A_290 = arith.constant 1 : i32
      %ge3A_291 = arith.cmpi sge, %add3A_260, %ge3A_290 : i32
      %convert_element_type3A_292 = arith.extui %ge3A_291 : i1 to i32
      %cond3A_293 = arith.constant 0 : i32
      %cond3A_294 = arith.cmpi ne, %convert_element_type3A_292, %cond3A_293 : i32
      scf.if %cond3A_294 {
        %dma_wait3A_454 = arith.constant 0 : i32
        %dma_wait3A_455 = arith.constant 0 : i32
        %dma_wait3A_456 = arith.constant 0 : i32
        %dma_wait3A_457 = arith.constant 0 : i32
        %dma_wait3A_458 = tpu.memref_slice %arg9[%dma_wait3A_454, %dma_wait3A_456, %dma_wait3A_457] : memref<5x128x16xf32, #tpu.memory_space<vmem>> -> memref<1x128x16xf32, #tpu.memory_space<vmem>>
        %dma_wait3A_459 = tpu.memref_squeeze %dma_wait3A_458 : memref<1x128x16xf32, #tpu.memory_space<vmem>> -> memref<128x16xf32, #tpu.memory_space<vmem>>
        %dma_wait3A_460 = arith.constant 0 : i32
        %dma_wait3A_461 = tpu.memref_slice %arg8[%dma_wait3A_455, %dma_wait3A_460] : memref<100x128xi32, #tpu.memory_space<vmem>> -> memref<1x128xi32, #tpu.memory_space<vmem>>
        %dma_wait3A_462 = tpu.memref_squeeze %dma_wait3A_461 : memref<1x128xi32, #tpu.memory_space<vmem>> -> memref<128xi32, #tpu.memory_space<vmem>>
        %dma_wait3A_463 = arith.constant 0 : i32
        %dma_wait3A_464 = arith.constant 0 : i32
        %dma_wait3A_465 = tpu.memref_slice %arg11[%dma_wait3A_463, %dma_wait3A_464] : memref<10240x16xf32, #tpu.memory_space<vmem_shared>> -> memref<10240x16xf32, #tpu.memory_space<vmem_shared>>
        tpu.wait_indirect_dma semaphore(%arg14 : memref<!tpu.dma_semaphore, #tpu.memory_space<semaphore_mem>>) src(%dma_wait3A_459 : memref<128x16xf32, #tpu.memory_space<vmem>>) dst(%dma_wait3A_465 : memref<10240x16xf32, #tpu.memory_space<vmem_shared>>)
      } else {
      }
      %ge3A_295 = arith.constant 1 : i32
      %ge3A_296 = arith.cmpi sge, %add3A_260, %ge3A_295 : i32
      %sub3A_297 = arith.constant 1 : i32
      %sub3A_298 = arith.subi %add3A_260, %sub3A_297 : i32
      %add3A_299 = arith.constant 5 : i32
      %add3A_300 = arith.addi %sub3A_298, %add3A_299 : i32
      %lt3A_301 = arith.cmpi slt, %add3A_300, %select_n3A : i32
      %and3A_302 = arith.andi %ge3A_296, %lt3A_301 : i1
      %convert_element_type3A_303 = arith.extui %and3A_302 : i1 to i32
      %cond3A_304 = arith.constant 0 : i32
      %cond3A_305 = arith.cmpi ne, %convert_element_type3A_303, %cond3A_304 : i32
      scf.if %cond3A_305 {
        %sub3A_454 = arith.constant 1 : i32
        %sub3A_455 = arith.subi %add3A_260, %sub3A_454 : i32
        %add3A_456 = arith.constant 5 : i32
        %add3A_457 = arith.addi %sub3A_455, %add3A_456 : i32
        %dma_start3A_458 = arith.constant 0 : i32
        %dma_start3A_459 = arith.constant 0 : i32
        %dma_start3A_460 = arith.constant 0 : i32
        %dma_start3A_461 = tpu.memref_slice %arg9[%dma_start3A_458, %dma_start3A_459, %dma_start3A_460] : memref<5x128x16xf32, #tpu.memory_space<vmem>> -> memref<1x128x16xf32, #tpu.memory_space<vmem>>
        %dma_start3A_462 = tpu.memref_squeeze %dma_start3A_461 : memref<1x128x16xf32, #tpu.memory_space<vmem>> -> memref<128x16xf32, #tpu.memory_space<vmem>>
        %dma_start3A_463 = arith.constant 0 : i32
        %dma_start3A_464 = tpu.memref_slice %arg7[%add3A_457, %dma_start3A_463] : memref<100x128xi32, #tpu.memory_space<vmem>> -> memref<1x128xi32, #tpu.memory_space<vmem>>
        %dma_start3A_465 = tpu.memref_squeeze %dma_start3A_464 : memref<1x128xi32, #tpu.memory_space<vmem>> -> memref<128xi32, #tpu.memory_space<vmem>>
        %dma_start3A_466 = arith.constant 0 : i32
        %dma_start3A_467 = arith.constant 0 : i32
        %dma_start3A_468 = tpu.memref_slice %arg2[%dma_start3A_466, %dma_start3A_467] : memref<10240x16xf32, #tpu.memory_space<hbm>> -> memref<10240x16xf32, #tpu.memory_space<hbm>>
        tpu.enqueue_indirect_dma source(%dma_start3A_468 : memref<10240x16xf32, #tpu.memory_space<hbm>>) target(%dma_start3A_462 : memref<128x16xf32, #tpu.memory_space<vmem>>) offsets(%dma_start3A_465 : memref<128xi32, #tpu.memory_space<vmem>>) semaphore(%arg13 : memref<!tpu.dma_semaphore, #tpu.memory_space<semaphore_mem>>)
      } else {
      }
      %mul3A_306 = arith.constant 5 : i32
      %mul3A_307 = arith.muli %while3A_208, %mul3A_306 : i32
      %add3A_308 = arith.constant 2 : i32
      %add3A_309 = arith.addi %mul3A_307, %add3A_308 : i32
      %dma_wait3A_310 = arith.constant 0 : i32
      %dma_wait3A_311 = arith.constant 2 : i32
      %dma_wait3A_312 = arith.constant 0 : i32
      %dma_wait3A_313 = arith.constant 0 : i32
      %dma_wait3A_314 = tpu.memref_slice %arg9[%dma_wait3A_311, %dma_wait3A_312, %dma_wait3A_313] : memref<5x128x16xf32, #tpu.memory_space<vmem>> -> memref<1x128x16xf32, #tpu.memory_space<vmem>>
      %dma_wait3A_315 = tpu.memref_squeeze %dma_wait3A_314 : memref<1x128x16xf32, #tpu.memory_space<vmem>> -> memref<128x16xf32, #tpu.memory_space<vmem>>
      %dma_wait3A_316 = arith.constant 0 : i32
      %dma_wait3A_317 = tpu.memref_slice %arg7[%dma_wait3A_310, %dma_wait3A_316] : memref<100x128xi32, #tpu.memory_space<vmem>> -> memref<1x128xi32, #tpu.memory_space<vmem>>
      %dma_wait3A_318 = tpu.memref_squeeze %dma_wait3A_317 : memref<1x128xi32, #tpu.memory_space<vmem>> -> memref<128xi32, #tpu.memory_space<vmem>>
      %dma_wait3A_319 = arith.constant 0 : i32
      %dma_wait3A_320 = arith.constant 0 : i32
      %dma_wait3A_321 = tpu.memref_slice %arg2[%dma_wait3A_319, %dma_wait3A_320] : memref<10240x16xf32, #tpu.memory_space<hbm>> -> memref<10240x16xf32, #tpu.memory_space<hbm>>
      tpu.wait_indirect_dma semaphore(%arg13 : memref<!tpu.dma_semaphore, #tpu.memory_space<semaphore_mem>>) src(%dma_wait3A_321 : memref<10240x16xf32, #tpu.memory_space<hbm>>) dst(%dma_wait3A_315 : memref<128x16xf32, #tpu.memory_space<vmem>>)
      %dma_start3A_322 = arith.constant 2 : i32
      %dma_start3A_323 = arith.constant 0 : i32
      %dma_start3A_324 = arith.constant 0 : i32
      %dma_start3A_325 = tpu.memref_slice %arg9[%dma_start3A_322, %dma_start3A_323, %dma_start3A_324] : memref<5x128x16xf32, #tpu.memory_space<vmem>> -> memref<1x128x16xf32, #tpu.memory_space<vmem>>
      %dma_start3A_326 = tpu.memref_squeeze %dma_start3A_325 : memref<1x128x16xf32, #tpu.memory_space<vmem>> -> memref<128x16xf32, #tpu.memory_space<vmem>>
      %dma_start3A_327 = arith.constant 0 : i32
      %dma_start3A_328 = tpu.memref_slice %arg8[%add3A_309, %dma_start3A_327] : memref<100x128xi32, #tpu.memory_space<vmem>> -> memref<1x128xi32, #tpu.memory_space<vmem>>
      %dma_start3A_329 = tpu.memref_squeeze %dma_start3A_328 : memref<1x128xi32, #tpu.memory_space<vmem>> -> memref<128xi32, #tpu.memory_space<vmem>>
      %dma_start3A_330 = arith.constant 0 : i32
      %dma_start3A_331 = arith.constant 0 : i32
      %dma_start3A_332 = tpu.memref_slice %arg11[%dma_start3A_330, %dma_start3A_331] : memref<10240x16xf32, #tpu.memory_space<vmem_shared>> -> memref<10240x16xf32, #tpu.memory_space<vmem_shared>>
      tpu.enqueue_indirect_dma source(%dma_start3A_326 : memref<128x16xf32, #tpu.memory_space<vmem>>) target(%dma_start3A_332 : memref<10240x16xf32, #tpu.memory_space<vmem_shared>>) offsets(%dma_start3A_329 : memref<128xi32, #tpu.memory_space<vmem>>) semaphore(%arg14 : memref<!tpu.dma_semaphore, #tpu.memory_space<semaphore_mem>>) {add = true}
      %dma_start3A_333 = arith.constant 0 : i32
      %dma_start3A_334 = tpu.memref_slice %arg8[%add3A_309, %dma_start3A_333] : memref<100x128xi32, #tpu.memory_space<vmem>> -> memref<1x128xi32, #tpu.memory_space<vmem>>
      %dma_start3A_335 = tpu.memref_squeeze %dma_start3A_334 : memref<1x128xi32, #tpu.memory_space<vmem>> -> memref<128xi32, #tpu.memory_space<vmem>>
      %dma_start3A_336 = arith.constant 0 : i32
      %dma_start3A_337 = arith.constant 0 : i32
      %dma_start3A_338 = tpu.memref_slice %arg12[%dma_start3A_336, %dma_start3A_337] : memref<10240x16xf32, #tpu.memory_space<vmem_shared>> -> memref<10240x16xf32, #tpu.memory_space<vmem_shared>>
      tpu.enqueue_indirect_dma source(%arg10 : memref<128x16xf32, #tpu.memory_space<vmem>>) target(%dma_start3A_338 : memref<10240x16xf32, #tpu.memory_space<vmem_shared>>) offsets(%dma_start3A_335 : memref<128xi32, #tpu.memory_space<vmem>>) semaphore(%arg15 : memref<!tpu.dma_semaphore, #tpu.memory_space<semaphore_mem>>) {add = true}
      %ge3A_339 = arith.constant 1 : i32
      %ge3A_340 = arith.cmpi sge, %add3A_309, %ge3A_339 : i32
      %convert_element_type3A_341 = arith.extui %ge3A_340 : i1 to i32
      %cond3A_342 = arith.constant 0 : i32
      %cond3A_343 = arith.cmpi ne, %convert_element_type3A_341, %cond3A_342 : i32
      scf.if %cond3A_343 {
        %dma_wait3A_454 = arith.constant 1 : i32
        %dma_wait3A_455 = arith.constant 0 : i32
        %dma_wait3A_456 = arith.constant 0 : i32
        %dma_wait3A_457 = arith.constant 0 : i32
        %dma_wait3A_458 = tpu.memref_slice %arg9[%dma_wait3A_454, %dma_wait3A_456, %dma_wait3A_457] : memref<5x128x16xf32, #tpu.memory_space<vmem>> -> memref<1x128x16xf32, #tpu.memory_space<vmem>>
        %dma_wait3A_459 = tpu.memref_squeeze %dma_wait3A_458 : memref<1x128x16xf32, #tpu.memory_space<vmem>> -> memref<128x16xf32, #tpu.memory_space<vmem>>
        %dma_wait3A_460 = arith.constant 0 : i32
        %dma_wait3A_461 = tpu.memref_slice %arg8[%dma_wait3A_455, %dma_wait3A_460] : memref<100x128xi32, #tpu.memory_space<vmem>> -> memref<1x128xi32, #tpu.memory_space<vmem>>
        %dma_wait3A_462 = tpu.memref_squeeze %dma_wait3A_461 : memref<1x128xi32, #tpu.memory_space<vmem>> -> memref<128xi32, #tpu.memory_space<vmem>>
        %dma_wait3A_463 = arith.constant 0 : i32
        %dma_wait3A_464 = arith.constant 0 : i32
        %dma_wait3A_465 = tpu.memref_slice %arg11[%dma_wait3A_463, %dma_wait3A_464] : memref<10240x16xf32, #tpu.memory_space<vmem_shared>> -> memref<10240x16xf32, #tpu.memory_space<vmem_shared>>
        tpu.wait_indirect_dma semaphore(%arg14 : memref<!tpu.dma_semaphore, #tpu.memory_space<semaphore_mem>>) src(%dma_wait3A_459 : memref<128x16xf32, #tpu.memory_space<vmem>>) dst(%dma_wait3A_465 : memref<10240x16xf32, #tpu.memory_space<vmem_shared>>)
      } else {
      }
      %ge3A_344 = arith.constant 1 : i32
      %ge3A_345 = arith.cmpi sge, %add3A_309, %ge3A_344 : i32
      %sub3A_346 = arith.constant 1 : i32
      %sub3A_347 = arith.subi %add3A_309, %sub3A_346 : i32
      %add3A_348 = arith.constant 5 : i32
      %add3A_349 = arith.addi %sub3A_347, %add3A_348 : i32
      %lt3A_350 = arith.cmpi slt, %add3A_349, %select_n3A : i32
      %and3A_351 = arith.andi %ge3A_345, %lt3A_350 : i1
      %convert_element_type3A_352 = arith.extui %and3A_351 : i1 to i32
      %cond3A_353 = arith.constant 0 : i32
      %cond3A_354 = arith.cmpi ne, %convert_element_type3A_352, %cond3A_353 : i32
      scf.if %cond3A_354 {
        %sub3A_454 = arith.constant 1 : i32
        %sub3A_455 = arith.subi %add3A_309, %sub3A_454 : i32
        %add3A_456 = arith.constant 5 : i32
        %add3A_457 = arith.addi %sub3A_455, %add3A_456 : i32
        %dma_start3A_458 = arith.constant 1 : i32
        %dma_start3A_459 = arith.constant 0 : i32
        %dma_start3A_460 = arith.constant 0 : i32
        %dma_start3A_461 = tpu.memref_slice %arg9[%dma_start3A_458, %dma_start3A_459, %dma_start3A_460] : memref<5x128x16xf32, #tpu.memory_space<vmem>> -> memref<1x128x16xf32, #tpu.memory_space<vmem>>
        %dma_start3A_462 = tpu.memref_squeeze %dma_start3A_461 : memref<1x128x16xf32, #tpu.memory_space<vmem>> -> memref<128x16xf32, #tpu.memory_space<vmem>>
        %dma_start3A_463 = arith.constant 0 : i32
        %dma_start3A_464 = tpu.memref_slice %arg7[%add3A_457, %dma_start3A_463] : memref<100x128xi32, #tpu.memory_space<vmem>> -> memref<1x128xi32, #tpu.memory_space<vmem>>
        %dma_start3A_465 = tpu.memref_squeeze %dma_start3A_464 : memref<1x128xi32, #tpu.memory_space<vmem>> -> memref<128xi32, #tpu.memory_space<vmem>>
        %dma_start3A_466 = arith.constant 0 : i32
        %dma_start3A_467 = arith.constant 0 : i32
        %dma_start3A_468 = tpu.memref_slice %arg2[%dma_start3A_466, %dma_start3A_467] : memref<10240x16xf32, #tpu.memory_space<hbm>> -> memref<10240x16xf32, #tpu.memory_space<hbm>>
        tpu.enqueue_indirect_dma source(%dma_start3A_468 : memref<10240x16xf32, #tpu.memory_space<hbm>>) target(%dma_start3A_462 : memref<128x16xf32, #tpu.memory_space<vmem>>) offsets(%dma_start3A_465 : memref<128xi32, #tpu.memory_space<vmem>>) semaphore(%arg13 : memref<!tpu.dma_semaphore, #tpu.memory_space<semaphore_mem>>)
      } else {
      }
      %mul3A_355 = arith.constant 5 : i32
      %mul3A_356 = arith.muli %while3A_208, %mul3A_355 : i32
      %add3A_357 = arith.constant 3 : i32
      %add3A_358 = arith.addi %mul3A_356, %add3A_357 : i32
      %dma_wait3A_359 = arith.constant 0 : i32
      %dma_wait3A_360 = arith.constant 3 : i32
      %dma_wait3A_361 = arith.constant 0 : i32
      %dma_wait3A_362 = arith.constant 0 : i32
      %dma_wait3A_363 = tpu.memref_slice %arg9[%dma_wait3A_360, %dma_wait3A_361, %dma_wait3A_362] : memref<5x128x16xf32, #tpu.memory_space<vmem>> -> memref<1x128x16xf32, #tpu.memory_space<vmem>>
      %dma_wait3A_364 = tpu.memref_squeeze %dma_wait3A_363 : memref<1x128x16xf32, #tpu.memory_space<vmem>> -> memref<128x16xf32, #tpu.memory_space<vmem>>
      %dma_wait3A_365 = arith.constant 0 : i32
      %dma_wait3A_366 = tpu.memref_slice %arg7[%dma_wait3A_359, %dma_wait3A_365] : memref<100x128xi32, #tpu.memory_space<vmem>> -> memref<1x128xi32, #tpu.memory_space<vmem>>
      %dma_wait3A_367 = tpu.memref_squeeze %dma_wait3A_366 : memref<1x128xi32, #tpu.memory_space<vmem>> -> memref<128xi32, #tpu.memory_space<vmem>>
      %dma_wait3A_368 = arith.constant 0 : i32
      %dma_wait3A_369 = arith.constant 0 : i32
      %dma_wait3A_370 = tpu.memref_slice %arg2[%dma_wait3A_368, %dma_wait3A_369] : memref<10240x16xf32, #tpu.memory_space<hbm>> -> memref<10240x16xf32, #tpu.memory_space<hbm>>
      tpu.wait_indirect_dma semaphore(%arg13 : memref<!tpu.dma_semaphore, #tpu.memory_space<semaphore_mem>>) src(%dma_wait3A_370 : memref<10240x16xf32, #tpu.memory_space<hbm>>) dst(%dma_wait3A_364 : memref<128x16xf32, #tpu.memory_space<vmem>>)
      %dma_start3A_371 = arith.constant 3 : i32
      %dma_start3A_372 = arith.constant 0 : i32
      %dma_start3A_373 = arith.constant 0 : i32
      %dma_start3A_374 = tpu.memref_slice %arg9[%dma_start3A_371, %dma_start3A_372, %dma_start3A_373] : memref<5x128x16xf32, #tpu.memory_space<vmem>> -> memref<1x128x16xf32, #tpu.memory_space<vmem>>
      %dma_start3A_375 = tpu.memref_squeeze %dma_start3A_374 : memref<1x128x16xf32, #tpu.memory_space<vmem>> -> memref<128x16xf32, #tpu.memory_space<vmem>>
      %dma_start3A_376 = arith.constant 0 : i32
      %dma_start3A_377 = tpu.memref_slice %arg8[%add3A_358, %dma_start3A_376] : memref<100x128xi32, #tpu.memory_space<vmem>> -> memref<1x128xi32, #tpu.memory_space<vmem>>
      %dma_start3A_378 = tpu.memref_squeeze %dma_start3A_377 : memref<1x128xi32, #tpu.memory_space<vmem>> -> memref<128xi32, #tpu.memory_space<vmem>>
      %dma_start3A_379 = arith.constant 0 : i32
      %dma_start3A_380 = arith.constant 0 : i32
      %dma_start3A_381 = tpu.memref_slice %arg11[%dma_start3A_379, %dma_start3A_380] : memref<10240x16xf32, #tpu.memory_space<vmem_shared>> -> memref<10240x16xf32, #tpu.memory_space<vmem_shared>>
      tpu.enqueue_indirect_dma source(%dma_start3A_375 : memref<128x16xf32, #tpu.memory_space<vmem>>) target(%dma_start3A_381 : memref<10240x16xf32, #tpu.memory_space<vmem_shared>>) offsets(%dma_start3A_378 : memref<128xi32, #tpu.memory_space<vmem>>) semaphore(%arg14 : memref<!tpu.dma_semaphore, #tpu.memory_space<semaphore_mem>>) {add = true}
      %dma_start3A_382 = arith.constant 0 : i32
      %dma_start3A_383 = tpu.memref_slice %arg8[%add3A_358, %dma_start3A_382] : memref<100x128xi32, #tpu.memory_space<vmem>> -> memref<1x128xi32, #tpu.memory_space<vmem>>
      %dma_start3A_384 = tpu.memref_squeeze %dma_start3A_383 : memref<1x128xi32, #tpu.memory_space<vmem>> -> memref<128xi32, #tpu.memory_space<vmem>>
      %dma_start3A_385 = arith.constant 0 : i32
      %dma_start3A_386 = arith.constant 0 : i32
      %dma_start3A_387 = tpu.memref_slice %arg12[%dma_start3A_385, %dma_start3A_386] : memref<10240x16xf32, #tpu.memory_space<vmem_shared>> -> memref<10240x16xf32, #tpu.memory_space<vmem_shared>>
      tpu.enqueue_indirect_dma source(%arg10 : memref<128x16xf32, #tpu.memory_space<vmem>>) target(%dma_start3A_387 : memref<10240x16xf32, #tpu.memory_space<vmem_shared>>) offsets(%dma_start3A_384 : memref<128xi32, #tpu.memory_space<vmem>>) semaphore(%arg15 : memref<!tpu.dma_semaphore, #tpu.memory_space<semaphore_mem>>) {add = true}
      %ge3A_388 = arith.constant 1 : i32
      %ge3A_389 = arith.cmpi sge, %add3A_358, %ge3A_388 : i32
      %convert_element_type3A_390 = arith.extui %ge3A_389 : i1 to i32
      %cond3A_391 = arith.constant 0 : i32
      %cond3A_392 = arith.cmpi ne, %convert_element_type3A_390, %cond3A_391 : i32
      scf.if %cond3A_392 {
        %dma_wait3A_454 = arith.constant 2 : i32
        %dma_wait3A_455 = arith.constant 0 : i32
        %dma_wait3A_456 = arith.constant 0 : i32
        %dma_wait3A_457 = arith.constant 0 : i32
        %dma_wait3A_458 = tpu.memref_slice %arg9[%dma_wait3A_454, %dma_wait3A_456, %dma_wait3A_457] : memref<5x128x16xf32, #tpu.memory_space<vmem>> -> memref<1x128x16xf32, #tpu.memory_space<vmem>>
        %dma_wait3A_459 = tpu.memref_squeeze %dma_wait3A_458 : memref<1x128x16xf32, #tpu.memory_space<vmem>> -> memref<128x16xf32, #tpu.memory_space<vmem>>
        %dma_wait3A_460 = arith.constant 0 : i32
        %dma_wait3A_461 = tpu.memref_slice %arg8[%dma_wait3A_455, %dma_wait3A_460] : memref<100x128xi32, #tpu.memory_space<vmem>> -> memref<1x128xi32, #tpu.memory_space<vmem>>
        %dma_wait3A_462 = tpu.memref_squeeze %dma_wait3A_461 : memref<1x128xi32, #tpu.memory_space<vmem>> -> memref<128xi32, #tpu.memory_space<vmem>>
        %dma_wait3A_463 = arith.constant 0 : i32
        %dma_wait3A_464 = arith.constant 0 : i32
        %dma_wait3A_465 = tpu.memref_slice %arg11[%dma_wait3A_463, %dma_wait3A_464] : memref<10240x16xf32, #tpu.memory_space<vmem_shared>> -> memref<10240x16xf32, #tpu.memory_space<vmem_shared>>
        tpu.wait_indirect_dma semaphore(%arg14 : memref<!tpu.dma_semaphore, #tpu.memory_space<semaphore_mem>>) src(%dma_wait3A_459 : memref<128x16xf32, #tpu.memory_space<vmem>>) dst(%dma_wait3A_465 : memref<10240x16xf32, #tpu.memory_space<vmem_shared>>)
      } else {
      }
      %ge3A_393 = arith.constant 1 : i32
      %ge3A_394 = arith.cmpi sge, %add3A_358, %ge3A_393 : i32
      %sub3A_395 = arith.constant 1 : i32
      %sub3A_396 = arith.subi %add3A_358, %sub3A_395 : i32
      %add3A_397 = arith.constant 5 : i32
      %add3A_398 = arith.addi %sub3A_396, %add3A_397 : i32
      %lt3A_399 = arith.cmpi slt, %add3A_398, %select_n3A : i32
      %and3A_400 = arith.andi %ge3A_394, %lt3A_399 : i1
      %convert_element_type3A_401 = arith.extui %and3A_400 : i1 to i32
      %cond3A_402 = arith.constant 0 : i32
      %cond3A_403 = arith.cmpi ne, %convert_element_type3A_401, %cond3A_402 : i32
      scf.if %cond3A_403 {
        %sub3A_454 = arith.constant 1 : i32
        %sub3A_455 = arith.subi %add3A_358, %sub3A_454 : i32
        %add3A_456 = arith.constant 5 : i32
        %add3A_457 = arith.addi %sub3A_455, %add3A_456 : i32
        %dma_start3A_458 = arith.constant 2 : i32
        %dma_start3A_459 = arith.constant 0 : i32
        %dma_start3A_460 = arith.constant 0 : i32
        %dma_start3A_461 = tpu.memref_slice %arg9[%dma_start3A_458, %dma_start3A_459, %dma_start3A_460] : memref<5x128x16xf32, #tpu.memory_space<vmem>> -> memref<1x128x16xf32, #tpu.memory_space<vmem>>
        %dma_start3A_462 = tpu.memref_squeeze %dma_start3A_461 : memref<1x128x16xf32, #tpu.memory_space<vmem>> -> memref<128x16xf32, #tpu.memory_space<vmem>>
        %dma_start3A_463 = arith.constant 0 : i32
        %dma_start3A_464 = tpu.memref_slice %arg7[%add3A_457, %dma_start3A_463] : memref<100x128xi32, #tpu.memory_space<vmem>> -> memref<1x128xi32, #tpu.memory_space<vmem>>
        %dma_start3A_465 = tpu.memref_squeeze %dma_start3A_464 : memref<1x128xi32, #tpu.memory_space<vmem>> -> memref<128xi32, #tpu.memory_space<vmem>>
        %dma_start3A_466 = arith.constant 0 : i32
        %dma_start3A_467 = arith.constant 0 : i32
        %dma_start3A_468 = tpu.memref_slice %arg2[%dma_start3A_466, %dma_start3A_467] : memref<10240x16xf32, #tpu.memory_space<hbm>> -> memref<10240x16xf32, #tpu.memory_space<hbm>>
        tpu.enqueue_indirect_dma source(%dma_start3A_468 : memref<10240x16xf32, #tpu.memory_space<hbm>>) target(%dma_start3A_462 : memref<128x16xf32, #tpu.memory_space<vmem>>) offsets(%dma_start3A_465 : memref<128xi32, #tpu.memory_space<vmem>>) semaphore(%arg13 : memref<!tpu.dma_semaphore, #tpu.memory_space<semaphore_mem>>)
      } else {
      }
      %mul3A_404 = arith.constant 5 : i32
      %mul3A_405 = arith.muli %while3A_208, %mul3A_404 : i32
      %add3A_406 = arith.constant 4 : i32
      %add3A_407 = arith.addi %mul3A_405, %add3A_406 : i32
      %dma_wait3A_408 = arith.constant 0 : i32
      %dma_wait3A_409 = arith.constant 4 : i32
      %dma_wait3A_410 = arith.constant 0 : i32
      %dma_wait3A_411 = arith.constant 0 : i32
      %dma_wait3A_412 = tpu.memref_slice %arg9[%dma_wait3A_409, %dma_wait3A_410, %dma_wait3A_411] : memref<5x128x16xf32, #tpu.memory_space<vmem>> -> memref<1x128x16xf32, #tpu.memory_space<vmem>>
      %dma_wait3A_413 = tpu.memref_squeeze %dma_wait3A_412 : memref<1x128x16xf32, #tpu.memory_space<vmem>> -> memref<128x16xf32, #tpu.memory_space<vmem>>
      %dma_wait3A_414 = arith.constant 0 : i32
      %dma_wait3A_415 = tpu.memref_slice %arg7[%dma_wait3A_408, %dma_wait3A_414] : memref<100x128xi32, #tpu.memory_space<vmem>> -> memref<1x128xi32, #tpu.memory_space<vmem>>
      %dma_wait3A_416 = tpu.memref_squeeze %dma_wait3A_415 : memref<1x128xi32, #tpu.memory_space<vmem>> -> memref<128xi32, #tpu.memory_space<vmem>>
      %dma_wait3A_417 = arith.constant 0 : i32
      %dma_wait3A_418 = arith.constant 0 : i32
      %dma_wait3A_419 = tpu.memref_slice %arg2[%dma_wait3A_417, %dma_wait3A_418] : memref<10240x16xf32, #tpu.memory_space<hbm>> -> memref<10240x16xf32, #tpu.memory_space<hbm>>
      tpu.wait_indirect_dma semaphore(%arg13 : memref<!tpu.dma_semaphore, #tpu.memory_space<semaphore_mem>>) src(%dma_wait3A_419 : memref<10240x16xf32, #tpu.memory_space<hbm>>) dst(%dma_wait3A_413 : memref<128x16xf32, #tpu.memory_space<vmem>>)
      %dma_start3A_420 = arith.constant 4 : i32
      %dma_start3A_421 = arith.constant 0 : i32
      %dma_start3A_422 = arith.constant 0 : i32
      %dma_start3A_423 = tpu.memref_slice %arg9[%dma_start3A_420, %dma_start3A_421, %dma_start3A_422] : memref<5x128x16xf32, #tpu.memory_space<vmem>> -> memref<1x128x16xf32, #tpu.memory_space<vmem>>
      %dma_start3A_424 = tpu.memref_squeeze %dma_start3A_423 : memref<1x128x16xf32, #tpu.memory_space<vmem>> -> memref<128x16xf32, #tpu.memory_space<vmem>>
      %dma_start3A_425 = arith.constant 0 : i32
      %dma_start3A_426 = tpu.memref_slice %arg8[%add3A_407, %dma_start3A_425] : memref<100x128xi32, #tpu.memory_space<vmem>> -> memref<1x128xi32, #tpu.memory_space<vmem>>
      %dma_start3A_427 = tpu.memref_squeeze %dma_start3A_426 : memref<1x128xi32, #tpu.memory_space<vmem>> -> memref<128xi32, #tpu.memory_space<vmem>>
      %dma_start3A_428 = arith.constant 0 : i32
      %dma_start3A_429 = arith.constant 0 : i32
      %dma_start3A_430 = tpu.memref_slice %arg11[%dma_start3A_428, %dma_start3A_429] : memref<10240x16xf32, #tpu.memory_space<vmem_shared>> -> memref<10240x16xf32, #tpu.memory_space<vmem_shared>>
      tpu.enqueue_indirect_dma source(%dma_start3A_424 : memref<128x16xf32, #tpu.memory_space<vmem>>) target(%dma_start3A_430 : memref<10240x16xf32, #tpu.memory_space<vmem_shared>>) offsets(%dma_start3A_427 : memref<128xi32, #tpu.memory_space<vmem>>) semaphore(%arg14 : memref<!tpu.dma_semaphore, #tpu.memory_space<semaphore_mem>>) {add = true}
      %dma_start3A_431 = arith.constant 0 : i32
      %dma_start3A_432 = tpu.memref_slice %arg8[%add3A_407, %dma_start3A_431] : memref<100x128xi32, #tpu.memory_space<vmem>> -> memref<1x128xi32, #tpu.memory_space<vmem>>
      %dma_start3A_433 = tpu.memref_squeeze %dma_start3A_432 : memref<1x128xi32, #tpu.memory_space<vmem>> -> memref<128xi32, #tpu.memory_space<vmem>>
      %dma_start3A_434 = arith.constant 0 : i32
      %dma_start3A_435 = arith.constant 0 : i32
      %dma_start3A_436 = tpu.memref_slice %arg12[%dma_start3A_434, %dma_start3A_435] : memref<10240x16xf32, #tpu.memory_space<vmem_shared>> -> memref<10240x16xf32, #tpu.memory_space<vmem_shared>>
      tpu.enqueue_indirect_dma source(%arg10 : memref<128x16xf32, #tpu.memory_space<vmem>>) target(%dma_start3A_436 : memref<10240x16xf32, #tpu.memory_space<vmem_shared>>) offsets(%dma_start3A_433 : memref<128xi32, #tpu.memory_space<vmem>>) semaphore(%arg15 : memref<!tpu.dma_semaphore, #tpu.memory_space<semaphore_mem>>) {add = true}
      %ge3A_437 = arith.constant 1 : i32
      %ge3A_438 = arith.cmpi sge, %add3A_407, %ge3A_437 : i32
      %convert_element_type3A_439 = arith.extui %ge3A_438 : i1 to i32
      %cond3A_440 = arith.constant 0 : i32
      %cond3A_441 = arith.cmpi ne, %convert_element_type3A_439, %cond3A_440 : i32
      scf.if %cond3A_441 {
        %dma_wait3A_454 = arith.constant 3 : i32
        %dma_wait3A_455 = arith.constant 0 : i32
        %dma_wait3A_456 = arith.constant 0 : i32
        %dma_wait3A_457 = arith.constant 0 : i32
        %dma_wait3A_458 = tpu.memref_slice %arg9[%dma_wait3A_454, %dma_wait3A_456, %dma_wait3A_457] : memref<5x128x16xf32, #tpu.memory_space<vmem>> -> memref<1x128x16xf32, #tpu.memory_space<vmem>>
        %dma_wait3A_459 = tpu.memref_squeeze %dma_wait3A_458 : memref<1x128x16xf32, #tpu.memory_space<vmem>> -> memref<128x16xf32, #tpu.memory_space<vmem>>
        %dma_wait3A_460 = arith.constant 0 : i32
        %dma_wait3A_461 = tpu.memref_slice %arg8[%dma_wait3A_455, %dma_wait3A_460] : memref<100x128xi32, #tpu.memory_space<vmem>> -> memref<1x128xi32, #tpu.memory_space<vmem>>
        %dma_wait3A_462 = tpu.memref_squeeze %dma_wait3A_461 : memref<1x128xi32, #tpu.memory_space<vmem>> -> memref<128xi32, #tpu.memory_space<vmem>>
        %dma_wait3A_463 = arith.constant 0 : i32
        %dma_wait3A_464 = arith.constant 0 : i32
        %dma_wait3A_465 = tpu.memref_slice %arg11[%dma_wait3A_463, %dma_wait3A_464] : memref<10240x16xf32, #tpu.memory_space<vmem_shared>> -> memref<10240x16xf32, #tpu.memory_space<vmem_shared>>
        tpu.wait_indirect_dma semaphore(%arg14 : memref<!tpu.dma_semaphore, #tpu.memory_space<semaphore_mem>>) src(%dma_wait3A_459 : memref<128x16xf32, #tpu.memory_space<vmem>>) dst(%dma_wait3A_465 : memref<10240x16xf32, #tpu.memory_space<vmem_shared>>)
      } else {
      }
      %ge3A_442 = arith.constant 1 : i32
      %ge3A_443 = arith.cmpi sge, %add3A_407, %ge3A_442 : i32
      %sub3A_444 = arith.constant 1 : i32
      %sub3A_445 = arith.subi %add3A_407, %sub3A_444 : i32
      %add3A_446 = arith.constant 5 : i32
      %add3A_447 = arith.addi %sub3A_445, %add3A_446 : i32
      %lt3A_448 = arith.cmpi slt, %add3A_447, %select_n3A : i32
      %and3A_449 = arith.andi %ge3A_443, %lt3A_448 : i1
      %convert_element_type3A_450 = arith.extui %and3A_449 : i1 to i32
      %cond3A_451 = arith.constant 0 : i32
      %cond3A_452 = arith.cmpi ne, %convert_element_type3A_450, %cond3A_451 : i32
      scf.if %cond3A_452 {
        %sub3A_454 = arith.constant 1 : i32
        %sub3A_455 = arith.subi %add3A_407, %sub3A_454 : i32
        %add3A_456 = arith.constant 5 : i32
        %add3A_457 = arith.addi %sub3A_455, %add3A_456 : i32
        %dma_start3A_458 = arith.constant 3 : i32
        %dma_start3A_459 = arith.constant 0 : i32
        %dma_start3A_460 = arith.constant 0 : i32
        %dma_start3A_461 = tpu.memref_slice %arg9[%dma_start3A_458, %dma_start3A_459, %dma_start3A_460] : memref<5x128x16xf32, #tpu.memory_space<vmem>> -> memref<1x128x16xf32, #tpu.memory_space<vmem>>
        %dma_start3A_462 = tpu.memref_squeeze %dma_start3A_461 : memref<1x128x16xf32, #tpu.memory_space<vmem>> -> memref<128x16xf32, #tpu.memory_space<vmem>>
        %dma_start3A_463 = arith.constant 0 : i32
        %dma_start3A_464 = tpu.memref_slice %arg7[%add3A_457, %dma_start3A_463] : memref<100x128xi32, #tpu.memory_space<vmem>> -> memref<1x128xi32, #tpu.memory_space<vmem>>
        %dma_start3A_465 = tpu.memref_squeeze %dma_start3A_464 : memref<1x128xi32, #tpu.memory_space<vmem>> -> memref<128xi32, #tpu.memory_space<vmem>>
        %dma_start3A_466 = arith.constant 0 : i32
        %dma_start3A_467 = arith.constant 0 : i32
        %dma_start3A_468 = tpu.memref_slice %arg2[%dma_start3A_466, %dma_start3A_467] : memref<10240x16xf32, #tpu.memory_space<hbm>> -> memref<10240x16xf32, #tpu.memory_space<hbm>>
        tpu.enqueue_indirect_dma source(%dma_start3A_468 : memref<10240x16xf32, #tpu.memory_space<hbm>>) target(%dma_start3A_462 : memref<128x16xf32, #tpu.memory_space<vmem>>) offsets(%dma_start3A_465 : memref<128xi32, #tpu.memory_space<vmem>>) semaphore(%arg13 : memref<!tpu.dma_semaphore, #tpu.memory_space<semaphore_mem>>)
      } else {
      }
      %while3A_453 = arith.constant 0 : i32
      scf.yield %while3A_453 : i32
    }
    %dma_wait3A = arith.constant 0 : i32
    %dma_wait3A_144 = arith.constant 0 : i32
    %dma_wait3A_145 = arith.constant 0 : i32
    %dma_wait3A_146 = arith.constant 0 : i32
    %dma_wait3A_147 = tpu.memref_slice %arg9[%dma_wait3A, %dma_wait3A_145, %dma_wait3A_146] : memref<5x128x16xf32, #tpu.memory_space<vmem>> -> memref<1x128x16xf32, #tpu.memory_space<vmem>>
    %dma_wait3A_148 = tpu.memref_squeeze %dma_wait3A_147 : memref<1x128x16xf32, #tpu.memory_space<vmem>> -> memref<128x16xf32, #tpu.memory_space<vmem>>
    %dma_wait3A_149 = arith.constant 0 : i32
    %dma_wait3A_150 = tpu.memref_slice %arg8[%dma_wait3A_144, %dma_wait3A_149] : memref<100x128xi32, #tpu.memory_space<vmem>> -> memref<1x128xi32, #tpu.memory_space<vmem>>
    %dma_wait3A_151 = tpu.memref_squeeze %dma_wait3A_150 : memref<1x128xi32, #tpu.memory_space<vmem>> -> memref<128xi32, #tpu.memory_space<vmem>>
    %dma_wait3A_152 = arith.constant 0 : i32
    %dma_wait3A_153 = arith.constant 0 : i32
    %dma_wait3A_154 = tpu.memref_slice %arg11[%dma_wait3A_152, %dma_wait3A_153] : memref<10240x16xf32, #tpu.memory_space<vmem_shared>> -> memref<10240x16xf32, #tpu.memory_space<vmem_shared>>
    tpu.wait_indirect_dma semaphore(%arg14 : memref<!tpu.dma_semaphore, #tpu.memory_space<semaphore_mem>>) src(%dma_wait3A_148 : memref<128x16xf32, #tpu.memory_space<vmem>>) dst(%dma_wait3A_154 : memref<10240x16xf32, #tpu.memory_space<vmem_shared>>)
    %while3A_155 = arith.constant 0 : i32
    %while3A_156 = arith.constant 0 : i32
    %while3A_157 = arith.subi %select_n3A, %while3A_155 : i32
    %while3A_158 = arith.addi %while3A_155, %while3A_157 : i32
    %while3A_159 = arith.constant 1 : i32
    %while3A_160 = arith.divsi %while3A_157, %while3A_159 : i32
    %while3A_161 = arith.muli %while3A_160, %while3A_159 : i32
    %while3A_162 = arith.addi %while3A_155, %while3A_161 : i32
    %while3A_163 = arith.constant 1 : i32
    %while3A_164 = scf.for %while3A_208 = %while3A_155 to %while3A_162 step %while3A_163 iter_args(%while3A_209 = %while3A_156) -> (i32)  : i32 {
      %dma_wait3A_210 = arith.constant 0 : i32
      %dma_wait3A_211 = arith.constant 0 : i32
      %dma_wait3A_212 = tpu.memref_slice %arg8[%dma_wait3A_210, %dma_wait3A_211] : memref<100x128xi32, #tpu.memory_space<vmem>> -> memref<1x128xi32, #tpu.memory_space<vmem>>
      %dma_wait3A_213 = tpu.memref_squeeze %dma_wait3A_212 : memref<1x128xi32, #tpu.memory_space<vmem>> -> memref<128xi32, #tpu.memory_space<vmem>>
      %dma_wait3A_214 = arith.constant 0 : i32
      %dma_wait3A_215 = arith.constant 0 : i32
      %dma_wait3A_216 = tpu.memref_slice %arg12[%dma_wait3A_214, %dma_wait3A_215] : memref<10240x16xf32, #tpu.memory_space<vmem_shared>> -> memref<10240x16xf32, #tpu.memory_space<vmem_shared>>
      tpu.wait_indirect_dma semaphore(%arg15 : memref<!tpu.dma_semaphore, #tpu.memory_space<semaphore_mem>>) src(%arg10 : memref<128x16xf32, #tpu.memory_space<vmem>>) dst(%dma_wait3A_216 : memref<10240x16xf32, #tpu.memory_space<vmem_shared>>)
      %while3A_217 = arith.constant 0 : i32
      scf.yield %while3A_217 : i32
    }
    %while3A_165 = arith.constant 1 : i32
    %while3A_166 = scf.for %while3A_208 = %while3A_162 to %while3A_158 step %while3A_165 iter_args(%while3A_209 = %while3A_164) -> (i32)  : i32 {
      %dma_wait3A_210 = arith.constant 0 : i32
      %dma_wait3A_211 = arith.constant 0 : i32
      %dma_wait3A_212 = tpu.memref_slice %arg8[%dma_wait3A_210, %dma_wait3A_211] : memref<100x128xi32, #tpu.memory_space<vmem>> -> memref<1x128xi32, #tpu.memory_space<vmem>>
      %dma_wait3A_213 = tpu.memref_squeeze %dma_wait3A_212 : memref<1x128xi32, #tpu.memory_space<vmem>> -> memref<128xi32, #tpu.memory_space<vmem>>
      %dma_wait3A_214 = arith.constant 0 : i32
      %dma_wait3A_215 = arith.constant 0 : i32
      %dma_wait3A_216 = tpu.memref_slice %arg12[%dma_wait3A_214, %dma_wait3A_215] : memref<10240x16xf32, #tpu.memory_space<vmem_shared>> -> memref<10240x16xf32, #tpu.memory_space<vmem_shared>>
      tpu.wait_indirect_dma semaphore(%arg15 : memref<!tpu.dma_semaphore, #tpu.memory_space<semaphore_mem>>) src(%arg10 : memref<128x16xf32, #tpu.memory_space<vmem>>) dst(%dma_wait3A_216 : memref<10240x16xf32, #tpu.memory_space<vmem_shared>>)
      %while3A_217 = arith.constant 0 : i32
      scf.yield %while3A_217 : i32
    }
    %barrier3A_167 = arith.constant 0 : index
    tpu.barrier barrier_id(%barrier3A_167)
    %add3A_168 = arith.constant 0 : i32
    %add3A_169 = arith.addi %mul3A_22, %add3A_168 : i32
    %add3A_170 = arith.constant 0 : i32
    %add3A_171 = arith.addi %mul3A_22, %add3A_170 : i32
    "tpu.region"() ({
      %run_scoped3A_208 = tpu.sem_alloc : memref<!tpu.dma_semaphore, #tpu.memory_space<semaphore_mem>>
      %dma_start3A_209 = arith.constant 0 : i32
      %dma_start3A_210 = tpu.memref_slice %arg5[%arg0, %add3A_171, %dma_start3A_209] : memref<2x10240x16xf32, #tpu.memory_space<hbm>> -> memref<1x128x16xf32, #tpu.memory_space<hbm>>
      %dma_start3A_211 = tpu.memref_squeeze %dma_start3A_210 : memref<1x128x16xf32, #tpu.memory_space<hbm>> -> memref<128x16xf32, #tpu.memory_space<hbm>>
      %dma_start3A_212 = arith.constant 0 : i32
      %dma_start3A_213 = tpu.memref_slice %arg11[%add3A_169, %dma_start3A_212] : memref<10240x16xf32, #tpu.memory_space<vmem_shared>> -> memref<128x16xf32, #tpu.memory_space<vmem_shared>>
      tpu.enqueue_dma source(%dma_start3A_213 : memref<128x16xf32, #tpu.memory_space<vmem_shared>>) target(%dma_start3A_211 : memref<128x16xf32, #tpu.memory_space<hbm>>) target_semaphore(%run_scoped3A_208 : memref<!tpu.dma_semaphore, #tpu.memory_space<semaphore_mem>>)
      %dma_wait3A_214 = arith.constant 0 : i32
      %dma_wait3A_215 = tpu.memref_slice %arg5[%arg0, %add3A_171, %dma_wait3A_214] : memref<2x10240x16xf32, #tpu.memory_space<hbm>> -> memref<1x128x16xf32, #tpu.memory_space<hbm>>
      %dma_wait3A_216 = tpu.memref_squeeze %dma_wait3A_215 : memref<1x128x16xf32, #tpu.memory_space<hbm>> -> memref<128x16xf32, #tpu.memory_space<hbm>>
      %dma_wait3A_217 = arith.constant 0 : i32
      %dma_wait3A_218 = tpu.memref_slice %arg11[%add3A_169, %dma_wait3A_217] : memref<10240x16xf32, #tpu.memory_space<vmem_shared>> -> memref<128x16xf32, #tpu.memory_space<vmem_shared>>
      tpu.wait_dma2 semaphore(%run_scoped3A_208 : memref<!tpu.dma_semaphore, #tpu.memory_space<semaphore_mem>>) src(%dma_wait3A_218 : memref<128x16xf32, #tpu.memory_space<vmem_shared>>) dst(%dma_wait3A_216 : memref<128x16xf32, #tpu.memory_space<hbm>>)
      tpu.yield
    }) : () -> ()
    %add3A_172 = arith.constant 0 : i32
    %add3A_173 = arith.addi %mul3A_22, %add3A_172 : i32
    %add3A_174 = arith.constant 0 : i32
    %add3A_175 = arith.addi %mul3A_22, %add3A_174 : i32
    "tpu.region"() ({
      %run_scoped3A_208 = tpu.sem_alloc : memref<!tpu.dma_semaphore, #tpu.memory_space<semaphore_mem>>
      %dma_start3A_209 = arith.constant 0 : i32
      %dma_start3A_210 = tpu.memref_slice %arg6[%arg0, %add3A_175, %dma_start3A_209] : memref<2x10240x16xf32, #tpu.memory_space<hbm>> -> memref<1x128x16xf32, #tpu.memory_space<hbm>>
      %dma_start3A_211 = tpu.memref_squeeze %dma_start3A_210 : memref<1x128x16xf32, #tpu.memory_space<hbm>> -> memref<128x16xf32, #tpu.memory_space<hbm>>
      %dma_start3A_212 = arith.constant 0 : i32
      %dma_start3A_213 = tpu.memref_slice %arg12[%add3A_173, %dma_start3A_212] : memref<10240x16xf32, #tpu.memory_space<vmem_shared>> -> memref<128x16xf32, #tpu.memory_space<vmem_shared>>
      tpu.enqueue_dma source(%dma_start3A_213 : memref<128x16xf32, #tpu.memory_space<vmem_shared>>) target(%dma_start3A_211 : memref<128x16xf32, #tpu.memory_space<hbm>>) target_semaphore(%run_scoped3A_208 : memref<!tpu.dma_semaphore, #tpu.memory_space<semaphore_mem>>)
      %dma_wait3A_214 = arith.constant 0 : i32
      %dma_wait3A_215 = tpu.memref_slice %arg6[%arg0, %add3A_175, %dma_wait3A_214] : memref<2x10240x16xf32, #tpu.memory_space<hbm>> -> memref<1x128x16xf32, #tpu.memory_space<hbm>>
      %dma_wait3A_216 = tpu.memref_squeeze %dma_wait3A_215 : memref<1x128x16xf32, #tpu.memory_space<hbm>> -> memref<128x16xf32, #tpu.memory_space<hbm>>
      %dma_wait3A_217 = arith.constant 0 : i32
      %dma_wait3A_218 = tpu.memref_slice %arg12[%add3A_173, %dma_wait3A_217] : memref<10240x16xf32, #tpu.memory_space<vmem_shared>> -> memref<128x16xf32, #tpu.memory_space<vmem_shared>>
      tpu.wait_dma2 semaphore(%run_scoped3A_208 : memref<!tpu.dma_semaphore, #tpu.memory_space<semaphore_mem>>) src(%dma_wait3A_218 : memref<128x16xf32, #tpu.memory_space<vmem_shared>>) dst(%dma_wait3A_216 : memref<128x16xf32, #tpu.memory_space<hbm>>)
      tpu.yield
    }) : () -> ()
    %add3A_176 = arith.constant 128 : i32
    %add3A_177 = arith.addi %mul3A_22, %add3A_176 : i32
    %add3A_178 = arith.constant 128 : i32
    %add3A_179 = arith.addi %mul3A_22, %add3A_178 : i32
    "tpu.region"() ({
      %run_scoped3A_208 = tpu.sem_alloc : memref<!tpu.dma_semaphore, #tpu.memory_space<semaphore_mem>>
      %dma_start3A_209 = arith.constant 0 : i32
      %dma_start3A_210 = tpu.memref_slice %arg5[%arg0, %add3A_179, %dma_start3A_209] : memref<2x10240x16xf32, #tpu.memory_space<hbm>> -> memref<1x128x16xf32, #tpu.memory_space<hbm>>
      %dma_start3A_211 = tpu.memref_squeeze %dma_start3A_210 : memref<1x128x16xf32, #tpu.memory_space<hbm>> -> memref<128x16xf32, #tpu.memory_space<hbm>>
      %dma_start3A_212 = arith.constant 0 : i32
      %dma_start3A_213 = tpu.memref_slice %arg11[%add3A_177, %dma_start3A_212] : memref<10240x16xf32, #tpu.memory_space<vmem_shared>> -> memref<128x16xf32, #tpu.memory_space<vmem_shared>>
      tpu.enqueue_dma source(%dma_start3A_213 : memref<128x16xf32, #tpu.memory_space<vmem_shared>>) target(%dma_start3A_211 : memref<128x16xf32, #tpu.memory_space<hbm>>) target_semaphore(%run_scoped3A_208 : memref<!tpu.dma_semaphore, #tpu.memory_space<semaphore_mem>>)
      %dma_wait3A_214 = arith.constant 0 : i32
      %dma_wait3A_215 = tpu.memref_slice %arg5[%arg0, %add3A_179, %dma_wait3A_214] : memref<2x10240x16xf32, #tpu.memory_space<hbm>> -> memref<1x128x16xf32, #tpu.memory_space<hbm>>
      %dma_wait3A_216 = tpu.memref_squeeze %dma_wait3A_215 : memref<1x128x16xf32, #tpu.memory_space<hbm>> -> memref<128x16xf32, #tpu.memory_space<hbm>>
      %dma_wait3A_217 = arith.constant 0 : i32
      %dma_wait3A_218 = tpu.memref_slice %arg11[%add3A_177, %dma_wait3A_217] : memref<10240x16xf32, #tpu.memory_space<vmem_shared>> -> memref<128x16xf32, #tpu.memory_space<vmem_shared>>
      tpu.wait_dma2 semaphore(%run_scoped3A_208 : memref<!tpu.dma_semaphore, #tpu.memory_space<semaphore_mem>>) src(%dma_wait3A_218 : memref<128x16xf32, #tpu.memory_space<vmem_shared>>) dst(%dma_wait3A_216 : memref<128x16xf32, #tpu.memory_space<hbm>>)
      tpu.yield
    }) : () -> ()
    %add3A_180 = arith.constant 128 : i32
    %add3A_181 = arith.addi %mul3A_22, %add3A_180 : i32
    %add3A_182 = arith.constant 128 : i32
    %add3A_183 = arith.addi %mul3A_22, %add3A_182 : i32
    "tpu.region"() ({
      %run_scoped3A_208 = tpu.sem_alloc : memref<!tpu.dma_semaphore, #tpu.memory_space<semaphore_mem>>
      %dma_start3A_209 = arith.constant 0 : i32
      %dma_start3A_210 = tpu.memref_slice %arg6[%arg0, %add3A_183, %dma_start3A_209] : memref<2x10240x16xf32, #tpu.memory_space<hbm>> -> memref<1x128x16xf32, #tpu.memory_space<hbm>>
      %dma_start3A_211 = tpu.memref_squeeze %dma_start3A_210 : memref<1x128x16xf32, #tpu.memory_space<hbm>> -> memref<128x16xf32, #tpu.memory_space<hbm>>
      %dma_start3A_212 = arith.constant 0 : i32
      %dma_start3A_213 = tpu.memref_slice %arg12[%add3A_181, %dma_start3A_212] : memref<10240x16xf32, #tpu.memory_space<vmem_shared>> -> memref<128x16xf32, #tpu.memory_space<vmem_shared>>
      tpu.enqueue_dma source(%dma_start3A_213 : memref<128x16xf32, #tpu.memory_space<vmem_shared>>) target(%dma_start3A_211 : memref<128x16xf32, #tpu.memory_space<hbm>>) target_semaphore(%run_scoped3A_208 : memref<!tpu.dma_semaphore, #tpu.memory_space<semaphore_mem>>)
      %dma_wait3A_214 = arith.constant 0 : i32
      %dma_wait3A_215 = tpu.memref_slice %arg6[%arg0, %add3A_183, %dma_wait3A_214] : memref<2x10240x16xf32, #tpu.memory_space<hbm>> -> memref<1x128x16xf32, #tpu.memory_space<hbm>>
      %dma_wait3A_216 = tpu.memref_squeeze %dma_wait3A_215 : memref<1x128x16xf32, #tpu.memory_space<hbm>> -> memref<128x16xf32, #tpu.memory_space<hbm>>
      %dma_wait3A_217 = arith.constant 0 : i32
      %dma_wait3A_218 = tpu.memref_slice %arg12[%add3A_181, %dma_wait3A_217] : memref<10240x16xf32, #tpu.memory_space<vmem_shared>> -> memref<128x16xf32, #tpu.memory_space<vmem_shared>>
      tpu.wait_dma2 semaphore(%run_scoped3A_208 : memref<!tpu.dma_semaphore, #tpu.memory_space<semaphore_mem>>) src(%dma_wait3A_218 : memref<128x16xf32, #tpu.memory_space<vmem_shared>>) dst(%dma_wait3A_216 : memref<128x16xf32, #tpu.memory_space<hbm>>)
      tpu.yield
    }) : () -> ()
    %add3A_184 = arith.constant 256 : i32
    %add3A_185 = arith.addi %mul3A_22, %add3A_184 : i32
    %add3A_186 = arith.constant 256 : i32
    %add3A_187 = arith.addi %mul3A_22, %add3A_186 : i32
    "tpu.region"() ({
      %run_scoped3A_208 = tpu.sem_alloc : memref<!tpu.dma_semaphore, #tpu.memory_space<semaphore_mem>>
      %dma_start3A_209 = arith.constant 0 : i32
      %dma_start3A_210 = tpu.memref_slice %arg5[%arg0, %add3A_187, %dma_start3A_209] : memref<2x10240x16xf32, #tpu.memory_space<hbm>> -> memref<1x128x16xf32, #tpu.memory_space<hbm>>
      %dma_start3A_211 = tpu.memref_squeeze %dma_start3A_210 : memref<1x128x16xf32, #tpu.memory_space<hbm>> -> memref<128x16xf32, #tpu.memory_space<hbm>>
      %dma_start3A_212 = arith.constant 0 : i32
      %dma_start3A_213 = tpu.memref_slice %arg11[%add3A_185, %dma_start3A_212] : memref<10240x16xf32, #tpu.memory_space<vmem_shared>> -> memref<128x16xf32, #tpu.memory_space<vmem_shared>>
      tpu.enqueue_dma source(%dma_start3A_213 : memref<128x16xf32, #tpu.memory_space<vmem_shared>>) target(%dma_start3A_211 : memref<128x16xf32, #tpu.memory_space<hbm>>) target_semaphore(%run_scoped3A_208 : memref<!tpu.dma_semaphore, #tpu.memory_space<semaphore_mem>>)
      %dma_wait3A_214 = arith.constant 0 : i32
      %dma_wait3A_215 = tpu.memref_slice %arg5[%arg0, %add3A_187, %dma_wait3A_214] : memref<2x10240x16xf32, #tpu.memory_space<hbm>> -> memref<1x128x16xf32, #tpu.memory_space<hbm>>
      %dma_wait3A_216 = tpu.memref_squeeze %dma_wait3A_215 : memref<1x128x16xf32, #tpu.memory_space<hbm>> -> memref<128x16xf32, #tpu.memory_space<hbm>>
      %dma_wait3A_217 = arith.constant 0 : i32
      %dma_wait3A_218 = tpu.memref_slice %arg11[%add3A_185, %dma_wait3A_217] : memref<10240x16xf32, #tpu.memory_space<vmem_shared>> -> memref<128x16xf32, #tpu.memory_space<vmem_shared>>
      tpu.wait_dma2 semaphore(%run_scoped3A_208 : memref<!tpu.dma_semaphore, #tpu.memory_space<semaphore_mem>>) src(%dma_wait3A_218 : memref<128x16xf32, #tpu.memory_space<vmem_shared>>) dst(%dma_wait3A_216 : memref<128x16xf32, #tpu.memory_space<hbm>>)
      tpu.yield
    }) : () -> ()
    %add3A_188 = arith.constant 256 : i32
    %add3A_189 = arith.addi %mul3A_22, %add3A_188 : i32
    %add3A_190 = arith.constant 256 : i32
    %add3A_191 = arith.addi %mul3A_22, %add3A_190 : i32
    "tpu.region"() ({
      %run_scoped3A_208 = tpu.sem_alloc : memref<!tpu.dma_semaphore, #tpu.memory_space<semaphore_mem>>
      %dma_start3A_209 = arith.constant 0 : i32
      %dma_start3A_210 = tpu.memref_slice %arg6[%arg0, %add3A_191, %dma_start3A_209] : memref<2x10240x16xf32, #tpu.memory_space<hbm>> -> memref<1x128x16xf32, #tpu.memory_space<hbm>>
      %dma_start3A_211 = tpu.memref_squeeze %dma_start3A_210 : memref<1x128x16xf32, #tpu.memory_space<hbm>> -> memref<128x16xf32, #tpu.memory_space<hbm>>
      %dma_start3A_212 = arith.constant 0 : i32
      %dma_start3A_213 = tpu.memref_slice %arg12[%add3A_189, %dma_start3A_212] : memref<10240x16xf32, #tpu.memory_space<vmem_shared>> -> memref<128x16xf32, #tpu.memory_space<vmem_shared>>
      tpu.enqueue_dma source(%dma_start3A_213 : memref<128x16xf32, #tpu.memory_space<vmem_shared>>) target(%dma_start3A_211 : memref<128x16xf32, #tpu.memory_space<hbm>>) target_semaphore(%run_scoped3A_208 : memref<!tpu.dma_semaphore, #tpu.memory_space<semaphore_mem>>)
      %dma_wait3A_214 = arith.constant 0 : i32
      %dma_wait3A_215 = tpu.memref_slice %arg6[%arg0, %add3A_191, %dma_wait3A_214] : memref<2x10240x16xf32, #tpu.memory_space<hbm>> -> memref<1x128x16xf32, #tpu.memory_space<hbm>>
      %dma_wait3A_216 = tpu.memref_squeeze %dma_wait3A_215 : memref<1x128x16xf32, #tpu.memory_space<hbm>> -> memref<128x16xf32, #tpu.memory_space<hbm>>
      %dma_wait3A_217 = arith.constant 0 : i32
      %dma_wait3A_218 = tpu.memref_slice %arg12[%add3A_189, %dma_wait3A_217] : memref<10240x16xf32, #tpu.memory_space<vmem_shared>> -> memref<128x16xf32, #tpu.memory_space<vmem_shared>>
      tpu.wait_dma2 semaphore(%run_scoped3A_208 : memref<!tpu.dma_semaphore, #tpu.memory_space<semaphore_mem>>) src(%dma_wait3A_218 : memref<128x16xf32, #tpu.memory_space<vmem_shared>>) dst(%dma_wait3A_216 : memref<128x16xf32, #tpu.memory_space<hbm>>)
      tpu.yield
    }) : () -> ()
    %add3A_192 = arith.constant 384 : i32
    %add3A_193 = arith.addi %mul3A_22, %add3A_192 : i32
    %add3A_194 = arith.constant 384 : i32
    %add3A_195 = arith.addi %mul3A_22, %add3A_194 : i32
    "tpu.region"() ({
      %run_scoped3A_208 = tpu.sem_alloc : memref<!tpu.dma_semaphore, #tpu.memory_space<semaphore_mem>>
      %dma_start3A_209 = arith.constant 0 : i32
      %dma_start3A_210 = tpu.memref_slice %arg5[%arg0, %add3A_195, %dma_start3A_209] : memref<2x10240x16xf32, #tpu.memory_space<hbm>> -> memref<1x128x16xf32, #tpu.memory_space<hbm>>
      %dma_start3A_211 = tpu.memref_squeeze %dma_start3A_210 : memref<1x128x16xf32, #tpu.memory_space<hbm>> -> memref<128x16xf32, #tpu.memory_space<hbm>>
      %dma_start3A_212 = arith.constant 0 : i32
      %dma_start3A_213 = tpu.memref_slice %arg11[%add3A_193, %dma_start3A_212] : memref<10240x16xf32, #tpu.memory_space<vmem_shared>> -> memref<128x16xf32, #tpu.memory_space<vmem_shared>>
      tpu.enqueue_dma source(%dma_start3A_213 : memref<128x16xf32, #tpu.memory_space<vmem_shared>>) target(%dma_start3A_211 : memref<128x16xf32, #tpu.memory_space<hbm>>) target_semaphore(%run_scoped3A_208 : memref<!tpu.dma_semaphore, #tpu.memory_space<semaphore_mem>>)
      %dma_wait3A_214 = arith.constant 0 : i32
      %dma_wait3A_215 = tpu.memref_slice %arg5[%arg0, %add3A_195, %dma_wait3A_214] : memref<2x10240x16xf32, #tpu.memory_space<hbm>> -> memref<1x128x16xf32, #tpu.memory_space<hbm>>
      %dma_wait3A_216 = tpu.memref_squeeze %dma_wait3A_215 : memref<1x128x16xf32, #tpu.memory_space<hbm>> -> memref<128x16xf32, #tpu.memory_space<hbm>>
      %dma_wait3A_217 = arith.constant 0 : i32
      %dma_wait3A_218 = tpu.memref_slice %arg11[%add3A_193, %dma_wait3A_217] : memref<10240x16xf32, #tpu.memory_space<vmem_shared>> -> memref<128x16xf32, #tpu.memory_space<vmem_shared>>
      tpu.wait_dma2 semaphore(%run_scoped3A_208 : memref<!tpu.dma_semaphore, #tpu.memory_space<semaphore_mem>>) src(%dma_wait3A_218 : memref<128x16xf32, #tpu.memory_space<vmem_shared>>) dst(%dma_wait3A_216 : memref<128x16xf32, #tpu.memory_space<hbm>>)
      tpu.yield
    }) : () -> ()
    %add3A_196 = arith.constant 384 : i32
    %add3A_197 = arith.addi %mul3A_22, %add3A_196 : i32
    %add3A_198 = arith.constant 384 : i32
    %add3A_199 = arith.addi %mul3A_22, %add3A_198 : i32
    "tpu.region"() ({
      %run_scoped3A_208 = tpu.sem_alloc : memref<!tpu.dma_semaphore, #tpu.memory_space<semaphore_mem>>
      %dma_start3A_209 = arith.constant 0 : i32
      %dma_start3A_210 = tpu.memref_slice %arg6[%arg0, %add3A_199, %dma_start3A_209] : memref<2x10240x16xf32, #tpu.memory_space<hbm>> -> memref<1x128x16xf32, #tpu.memory_space<hbm>>
      %dma_start3A_211 = tpu.memref_squeeze %dma_start3A_210 : memref<1x128x16xf32, #tpu.memory_space<hbm>> -> memref<128x16xf32, #tpu.memory_space<hbm>>
      %dma_start3A_212 = arith.constant 0 : i32
      %dma_start3A_213 = tpu.memref_slice %arg12[%add3A_197, %dma_start3A_212] : memref<10240x16xf32, #tpu.memory_space<vmem_shared>> -> memref<128x16xf32, #tpu.memory_space<vmem_shared>>
      tpu.enqueue_dma source(%dma_start3A_213 : memref<128x16xf32, #tpu.memory_space<vmem_shared>>) target(%dma_start3A_211 : memref<128x16xf32, #tpu.memory_space<hbm>>) target_semaphore(%run_scoped3A_208 : memref<!tpu.dma_semaphore, #tpu.memory_space<semaphore_mem>>)
      %dma_wait3A_214 = arith.constant 0 : i32
      %dma_wait3A_215 = tpu.memref_slice %arg6[%arg0, %add3A_199, %dma_wait3A_214] : memref<2x10240x16xf32, #tpu.memory_space<hbm>> -> memref<1x128x16xf32, #tpu.memory_space<hbm>>
      %dma_wait3A_216 = tpu.memref_squeeze %dma_wait3A_215 : memref<1x128x16xf32, #tpu.memory_space<hbm>> -> memref<128x16xf32, #tpu.memory_space<hbm>>
      %dma_wait3A_217 = arith.constant 0 : i32
      %dma_wait3A_218 = tpu.memref_slice %arg12[%add3A_197, %dma_wait3A_217] : memref<10240x16xf32, #tpu.memory_space<vmem_shared>> -> memref<128x16xf32, #tpu.memory_space<vmem_shared>>
      tpu.wait_dma2 semaphore(%run_scoped3A_208 : memref<!tpu.dma_semaphore, #tpu.memory_space<semaphore_mem>>) src(%dma_wait3A_218 : memref<128x16xf32, #tpu.memory_space<vmem_shared>>) dst(%dma_wait3A_216 : memref<128x16xf32, #tpu.memory_space<hbm>>)
      tpu.yield
    }) : () -> ()
    %add3A_200 = arith.constant 512 : i32
    %add3A_201 = arith.addi %mul3A_22, %add3A_200 : i32
    %add3A_202 = arith.constant 512 : i32
    %add3A_203 = arith.addi %mul3A_22, %add3A_202 : i32
    "tpu.region"() ({
      %run_scoped3A_208 = tpu.sem_alloc : memref<!tpu.dma_semaphore, #tpu.memory_space<semaphore_mem>>
      %dma_start3A_209 = arith.constant 0 : i32
      %dma_start3A_210 = tpu.memref_slice %arg5[%arg0, %add3A_203, %dma_start3A_209] : memref<2x10240x16xf32, #tpu.memory_space<hbm>> -> memref<1x128x16xf32, #tpu.memory_space<hbm>>
      %dma_start3A_211 = tpu.memref_squeeze %dma_start3A_210 : memref<1x128x16xf32, #tpu.memory_space<hbm>> -> memref<128x16xf32, #tpu.memory_space<hbm>>
      %dma_start3A_212 = arith.constant 0 : i32
      %dma_start3A_213 = tpu.memref_slice %arg11[%add3A_201, %dma_start3A_212] : memref<10240x16xf32, #tpu.memory_space<vmem_shared>> -> memref<128x16xf32, #tpu.memory_space<vmem_shared>>
      tpu.enqueue_dma source(%dma_start3A_213 : memref<128x16xf32, #tpu.memory_space<vmem_shared>>) target(%dma_start3A_211 : memref<128x16xf32, #tpu.memory_space<hbm>>) target_semaphore(%run_scoped3A_208 : memref<!tpu.dma_semaphore, #tpu.memory_space<semaphore_mem>>)
      %dma_wait3A_214 = arith.constant 0 : i32
      %dma_wait3A_215 = tpu.memref_slice %arg5[%arg0, %add3A_203, %dma_wait3A_214] : memref<2x10240x16xf32, #tpu.memory_space<hbm>> -> memref<1x128x16xf32, #tpu.memory_space<hbm>>
      %dma_wait3A_216 = tpu.memref_squeeze %dma_wait3A_215 : memref<1x128x16xf32, #tpu.memory_space<hbm>> -> memref<128x16xf32, #tpu.memory_space<hbm>>
      %dma_wait3A_217 = arith.constant 0 : i32
      %dma_wait3A_218 = tpu.memref_slice %arg11[%add3A_201, %dma_wait3A_217] : memref<10240x16xf32, #tpu.memory_space<vmem_shared>> -> memref<128x16xf32, #tpu.memory_space<vmem_shared>>
      tpu.wait_dma2 semaphore(%run_scoped3A_208 : memref<!tpu.dma_semaphore, #tpu.memory_space<semaphore_mem>>) src(%dma_wait3A_218 : memref<128x16xf32, #tpu.memory_space<vmem_shared>>) dst(%dma_wait3A_216 : memref<128x16xf32, #tpu.memory_space<hbm>>)
      tpu.yield
    }) : () -> ()
    %add3A_204 = arith.constant 512 : i32
    %add3A_205 = arith.addi %mul3A_22, %add3A_204 : i32
    %add3A_206 = arith.constant 512 : i32
    %add3A_207 = arith.addi %mul3A_22, %add3A_206 : i32
    "tpu.region"() ({
      %run_scoped3A_208 = tpu.sem_alloc : memref<!tpu.dma_semaphore, #tpu.memory_space<semaphore_mem>>
      %dma_start3A_209 = arith.constant 0 : i32
      %dma_start3A_210 = tpu.memref_slice %arg6[%arg0, %add3A_207, %dma_start3A_209] : memref<2x10240x16xf32, #tpu.memory_space<hbm>> -> memref<1x128x16xf32, #tpu.memory_space<hbm>>
      %dma_start3A_211 = tpu.memref_squeeze %dma_start3A_210 : memref<1x128x16xf32, #tpu.memory_space<hbm>> -> memref<128x16xf32, #tpu.memory_space<hbm>>
      %dma_start3A_212 = arith.constant 0 : i32
      %dma_start3A_213 = tpu.memref_slice %arg12[%add3A_205, %dma_start3A_212] : memref<10240x16xf32, #tpu.memory_space<vmem_shared>> -> memref<128x16xf32, #tpu.memory_space<vmem_shared>>
      tpu.enqueue_dma source(%dma_start3A_213 : memref<128x16xf32, #tpu.memory_space<vmem_shared>>) target(%dma_start3A_211 : memref<128x16xf32, #tpu.memory_space<hbm>>) target_semaphore(%run_scoped3A_208 : memref<!tpu.dma_semaphore, #tpu.memory_space<semaphore_mem>>)
      %dma_wait3A_214 = arith.constant 0 : i32
      %dma_wait3A_215 = tpu.memref_slice %arg6[%arg0, %add3A_207, %dma_wait3A_214] : memref<2x10240x16xf32, #tpu.memory_space<hbm>> -> memref<1x128x16xf32, #tpu.memory_space<hbm>>
      %dma_wait3A_216 = tpu.memref_squeeze %dma_wait3A_215 : memref<1x128x16xf32, #tpu.memory_space<hbm>> -> memref<128x16xf32, #tpu.memory_space<hbm>>
      %dma_wait3A_217 = arith.constant 0 : i32
      %dma_wait3A_218 = tpu.memref_slice %arg12[%add3A_205, %dma_wait3A_217] : memref<10240x16xf32, #tpu.memory_space<vmem_shared>> -> memref<128x16xf32, #tpu.memory_space<vmem_shared>>
      tpu.wait_dma2 semaphore(%run_scoped3A_208 : memref<!tpu.dma_semaphore, #tpu.memory_space<semaphore_mem>>) src(%dma_wait3A_218 : memref<128x16xf32, #tpu.memory_space<vmem_shared>>) dst(%dma_wait3A_216 : memref<128x16xf32, #tpu.memory_space<hbm>>)
      tpu.yield
    }) : () -> ()
    return
  }
}

module attributes {stable_mosaic.version = 14 : i64} {
  func.func @body(%arg0: i32, %arg1: memref<1024x128xf32, #tpu.memory_space<vmem>>, %arg2: memref<128x128xf32, #tpu.memory_space<vmem>>, %arg3: memref<1x128xf32, #tpu.memory_space<vmem>>, %arg4: memref<2x1024x64xf32, #tpu.memory_space<vmem>>) attributes {dimension_semantics = [#tpu.dimension_semantics<arbitrary>], iteration_bounds = array<i64: 10>, scalar_prefetch = 0 : i64, scratch_operands = 0 : i64, tpu.core_type = #tpu.core_type<tc>, window_params = [{transform_indices = @transform_0, window_bounds = array<i64: 1024, 128>}, {pipeline_mode = #tpu.pipeline_mode<synchronous>, transform_indices = @transform_1, window_bounds = array<i64: 128, 128>}, {pipeline_mode = #tpu.pipeline_mode<synchronous>, transform_indices = @transform_2, window_bounds = array<i64: 1, 128>}, {transform_indices = @transform_3, window_bounds = array<i64: 2, 1024, 64>}]} {
    %get3A = arith.constant 0 : index
    %get3A_0 = arith.constant 0 : index
    %get3A_1 = vector.load %arg1[%get3A, %get3A_0] : memref<1024x128xf32, #tpu.memory_space<vmem>>, vector<1024x128xf32>
    %get3A_2 = arith.constant 0 : index
    %get3A_3 = arith.constant 0 : index
    %get3A_4 = vector.load %arg2[%get3A_2, %get3A_3] : memref<128x128xf32, #tpu.memory_space<vmem>>, vector<128x128xf32>
    %dot_general3A = arith.constant dense<0.000000e+00> : vector<1024x128xf32>
    %dot_general3A_5 = tpu.matmul %get3A_1, %get3A_4, %dot_general3A {dimension_numbers = #tpu.dot_dimension_numbers<[1], [0], [0], [1], [0, 0, 1, 1], [], []>, transpose_lhs_hint = false} : vector<1024x128xf32>, vector<128x128xf32>, vector<1024x128xf32> -> vector<1024x128xf32>
    %get3A_6 = arith.constant 0 : index
    %get3A_7 = arith.constant 0 : index
    %get3A_8 = vector.load %arg3[%get3A_6, %get3A_7] : memref<1x128xf32, #tpu.memory_space<vmem>>, vector<1x128xf32>
    %add3A = vector.broadcast %get3A_8 : vector<1x128xf32> to vector<1024x128xf32>
    %add3A_9 = arith.addf %dot_general3A_5, %add3A : vector<1024x128xf32>
    %max3A = arith.constant 0.000000e+00 : f32
    %max3A_10 = vector.broadcast %max3A : f32 to vector<1024x128xf32>
    %max3A_11 = arith.maximumf %add3A_9, %max3A_10 : vector<1024x128xf32>
    %slice3A = vector.extract_strided_slice %max3A_11 {offsets = [0, 0], sizes = [1024, 64], strides = [1, 1]} : vector<1024x128xf32> to vector<1024x64xf32>
    %slice3A_12 = vector.extract_strided_slice %max3A_11 {offsets = [0, 64], sizes = [1024, 64], strides = [1, 1]} : vector<1024x128xf32> to vector<1024x64xf32>
    %stack3A = vector.shape_cast %slice3A : vector<1024x64xf32> to vector<1x1024x64xf32>
    %stack3A_13 = vector.shape_cast %slice3A_12 : vector<1024x64xf32> to vector<1x1024x64xf32>
    %stack3A_14 = tpu.concatenate %stack3A, %stack3A_13 in 0 : vector<1x1024x64xf32>, vector<1x1024x64xf32> -> vector<2x1024x64xf32>
    %swap3A = arith.constant 0 : index
    %swap3A_15 = arith.constant 0 : index
    %swap3A_16 = arith.constant 0 : index
    %swap3A_17 = vector.load %arg4[%swap3A, %swap3A_15, %swap3A_16] : memref<2x1024x64xf32, #tpu.memory_space<vmem>>, vector<2x1024x64xf32>
    tpu.vector_store %arg4[%swap3A, %swap3A_15, %swap3A_16], %stack3A_14 {strides = array<i32>} : memref<2x1024x64xf32, #tpu.memory_space<vmem>>, vector<2x1024x64xf32>,
    return
  }
  func.func @transform_0(%arg0: i32) -> (i32, i32) {
    %c0_i32 = arith.constant 0 : i32
    %c0_i32_0 = arith.constant 0 : i32
    return %arg0, %c0_i32 : i32, i32
  }
  func.func @transform_1(%arg0: i32) -> (i32, i32) {
    %c0_i32 = arith.constant 0 : i32
    %c0_i32_0 = arith.constant 0 : i32
    %c0_i32_1 = arith.constant 0 : i32
    return %c0_i32, %c0_i32_0 : i32, i32
  }
  func.func @transform_2(%arg0: i32) -> (i32, i32) {
    %c0_i32 = arith.constant 0 : i32
    %c0_i32_0 = arith.constant 0 : i32
    %c0_i32_1 = arith.constant 0 : i32
    return %c0_i32, %c0_i32_0 : i32, i32
  }
  func.func @transform_3(%arg0: i32) -> (i32, i32, i32) {
    %c0_i32 = arith.constant 0 : i32
    %c0_i32_0 = arith.constant 0 : i32
    %c0_i32_1 = arith.constant 0 : i32
    return %c0_i32, %arg0, %c0_i32_0 : i32, i32, i32
  }
}

module attributes {stable_mosaic.version = 14 : i64} {
  func.func @body(%arg0: i32, %arg1: memref<2x2048x64xf32, #tpu.memory_space<vmem>>, %arg2: memref<2x2048x64xf32, #tpu.memory_space<vmem>>, %arg3: memref<2x2048x16xf32, #tpu.memory_space<vmem>>, %arg4: memref<128x128xf32, #tpu.memory_space<vmem>>, %arg5: memref<128x128xf32, #tpu.memory_space<vmem>>, %arg6: memref<1x128xf32, #tpu.memory_space<vmem>>, %arg7: memref<128x16xf32, #tpu.memory_space<vmem>>, %arg8: memref<128x16xf32, #tpu.memory_space<vmem>>, %arg9: memref<2048x16xf32, #tpu.memory_space<vmem>>, %arg10: memref<2048x16xf32, #tpu.memory_space<vmem>>) attributes {dimension_semantics = [#tpu.dimension_semantics<arbitrary>], iteration_bounds = array<i64: 5>, scalar_prefetch = 0 : i64, scratch_operands = 0 : i64, tpu.core_type = #tpu.core_type<tc>, window_params = [{transform_indices = @transform_0, window_bounds = array<i64: 2, 2048, 64>}, {transform_indices = @transform_1, window_bounds = array<i64: 2, 2048, 64>}, {transform_indices = @transform_2, window_bounds = array<i64: 2, 2048, 16>}, {pipeline_mode = #tpu.pipeline_mode<synchronous>, transform_indices = @transform_3, window_bounds = array<i64: 128, 128>}, {pipeline_mode = #tpu.pipeline_mode<synchronous>, transform_indices = @transform_4, window_bounds = array<i64: 128, 128>}, {pipeline_mode = #tpu.pipeline_mode<synchronous>, transform_indices = @transform_5, window_bounds = array<i64: 1, 128>}, {pipeline_mode = #tpu.pipeline_mode<synchronous>, transform_indices = @transform_6, window_bounds = array<i64: 128, 16>}, {pipeline_mode = #tpu.pipeline_mode<synchronous>, transform_indices = @transform_7, window_bounds = array<i64: 128, 16>}, {transform_indices = @transform_8, window_bounds = array<i64: 2048, 16>}, {transform_indices = @transform_9, window_bounds = array<i64: 2048, 16>}]} {
    %get3A = arith.constant 0 : index
    %get3A_0 = arith.constant 0 : index
    %get3A_1 = arith.constant 0 : index
    %get3A_2 = vector.load %arg1[%get3A, %get3A_0, %get3A_1] : memref<2x2048x64xf32, #tpu.memory_space<vmem>>, vector<1x2048x64xf32>
    %get3A_3 = vector.shape_cast %get3A_2 : vector<1x2048x64xf32> to vector<2048x64xf32>
    %get3A_4 = arith.constant 1 : index
    %get3A_5 = arith.constant 0 : index
    %get3A_6 = arith.constant 0 : index
    %get3A_7 = vector.load %arg1[%get3A_4, %get3A_5, %get3A_6] : memref<2x2048x64xf32, #tpu.memory_space<vmem>>, vector<1x2048x64xf32>
    %get3A_8 = vector.shape_cast %get3A_7 : vector<1x2048x64xf32> to vector<2048x64xf32>
    %concatenate3A = tpu.concatenate %get3A_3, %get3A_8 in 1 : vector<2048x64xf32>, vector<2048x64xf32> -> vector<2048x128xf32>
    %get3A_9 = arith.constant 0 : index
    %get3A_10 = arith.constant 0 : index
    %get3A_11 = arith.constant 0 : index
    %get3A_12 = vector.load %arg3[%get3A_9, %get3A_10, %get3A_11] : memref<2x2048x16xf32, #tpu.memory_space<vmem>>, vector<1x2048x1xf32>
    %get3A_13 = vector.shape_cast %get3A_12 : vector<1x2048x1xf32> to vector<2048x1xf32>
    %get3A_14 = arith.constant 1 : index
    %get3A_15 = arith.constant 0 : index
    %get3A_16 = arith.constant 0 : index
    %get3A_17 = vector.load %arg3[%get3A_14, %get3A_15, %get3A_16] : memref<2x2048x16xf32, #tpu.memory_space<vmem>>, vector<1x2048x1xf32>
    %get3A_18 = vector.shape_cast %get3A_17 : vector<1x2048x1xf32> to vector<2048x1xf32>
    %add3A = arith.addf %get3A_13, %get3A_18 : vector<2048x1xf32>
    %max3A = arith.constant 1.000000e+00 : f32
    %max3A_19 = vector.broadcast %max3A : f32 to vector<2048x1xf32>
    %max3A_20 = arith.maximumf %add3A, %max3A_19 : vector<2048x1xf32>
    %get3A_21 = arith.constant 0 : index
    %get3A_22 = arith.constant 0 : index
    %get3A_23 = arith.constant 0 : index
    %get3A_24 = vector.load %arg2[%get3A_21, %get3A_22, %get3A_23] : memref<2x2048x64xf32, #tpu.memory_space<vmem>>, vector<1x2048x64xf32>
    %get3A_25 = vector.shape_cast %get3A_24 : vector<1x2048x64xf32> to vector<2048x64xf32>
    %get3A_26 = arith.constant 1 : index
    %get3A_27 = arith.constant 0 : index
    %get3A_28 = arith.constant 0 : index
    %get3A_29 = vector.load %arg2[%get3A_26, %get3A_27, %get3A_28] : memref<2x2048x64xf32, #tpu.memory_space<vmem>>, vector<1x2048x64xf32>
    %get3A_30 = vector.shape_cast %get3A_29 : vector<1x2048x64xf32> to vector<2048x64xf32>
    %concatenate3A_31 = tpu.concatenate %get3A_25, %get3A_30 in 1 : vector<2048x64xf32>, vector<2048x64xf32> -> vector<2048x128xf32>
    %div3A = vector.broadcast %max3A_20 : vector<2048x1xf32> to vector<2048x128xf32>
    %div3A_32 = arith.divf %concatenate3A_31, %div3A : vector<2048x128xf32>
    %get3A_33 = arith.constant 0 : index
    %get3A_34 = arith.constant 0 : index
    %get3A_35 = vector.load %arg4[%get3A_33, %get3A_34] : memref<128x128xf32, #tpu.memory_space<vmem>>, vector<128x128xf32>
    %dot_general3A = arith.constant dense<0.000000e+00> : vector<2048x128xf32>
    %dot_general3A_36 = tpu.matmul %concatenate3A, %get3A_35, %dot_general3A {dimension_numbers = #tpu.dot_dimension_numbers<[1], [0], [0], [1], [0, 0, 1, 1], [], []>, transpose_lhs_hint = false} : vector<2048x128xf32>, vector<128x128xf32>, vector<2048x128xf32> -> vector<2048x128xf32>
    %get3A_37 = arith.constant 0 : index
    %get3A_38 = arith.constant 0 : index
    %get3A_39 = vector.load %arg5[%get3A_37, %get3A_38] : memref<128x128xf32, #tpu.memory_space<vmem>>, vector<128x128xf32>
    %dot_general3A_40 = arith.constant dense<0.000000e+00> : vector<2048x128xf32>
    %dot_general3A_41 = tpu.matmul %div3A_32, %get3A_39, %dot_general3A_40 {dimension_numbers = #tpu.dot_dimension_numbers<[1], [0], [0], [1], [0, 0, 1, 1], [], []>, transpose_lhs_hint = false} : vector<2048x128xf32>, vector<128x128xf32>, vector<2048x128xf32> -> vector<2048x128xf32>
    %add3A_42 = arith.addf %dot_general3A_36, %dot_general3A_41 : vector<2048x128xf32>
    %get3A_43 = arith.constant 0 : index
    %get3A_44 = arith.constant 0 : index
    %get3A_45 = vector.load %arg6[%get3A_43, %get3A_44] : memref<1x128xf32, #tpu.memory_space<vmem>>, vector<1x128xf32>
    %add3A_46 = vector.broadcast %get3A_45 : vector<1x128xf32> to vector<2048x128xf32>
    %add3A_47 = arith.addf %add3A_42, %add3A_46 : vector<2048x128xf32>
    %max3A_48 = arith.constant 0.000000e+00 : f32
    %max3A_49 = vector.broadcast %max3A_48 : f32 to vector<2048x128xf32>
    %max3A_50 = arith.maximumf %add3A_47, %max3A_49 : vector<2048x128xf32>
    %get3A_51 = arith.constant 0 : index
    %get3A_52 = arith.constant 0 : index
    %get3A_53 = vector.load %arg7[%get3A_51, %get3A_52] : memref<128x16xf32, #tpu.memory_space<vmem>>, vector<128x16xf32>
    %dot_general3A_54 = arith.constant dense<0.000000e+00> : vector<2048x16xf32>
    %dot_general3A_55 = tpu.matmul %max3A_50, %get3A_53, %dot_general3A_54 {dimension_numbers = #tpu.dot_dimension_numbers<[1], [0], [0], [1], [0, 0, 1, 1], [], []>, transpose_lhs_hint = false} : vector<2048x128xf32>, vector<128x16xf32>, vector<2048x16xf32> -> vector<2048x16xf32>
    %swap3A = arith.constant 0 : index
    %swap3A_56 = arith.constant 0 : index
    %swap3A_57 = vector.load %arg9[%swap3A, %swap3A_56] : memref<2048x16xf32, #tpu.memory_space<vmem>>, vector<2048x16xf32>
    tpu.vector_store %arg9[%swap3A, %swap3A_56], %dot_general3A_55 {strides = array<i32>} : memref<2048x16xf32, #tpu.memory_space<vmem>>, vector<2048x16xf32>,
    %get3A_58 = arith.constant 0 : index
    %get3A_59 = arith.constant 0 : index
    %get3A_60 = vector.load %arg8[%get3A_58, %get3A_59] : memref<128x16xf32, #tpu.memory_space<vmem>>, vector<128x16xf32>
    %dot_general3A_61 = arith.constant dense<0.000000e+00> : vector<2048x16xf32>
    %dot_general3A_62 = tpu.matmul %max3A_50, %get3A_60, %dot_general3A_61 {dimension_numbers = #tpu.dot_dimension_numbers<[1], [0], [0], [1], [0, 0, 1, 1], [], []>, transpose_lhs_hint = false} : vector<2048x128xf32>, vector<128x16xf32>, vector<2048x16xf32> -> vector<2048x16xf32>
    %swap3A_63 = arith.constant 0 : index
    %swap3A_64 = arith.constant 0 : index
    %swap3A_65 = vector.load %arg10[%swap3A_63, %swap3A_64] : memref<2048x16xf32, #tpu.memory_space<vmem>>, vector<2048x16xf32>
    tpu.vector_store %arg10[%swap3A_63, %swap3A_64], %dot_general3A_62 {strides = array<i32>} : memref<2048x16xf32, #tpu.memory_space<vmem>>, vector<2048x16xf32>,
    return
  }
  func.func @transform_0(%arg0: i32) -> (i32, i32, i32) {
    %c0_i32 = arith.constant 0 : i32
    %c0_i32_0 = arith.constant 0 : i32
    %c0_i32_1 = arith.constant 0 : i32
    return %c0_i32, %arg0, %c0_i32_0 : i32, i32, i32
  }
  func.func @transform_1(%arg0: i32) -> (i32, i32, i32) {
    %c0_i32 = arith.constant 0 : i32
    %c0_i32_0 = arith.constant 0 : i32
    %c0_i32_1 = arith.constant 0 : i32
    return %c0_i32, %arg0, %c0_i32_0 : i32, i32, i32
  }
  func.func @transform_2(%arg0: i32) -> (i32, i32, i32) {
    %c0_i32 = arith.constant 0 : i32
    %c0_i32_0 = arith.constant 0 : i32
    %c0_i32_1 = arith.constant 0 : i32
    return %c0_i32, %arg0, %c0_i32_0 : i32, i32, i32
  }
  func.func @transform_3(%arg0: i32) -> (i32, i32) {
    %c0_i32 = arith.constant 0 : i32
    %c0_i32_0 = arith.constant 0 : i32
    %c0_i32_1 = arith.constant 0 : i32
    return %c0_i32, %c0_i32_0 : i32, i32
  }
  func.func @transform_4(%arg0: i32) -> (i32, i32) {
    %c0_i32 = arith.constant 0 : i32
    %c0_i32_0 = arith.constant 0 : i32
    %c0_i32_1 = arith.constant 0 : i32
    return %c0_i32, %c0_i32_0 : i32, i32
  }
  func.func @transform_5(%arg0: i32) -> (i32, i32) {
    %c0_i32 = arith.constant 0 : i32
    %c0_i32_0 = arith.constant 0 : i32
    %c0_i32_1 = arith.constant 0 : i32
    return %c0_i32, %c0_i32_0 : i32, i32
  }
  func.func @transform_6(%arg0: i32) -> (i32, i32) {
    %c0_i32 = arith.constant 0 : i32
    %c0_i32_0 = arith.constant 0 : i32
    %c0_i32_1 = arith.constant 0 : i32
    return %c0_i32, %c0_i32_0 : i32, i32
  }
  func.func @transform_7(%arg0: i32) -> (i32, i32) {
    %c0_i32 = arith.constant 0 : i32
    %c0_i32_0 = arith.constant 0 : i32
    %c0_i32_1 = arith.constant 0 : i32
    return %c0_i32, %c0_i32_0 : i32, i32
  }
  func.func @transform_8(%arg0: i32) -> (i32, i32) {
    %c0_i32 = arith.constant 0 : i32
    %c0_i32_0 = arith.constant 0 : i32
    return %arg0, %c0_i32 : i32, i32
  }
  func.func @transform_9(%arg0: i32) -> (i32, i32) {
    %c0_i32 = arith.constant 0 : i32
    %c0_i32_0 = arith.constant 0 : i32
    return %arg0, %c0_i32 : i32, i32
  }
}

module attributes {stable_mosaic.version = 14 : i64} {
  func.func @body(%arg0: i32, %arg1: memref<1000x16xf32, #tpu.memory_space<vmem>>, %arg2: memref<2x1000x16xf32, #tpu.memory_space<vmem>>, %arg3: memref<2x1000x16xf32, #tpu.memory_space<vmem>>, %arg4: memref<1x16xf32, #tpu.memory_space<vmem>>, %arg5: memref<1000x16xf32, #tpu.memory_space<vmem>>) attributes {dimension_semantics = [#tpu.dimension_semantics<arbitrary>], iteration_bounds = array<i64: 10>, scalar_prefetch = 0 : i64, scratch_operands = 0 : i64, tpu.core_type = #tpu.core_type<tc>, window_params = [{transform_indices = @transform_0, window_bounds = array<i64: 1000, 16>}, {transform_indices = @transform_1, window_bounds = array<i64: 2, 1000, 16>}, {transform_indices = @transform_2, window_bounds = array<i64: 2, 1000, 16>}, {pipeline_mode = #tpu.pipeline_mode<synchronous>, transform_indices = @transform_3, window_bounds = array<i64: 1, 16>}, {transform_indices = @transform_4, window_bounds = array<i64: 1000, 16>}]} {
    %get3A = arith.constant 0 : index
    %get3A_0 = arith.constant 0 : index
    %get3A_1 = arith.constant 0 : index
    %get3A_2 = vector.load %arg2[%get3A, %get3A_0, %get3A_1] : memref<2x1000x16xf32, #tpu.memory_space<vmem>>, vector<1x1000x16xf32>
    %get3A_3 = vector.shape_cast %get3A_2 : vector<1x1000x16xf32> to vector<1000x16xf32>
    %get3A_4 = arith.constant 1 : index
    %get3A_5 = arith.constant 0 : index
    %get3A_6 = arith.constant 0 : index
    %get3A_7 = vector.load %arg2[%get3A_4, %get3A_5, %get3A_6] : memref<2x1000x16xf32, #tpu.memory_space<vmem>>, vector<1x1000x16xf32>
    %get3A_8 = vector.shape_cast %get3A_7 : vector<1x1000x16xf32> to vector<1000x16xf32>
    %add3A = arith.addf %get3A_3, %get3A_8 : vector<1000x16xf32>
    %get3A_9 = arith.constant 0 : index
    %get3A_10 = arith.constant 0 : index
    %get3A_11 = arith.constant 0 : index
    %get3A_12 = vector.load %arg3[%get3A_9, %get3A_10, %get3A_11] : memref<2x1000x16xf32, #tpu.memory_space<vmem>>, vector<1x1000x16xf32>
    %get3A_13 = vector.shape_cast %get3A_12 : vector<1x1000x16xf32> to vector<1000x16xf32>
    %get3A_14 = arith.constant 1 : index
    %get3A_15 = arith.constant 0 : index
    %get3A_16 = arith.constant 0 : index
    %get3A_17 = vector.load %arg3[%get3A_14, %get3A_15, %get3A_16] : memref<2x1000x16xf32, #tpu.memory_space<vmem>>, vector<1x1000x16xf32>
    %get3A_18 = vector.shape_cast %get3A_17 : vector<1x1000x16xf32> to vector<1000x16xf32>
    %add3A_19 = arith.addf %get3A_13, %get3A_18 : vector<1000x16xf32>
    %max3A = arith.constant 1.000000e+00 : f32
    %max3A_20 = vector.broadcast %max3A : f32 to vector<1000x16xf32>
    %max3A_21 = arith.maximumf %add3A_19, %max3A_20 : vector<1000x16xf32>
    %div3A = arith.divf %add3A, %max3A_21 : vector<1000x16xf32>
    %get3A_22 = arith.constant 0 : index
    %get3A_23 = arith.constant 0 : index
    %get3A_24 = vector.load %arg1[%get3A_22, %get3A_23] : memref<1000x16xf32, #tpu.memory_space<vmem>>, vector<1000x16xf32>
    %add3A_25 = arith.addf %get3A_24, %div3A : vector<1000x16xf32>
    %get3A_26 = arith.constant 0 : index
    %get3A_27 = arith.constant 0 : index
    %get3A_28 = vector.load %arg4[%get3A_26, %get3A_27] : memref<1x16xf32, #tpu.memory_space<vmem>>, vector<1x16xf32>
    %add3A_29 = vector.broadcast %get3A_28 : vector<1x16xf32> to vector<1000x16xf32>
    %add3A_30 = arith.addf %add3A_25, %add3A_29 : vector<1000x16xf32>
    %swap3A = arith.constant 0 : index
    %swap3A_31 = arith.constant 0 : index
    %swap3A_32 = vector.load %arg5[%swap3A, %swap3A_31] : memref<1000x16xf32, #tpu.memory_space<vmem>>, vector<1000x16xf32>
    tpu.vector_store %arg5[%swap3A, %swap3A_31], %add3A_30 {strides = array<i32>} : memref<1000x16xf32, #tpu.memory_space<vmem>>, vector<1000x16xf32>,
    return
  }
  func.func @transform_0(%arg0: i32) -> (i32, i32) {
    %c0_i32 = arith.constant 0 : i32
    %c0_i32_0 = arith.constant 0 : i32
    return %arg0, %c0_i32 : i32, i32
  }
  func.func @transform_1(%arg0: i32) -> (i32, i32, i32) {
    %c0_i32 = arith.constant 0 : i32
    %c0_i32_0 = arith.constant 0 : i32
    %c0_i32_1 = arith.constant 0 : i32
    return %c0_i32, %arg0, %c0_i32_0 : i32, i32, i32
  }
  func.func @transform_2(%arg0: i32) -> (i32, i32, i32) {
    %c0_i32 = arith.constant 0 : i32
    %c0_i32_0 = arith.constant 0 : i32
    %c0_i32_1 = arith.constant 0 : i32
    return %c0_i32, %arg0, %c0_i32_0 : i32, i32, i32
  }
  func.func @transform_3(%arg0: i32) -> (i32, i32) {
    %c0_i32 = arith.constant 0 : i32
    %c0_i32_0 = arith.constant 0 : i32
    %c0_i32_1 = arith.constant 0 : i32
    return %c0_i32, %c0_i32_0 : i32, i32
  }
  func.func @transform_4(%arg0: i32) -> (i32, i32) {
    %c0_i32 = arith.constant 0 : i32
    %c0_i32_0 = arith.constant 0 : i32
    return %arg0, %c0_i32 : i32, i32
  }
}

</mosaic_0001>

<sc_bundles>
// kernel: kernel.10.cloned.1.call-start
scs
__scs_entry_jumppad:
0x0: {  	(pc) =	sbr.rel $0x88, $3  }
0x1: {  	(tag) =	ssettag $0x0;
	lr =	simm.s32 $0x1  }
0x2: {  	[smem:$0x3F96] =	sst lr;
	_ =	strace $0xD0000000  }
0x3: {  	_ = 	snop  }
0x4: {  	_ = 	snop  }
0x5: {  	_ = 	snop  }
0x6: {  	_ = 	snop  }
0x7: {  	_ = 	snop  }
__scs_overlays_trampoline_lowered:
0x8: {  	[smem:$0x3FA5] =	sst s0  }
0x9: {  	[smem:$0x3FA6] =	sst s1  }
0xa: {  	[smem:$0x3FA7] =	sst s2  }
0xb: {  	[smem:$0x3FA8] =	sst s3  }
0xc: {  	[smem:$0x3FA9] =	sst s4  }
0xd: {  	[smem:$0x3FAA] =	sst s5  }
0xe: {  	[smem:$0x3FAB] =	sst s6  }
0xf: {  	[smem:$0x3FAC] =	sst s7  }
0x10: {  	[smem:$0x3FAD] =	sst s8  }
0x11: {  	[smem:$0x3FAE] =	sst s9;
	s0 =	simm.s32 @!p0 $0x0  }
0x12: {  	s1 =	sld [smem:$0x3F94];
	s0 =	simm.s32 @p0 $0x1  }
0x13: {  	[smem:$0x3FAF] =	sst s0;
	s0 =	simm.s32 @!p1 $0x0  }
0x14: {  	s2 =	sld [smem:$0x3F93];
	s0 =	simm.s32 @p1 $0x1  }
0x15: {  	[smem:$0x3FB0] =	sst s0;
	s0 =	simm.s32 @!p2 $0x0  }
0x16: {  	s3 =	sld [smem:$0x3FDB];
	s0 =	simm.s32 @p2 $0x1  }
0x17: {  	s4 =	simm.s32 $0x1BF5;
	[smem:$0x3FB2] =	sst s0  }
0x18: {  	s0 =	sld [smem:$0x3F95];
	_ =	swait.ge [sflag:s4], $0x0  }
0x19: {  	s7 =	sld [smem:$0x3F96]  }
0x1a: {  	s8 =	sadd.s32 $0xFFFFE003, lr  }
0x1b: {  	s9 =	sadd.s32 $0xFFFFFEF7, lr;
	s5 =	simm.s32 $0xFFFFFFFF;
	p2 =	slt.u32 s8, $0xFFFFF086  }
0x1c: {  	p1 =	slt.u32 s9, $0xF7A;
	s5 =	simm.s32 @!p2 $0x0  }
0x1d: {  	s5 =	simm.s32 @p1 $0x1;
	p0 =	seq.s32 s7, s2  }
0x1e: {  	s7 =	smul.u32 @!p0 $0xF7A, s2;
	p2 =	seq.s32 @!p0 s5, $0x0  }
0x1f: {  	s9 =	smul.u32 $0xF7A, s1;
	s8 =	simm.s32 @!p0 $0x1BF5;
	p2 =	por !p2, p0  }
0x20: {  	[sflag:s8] =	ssyncset.s32 @!p0 $0xFFFFF086;
	s6 =	sadd.s32 @!p0 s3, s7;
	s7 =	simm.s32 @!p0 $0x108  }
0x21: {  	s3 =	sadd.s32 s3, s9;
	s6 =	sadd.s32 @!p0 $0x88, s6;
	s7 =	simm.s32 @p2 $0x1082  }
0x22: {  	[simem:s7], [sflag:s8] =	dma.local @!p0 [hbm:s6], $0xF7A  }
0x23: {  	s9 =	sor.u32 $0xD0000000, s2;
	s6 =	simm.s32 $0x108;
	_ =	swait.ge @!p0 [sflag:s8], $0x0  }
0x24: {  	s3 =	sadd.s32 $0x88, s3;
	s6 =	simm.s32 @!p1 $0x1082;
	[sflag:s4] =	ssyncset.s32 $0xFFFFF086  }
0x25: {  	[simem:s6], [sflag:s4] =	dma.local [hbm:s3], $0xF7A  }
0x26: {  	[smem:$0x3F96] =	sst s1;
	(tag) =	ssettag s2;
	_ =	strace s9  }
0x27: {  	s1 =	sld [smem:$0x3FA6]  }
0x28: {  	s2 =	sld [smem:$0x3FA7]  }
0x29: {  	s4 =	sld [smem:$0x3FA9]  }
0x2a: {  	p0 =	seq.s32 s5, $0x0;
	s5 =	sld [smem:$0x3FAA]  }
0x2b: {  	s6 =	sld [smem:$0x3FAB]  }
0x2c: {  	s7 =	sld [smem:$0x3FAC]  }
0x2d: {  	s3 =	simm.s32 $0x108;
	s8 =	sld [smem:$0x3FAD]  }
0x2e: {  	s3 =	simm.s32 @!p0 $0x1082;
	s9 =	sld [smem:$0x3FAE]  }
0x2f: {  	lr =	sadd.s32 s0, s3;
	s0 =	sld [smem:$0x3FA5]  }
0x30: {  	s3 =	sld [smem:$0x3FA8]  }
0x31: {  	[smem:$0x3FB1] =	sst s10  }
0x32: {  	s10 =	sld [smem:$0x3FAF];
	_ =	sdelay $0x3  }
0x33: {  	p0 =	seq.s32 s10, $0x1;
	s10 =	sld [smem:$0x3FB1];
	_ =	sdelay $0x3  }
0x34: {  	[smem:$0x3FB1] =	sst s10  }
0x35: {  	s10 =	sld [smem:$0x3FB0];
	_ =	sdelay $0x3  }
0x36: {  	p1 =	seq.s32 s10, $0x1;
	s10 =	sld [smem:$0x3FB1];
	_ =	sdelay $0x3  }
0x37: {  	[smem:$0x3FB1] =	sst s10  }
0x38: {  	s10 =	sld [smem:$0x3FB2]  }
0x39: {  	_ = 	snop;
	(pc) =	sbr.ind lr, $3  }
0x3a: {  	_ = 	snop  }
0x3b: {  	_ = 	snop  }
0x3c: {  	p2 =	seq.s32 s10, $0x1;
	s10 =	sld [smem:$0x3FB1]  }
0x3d: {  	_ =	shalt  }
0x3e: {  	_ =	shalt  }
0x3f: {  	_ =	shalt  }
0x40: {  	_ =	shalt  }
0x41: {  	_ =	shalt  }
0x42: {  	_ =	shalt  }
0x43: {  	_ =	shalt  }
0x44: {  	_ =	shalt  }
0x45: {  	_ =	shalt  }
0x46: {  	_ =	shalt  }
0x47: {  	_ =	shalt  }
0x48: {  	_ =	shalt  }
0x49: {  	_ =	shalt  }
0x4a: {  	_ =	shalt  }
0x4b: {  	_ =	shalt  }
0x4c: {  	_ =	shalt  }
0x4d: {  	_ =	shalt  }
0x4e: {  	_ =	shalt  }
0x4f: {  	_ =	shalt  }
0x50: {  	_ =	shalt  }
0x51: {  	_ =	shalt  }
0x52: {  	_ =	shalt  }
0x53: {  	_ =	shalt  }
0x54: {  	_ =	shalt  }
0x55: {  	_ =	shalt  }
0x56: {  	_ =	shalt  }
0x57: {  	_ =	shalt  }
0x58: {  	_ =	shalt  }
0x59: {  	_ =	shalt  }
0x5a: {  	_ =	shalt  }
0x5b: {  	_ =	shalt  }
0x5c: {  	_ =	shalt  }
0x5d: {  	_ =	shalt  }
0x5e: {  	_ =	shalt  }
0x5f: {  	_ =	shalt  }
0x60: {  	_ =	shalt  }
0x61: {  	_ =	shalt  }
0x62: {  	_ =	shalt  }
0x63: {  	_ =	shalt  }
0x64: {  	_ =	shalt  }
0x65: {  	_ =	shalt  }
0x66: {  	_ =	shalt  }
0x67: {  	_ =	shalt  }
0x68: {  	_ =	shalt  }
0x69: {  	_ =	shalt  }
0x6a: {  	_ =	shalt  }
0x6b: {  	_ =	shalt  }
0x6c: {  	_ =	shalt  }
0x6d: {  	_ =	shalt  }
0x6e: {  	_ =	shalt  }
0x6f: {  	_ =	shalt  }
0x70: {  	_ =	shalt  }
0x71: {  	_ =	shalt  }
0x72: {  	_ =	shalt  }
0x73: {  	_ =	shalt  }
0x74: {  	_ =	shalt  }
0x75: {  	_ =	shalt  }
0x76: {  	_ =	shalt  }
0x77: {  	_ =	shalt  }
0x78: {  	_ =	shalt  }
0x79: {  	_ =	shalt  }
0x7a: {  	_ =	shalt  }
0x7b: {  	_ =	shalt  }
0x7c: {  	_ =	shalt  }
0x7d: {  	_ =	shalt  }
0x7e: {  	_ =	shalt  }
0x7f: {  	_ =	shalt  }
0x80: {  	_ =	shalt  }
0x81: {  	_ =	shalt  }
0x82: {  	_ =	shalt  }
0x83: {  	_ =	shalt  }
0x84: {  	_ =	shalt  }
0x85: {  	_ =	shalt  }
0x86: {  	_ =	shalt  }
0x87: {  	_ =	shalt  }
.Lfunc_end0:
.L_simem_size_0:
called_computation.1_lowered:
.L_overlay_start_0:
0x88: {  	s2 =	sld [smem:$0x3FD9]  }
0x89: {  	s3 =	sld [smem:$0x3FFE];
	_ =	sdelay $0x1  }
0x8a: {  	s1 =	srdreg.scid  }
0x8b: {  	s0 =	sand.u32 $0x1, s1  }
0x8c: {  	s16 =	sshll.u32 s0, $0xA;
	s2 =	sadd.s32 s3, s2  }
0x8d: {  	s2 =	sadd.s32 s2, s16  }
0x8e: {  	[smem:$0x3FBD] =	sst s2  }
0x8f: {  	_ = 	snop  }
0x90: {  	(tm) =	ssettm $0x1  }
0x91: {  	s17 =	sld [smem:$0x3FFB];
	_ =	sdelay $0x3  }
0x92: {  	_ =	strace s17  }
0x93: {  	s2 =	sld [smem:$0x3FFC];
	_ =	sdelay $0x3  }
0x94: {  	_ =	strace s2  }
0x95: {  	s2 =	sld [smem:$0x3FFD];
	_ =	sdelay $0x3  }
0x96: {  	_ =	strace s2  }
0x97: {  	_ =	strace $0x8FFFFFFF  }
0x98: {  	s18 =	sld [smem:$0x3FDB];
	_ =	sdelay $0x1  }
0x99: {  	s19 =	simm.s32 $_scs_section_size  }
0x9a: {  	s4 =	simm.s32 $_size__tile_overlayer_lowered;
	s5 =	simm.s32 $_tile_overlayer_lowered  }
0x9b: {  	s22 =	simm.s32 $0x1BFF;
	s21 =	sshll.u32 s5, $0x1;
	s2 =	sadd.s32 s19, s18  }
0x9c: {  	s6 =	simm.s32 $0x0;
	s20 =	sshll.u32 s4, $0x1;
	s4 =	sadd.s32 s21, s2  }
0x9d: {  	[timem:s6], [sflag:s22] =	dma.local [hbm:s4], s20  }
0x9e: {  	_ =	swait.ge [sflag:s22], s20  }
0x9f: {  	s3 =	ssub.s32 $0x0, s20;
	[sflag:s22] =	ssyncset.done $0x0  }
0xa0: {  	[sflag:s22] =	ssyncadd.s32 s3;
	_ =	sdelay $0x1  }
0xa1: {  	s23 =	simm.s32 $0x1B8B  }
0xa2: {  	_ =	swait.ge [sflag:s23], $0x1  }
0xa3: {  	[sflag:s23] =	ssyncset.done $0x0  }
0xa4: {  	s25 =	simm.s32 $0x1B8E;
	s24 =	sld [smem:$0x3FFE];
	[sflag:s23] =	ssyncadd.s32 $0xFFFFFFFF  }
0xa5: {  	s26 =	simm.s32 $execute0_lowered;
	[smem:$0x3FD2] =	sst s25  }
0xa6: {  	s4 =	sshll.u32 s26, $0x1;
	_ =	strace $0x80000049;
	[dreg:$0x1] =	wrdreg $0xFFFFFFFF  }
0xa7: {  	s28 =	simm.s32 $_size_execute0_lowered;
	s2 =	sadd.s32 s2, s4;
	[dreg:$0x0] =	wrdreg $0x0  }
0xa8: {  	s4 =	sshll.u32 s28, $0x1;
	[dreg:$0x2] =	wrdreg s2  }
0xa9: {  	[dreg:$0x3] =	wrdreg s4  }
0xaa: {  	[dreg:$0x4] =	wrdreg $0xC0  }
0xab: {  	_ =	task [dreg:s6], $0x5FFFF  }
0xac: {  	[dreg:$0x1] =	wrdreg $0xFFFFFFFF  }
0xad: {  	[dreg:$0x0] =	wrdreg $0x60  }
0xae: {  	[dreg:$0x2] =	wrdreg s24  }
0xaf: {  	[dreg:$0x3] =	wrdreg $0x94000  }
0xb0: {  	[dreg:$0x4] =	wrdreg $0xBC000  }
0xb1: {  	[dreg:$0x5] =	wrdreg $0x9  }
0xb2: {  	_ =	task.clear_ibuf [dreg:s6], $0x6FFFF;
	_ =	strace $0x90000049  }
0xb3: {  	s29 =	simm.s32 $0x9;
	_ =	strace $0x8000004B  }
0xb4: {  	_ =	swait.ge [sflag:s29], $0x1  }
0xb5: {  	[sflag:s29] =	ssyncadd.s32 $0xFFFFFFFF  }
0xb6: {  	_ =	strace $0x9000004B  }
0xb7: {  	_ =	sfence  }
0xb8: {  	s30 =	sld [smem:$0x0];
	_ =	sdelay $0x2  }
0xb9: {  	s31 =	sshll.u32 s1, $0xD;
	s1 =	sshrl.u32 s1, $0x2  }
0xba: {  	s3 =	sand.u32 $0x4000, s31;
	s1 =	sadd.s32 s1, s30  }
0xbb: {  	s0 =	sor.u32 s3, s0;
	s1 =	sshll.u32 s1, $0x11  }
0xbc: {  	s0 =	sor.u32 s1, s0  }
0xbd: {  	s0 =	sadd.s32 $0x8F2B, s0  }
0xbe: {  	[sflag:s0] =	ssyncadd.remote.s32 $0x1  }
0xbf: {  	_ =	sfence.sel $0xFFFF  }
0xc0: {  	[dreg:$0x0] =	wrdreg $0xFFFFFFFF;
	(pc) =	sbr.abs _section_cstart, $3  }
0xc1: {  	[dreg:$0x1] =	wrdreg $0xFFFFFFFF  }
0xc2: {  	_ =	task.clear_ibuf [dreg:s6], $0x2FFFF;
	_ =	strace $0x9FFFFFFF  }
0xc3: {  	(tm) =	ssettm $0x7FFFFFFF  }
tec
execute0_lowered:
.L_overlay_start_1:
0x0: {  	(tag) =	ssettag $0x1  }
0x1: {  	s0 =	rddreg [dreg:$0x0]  }
0x2: {  	s1 =	rddreg [dreg:$0x1]  }
0x3: {  	s2 =	rddreg [dreg:$0x2]  }
0x4: {  	s3 =	simm.s32 $0x0;
	s4 =	srdreg.scid;
	s13 =	stileid.u32  }
0x5: {  	[smem:$0x7FF] =	sst s3;
	s19 =	sadd.s32 $0x79A00, s0;
	s6 =	sadd.s32 $0x6FA00, s0  }
0x6: {  	s4 =	sand.u32 $0x1, s4;
	s5 =	sshll.u32 s13, $0x1;
	s7 =	sadd.s32 $0x10A00, s0  }
0x7: {  	s10 =	sadd.s32 $0x6A00, s0;
	_ =	strace $0x8000004A;
	s9 =	sor.u32 s4, s5  }
0x8: {  	s8 =	ssub.s32 $0x2, s4;
	p0 =	seq.s32 s4, $0x0;
	s12 =	smul.u32 $0x2800, s9  }
0x9: {  	s5 =	simm.s32 $0x3C;
	s11 =	sshrl.u32 s8, $0x1;
	s9 =	smul.u32 $0x500, s9  }
0xa: {  	s22 =	smul.u32 $0x28000, s4;
	s5 =	simm.s32 @!p0 $0x64;
	s8 =	ssub.s32 s8, s11  }
0xb: {  	s20 =	sadd.s32 $0xFFFFF600, s12;
	s21 =	sadd.s32 s19, s9;
	s12 =	smul.u32 $0x2800, s13  }
0xc: {  	s9 =	sadd.s32 s6, s9;
	[dreg:$0x5] =	wrdreg s21;
	s11 =	sshrl.u32 s20, $0x3  }
0xd: {  	[dreg:$0x6] =	wrdreg s9;
	s9 =	smul.u32 $0x67, s5;
	s3 =	sadd.s32 s19, s11  }
0xe: {  	s6 =	sadd.s32 s6, s11;
	s4 =	sadd.s32 $0x800, s12;
	s11 =	sadd.s32 $0x1000, s12  }
0xf: {  	s23 =	sadd.s32 $0x1800, s12;
	s13 =	sadd.s32 s12, s22;
	[dreg:$0x7] =	wrdreg s3  }
0x10: {  	s14 =	sadd.s32 $0x2000, s12;
	[dreg:$0x8] =	wrdreg s6;
	s6 =	sshrl.u32 s9, $0x9  }
0x11: {  	s13 =	sshrl.u32 s13, $0x3;
	s24 =	sadd.s32 s22, s4;
	s16 =	sadd.s32 s22, s11  }
0x12: {  	s20 =	sadd.s32 s22, s23;
	s3 =	sadd.s32 s22, s14;
	s22 =	sadd.s32 s4, s1  }
0x13: {  	s28 =	sadd.s32 s23, s1;
	s29 =	sadd.s32 s23, s2;
	s30 =	sadd.s32 s14, s1  }
0x14: {  	s31 =	sadd.s32 s14, s2;
	s23 =	smax.u32 s8, $0x1;
	s8 =	simm.s32 $0x6C00  }
0x15: {  	s9 =	simm.s32 $0x7400;
	s14 =	simm.s32 $0x3;
	s15 =	sadd.s32 s7, s13  }
0x16: {  	s13 =	sadd.s32 s10, s13;
	s25 =	sshrl.u32 s24, $0x3;
	[dreg:$0x13] =	wrdreg s22  }
0x17: {  	s26 =	sshrl.u32 s16, $0x3;
	s3 =	sshrl.u32 s3, $0x3;
	[dreg:$0x14] =	wrdreg s23  }
0x18: {  	s6 =	smul.u32 $0xA00, s6;
	s24 =	sadd.s32 s4, s2;
	[dreg:$0x9] =	wrdreg s15  }
0x19: {  	s4 =	simm.s32 $0x4;
	[dreg:$0xa] =	wrdreg s13;
	s17 =	sadd.s32 s7, s25  }
0x1a: {  	s13 =	sadd.s32 s10, s25;
	s18 =	sadd.s32 s7, s26;
	[dreg:$0xb] =	wrdreg s17  }
0x1b: {  	s19 =	sadd.s32 s10, s26;
	s25 =	sadd.s32 s11, s1;
	[dreg:$0xc] =	wrdreg s13  }
0x1c: {  	s26 =	sadd.s32 s11, s2;
	s11 =	simm.s32 $0x8400;
	[dreg:$0xd] =	wrdreg s18  }
0x1d: {  	s15 =	simm.s32 $0x0;
	[dreg:$0xe] =	wrdreg s19;
	s13 =	sshrl.u32 s20, $0x3  }
0x1e: {  	[dreg:$0x4] =	wrdreg s6;
	s20 =	sadd.s32 $0x1A00, s0;
	s21 =	sadd.s32 s7, s13  }
0x1f: {  	s19 =	sadd.s32 s12, s1;
	s13 =	sadd.s32 s10, s13;
	[dreg:$0xf] =	wrdreg s21  }
0x20: {  	s6 =	simm.s32 $0x8C00;
	s7 =	sadd.s32 s7, s3;
	[dreg:$0x10] =	wrdreg s13  }
0x21: {  	s3 =	sadd.s32 s10, s3;
	s10 =	simm.s32 $0x7C00;
	[dreg:$0x11] =	wrdreg s7  }
0x22: {  	[dreg:$0x12] =	wrdreg s3;
	s21 =	sadd.s32 s12, s2;
	s3 =	simm.s32 $0x6400  }
0x23: {  	v0 =	vimm.f32 $0.0e+00;
	v1 =	vimm.f32 $1.000000000e+00;
	s7 =	simm.s32 $0x80;
	s12 =	simm.s32 $0x1;
	s13 =	simm.s32 $0x2  }
.LBB2_1:
0x24: {  	s0 =	simm.s32 $0x0;
	s16 =	rddreg [dreg:$0x5]  }
0x25: {  	[tilespmem:s0], [sflag:$0x4] =	stream.linear.gather [hbm4b:s16+s0], $0x2800, $0x38;
	[tilespmem:$0xE400] =	vst v63  }
0x26: {  	_ =	swait.ge [sflag:s4], $0x2800  }
0x27: {  	[sflag:s4] =	ssyncset.done $0x0  }
0x28: {  	s17 =	simm.s32 $0x3200;
	s23 =	rddreg [dreg:$0x6];
	[sflag:s4] =	ssyncadd.s32 $0xFFFFD800  }
0x29: {  	[tilespmem:s17], [sflag:$0x4] =	stream.linear.gather [hbm4b:s23+s0], $0x2800, $0x38;
	[tilespmem:$0xE400] =	vst v63  }
0x2a: {  	_ =	swait.ge [sflag:s4], $0x2800  }
0x2b: {  	s16 =	simm.s32 @!p0 $0x0;
	[sflag:s4] =	ssyncset.done $0x0  }
0x2c: {  	s17 =	simm.s32 @!p0 $0x2800;
	s0 =	rddreg [dreg:$0x7];
	[sflag:s4] =	ssyncadd.s32 $0xFFFFD800  }
0x2d: {  	[tilespmem:s17], [sflag:$0x4] =	stream.linear.gather @!p0 [hbm4b:s0+s16], $0xA00, $0x38;
	[tilespmem:$0xE400] =	vst v63  }
0x2e: {  	s17 =	simm.s32 @!p0 $0x4  }
0x2f: {  	_ =	swait.ge @!p0 [sflag:s17], $0xA00  }
0x30: {  	[sflag:s17] =	ssyncset.done @!p0 $0x0  }
0x31: {  	s18 =	simm.s32 @!p0 $0x5A00;
	s0 =	rddreg [dreg:$0x8];
	[sflag:s17] =	ssyncadd.s32 @!p0 $0xFFFFF600  }
0x32: {  	[tilespmem:s18], [sflag:$0x4] =	stream.linear.gather @!p0 [hbm4b:s0+s16], $0xA00, $0x38;
	[tilespmem:$0xE400] =	vst v63  }
0x33: {  	_ =	swait.ge @!p0 [sflag:s17], $0xA00  }
0x34: {  	[sflag:s17] =	ssyncset.done @!p0 $0x0  }
0x35: {  	s16 =	simm.s32 $0x0;
	[sflag:s17] =	ssyncadd.s32 @!p0 $0xFFFFF600  }
.LBB2_2:
0x36: {  	p1 =	sne.s32 s16, $0x1FC0  }
.Ltmp0:
0x37: {  	_ = 	snop;
	(pc) =	sbr.rel @p1 .LBB2_2-.Ltmp0, $3  }
0x38: {  	_ =	sdelay $0x1  }
0x39: {  	s17 =	sshra.s32 s16, $0x2  }
0x3a: {  	s16 =	sadd.s32 $0x40, s16;
	[tilespmem:s17+$0x6400] =	vst v0  }
0x3b: {  	s16 =	simm.s32 $0x40;
	s17 =	simm.s32 $0x0  }
.LBB2_4:
0x3c: {  	p1 =	sne.s32 s16, $0x1FC0;
	[tilespmem:s17+$0x8C00] =	vst v0;
	s17 =	smov.u32 s16;
	s16 =	sadd.s32 $0x40, s16  }
.Ltmp1:
0x3d: {  	(pc) =	sbr.rel @p1 .LBB2_4-.Ltmp1, $2  }
0x3e: {  	_ =	sdelay $0x2  }
0x3f: {  	s17 =	sshra.s32 s17, $0x2  }
0x40: {  	[tilespmem:s17+$0x8C00] =	vst v0  }
0x41: {  	[spmem:s19] =	stream.linear.scatter [tilespmem:s3], [sflag:$0x4], $0x800, $0x38;
	[tilespmem:$0xE400] =	vst v63  }
0x42: {  	_ =	swait.ge [sflag:s4], $0x800  }
0x43: {  	[sflag:s4] =	ssyncset.done $0x0  }
0x44: {  	[sflag:s4] =	ssyncadd.s32 $0xFFFFF800  }
0x45: {  	[spmem:s21] =	stream.linear.scatter [tilespmem:s6], [sflag:$0x4], $0x800, $0x38;
	[tilespmem:$0xE400] =	vst v63  }
0x46: {  	_ =	swait.ge [sflag:s4], $0x800  }
0x47: {  	[sflag:s4] =	ssyncset.done $0x0  }
0x48: {  	s0 =	rddreg [dreg:$0x13];
	[sflag:s4] =	ssyncadd.s32 $0xFFFFF800  }
0x49: {  	[spmem:s0] =	stream.linear.scatter [tilespmem:s3], [sflag:$0x4], $0x800, $0x38;
	[tilespmem:$0xE400] =	vst v63  }
0x4a: {  	_ =	swait.ge [sflag:s4], $0x800  }
0x4b: {  	[sflag:s4] =	ssyncset.done $0x0  }
0x4c: {  	[sflag:s4] =	ssyncadd.s32 $0xFFFFF800  }
0x4d: {  	[spmem:s24] =	stream.linear.scatter [tilespmem:s6], [sflag:$0x4], $0x800, $0x38;
	[tilespmem:$0xE400] =	vst v63  }
0x4e: {  	_ =	swait.ge [sflag:s4], $0x800  }
0x4f: {  	[sflag:s4] =	ssyncset.done $0x0  }
0x50: {  	[sflag:s4] =	ssyncadd.s32 $0xFFFFF800  }
0x51: {  	[spmem:s25] =	stream.linear.scatter [tilespmem:s3], [sflag:$0x4], $0x800, $0x38;
	[tilespmem:$0xE400] =	vst v63  }
0x52: {  	_ =	swait.ge [sflag:s4], $0x800  }
0x53: {  	[sflag:s4] =	ssyncset.done $0x0  }
0x54: {  	[sflag:s4] =	ssyncadd.s32 $0xFFFFF800  }
0x55: {  	[spmem:s26] =	stream.linear.scatter [tilespmem:s6], [sflag:$0x4], $0x800, $0x38;
	[tilespmem:$0xE400] =	vst v63  }
0x56: {  	_ =	swait.ge [sflag:s4], $0x800  }
0x57: {  	[sflag:s4] =	ssyncset.done $0x0  }
0x58: {  	[sflag:s4] =	ssyncadd.s32 $0xFFFFF800  }
0x59: {  	[spmem:s28] =	stream.linear.scatter [tilespmem:s3], [sflag:$0x4], $0x800, $0x38;
	[tilespmem:$0xE400] =	vst v63  }
0x5a: {  	_ =	swait.ge [sflag:s4], $0x800  }
0x5b: {  	[sflag:s4] =	ssyncset.done $0x0  }
0x5c: {  	[sflag:s4] =	ssyncadd.s32 $0xFFFFF800  }
0x5d: {  	[spmem:s29] =	stream.linear.scatter [tilespmem:s6], [sflag:$0x4], $0x800, $0x38;
	[tilespmem:$0xE400] =	vst v63  }
0x5e: {  	_ =	swait.ge [sflag:s4], $0x800  }
0x5f: {  	[sflag:s4] =	ssyncset.done $0x0  }
0x60: {  	[sflag:s4] =	ssyncadd.s32 $0xFFFFF800  }
0x61: {  	[spmem:s30] =	stream.linear.scatter [tilespmem:s3], [sflag:$0x4], $0x800, $0x38;
	[tilespmem:$0xE400] =	vst v63  }
0x62: {  	_ =	swait.ge [sflag:s4], $0x800  }
0x63: {  	[sflag:s4] =	ssyncset.done $0x0  }
0x64: {  	[sflag:s4] =	ssyncadd.s32 $0xFFFFF800  }
0x65: {  	[spmem:s31] =	stream.linear.scatter [tilespmem:s6], [sflag:$0x4], $0x800, $0x38;
	[tilespmem:$0xE400] =	vst v63  }
0x66: {  	_ =	swait.ge [sflag:s4], $0x800  }
0x67: {  	s22 =	smov.u32 s19;
	s23 =	smov.u32 s21;
	[sflag:s4] =	ssyncset.done $0x0  }
0x68: {  	s16 =	simm.s32 $0x40;
	s17 =	simm.s32 $0x0;
	[sflag:s4] =	ssyncadd.s32 $0xFFFFF800  }
.LBB2_6:
0x69: {  	p1 =	sne.s32 s16, $0x1FC0;
	[tilespmem:s17+$0x8C00] =	vst v1;
	s17 =	smov.u32 s16;
	s16 =	sadd.s32 $0x40, s16  }
.Ltmp2:
0x6a: {  	(pc) =	sbr.rel @p1 .LBB2_6-.Ltmp2, $2  }
0x6b: {  	_ =	sdelay $0x2  }
0x6c: {  	s17 =	sshra.s32 s17, $0x2  }
0x6d: {  	[tilespmem:s17+$0x8C00] =	vst v1;
	s16 =	simm.s32 $0x0  }
0x6e: {  	[tilespmem:s3], [sflag:$0x1] =	stream.indirect.gather [hbm4b:s20+s7], $0x10, s16, s7, $0xb8;
	[tilespmem:$0xE400] =	vst v63  }
0x6f: {  	_ = 	snop  }
0x70: {  	[tilespmem:s8], [sflag:$0x1] =	stream.indirect.gather [hbm4b:s20+s7], $0x10, s7, s7, $0xb8;
	[tilespmem:$0xE400] =	vst v63  }
0x71: {  	s0 =	simm.s32 $0x100  }
0x72: {  	[tilespmem:s9], [sflag:$0x1] =	stream.indirect.gather [hbm4b:s20+s7], $0x10, s0, s7, $0xb8;
	[tilespmem:$0xE400] =	vst v63  }
0x73: {  	s19 =	simm.s32 $0x180  }
0x74: {  	[tilespmem:s10], [sflag:$0x1] =	stream.indirect.gather [hbm4b:s20+s7], $0x10, s19, s7, $0xb8;
	[tilespmem:$0xE400] =	vst v63  }
0x75: {  	s21 =	simm.s32 $0x200  }
0x76: {  	[tilespmem:s11], [sflag:$0x1] =	stream.indirect.gather [hbm4b:s20+s7], $0x10, s21, s7, $0xb8;
	[tilespmem:$0xE400] =	vst v63  }
0x77: {  	s17 =	simm.s32 $0x4;
	[bflag:$0x0] =	sbarrier.arrive $0xFFFF  }
.LBB2_8:
0x78: {  	_ =	swait.ge [sflag:s12], $0x800  }
0x79: {  	s18 =	sshra.s32 s16, $0x2;
	[sflag:s12] =	ssyncset.done $0x0  }
0x7a: {  	s19 =	sadd.s32 $0x3200, s18;
	[sflag:s12] =	ssyncadd.s32 $0xFFFFF800  }
0x7b: {  	[spmem:s1] =	stream.indirect.scatter.add.f32 [tilespmem:s3], [sflag:$0x2], $0x10, s19, s7, $0xb8;
	[tilespmem:$0xE400] =	vst v63  }
0x7c: {  	p1 =	seq.s32 s16, $0x0  }
0x7d: {  	[spmem:s2] =	stream.indirect.scatter.add.f32 [tilespmem:s6], [sflag:$0x3], $0x10, s19, s7, $0xb8;
	[tilespmem:$0xE400] =	vst v63  }
0x7e: {  	s19 =	simm.s32 @!p1 $0x2  }
0x7f: {  	p2 =	sge.u32 @!p1 s17, s5;
	_ =	swait.ge @!p1 [sflag:s19], $0x800  }
0x80: {  	p2 =	por p2, p1;
	[sflag:s19] =	ssyncset.done @!p1 $0x0  }
0x81: {  	[sflag:s19] =	ssyncadd.s32 @!p1 $0xFFFFF800;
	s19 =	sshra.s32 @!p2 s16, $0x2  }
0x82: {  	s0 =	simm.s32 @!p2 $0x80;
	s21 =	simm.s32 @!p2 $0x8400;
	s19 =	sadd.s32 @!p2 $0x200, s19  }
0x83: {  	[tilespmem:s21], [sflag:$0x1] =	stream.indirect.gather @!p2 [hbm4b:s20+s0], $0x10, s19, s0, $0xb8;
	[tilespmem:$0xE400] =	vst v63  }
0x84: {  	_ =	swait.ge [sflag:s12], $0x800  }
0x85: {  	[sflag:s12] =	ssyncset.done $0x0  }
0x86: {  	s19 =	sadd.s32 $0x3280, s18;
	[sflag:s12] =	ssyncadd.s32 $0xFFFFF800  }
0x87: {  	[spmem:s1] =	stream.indirect.scatter.add.f32 [tilespmem:s8], [sflag:$0x2], $0x10, s19, s7, $0xb8;
	[tilespmem:$0xE400] =	vst v63  }
0x88: {  	s21 =	sadd.s32 $0x1, s17  }
0x89: {  	[spmem:s2] =	stream.indirect.scatter.add.f32 [tilespmem:s6], [sflag:$0x3], $0x10, s19, s7, $0xb8;
	[tilespmem:$0xE400] =	vst v63  }
0x8a: {  	p2 =	sge.u32 s21, s5;
	_ =	swait.ge [sflag:s13], $0x800  }
0x8b: {  	s0 =	sshra.s32 @!p2 s16, $0x2;
	s21 =	simm.s32 @!p2 $0x6400;
	[sflag:s13] =	ssyncset.done $0x0  }
0x8c: {  	s0 =	sadd.s32 @!p2 $0x280, s0;
	s19 =	simm.s32 @!p2 $0x80;
	[sflag:s13] =	ssyncadd.s32 $0xFFFFF800  }
0x8d: {  	[tilespmem:s21], [sflag:$0x1] =	stream.indirect.gather @!p2 [hbm4b:s20+s19], $0x10, s0, s19, $0xb8;
	[tilespmem:$0xE400] =	vst v63  }
0x8e: {  	_ =	swait.ge [sflag:s12], $0x800  }
0x8f: {  	[sflag:s12] =	ssyncset.done $0x0  }
0x90: {  	s19 =	sadd.s32 $0x3300, s18;
	[sflag:s12] =	ssyncadd.s32 $0xFFFFF800  }
0x91: {  	[spmem:s1] =	stream.indirect.scatter.add.f32 [tilespmem:s9], [sflag:$0x2], $0x10, s19, s7, $0xb8;
	[tilespmem:$0xE400] =	vst v63  }
0x92: {  	s21 =	sadd.s32 $0x2, s17  }
0x93: {  	[spmem:s2] =	stream.indirect.scatter.add.f32 [tilespmem:s6], [sflag:$0x3], $0x10, s19, s7, $0xb8;
	[tilespmem:$0xE400] =	vst v63  }
0x94: {  	p2 =	sge.u32 s21, s5;
	_ =	swait.ge [sflag:s13], $0x800  }
0x95: {  	s0 =	sshra.s32 @!p2 s16, $0x2;
	s21 =	simm.s32 @!p2 $0x6C00;
	[sflag:s13] =	ssyncset.done $0x0  }
0x96: {  	s0 =	sadd.s32 @!p2 $0x300, s0;
	s19 =	simm.s32 @!p2 $0x80;
	[sflag:s13] =	ssyncadd.s32 $0xFFFFF800  }
0x97: {  	[tilespmem:s21], [sflag:$0x1] =	stream.indirect.gather @!p2 [hbm4b:s20+s19], $0x10, s0, s19, $0xb8;
	[tilespmem:$0xE400] =	vst v63  }
0x98: {  	_ =	swait.ge [sflag:s12], $0x800  }
0x99: {  	[sflag:s12] =	ssyncset.done $0x0  }
0x9a: {  	s19 =	sadd.s32 $0x3380, s18;
	[sflag:s12] =	ssyncadd.s32 $0xFFFFF800  }
0x9b: {  	[spmem:s1] =	stream.indirect.scatter.add.f32 [tilespmem:s10], [sflag:$0x2], $0x10, s19, s7, $0xb8;
	[tilespmem:$0xE400] =	vst v63  }
0x9c: {  	s21 =	sadd.s32 $0x3, s17;
	s18 =	smov.u32 s17  }
0x9d: {  	[spmem:s2] =	stream.indirect.scatter.add.f32 [tilespmem:s6], [sflag:$0x3], $0x10, s19, s7, $0xb8;
	[tilespmem:$0xE400] =	vst v63  }
0x9e: {  	p2 =	sge.u32 s21, s5;
	s18 =	simm.s32 @p1 $0x4;
	_ =	swait.ge [sflag:s13], $0x800  }
0x9f: {  	s0 =	sshra.s32 @!p2 s16, $0x2;
	s21 =	simm.s32 @!p2 $0x7400;
	[sflag:s13] =	ssyncset.done $0x0  }
0xa0: {  	s0 =	sadd.s32 @!p2 $0x380, s0;
	s19 =	simm.s32 @!p2 $0x80;
	[sflag:s13] =	ssyncadd.s32 $0xFFFFF800  }
0xa1: {  	[tilespmem:s21], [sflag:$0x1] =	stream.indirect.gather @!p2 [hbm4b:s20+s19], $0x10, s0, s19, $0xb8;
	[tilespmem:$0xE400] =	vst v63  }
0xa2: {  	s19 =	sshll.u32 s18, $0x9;
	_ =	swait.ge [sflag:s12], $0x800  }
0xa3: {  	s0 =	sshra.s32 s19, $0x2;
	[sflag:s12] =	ssyncset.done $0x0  }
0xa4: {  	s21 =	sadd.s32 $0x4, s17;
	s0 =	sadd.s32 $0x3200, s0;
	[sflag:s12] =	ssyncadd.s32 $0xFFFFF800  }
0xa5: {  	[spmem:s1] =	stream.indirect.scatter.add.f32 [tilespmem:s11], [sflag:$0x2], $0x10, s0, s7, $0xb8;
	[tilespmem:$0xE400] =	vst v63  }
0xa6: {  	p1 =	sge.u32 s21, s5  }
0xa7: {  	[spmem:s2] =	stream.indirect.scatter.add.f32 [tilespmem:s6], [sflag:$0x3], $0x10, s0, s7, $0xb8;
	[tilespmem:$0xE400] =	vst v63  }
0xa8: {  	s18 =	simm.s32 @!p1 $0x80;
	s19 =	simm.s32 @!p1 $0x7C00;
	_ =	swait.ge [sflag:s13], $0x800  }
0xa9: {  	s0 =	sshra.s32 @!p1 s16, $0x2;
	s16 =	sadd.s32 $0xA00, s16;
	[sflag:s13] =	ssyncset.done $0x0  }
0xaa: {  	s0 =	sadd.s32 @!p1 $0x400, s0;
	s21 =	rddreg [dreg:$0x4];
	[sflag:s13] =	ssyncadd.s32 $0xFFFFF800  }
0xab: {  	[tilespmem:s19], [sflag:$0x1] =	stream.indirect.gather @!p1 [hbm4b:s20+s18], $0x10, s0, s18, $0xb8;
	[tilespmem:$0xE400] =	vst v63  }
0xac: {  	p1 =	sne.s32 s21, s16  }
.Ltmp3:
0xad: {  	_ = 	snop;
	(pc) =	sbr.rel @p1 .LBB2_8-.Ltmp3, $2  }
0xae: {  	_ =	sdelay $0x2  }
0xaf: {  	s17 =	sadd.s32 $0x5, s17  }
0xb0: {  	p1 =	sne.s32 s5, $0x1  }
.Ltmp4:
0xb1: {  	_ =	swait.ge [sflag:s13], $0x800;
	(pc) =	sbr.rel @!p1 .LBB2_11-.Ltmp4, $4  }
0xb2: {  	[sflag:s13] =	ssyncset.done $0x0  }
0xb3: {  	[sflag:s13] =	ssyncadd.s32 $0xFFFFF800  }
0xb4: {  	_ =	swait.ge [sflag:s14], $0x800  }
0xb5: {  	s16 =	sadd.s32 $0xFFFFFFFF, s5;
	[sflag:s14] =	ssyncset.done $0x0  }
.LBB2_10:
0xb6: {  	p1 =	sne.s32 s16, $0x1;
	s16 =	sadd.s32 $0xFFFFFFFF, s16;
	[sflag:s14] =	ssyncadd.s32 $0xFFFFF800  }
.Ltmp5:
0xb7: {  	(pc) =	sbr.rel @p1 .LBB2_10-.Ltmp5, $3  }
0xb8: {  	_ =	sdelay $0x1  }
0xb9: {  	_ =	swait.ge [sflag:s14], $0x800  }
0xba: {  	[sflag:s14] =	ssyncset.done $0x0  }
.LBB2_11:
0xbb: {  	[sflag:s14] =	ssyncadd.s32 $0xFFFFF800;
	s0 =	stileid.u32  }
0xbc: {  	s0 =	sshll.u32 s0, $0x6;
	[bflag:$0x0] =	sbarrier.arrive $0xFFFF  }
0xbd: {  	s16 =	sshrl.u32 s22, $0x3;
	s0 =	sor.u32 $0x1C04, s0;
	s17 =	rddreg [dreg:$0x9]  }
0xbe: {  	[hbm:s17], [sflag:s0] =	dma.local [spmem:s16], $0x100  }
0xbf: {  	_ =	swait.ge [sflag:s4], $0x100  }
0xc0: {  	[sflag:s4] =	ssyncset.done $0x0  }
0xc1: {  	s17 =	sshrl.u32 s23, $0x3;
	s18 =	rddreg [dreg:$0xa];
	[sflag:s4] =	ssyncadd.s32 $0xFFFFFF00  }
0xc2: {  	[hbm:s18], [sflag:s0] =	dma.local [spmem:s17], $0x100  }
0xc3: {  	s19 =	smov.u32 s22;
	_ =	swait.ge [sflag:s4], $0x100  }
0xc4: {  	s21 =	smov.u32 s23;
	[sflag:s4] =	ssyncset.done $0x0;
	s22 =	rddreg [dreg:$0x13]  }
0xc5: {  	s23 =	rddreg [dreg:$0xb];
	[sflag:s4] =	ssyncadd.s32 $0xFFFFFF00;
	s16 =	sshrl.u32 s22, $0x3  }
0xc6: {  	[hbm:s23], [sflag:s0] =	dma.local [spmem:s16], $0x100  }
0xc7: {  	_ =	swait.ge [sflag:s4], $0x100  }
0xc8: {  	[sflag:s4] =	ssyncset.done $0x0  }
0xc9: {  	s17 =	sshrl.u32 s24, $0x3;
	s18 =	rddreg [dreg:$0xc];
	[sflag:s4] =	ssyncadd.s32 $0xFFFFFF00  }
0xca: {  	[hbm:s18], [sflag:s0] =	dma.local [spmem:s17], $0x100  }
0xcb: {  	_ =	swait.ge [sflag:s4], $0x100  }
0xcc: {  	[sflag:s4] =	ssyncset.done $0x0  }
0xcd: {  	s22 =	sshrl.u32 s25, $0x3;
	s23 =	rddreg [dreg:$0xd];
	[sflag:s4] =	ssyncadd.s32 $0xFFFFFF00  }
0xce: {  	[hbm:s23], [sflag:s0] =	dma.local [spmem:s22], $0x100  }
0xcf: {  	_ =	swait.ge [sflag:s4], $0x100  }
0xd0: {  	[sflag:s4] =	ssyncset.done $0x0  }
0xd1: {  	s17 =	sshrl.u32 s26, $0x3;
	s18 =	rddreg [dreg:$0xe];
	[sflag:s4] =	ssyncadd.s32 $0xFFFFFF00  }
0xd2: {  	[hbm:s18], [sflag:s0] =	dma.local [spmem:s17], $0x100  }
0xd3: {  	_ =	swait.ge [sflag:s4], $0x100  }
0xd4: {  	[sflag:s4] =	ssyncset.done $0x0  }
0xd5: {  	s22 =	sshrl.u32 s28, $0x3;
	s23 =	rddreg [dreg:$0xf];
	[sflag:s4] =	ssyncadd.s32 $0xFFFFFF00  }
0xd6: {  	[hbm:s23], [sflag:s0] =	dma.local [spmem:s22], $0x100  }
0xd7: {  	_ =	swait.ge [sflag:s4], $0x100  }
0xd8: {  	[sflag:s4] =	ssyncset.done $0x0  }
0xd9: {  	s17 =	sshrl.u32 s29, $0x3;
	s18 =	rddreg [dreg:$0x10];
	[sflag:s4] =	ssyncadd.s32 $0xFFFFFF00  }
0xda: {  	[hbm:s18], [sflag:s0] =	dma.local [spmem:s17], $0x100  }
0xdb: {  	_ =	swait.ge [sflag:s4], $0x100  }
0xdc: {  	[sflag:s4] =	ssyncset.done $0x0  }
0xdd: {  	s22 =	sshrl.u32 s30, $0x3;
	s23 =	rddreg [dreg:$0x11];
	[sflag:s4] =	ssyncadd.s32 $0xFFFFFF00  }
0xde: {  	[hbm:s23], [sflag:s0] =	dma.local [spmem:s22], $0x100  }
0xdf: {  	_ =	swait.ge [sflag:s4], $0x100  }
0xe0: {  	[sflag:s4] =	ssyncset.done $0x0  }
0xe1: {  	s18 =	sshrl.u32 s31, $0x3;
	s22 =	rddreg [dreg:$0x12];
	[sflag:s4] =	ssyncadd.s32 $0xFFFFFF00  }
0xe2: {  	[hbm:s22], [sflag:s0] =	dma.local [spmem:s18], $0x100  }
0xe3: {  	_ =	swait.ge [sflag:s4], $0x100  }
0xe4: {  	s15 =	sadd.s32 $0x1, s15;
	s23 =	rddreg [dreg:$0x14]  }
0xe5: {  	p1 =	sne.s32 s15, s23  }
.Ltmp6:
0xe6: {  	_ = 	snop;
	(pc) =	sbr.rel @p1 .LBB2_1-.Ltmp6, $3  }
0xe7: {  	_ =	sdelay $0x1  }
0xe8: {  	[sflag:s4] =	ssyncset.done $0x0  }
0xe9: {  	[sflag:s4] =	ssyncadd.s32 $0xFFFFFF00  }
0xea: {  	_ =	sfence.sel $0x180000  }
0xeb: {  	[bflag:$0x0] =	sbarrier.arrive $0xFFFF  }
0xec: {  	_ =	strace $0x9000004A  }
0xed: {  	s0 =	stileid.u32;
	[bflag:$0x2] =	sbarrier.arrive $0xFFFF  }
0xee: {  	p0 =	sne.s32 s0, $0x0;
	s0 =	rddreg [dreg:$0x3]  }
0xef: {  	s0 =	sadd.s32 @!p0 $0x100000, s0  }
0xf0: {  	[sflag:s0] =	ssyncadd.tile.s32 @!p0 $0x1;
	_ =	shalt  }
.Lfunc_end2:
_tile_overlayer_lowered:
.L_overlay_start_2:
0xf1: {  	(tag) =	ssettag $0x2  }
0xf2: {  	s0 =	rddreg [dreg:$0x0];
	s2 =	stileid.u32  }
0xf3: {  	s1 =	rddreg [dreg:$0x1];
	p0 =	sne.s32 s2, $0x0  }
0xf4: {  	s3 =	rddreg [dreg:$0x2];
	[bflag:$0x3] =	sbarrier.arrive $0xFFFF;
	s2 =	simm.s32 @!p0 $0x1C04  }
0xf5: {  	[timem:s3], [sflag:s2] =	dma.local @!p0 [hbm:s0], s1  }
0xf6: {  	s0 =	simm.s32 @!p0 $0x4  }
0xf7: {  	_ =	swait.ge @!p0 [sflag:s0], s1  }
0xf8: {  	s1 =	ssub.s32 @!p0 $0x0, s1;
	[sflag:s0] =	ssyncset.done @!p0 $0x0  }
0xf9: {  	[sflag:s0] =	ssyncadd.s32 @!p0 s1  }
0xfa: {  	[bflag:$0x3] =	sbarrier.arrive $0xFFFF  }
0xfb: {  	_ =	shalt  }

// kernel: kernel.7.cloned.1.call-start
scs
__scs_entry_jumppad:
0x0: {  	(pc) =	sbr.rel $0x88, $3  }
0x1: {  	(tag) =	ssettag $0x0;
	lr =	simm.s32 $0x1  }
0x2: {  	[smem:$0x3F96] =	sst lr;
	_ =	strace $0xD0000000  }
0x3: {  	_ = 	snop  }
0x4: {  	_ = 	snop  }
0x5: {  	_ = 	snop  }
0x6: {  	_ = 	snop  }
0x7: {  	_ = 	snop  }
__scs_overlays_trampoline_lowered:
0x8: {  	[smem:$0x3FA5] =	sst s0  }
0x9: {  	[smem:$0x3FA6] =	sst s1  }
0xa: {  	[smem:$0x3FA7] =	sst s2  }
0xb: {  	[smem:$0x3FA8] =	sst s3  }
0xc: {  	[smem:$0x3FA9] =	sst s4  }
0xd: {  	[smem:$0x3FAA] =	sst s5  }
0xe: {  	[smem:$0x3FAB] =	sst s6  }
0xf: {  	[smem:$0x3FAC] =	sst s7  }
0x10: {  	[smem:$0x3FAD] =	sst s8  }
0x11: {  	[smem:$0x3FAE] =	sst s9;
	s0 =	simm.s32 @!p0 $0x0  }
0x12: {  	s1 =	sld [smem:$0x3F94];
	s0 =	simm.s32 @p0 $0x1  }
0x13: {  	[smem:$0x3FAF] =	sst s0;
	s0 =	simm.s32 @!p1 $0x0  }
0x14: {  	s2 =	sld [smem:$0x3F93];
	s0 =	simm.s32 @p1 $0x1  }
0x15: {  	[smem:$0x3FB0] =	sst s0;
	s0 =	simm.s32 @!p2 $0x0  }
0x16: {  	s3 =	sld [smem:$0x3FDB];
	s0 =	simm.s32 @p2 $0x1  }
0x17: {  	s4 =	simm.s32 $0x1BF5;
	[smem:$0x3FB2] =	sst s0  }
0x18: {  	s0 =	sld [smem:$0x3F95];
	_ =	swait.ge [sflag:s4], $0x0  }
0x19: {  	s7 =	sld [smem:$0x3F96]  }
0x1a: {  	s8 =	sadd.s32 $0xFFFFE003, lr  }
0x1b: {  	s9 =	sadd.s32 $0xFFFFFEF7, lr;
	s5 =	simm.s32 $0xFFFFFFFF;
	p2 =	slt.u32 s8, $0xFFFFF086  }
0x1c: {  	p1 =	slt.u32 s9, $0xF7A;
	s5 =	simm.s32 @!p2 $0x0  }
0x1d: {  	s5 =	simm.s32 @p1 $0x1;
	p0 =	seq.s32 s7, s2  }
0x1e: {  	s7 =	smul.u32 @!p0 $0xF7A, s2;
	p2 =	seq.s32 @!p0 s5, $0x0  }
0x1f: {  	s9 =	smul.u32 $0xF7A, s1;
	s8 =	simm.s32 @!p0 $0x1BF5;
	p2 =	por !p2, p0  }
0x20: {  	[sflag:s8] =	ssyncset.s32 @!p0 $0xFFFFF086;
	s6 =	sadd.s32 @!p0 s3, s7;
	s7 =	simm.s32 @!p0 $0x108  }
0x21: {  	s3 =	sadd.s32 s3, s9;
	s6 =	sadd.s32 @!p0 $0x88, s6;
	s7 =	simm.s32 @p2 $0x1082  }
0x22: {  	[simem:s7], [sflag:s8] =	dma.local @!p0 [hbm:s6], $0xF7A  }
0x23: {  	s9 =	sor.u32 $0xD0000000, s2;
	s6 =	simm.s32 $0x108;
	_ =	swait.ge @!p0 [sflag:s8], $0x0  }
0x24: {  	s3 =	sadd.s32 $0x88, s3;
	s6 =	simm.s32 @!p1 $0x1082;
	[sflag:s4] =	ssyncset.s32 $0xFFFFF086  }
0x25: {  	[simem:s6], [sflag:s4] =	dma.local [hbm:s3], $0xF7A  }
0x26: {  	[smem:$0x3F96] =	sst s1;
	(tag) =	ssettag s2;
	_ =	strace s9  }
0x27: {  	s1 =	sld [smem:$0x3FA6]  }
0x28: {  	s2 =	sld [smem:$0x3FA7]  }
0x29: {  	s4 =	sld [smem:$0x3FA9]  }
0x2a: {  	p0 =	seq.s32 s5, $0x0;
	s5 =	sld [smem:$0x3FAA]  }
0x2b: {  	s6 =	sld [smem:$0x3FAB]  }
0x2c: {  	s7 =	sld [smem:$0x3FAC]  }
0x2d: {  	s3 =	simm.s32 $0x108;
	s8 =	sld [smem:$0x3FAD]  }
0x2e: {  	s3 =	simm.s32 @!p0 $0x1082;
	s9 =	sld [smem:$0x3FAE]  }
0x2f: {  	lr =	sadd.s32 s0, s3;
	s0 =	sld [smem:$0x3FA5]  }
0x30: {  	s3 =	sld [smem:$0x3FA8]  }
0x31: {  	[smem:$0x3FB1] =	sst s10  }
0x32: {  	s10 =	sld [smem:$0x3FAF];
	_ =	sdelay $0x3  }
0x33: {  	p0 =	seq.s32 s10, $0x1;
	s10 =	sld [smem:$0x3FB1];
	_ =	sdelay $0x3  }
0x34: {  	[smem:$0x3FB1] =	sst s10  }
0x35: {  	s10 =	sld [smem:$0x3FB0];
	_ =	sdelay $0x3  }
0x36: {  	p1 =	seq.s32 s10, $0x1;
	s10 =	sld [smem:$0x3FB1];
	_ =	sdelay $0x3  }
0x37: {  	[smem:$0x3FB1] =	sst s10  }
0x38: {  	s10 =	sld [smem:$0x3FB2]  }
0x39: {  	_ = 	snop;
	(pc) =	sbr.ind lr, $3  }
0x3a: {  	_ = 	snop  }
0x3b: {  	_ = 	snop  }
0x3c: {  	p2 =	seq.s32 s10, $0x1;
	s10 =	sld [smem:$0x3FB1]  }
0x3d: {  	_ =	shalt  }
0x3e: {  	_ =	shalt  }
0x3f: {  	_ =	shalt  }
0x40: {  	_ =	shalt  }
0x41: {  	_ =	shalt  }
0x42: {  	_ =	shalt  }
0x43: {  	_ =	shalt  }
0x44: {  	_ =	shalt  }
0x45: {  	_ =	shalt  }
0x46: {  	_ =	shalt  }
0x47: {  	_ =	shalt  }
0x48: {  	_ =	shalt  }
0x49: {  	_ =	shalt  }
0x4a: {  	_ =	shalt  }
0x4b: {  	_ =	shalt  }
0x4c: {  	_ =	shalt  }
0x4d: {  	_ =	shalt  }
0x4e: {  	_ =	shalt  }
0x4f: {  	_ =	shalt  }
0x50: {  	_ =	shalt  }
0x51: {  	_ =	shalt  }
0x52: {  	_ =	shalt  }
0x53: {  	_ =	shalt  }
0x54: {  	_ =	shalt  }
0x55: {  	_ =	shalt  }
0x56: {  	_ =	shalt  }
0x57: {  	_ =	shalt  }
0x58: {  	_ =	shalt  }
0x59: {  	_ =	shalt  }
0x5a: {  	_ =	shalt  }
0x5b: {  	_ =	shalt  }
0x5c: {  	_ =	shalt  }
0x5d: {  	_ =	shalt  }
0x5e: {  	_ =	shalt  }
0x5f: {  	_ =	shalt  }
0x60: {  	_ =	shalt  }
0x61: {  	_ =	shalt  }
0x62: {  	_ =	shalt  }
0x63: {  	_ =	shalt  }
0x64: {  	_ =	shalt  }
0x65: {  	_ =	shalt  }
0x66: {  	_ =	shalt  }
0x67: {  	_ =	shalt  }
0x68: {  	_ =	shalt  }
0x69: {  	_ =	shalt  }
0x6a: {  	_ =	shalt  }
0x6b: {  	_ =	shalt  }
0x6c: {  	_ =	shalt  }
0x6d: {  	_ =	shalt  }
0x6e: {  	_ =	shalt  }
0x6f: {  	_ =	shalt  }
0x70: {  	_ =	shalt  }
0x71: {  	_ =	shalt  }
0x72: {  	_ =	shalt  }
0x73: {  	_ =	shalt  }
0x74: {  	_ =	shalt  }
0x75: {  	_ =	shalt  }
0x76: {  	_ =	shalt  }
0x77: {  	_ =	shalt  }
0x78: {  	_ =	shalt  }
0x79: {  	_ =	shalt  }
0x7a: {  	_ =	shalt  }
0x7b: {  	_ =	shalt  }
0x7c: {  	_ =	shalt  }
0x7d: {  	_ =	shalt  }
0x7e: {  	_ =	shalt  }
0x7f: {  	_ =	shalt  }
0x80: {  	_ =	shalt  }
0x81: {  	_ =	shalt  }
0x82: {  	_ =	shalt  }
0x83: {  	_ =	shalt  }
0x84: {  	_ =	shalt  }
0x85: {  	_ =	shalt  }
0x86: {  	_ =	shalt  }
0x87: {  	_ =	shalt  }
.Lfunc_end0:
.L_simem_size_0:
called_computation_lowered:
.L_overlay_start_0:
0x88: {  	s2 =	sld [smem:$0x3FD9]  }
0x89: {  	s3 =	sld [smem:$0x3FFE];
	_ =	sdelay $0x1  }
0x8a: {  	s1 =	srdreg.scid  }
0x8b: {  	s0 =	sand.u32 $0x1, s1  }
0x8c: {  	s16 =	sshll.u32 s0, $0xA;
	s2 =	sadd.s32 s3, s2  }
0x8d: {  	s2 =	sadd.s32 s2, s16  }
0x8e: {  	[smem:$0x3FBD] =	sst s2  }
0x8f: {  	_ = 	snop  }
0x90: {  	(tm) =	ssettm $0x1  }
0x91: {  	s17 =	sld [smem:$0x3FFB];
	_ =	sdelay $0x3  }
0x92: {  	_ =	strace s17  }
0x93: {  	s2 =	sld [smem:$0x3FFC];
	_ =	sdelay $0x3  }
0x94: {  	_ =	strace s2  }
0x95: {  	s2 =	sld [smem:$0x3FFD];
	_ =	sdelay $0x3  }
0x96: {  	_ =	strace s2  }
0x97: {  	_ =	strace $0x8FFFFFFF  }
0x98: {  	s18 =	sld [smem:$0x3FDB];
	_ =	sdelay $0x1  }
0x99: {  	s19 =	simm.s32 $_scs_section_size  }
0x9a: {  	s4 =	simm.s32 $_size__tile_overlayer_lowered;
	s5 =	simm.s32 $_tile_overlayer_lowered  }
0x9b: {  	s22 =	simm.s32 $0x1BFF;
	s21 =	sshll.u32 s5, $0x1;
	s2 =	sadd.s32 s19, s18  }
0x9c: {  	s6 =	simm.s32 $0x0;
	s20 =	sshll.u32 s4, $0x1;
	s4 =	sadd.s32 s21, s2  }
0x9d: {  	[timem:s6], [sflag:s22] =	dma.local [hbm:s4], s20  }
0x9e: {  	_ =	swait.ge [sflag:s22], s20  }
0x9f: {  	s3 =	ssub.s32 $0x0, s20;
	[sflag:s22] =	ssyncset.done $0x0  }
0xa0: {  	[sflag:s22] =	ssyncadd.s32 s3;
	_ =	sdelay $0x1  }
0xa1: {  	s23 =	simm.s32 $0x1B8B  }
0xa2: {  	_ =	swait.ge [sflag:s23], $0x1  }
0xa3: {  	[sflag:s23] =	ssyncset.done $0x0  }
0xa4: {  	s25 =	simm.s32 $0x1B8E;
	s24 =	sld [smem:$0x3FFE];
	[sflag:s23] =	ssyncadd.s32 $0xFFFFFFFF  }
0xa5: {  	s26 =	simm.s32 $execute0_lowered;
	[smem:$0x3FD2] =	sst s25  }
0xa6: {  	s4 =	sshll.u32 s26, $0x1;
	_ =	strace $0x80000046;
	[dreg:$0x1] =	wrdreg $0xFFFFFFFF  }
0xa7: {  	s28 =	simm.s32 $_size_execute0_lowered;
	s2 =	sadd.s32 s2, s4;
	[dreg:$0x0] =	wrdreg $0x0  }
0xa8: {  	s4 =	sshll.u32 s28, $0x1;
	[dreg:$0x2] =	wrdreg s2  }
0xa9: {  	[dreg:$0x3] =	wrdreg s4  }
0xaa: {  	[dreg:$0x4] =	wrdreg $0xC0  }
0xab: {  	_ =	task [dreg:s6], $0x5FFFF  }
0xac: {  	[dreg:$0x1] =	wrdreg $0xFFFFFFFF  }
0xad: {  	[dreg:$0x0] =	wrdreg $0x60  }
0xae: {  	[dreg:$0x2] =	wrdreg s24  }
0xaf: {  	[dreg:$0x3] =	wrdreg $0x128000  }
0xb0: {  	[dreg:$0x4] =	wrdreg $0x1C8000  }
0xb1: {  	[dreg:$0x5] =	wrdreg $0x9  }
0xb2: {  	_ =	task.clear_ibuf [dreg:s6], $0x6FFFF;
	_ =	strace $0x90000046  }
0xb3: {  	s29 =	simm.s32 $0x9;
	_ =	strace $0x80000048  }
0xb4: {  	_ =	swait.ge [sflag:s29], $0x1  }
0xb5: {  	[sflag:s29] =	ssyncadd.s32 $0xFFFFFFFF  }
0xb6: {  	_ =	strace $0x90000048  }
0xb7: {  	_ =	sfence  }
0xb8: {  	s30 =	sld [smem:$0x0];
	_ =	sdelay $0x2  }
0xb9: {  	s31 =	sshll.u32 s1, $0xD;
	s1 =	sshrl.u32 s1, $0x2  }
0xba: {  	s3 =	sand.u32 $0x4000, s31;
	s1 =	sadd.s32 s1, s30  }
0xbb: {  	s0 =	sor.u32 s3, s0;
	s1 =	sshll.u32 s1, $0x11  }
0xbc: {  	s0 =	sor.u32 s1, s0  }
0xbd: {  	s0 =	sadd.s32 $0x8F2B, s0  }
0xbe: {  	[sflag:s0] =	ssyncadd.remote.s32 $0x1  }
0xbf: {  	_ =	sfence.sel $0xFFFF  }
0xc0: {  	[dreg:$0x0] =	wrdreg $0xFFFFFFFF;
	(pc) =	sbr.abs _section_cstart, $3  }
0xc1: {  	[dreg:$0x1] =	wrdreg $0xFFFFFFFF  }
0xc2: {  	_ =	task.clear_ibuf [dreg:s6], $0x2FFFF;
	_ =	strace $0x9FFFFFFF  }
0xc3: {  	(tm) =	ssettm $0x7FFFFFFF  }
tec
execute0_lowered:
.L_overlay_start_1:
0x0: {  	(tag) =	ssettag $0x1  }
0x1: {  	s0 =	srdreg.scid  }
0x2: {  	s3 =	rddreg [dreg:$0x0];
	s1 =	stileid.u32  }
0x3: {  	s29 =	simm.s32 $0x0;
	s30 =	simm.s32 $0x4;
	s5 =	smul.u32 $0xA00, s1  }
0x4: {  	s2 =	sand.u32 $0x1, s0;
	[smem:$0x7FF] =	sst s29;
	s7 =	smul.u32 $0x280, s1  }
0x5: {  	s8 =	sadd.s32 $0x47A00, s3;
	s9 =	sadd.s32 $0x3DA00, s3;
	s12 =	smul.u32 $0x2800, s1  }
0x6: {  	s4 =	smul.u32 $0xA0000, s2;
	s6 =	ssub.s32 $0x2, s2;
	p0 =	seq.s32 s2, $0x1  }
0x7: {  	p1 =	sne.s32 s2, $0x0;
	p2 =	seq.s32 s2, $0x0;
	s5 =	sadd.s32 s5, s3  }
0x8: {  	s16 =	sshrl.u32 s6, $0x1;
	s10 =	sadd.s32 $0x80, s7;
	s11 =	sadd.s32 $0x100, s7  }
0x9: {  	s14 =	sadd.s32 $0x180, s7;
	s7 =	sadd.s32 $0x200, s7;
	s15 =	sshrl.u32 s4, $0x3  }
0xa: {  	s13 =	sshll.u32 s10, $0x6;
	s10 =	sshll.u32 s10, $0x4;
	s22 =	sshll.u32 s11, $0x4  }
0xb: {  	s23 =	sshll.u32 s14, $0x6;
	s24 =	sshll.u32 s14, $0x4;
	s14 =	smul.u32 $0x28000, s2  }
0xc: {  	s25 =	sshll.u32 s7, $0x6;
	s7 =	sshll.u32 s7, $0x4;
	s2 =	simm.s32 $0x80  }
0xd: {  	s0 =	sadd.s32 s15, s3;
	s3 =	ssub.s32 s6, s16;
	s6 =	smul.u32 $0xA000, s1  }
0xe: {  	s15 =	sshll.u32 s11, $0x6;
	s16 =	sadd.s32 s4, s13;
	s19 =	sadd.s32 s12, s14  }
0xf: {  	s16 =	sshrl.u32 s16, $0x3;
	s21 =	sadd.s32 s4, s15;
	s28 =	sadd.s32 $0x1A00, s0  }
0x10: {  	s0 =	simm.s32 $0x12000;
	s17 =	sadd.s32 s6, s4;
	s20 =	sadd.s32 s8, s16  }
0x11: {  	s11 =	sshrl.u32 s17, $0x3;
	s17 =	sadd.s32 s14, s10;
	[dreg:$0x5] =	wrdreg s20  }
0x12: {  	s20 =	sadd.s32 s14, s22;
	s18 =	sadd.s32 s8, s11;
	s11 =	sshrl.u32 s19, $0x3  }
0x13: {  	s16 =	sshrl.u32 s17, $0x3;
	s17 =	sshrl.u32 s21, $0x3;
	[dreg:$0x4] =	wrdreg s18  }
0x14: {  	s18 =	sadd.s32 s4, s23;
	s4 =	sadd.s32 s4, s25;
	s26 =	sadd.s32 s8, s17  }
0x15: {  	s21 =	sadd.s32 s9, s11;
	s11 =	sadd.s32 s14, s24;
	[dreg:$0x6] =	wrdreg s26  }
0x16: {  	s1 =	sshrl.u32 s18, $0x3;
	s4 =	sshrl.u32 s4, $0x3;
	[dreg:$0x9] =	wrdreg s21  }
0x17: {  	s26 =	sadd.s32 s9, s16;
	s16 =	sadd.s32 s14, s7;
	s14 =	rddreg [dreg:$0x2]  }
0x18: {  	s18 =	sadd.s32 s8, s1;
	s19 =	sadd.s32 s8, s4;
	[dreg:$0xa] =	wrdreg s26  }
0x19: {  	s4 =	sshrl.u32 s20, $0x3;
	s20 =	sadd.s32 $0x29A00, s5;
	s31 =	sadd.s32 s10, s14  }
0x1a: {  	s21 =	sadd.s32 s22, s14;
	s24 =	sadd.s32 s24, s14;
	s26 =	sadd.s32 s7, s14  }
0x1b: {  	s10 =	simm.s32 $0xA000;
	s7 =	simm.s32 $0x2;
	[dreg:$0x7] =	wrdreg s18  }
0x1c: {  	[dreg:$0x8] =	wrdreg s19;
	s8 =	sadd.s32 s9, s4;
	s4 =	sshrl.u32 s11, $0x3  }
0x1d: {  	s11 =	rddreg [dreg:$0x1];
	s19 =	sadd.s32 $0x33A00, s5;
	s5 =	simm.s32 $0x10000  }
0x1e: {  	[dreg:$0xb] =	wrdreg s8;
	s8 =	sshrl.u32 s16, $0x3;
	s17 =	sadd.s32 s9, s4  }
0x1f: {  	s16 =	sadd.s32 s6, s11;
	[dreg:$0xc] =	wrdreg s17;
	s18 =	sadd.s32 s9, s8  }
0x20: {  	s15 =	sadd.s32 s15, s11;
	s22 =	sadd.s32 s23, s11;
	[dreg:$0xd] =	wrdreg s18  }
0x21: {  	s25 =	sadd.s32 s25, s11;
	_ =	strace $0x80000047;
	[dreg:$0xe] =	wrdreg s19  }
0x22: {  	s23 =	smax.u32 s3, $0x1;
	s3 =	simm.s32 $0xC000;
	[dreg:$0xf] =	wrdreg s20  }
0x23: {  	s4 =	simm.s32 $0xE000;
	s6 =	simm.s32 $0x1;
	[dreg:$0x10] =	wrdreg s21  }
0x24: {  	s17 =	sadd.s32 s12, s14;
	s8 =	simm.s32 $0x3;
	[dreg:$0x11] =	wrdreg s22  }
0x25: {  	v0 =	vimm.f32 $0.0e+00;
	v1 =	vimm.f32 $1.000000000e+00;
	s9 =	simm.s32 $0x0;
	s18 =	sadd.s32 s13, s11;
	[dreg:$0x12] =	wrdreg s23  }
.LBB2_1:
0x26: {  	s1 =	rddreg [dreg:$0xe]  }
0x27: {  	[tilespmem:s29], [sflag:$0x4] =	stream.linear.gather [hbm4b:s1+s29], $0x5000, $0x38;
	[tilespmem:$0x1F000] =	vst v63  }
0x28: {  	_ =	swait.ge [sflag:s30], $0x5000  }
0x29: {  	[sflag:s30] =	ssyncset.done $0x0  }
0x2a: {  	s12 =	simm.s32 $0x5000;
	s23 =	rddreg [dreg:$0xf];
	[sflag:s30] =	ssyncadd.s32 $0xFFFFB000  }
0x2b: {  	[tilespmem:s12], [sflag:$0x4] =	stream.linear.gather [hbm4b:s23+s29], $0x5000, $0x38;
	[tilespmem:$0x1F000] =	vst v63  }
0x2c: {  	_ =	swait.ge [sflag:s30], $0x5000  }
0x2d: {  	[sflag:s30] =	ssyncset.done $0x0  }
0x2e: {  	s12 =	simm.s32 $0x0;
	[sflag:s30] =	ssyncadd.s32 $0xFFFFB000  }
.LBB2_2:
0x2f: {  	p3 =	sne.s32 s12, $0x7F00  }
.Ltmp0:
0x30: {  	s13 =	sshra.s32 s12, $0x2;
	(pc) =	sbr.rel @p3 .LBB2_2-.Ltmp0, $4  }
0x31: {  	[tilespmem:s13+$0xA000] =	vst v0  }
0x32: {  	[tilespmem:s13+$0xA010] =	vst v0  }
0x33: {  	[tilespmem:s13+$0xA020] =	vst v0  }
0x34: {  	s12 =	sadd.s32 $0x100, s12;
	[tilespmem:s13+$0xA030] =	vst v0  }
0x35: {  	s12 =	simm.s32 $0x40;
	s13 =	simm.s32 $0x0  }
.LBB2_4:
0x36: {  	p3 =	sne.s32 s12, $0x1FC0;
	[tilespmem:s13+$0x12000] =	vst v0;
	s13 =	smov.u32 s12;
	s12 =	sadd.s32 $0x40, s12  }
.Ltmp1:
0x37: {  	(pc) =	sbr.rel @p3 .LBB2_4-.Ltmp1, $2  }
0x38: {  	_ =	sdelay $0x2  }
0x39: {  	s13 =	sshra.s32 s13, $0x2  }
0x3a: {  	[tilespmem:s13+$0x12000] =	vst v0  }
0x3b: {  	[spmem:s16] =	stream.linear.scatter [tilespmem:s10], [sflag:$0x4], $0x2000, $0x38;
	[tilespmem:$0x1F000] =	vst v63  }
0x3c: {  	_ =	swait.ge [sflag:s30], $0x2000  }
0x3d: {  	[sflag:s30] =	ssyncset.done $0x0  }
0x3e: {  	[sflag:s30] =	ssyncadd.s32 $0xFFFFE000  }
0x3f: {  	[spmem:s17] =	stream.linear.scatter [tilespmem:s0], [sflag:$0x4], $0x800, $0x38;
	[tilespmem:$0x1F000] =	vst v63  }
0x40: {  	_ =	swait.ge [sflag:s30], $0x800  }
0x41: {  	[sflag:s30] =	ssyncset.done $0x0  }
0x42: {  	[sflag:s30] =	ssyncadd.s32 $0xFFFFF800  }
0x43: {  	[spmem:s18] =	stream.linear.scatter [tilespmem:s10], [sflag:$0x4], $0x2000, $0x38;
	[tilespmem:$0x1F000] =	vst v63  }
0x44: {  	_ =	swait.ge [sflag:s30], $0x2000  }
0x45: {  	[sflag:s30] =	ssyncset.done $0x0  }
0x46: {  	[sflag:s30] =	ssyncadd.s32 $0xFFFFE000  }
0x47: {  	[spmem:s31] =	stream.linear.scatter [tilespmem:s0], [sflag:$0x4], $0x800, $0x38;
	[tilespmem:$0x1F000] =	vst v63  }
0x48: {  	_ =	swait.ge [sflag:s30], $0x800  }
0x49: {  	[sflag:s30] =	ssyncset.done $0x0  }
0x4a: {  	[sflag:s30] =	ssyncadd.s32 $0xFFFFF800  }
0x4b: {  	[spmem:s15] =	stream.linear.scatter [tilespmem:s10], [sflag:$0x4], $0x2000, $0x38;
	[tilespmem:$0x1F000] =	vst v63  }
0x4c: {  	_ =	swait.ge [sflag:s30], $0x2000  }
0x4d: {  	[sflag:s30] =	ssyncset.done $0x0  }
0x4e: {  	s1 =	rddreg [dreg:$0x10];
	[sflag:s30] =	ssyncadd.s32 $0xFFFFE000  }
0x4f: {  	[spmem:s1] =	stream.linear.scatter [tilespmem:s0], [sflag:$0x4], $0x800, $0x38;
	[tilespmem:$0x1F000] =	vst v63  }
0x50: {  	_ =	swait.ge [sflag:s30], $0x800  }
0x51: {  	[sflag:s30] =	ssyncset.done $0x0  }
0x52: {  	s22 =	smov.u32 s31;
	s31 =	rddreg [dreg:$0x11];
	[sflag:s30] =	ssyncadd.s32 $0xFFFFF800  }
0x53: {  	[spmem:s31] =	stream.linear.scatter [tilespmem:s10], [sflag:$0x4], $0x2000, $0x38;
	[tilespmem:$0x1F000] =	vst v63  }
0x54: {  	_ =	swait.ge [sflag:s30], $0x2000  }
0x55: {  	[sflag:s30] =	ssyncset.done $0x0  }
0x56: {  	[sflag:s30] =	ssyncadd.s32 $0xFFFFE000  }
0x57: {  	[spmem:s24] =	stream.linear.scatter [tilespmem:s0], [sflag:$0x4], $0x800, $0x38;
	[tilespmem:$0x1F000] =	vst v63  }
0x58: {  	_ =	swait.ge [sflag:s30], $0x800  }
0x59: {  	[sflag:s30] =	ssyncset.done $0x0  }
0x5a: {  	[sflag:s30] =	ssyncadd.s32 $0xFFFFF800  }
0x5b: {  	[spmem:s25] =	stream.linear.scatter [tilespmem:s10], [sflag:$0x4], $0x2000, $0x38;
	[tilespmem:$0x1F000] =	vst v63  }
0x5c: {  	_ =	swait.ge [sflag:s30], $0x2000  }
0x5d: {  	[sflag:s30] =	ssyncset.done $0x0  }
0x5e: {  	[sflag:s30] =	ssyncadd.s32 $0xFFFFE000  }
0x5f: {  	[spmem:s26] =	stream.linear.scatter [tilespmem:s0], [sflag:$0x4], $0x800, $0x38;
	[tilespmem:$0x1F000] =	vst v63  }
0x60: {  	s19 =	smov.u32 s16;
	s20 =	smov.u32 s17;
	_ =	swait.ge [sflag:s30], $0x800  }
0x61: {  	s21 =	smov.u32 s18;
	s23 =	smov.u32 s15;
	[sflag:s30] =	ssyncset.done $0x0  }
0x62: {  	s12 =	simm.s32 $0x40;
	s13 =	simm.s32 $0x0;
	[sflag:s30] =	ssyncadd.s32 $0xFFFFF800  }
.LBB2_6:
0x63: {  	p3 =	sne.s32 s12, $0x1FC0;
	[tilespmem:s13+$0x12000] =	vst v1;
	s13 =	smov.u32 s12;
	s12 =	sadd.s32 $0x40, s12  }
.Ltmp2:
0x64: {  	(pc) =	sbr.rel @p3 .LBB2_6-.Ltmp2, $2  }
0x65: {  	_ =	sdelay $0x2  }
0x66: {  	s13 =	sshra.s32 s13, $0x2  }
0x67: {  	[tilespmem:s13+$0x12000] =	vst v1  }
0x68: {  	[tilespmem:s10], [sflag:$0x1] =	stream.indirect.gather [hbm4b:s28+s2], $0x40, s29, s2, $0xb8;
	[tilespmem:$0x1F000] =	vst v63  }
0x69: {  	_ = 	snop  }
0x6a: {  	[tilespmem:s3], [sflag:$0x1] =	stream.indirect.gather [hbm4b:s28+s2], $0x40, s2, s2, $0xb8;
	[tilespmem:$0x1F000] =	vst v63  }
0x6b: {  	s1 =	simm.s32 $0x100  }
0x6c: {  	[tilespmem:s4], [sflag:$0x1] =	stream.indirect.gather [hbm4b:s28+s2], $0x40, s1, s2, $0xb8;
	[tilespmem:$0x1F000] =	vst v63  }
0x6d: {  	s16 =	simm.s32 $0x180  }
0x6e: {  	[tilespmem:s5], [sflag:$0x1] =	stream.indirect.gather [hbm4b:s28+s2], $0x40, s16, s2, $0xb8;
	[tilespmem:$0x1F000] =	vst v63  }
0x6f: {  	[bflag:$0x0] =	sbarrier.arrive $0xFFFF  }
0x70: {  	_ =	swait.ge [sflag:s6], $0x2000  }
0x71: {  	[sflag:s6] =	ssyncset.done $0x0  }
0x72: {  	s17 =	simm.s32 $0x5000;
	s12 =	simm.s32 @p1 $0x1;
	[sflag:s6] =	ssyncadd.s32 $0xFFFFE000  }
0x73: {  	[spmem:s11] =	stream.indirect.scatter.add.f32 [tilespmem:s10], [sflag:$0x2], $0x40, s17, s2, $0xb8;
	[tilespmem:$0x1F000] =	vst v63  }
0x74: {  	_ =	swait.ge @p1 [sflag:s12], $0x2000  }
0x75: {  	s13 =	simm.s32 @p1 $0x80;
	[sflag:s12] =	ssyncset.done @p1 $0x0  }
0x76: {  	s15 =	simm.s32 @p1 $0x5080;
	s16 =	simm.s32 @p1 $0xC000;
	[sflag:s12] =	ssyncadd.s32 @p1 $0xFFFFE000  }
0x77: {  	[spmem:s11] =	stream.indirect.scatter.add.f32 @p1 [tilespmem:s16], [sflag:$0x2], $0x40, s15, s13, $0xb8;
	[tilespmem:$0x1F000] =	vst v63  }
0x78: {  	s31 =	simm.s32 @!p1 $0x5000;
	s29 =	simm.s32 @!p1 $0x12000;
	s15 =	simm.s32 @!p1 $0x80  }
0x79: {  	[spmem:s14] =	stream.indirect.scatter.add.f32 @!p1 [tilespmem:s29], [sflag:$0x3], $0x10, s31, s15, $0xb8;
	[tilespmem:$0x1F000] =	vst v63  }
0x7a: {  	s31 =	simm.s32 @!p1 $0x1  }
0x7b: {  	_ =	swait.ge @!p1 [sflag:s31], $0x2000  }
0x7c: {  	[sflag:s31] =	ssyncset.done @!p1 $0x0  }
0x7d: {  	s1 =	simm.s32 @!p1 $0x5080;
	s17 =	simm.s32 @!p1 $0xC000;
	[sflag:s31] =	ssyncadd.s32 @!p1 $0xFFFFE000  }
0x7e: {  	[spmem:s11] =	stream.indirect.scatter.add.f32 @!p1 [tilespmem:s17], [sflag:$0x2], $0x40, s1, s15, $0xb8;
	[tilespmem:$0x1F000] =	vst v63  }
0x7f: {  	_ = 	snop  }
0x80: {  	[spmem:s14] =	stream.indirect.scatter.add.f32 @!p1 [tilespmem:s29], [sflag:$0x3], $0x10, s1, s15, $0xb8;
	[tilespmem:$0x1F000] =	vst v63  }
0x81: {  	_ =	swait.ge [sflag:s7], $0x2000  }
0x82: {  	[sflag:s7] =	ssyncset.done $0x0  }
0x83: {  	s18 =	simm.s32 $0x200;
	[sflag:s7] =	ssyncadd.s32 $0xFFFFE000  }
0x84: {  	[tilespmem:s10], [sflag:$0x1] =	stream.indirect.gather [hbm4b:s28+s2], $0x40, s18, s2, $0xb8;
	[tilespmem:$0x1F000] =	vst v63  }
0x85: {  	_ =	swait.ge [sflag:s6], $0x2000  }
0x86: {  	[sflag:s6] =	ssyncset.done $0x0  }
0x87: {  	s1 =	simm.s32 @p1 $0x2;
	s18 =	simm.s32 $0x5100;
	[sflag:s6] =	ssyncadd.s32 $0xFFFFE000  }
0x88: {  	[spmem:s11] =	stream.indirect.scatter.add.f32 [tilespmem:s4], [sflag:$0x2], $0x40, s18, s2, $0xb8;
	[tilespmem:$0x1F000] =	vst v63  }
0x89: {  	_ =	swait.ge @p1 [sflag:s1], $0x2000  }
0x8a: {  	[sflag:s1] =	ssyncset.done @p1 $0x0  }
0x8b: {  	[sflag:s1] =	ssyncadd.s32 @p1 $0xFFFFE000;
	s1 =	simm.s32 @p1 $0x280  }
0x8c: {  	[tilespmem:s16], [sflag:$0x1] =	stream.indirect.gather @p1 [hbm4b:s28+s13], $0x40, s1, s13, $0xb8;
	[tilespmem:$0x1F000] =	vst v63  }
0x8d: {  	_ =	swait.ge @p1 [sflag:s12], $0x2000  }
0x8e: {  	[sflag:s12] =	ssyncset.done @p1 $0x0  }
0x8f: {  	s1 =	simm.s32 @p1 $0x5180;
	[sflag:s12] =	ssyncadd.s32 @p1 $0xFFFFE000;
	s12 =	simm.s32 @p1 $0x10000  }
0x90: {  	[spmem:s11] =	stream.indirect.scatter.add.f32 @p1 [tilespmem:s12], [sflag:$0x2], $0x40, s1, s13, $0xb8;
	[tilespmem:$0x1F000] =	vst v63  }
0x91: {  	s1 =	simm.s32 @!p1 $0x5100  }
0x92: {  	[spmem:s14] =	stream.indirect.scatter.add.f32 @!p1 [tilespmem:s29], [sflag:$0x3], $0x10, s1, s15, $0xb8;
	[tilespmem:$0x1F000] =	vst v63  }
0x93: {  	s1 =	simm.s32 @!p1 $0x2  }
0x94: {  	_ =	swait.ge @!p1 [sflag:s1], $0x2000  }
0x95: {  	[sflag:s1] =	ssyncset.done @!p1 $0x0  }
0x96: {  	[sflag:s1] =	ssyncadd.s32 @!p1 $0xFFFFE000;
	s1 =	simm.s32 @!p1 $0x280  }
0x97: {  	[tilespmem:s17], [sflag:$0x1] =	stream.indirect.gather @!p1 [hbm4b:s28+s15], $0x40, s1, s15, $0xb8;
	[tilespmem:$0x1F000] =	vst v63  }
0x98: {  	_ =	swait.ge @!p1 [sflag:s31], $0x2000  }
0x99: {  	[sflag:s31] =	ssyncset.done @!p1 $0x0  }
0x9a: {  	s12 =	simm.s32 @!p1 $0x10000;
	s1 =	simm.s32 @!p1 $0x5180;
	[sflag:s31] =	ssyncadd.s32 @!p1 $0xFFFFE000  }
0x9b: {  	[spmem:s11] =	stream.indirect.scatter.add.f32 @!p1 [tilespmem:s12], [sflag:$0x2], $0x40, s1, s15, $0xb8;
	[tilespmem:$0x1F000] =	vst v63  }
0x9c: {  	_ = 	snop  }
0x9d: {  	[spmem:s14] =	stream.indirect.scatter.add.f32 @!p1 [tilespmem:s29], [sflag:$0x3], $0x10, s1, s15, $0xb8;
	[tilespmem:$0x1F000] =	vst v63  }
0x9e: {  	_ =	swait.ge [sflag:s7], $0x2000  }
0x9f: {  	s13 =	simm.s32 $0x0;
	[sflag:s7] =	ssyncset.done $0x0  }
0xa0: {  	s31 =	simm.s32 $0x300;
	s12 =	simm.s32 $0x1;
	[sflag:s7] =	ssyncadd.s32 $0xFFFFE000  }
0xa1: {  	[tilespmem:s4], [sflag:$0x1] =	stream.indirect.gather [hbm4b:s28+s2], $0x40, s31, s2, $0xb8;
	[tilespmem:$0x1F000] =	vst v63  }
.LBB2_8:
0xa2: {  	_ =	swait.ge [sflag:s6], $0x2000;
	s15 =	sshra.s32 s13, $0x2  }
0xa3: {  	p3 =	slt.u32 s12, $0x14;
	p4 =	sgt.u32 s12, $0x13;
	[sflag:s6] =	ssyncset.done $0x0  }
0xa4: {  	s1 =	sadd.s32 $0x5200, s15;
	p3 =	por !p2, !p3;
	p4 =	por !p4, !p0  }
0xa5: {  	[sflag:s6] =	ssyncadd.s32 $0xFFFFE000;
	p3 =	por !p3, !p3;
	p4 =	por !p4, !p4  }
0xa6: {  	[spmem:s11] =	stream.indirect.scatter.add.f32 [tilespmem:s10], [sflag:$0x2], $0x40, s1, s2, $0xb8;
	[tilespmem:$0x1F000] =	vst v63  }
0xa7: {  	p3 =	por p3, p4  }
0xa8: {  	s16 =	simm.s32 @p3 $0x80;
	s17 =	simm.s32 @p3 $0x12000  }
0xa9: {  	[spmem:s14] =	stream.indirect.scatter.add.f32 @p3 [tilespmem:s17], [sflag:$0x3], $0x10, s1, s16, $0xb8;
	[tilespmem:$0x1F000] =	vst v63  }
0xaa: {  	_ =	swait.ge [sflag:s7], $0x2000  }
0xab: {  	[sflag:s7] =	ssyncset.done $0x0  }
0xac: {  	s31 =	sadd.s32 $0x380, s15;
	[sflag:s7] =	ssyncadd.s32 $0xFFFFE000  }
0xad: {  	[tilespmem:s5], [sflag:$0x1] =	stream.indirect.gather [hbm4b:s28+s2], $0x40, s31, s2, $0xb8;
	[tilespmem:$0x1F000] =	vst v63  }
0xae: {  	_ =	swait.ge [sflag:s6], $0x2000  }
0xaf: {  	[sflag:s6] =	ssyncset.done $0x0  }
0xb0: {  	s1 =	sadd.s32 $0x5280, s15;
	[sflag:s6] =	ssyncadd.s32 $0xFFFFE000  }
0xb1: {  	[spmem:s11] =	stream.indirect.scatter.add.f32 [tilespmem:s3], [sflag:$0x2], $0x40, s1, s2, $0xb8;
	[tilespmem:$0x1F000] =	vst v63  }
0xb2: {  	_ = 	snop  }
0xb3: {  	[spmem:s14] =	stream.indirect.scatter.add.f32 @p3 [tilespmem:s17], [sflag:$0x3], $0x10, s1, s16, $0xb8;
	[tilespmem:$0x1F000] =	vst v63  }
0xb4: {  	p4 =	seq.s32 s13, $0x13000;
	_ =	swait.ge [sflag:s7], $0x2000  }
0xb5: {  	s18 =	simm.s32 @!p4 $0xA000;
	s1 =	sshra.s32 @!p4 s13, $0x2;
	[sflag:s7] =	ssyncset.done $0x0  }
0xb6: {  	s31 =	simm.s32 @!p4 $0x80;
	s29 =	sadd.s32 @!p4 $0x400, s1;
	[sflag:s7] =	ssyncadd.s32 $0xFFFFE000  }
0xb7: {  	[tilespmem:s18], [sflag:$0x1] =	stream.indirect.gather @!p4 [hbm4b:s28+s31], $0x40, s29, s31, $0xb8;
	[tilespmem:$0x1F000] =	vst v63  }
0xb8: {  	_ =	swait.ge [sflag:s6], $0x2000  }
0xb9: {  	[sflag:s6] =	ssyncset.done $0x0  }
0xba: {  	s18 =	sadd.s32 $0x5300, s15;
	[sflag:s6] =	ssyncadd.s32 $0xFFFFE000  }
0xbb: {  	[spmem:s11] =	stream.indirect.scatter.add.f32 [tilespmem:s4], [sflag:$0x2], $0x40, s18, s2, $0xb8;
	[tilespmem:$0x1F000] =	vst v63  }
0xbc: {  	_ = 	snop  }
0xbd: {  	[spmem:s14] =	stream.indirect.scatter.add.f32 @p3 [tilespmem:s17], [sflag:$0x3], $0x10, s18, s16, $0xb8;
	[tilespmem:$0x1F000] =	vst v63  }
0xbe: {  	_ =	swait.ge [sflag:s7], $0x2000  }
0xbf: {  	[sflag:s7] =	ssyncset.done $0x0  }
0xc0: {  	s1 =	sadd.s32 @!p4 $0x480, s1;
	s18 =	simm.s32 @!p4 $0xC000;
	[sflag:s7] =	ssyncadd.s32 $0xFFFFE000  }
0xc1: {  	[tilespmem:s18], [sflag:$0x1] =	stream.indirect.gather @!p4 [hbm4b:s28+s31], $0x40, s1, s31, $0xb8;
	[tilespmem:$0x1F000] =	vst v63  }
0xc2: {  	_ =	swait.ge [sflag:s6], $0x2000  }
0xc3: {  	[sflag:s6] =	ssyncset.done $0x0  }
0xc4: {  	s1 =	sadd.s32 $0x5380, s15;
	[sflag:s6] =	ssyncadd.s32 $0xFFFFE000  }
0xc5: {  	[spmem:s11] =	stream.indirect.scatter.add.f32 [tilespmem:s5], [sflag:$0x2], $0x40, s1, s2, $0xb8;
	[tilespmem:$0x1F000] =	vst v63  }
.Ltmp3:
0xc6: {  	_ = 	snop;
	(pc) =	sbr.rel @p4 .LBB2_10-.Ltmp3, $4  }
0xc7: {  	[spmem:s14] =	stream.indirect.scatter.add.f32 @p3 [tilespmem:s17], [sflag:$0x3], $0x10, s1, s16, $0xb8;
	[tilespmem:$0x1F000] =	vst v63  }
0xc8: {  	_ =	swait.ge [sflag:s7], $0x2000  }
0xc9: {  	[sflag:s7] =	ssyncset.done $0x0  }
0xca: {  	[sflag:s7] =	ssyncadd.s32 $0xFFFFE000  }
.Ltmp4:
0xcb: {  	(pc) =	sbr.rel .LBB2_8-.Ltmp4, $3  }
0xcc: {  	_ =	sdelay $0x1  }
0xcd: {  	s1 =	sadd.s32 $0x500, s15;
	s12 =	sadd.s32 $0x1, s12;
	s13 =	sadd.s32 $0x800, s13  }
0xce: {  	[tilespmem:s4], [sflag:$0x1] =	stream.indirect.gather [hbm4b:s28+s2], $0x40, s1, s2, $0xb8;
	[tilespmem:$0x1F000] =	vst v63  }
.LBB2_10:
0xcf: {  	_ =	swait.ge [sflag:s7], $0x2000  }
0xd0: {  	[sflag:s7] =	ssyncset.done $0x0  }
0xd1: {  	[sflag:s7] =	ssyncadd.s32 $0xFFFFE000  }
0xd2: {  	_ =	swait.ge [sflag:s8], $0x800  }
0xd3: {  	s12 =	simm.s32 $0x4F;
	s18 =	smov.u32 s21;
	[sflag:s8] =	ssyncset.done $0x0  }
.LBB2_11:
0xd4: {  	p3 =	sne.s32 s12, $0x1;
	s12 =	sadd.s32 $0xFFFFFFFF, s12;
	[sflag:s8] =	ssyncadd.s32 $0xFFFFF800  }
.Ltmp5:
0xd5: {  	(pc) =	sbr.rel @p3 .LBB2_11-.Ltmp5, $3  }
0xd6: {  	_ =	sdelay $0x1  }
0xd7: {  	_ =	swait.ge [sflag:s8], $0x800  }
0xd8: {  	[sflag:s8] =	ssyncset.done $0x0  }
0xd9: {  	[sflag:s8] =	ssyncadd.s32 $0xFFFFF800;
	s1 =	stileid.u32  }
0xda: {  	s1 =	sshll.u32 s1, $0x6;
	[bflag:$0x0] =	sbarrier.arrive $0xFFFF  }
0xdb: {  	s12 =	sshrl.u32 s19, $0x3;
	s1 =	sor.u32 $0x1C04, s1;
	s13 =	rddreg [dreg:$0x4]  }
0xdc: {  	[hbm:s13], [sflag:s1] =	dma.local [spmem:s12], $0x400  }
0xdd: {  	_ =	swait.ge [sflag:s30], $0x400  }
0xde: {  	s17 =	smov.u32 s20;
	[sflag:s30] =	ssyncset.done $0x0  }
0xdf: {  	s20 =	sshrl.u32 s20, $0x3;
	s21 =	rddreg [dreg:$0x9];
	[sflag:s30] =	ssyncadd.s32 $0xFFFFFC00  }
0xe0: {  	[hbm:s21], [sflag:s1] =	dma.local [spmem:s20], $0x100  }
0xe1: {  	_ =	swait.ge [sflag:s30], $0x100  }
0xe2: {  	s16 =	smov.u32 s19;
	[sflag:s30] =	ssyncset.done $0x0  }
0xe3: {  	s15 =	sshrl.u32 s18, $0x3;
	s19 =	rddreg [dreg:$0x5];
	[sflag:s30] =	ssyncadd.s32 $0xFFFFFF00  }
0xe4: {  	[hbm:s19], [sflag:s1] =	dma.local [spmem:s15], $0x400  }
0xe5: {  	_ =	swait.ge [sflag:s30], $0x400  }
0xe6: {  	[sflag:s30] =	ssyncset.done $0x0  }
0xe7: {  	s20 =	sshrl.u32 s22, $0x3;
	s21 =	rddreg [dreg:$0xa];
	[sflag:s30] =	ssyncadd.s32 $0xFFFFFC00  }
0xe8: {  	[hbm:s21], [sflag:s1] =	dma.local [spmem:s20], $0x100  }
0xe9: {  	_ =	swait.ge [sflag:s30], $0x100  }
0xea: {  	s31 =	smov.u32 s22;
	s22 =	sshrl.u32 s23, $0x3;
	[sflag:s30] =	ssyncset.done $0x0  }
0xeb: {  	s15 =	smov.u32 s23;
	s23 =	rddreg [dreg:$0x6];
	[sflag:s30] =	ssyncadd.s32 $0xFFFFFF00  }
0xec: {  	[hbm:s23], [sflag:s1] =	dma.local [spmem:s22], $0x400  }
0xed: {  	_ =	swait.ge [sflag:s30], $0x400  }
0xee: {  	[sflag:s30] =	ssyncset.done $0x0;
	s13 =	rddreg [dreg:$0x10]  }
0xef: {  	s19 =	rddreg [dreg:$0xb];
	[sflag:s30] =	ssyncadd.s32 $0xFFFFFC00;
	s12 =	sshrl.u32 s13, $0x3  }
0xf0: {  	[hbm:s19], [sflag:s1] =	dma.local [spmem:s12], $0x100  }
0xf1: {  	_ =	swait.ge [sflag:s30], $0x100  }
0xf2: {  	[sflag:s30] =	ssyncset.done $0x0;
	s20 =	rddreg [dreg:$0x11]  }
0xf3: {  	s21 =	rddreg [dreg:$0x7];
	[sflag:s30] =	ssyncadd.s32 $0xFFFFFF00;
	s12 =	sshrl.u32 s20, $0x3  }
0xf4: {  	[hbm:s21], [sflag:s1] =	dma.local [spmem:s12], $0x400  }
0xf5: {  	_ =	swait.ge [sflag:s30], $0x400  }
0xf6: {  	[sflag:s30] =	ssyncset.done $0x0  }
0xf7: {  	s22 =	sshrl.u32 s24, $0x3;
	s23 =	rddreg [dreg:$0xc];
	[sflag:s30] =	ssyncadd.s32 $0xFFFFFC00  }
0xf8: {  	[hbm:s23], [sflag:s1] =	dma.local [spmem:s22], $0x100  }
0xf9: {  	_ =	swait.ge [sflag:s30], $0x100  }
0xfa: {  	[sflag:s30] =	ssyncset.done $0x0  }
0xfb: {  	s19 =	sshrl.u32 s25, $0x3;
	s20 =	rddreg [dreg:$0x8];
	[sflag:s30] =	ssyncadd.s32 $0xFFFFFF00  }
0xfc: {  	[hbm:s20], [sflag:s1] =	dma.local [spmem:s19], $0x400  }
0xfd: {  	_ =	swait.ge [sflag:s30], $0x400  }
0xfe: {  	[sflag:s30] =	ssyncset.done $0x0  }
0xff: {  	s21 =	sshrl.u32 s26, $0x3;
	s22 =	rddreg [dreg:$0xd];
	[sflag:s30] =	ssyncadd.s32 $0xFFFFFC00  }
0x100: {  	[hbm:s22], [sflag:s1] =	dma.local [spmem:s21], $0x100  }
0x101: {  	_ =	swait.ge [sflag:s30], $0x100  }
0x102: {  	s9 =	sadd.s32 $0x1, s9;
	s23 =	rddreg [dreg:$0x12]  }
0x103: {  	p3 =	sne.s32 s9, s23  }
.Ltmp6:
0x104: {  	_ = 	snop;
	(pc) =	sbr.rel @p3 .LBB2_1-.Ltmp6, $3  }
0x105: {  	_ =	sdelay $0x1  }
0x106: {  	[sflag:s30] =	ssyncset.done $0x0  }
0x107: {  	s29 =	simm.s32 $0x0;
	[sflag:s30] =	ssyncadd.s32 $0xFFFFFF00  }
0x108: {  	_ =	sfence.sel $0x180000  }
0x109: {  	[bflag:$0x0] =	sbarrier.arrive $0xFFFF  }
0x10a: {  	_ =	strace $0x90000047  }
0x10b: {  	s0 =	stileid.u32;
	[bflag:$0x2] =	sbarrier.arrive $0xFFFF  }
0x10c: {  	p0 =	sne.s32 s0, $0x0;
	s0 =	rddreg [dreg:$0x3]  }
0x10d: {  	s0 =	sadd.s32 @!p0 $0x100000, s0  }
0x10e: {  	[sflag:s0] =	ssyncadd.tile.s32 @!p0 $0x1;
	_ =	shalt  }
.Lfunc_end2:
_tile_overlayer_lowered:
.L_overlay_start_2:
0x10f: {  	(tag) =	ssettag $0x2  }
0x110: {  	s0 =	rddreg [dreg:$0x0];
	s2 =	stileid.u32  }
0x111: {  	s1 =	rddreg [dreg:$0x1];
	p0 =	sne.s32 s2, $0x0  }
0x112: {  	s3 =	rddreg [dreg:$0x2];
	[bflag:$0x3] =	sbarrier.arrive $0xFFFF;
	s2 =	simm.s32 @!p0 $0x1C04  }
0x113: {  	[timem:s3], [sflag:s2] =	dma.local @!p0 [hbm:s0], s1  }
0x114: {  	s0 =	simm.s32 @!p0 $0x4  }
0x115: {  	_ =	swait.ge @!p0 [sflag:s0], s1  }
0x116: {  	s1 =	ssub.s32 @!p0 $0x0, s1;
	[sflag:s0] =	ssyncset.done @!p0 $0x0  }
0x117: {  	[sflag:s0] =	ssyncadd.s32 @!p0 s1  }
0x118: {  	[bflag:$0x3] =	sbarrier.arrive $0xFFFF  }
0x119: {  	_ =	shalt  }

</sc_bundles>
